<compile_context>
chip_gen: v7x
topology: tpu7x:2x2x1
jax: 0.10.2.dev20260603
libtpu: 0.0.44.dev20260713+nightly
codegen_flags: <defaults>
</compile_context>

<pallas_src>
import functools

import jax
import jax.numpy as jnp
from jax import lax
from jax.experimental import pallas as pl
from jax.experimental.pallas import tpu as pltpu
from jax.experimental.pallas import tpu_sc as plsc

B = 4096
S = 200
E = 32
L = 16

NC = 2
NS = 16
NW = NC * NS

BBLK = B // NW
E0 = E // 8
CS = 4
NCHUNK = S // CS
ROWS = CS * BBLK
PB = BBLK + 1
TPAD = CS * E0 * 8 * PB


def _fire_gathers(tok_hbm, idx_v, slab_v, gsem):
    for si in range(CS):
        pltpu.make_async_copy(
            tok_hbm.at[idx_v.at[si]],
            slab_v.at[pl.ds(si * BBLK, BBLK)],
            gsem,
        ).start()


def _drain(hbm_dummy, vmem_ref, sem):
    pltpu.make_async_copy(hbm_dummy, vmem_ref, sem).wait()


def _transpose_add(slab_v, tpad_v, tbuf_v, pos_v, s0):
    iot = lax.iota(jnp.int32, L)
    coffs = []
    for h in range(2):
        ev = iot + (h * L)
        coffs.append((ev >> 3) * (8 * PB) + (ev & 7) * PB)

    pvs = tuple(
        plsc.load_gather(
            pos_v, [iot + (h * L), jnp.broadcast_to(s0 + si, (L,))])
        for si in range(CS) for h in range(2))

    def b_body(b1, pcarry):
        vs = [slab_v[si * BBLK + b1, pl.ds(h * L, L)]
              for si in range(CS) for h in range(2)]
        for si in range(CS):
            base = si * (E0 * 8 * PB) + b1
            for h in range(2):
                plsc.store_scatter(tpad_v, [coffs[h] + base],
                                   vs[si * 2 + h] + pcarry[si * 2 + h])
        return pcarry

    lax.fori_loop(0, BBLK, b_body, pvs, unroll=8)

    def c_body(r, c):
        src = r * PB
        si = r // (E0 * 8)
        eh = (r // 8) % E0
        el = r % 8
        vs = [tpad_v[pl.ds(src + bg * L, L)] for bg in range(BBLK // L)]
        for bg in range(BBLK // L):
            tbuf_v[si, eh, el, pl.ds(bg * L, L)] = vs[bg]
        return c

    lax.fori_loop(0, CS * E0 * 8, c_body, 0, unroll=8)


def _sc_body(seq_hbm, tok_hbm, pos_hbm, out_hbm,
             idx0, idx1, slab0, slab1, tpad_v, tbuf_v, pos_v,
             gsem0, gsem1, osem):
    wid = lax.axis_index("s") * NC + lax.axis_index("c")
    idxs = (idx0, idx1)
    slabs = (slab0, slab1)
    gsems = (gsem0, gsem1)

    pltpu.sync_copy(pos_hbm, pos_v)

    def stage_and_fire(g, buf):
        s0 = g * CS
        pltpu.sync_copy(
            seq_hbm.at[pl.ds(s0, CS), pl.ds(wid * BBLK, BBLK)], idxs[buf])
        _fire_gathers(tok_hbm, idxs[buf], slabs[buf], gsems[buf])

    def process(g, buf):
        s0 = g * CS
        _drain(tok_hbm.at[pl.ds(0, ROWS)], slabs[buf], gsems[buf])

        @pl.when(g + 1 < NCHUNK)
        def _():
            stage_and_fire(g + 1, 1 - buf)

        @pl.when(g >= 1)
        def _():
            _drain(out_hbm.at[pl.ds(0, CS), :, 0], tbuf_v, osem)

        _transpose_add(slabs[buf], tpad_v, tbuf_v, pos_v, s0)

        pltpu.make_async_copy(
            tbuf_v, out_hbm.at[pl.ds(s0, CS), :, wid], osem).start()

    stage_and_fire(0, 0)

    def outer(gg, carry):
        process(gg * 2, 0)
        process(gg * 2 + 1, 1)
        return carry

    lax.fori_loop(0, NCHUNK // 2, outer, 0)

    _drain(out_hbm.at[pl.ds(0, CS), :, 0], tbuf_v, osem)


@jax.jit
def _sc_embed(seqT, token_table, posT):
    mesh = plsc.VectorSubcoreMesh(
        core_axis_name="c", subcore_axis_name="s", num_cores=NC, num_subcores=NS
    )
    return pl.kernel(
        _sc_body,
        out_type=jax.ShapeDtypeStruct((S, E0, NW, 8, BBLK), jnp.float32),
        mesh=mesh,
        compiler_params=pltpu.CompilerParams(
            use_tc_tiling_on_sc=False, needs_layout_passes=False),
        scratch_types=[
            pltpu.VMEM((CS, BBLK), jnp.int32),
            pltpu.VMEM((CS, BBLK), jnp.int32),
            pltpu.VMEM((ROWS, E), jnp.float32),
            pltpu.VMEM((ROWS, E), jnp.float32),
            pltpu.VMEM((TPAD,), jnp.float32),
            pltpu.VMEM((CS, E0, 8, BBLK), jnp.float32),
            pltpu.VMEM((E, S), jnp.float32),
            pltpu.SemaphoreType.DMA,
            pltpu.SemaphoreType.DMA,
            pltpu.SemaphoreType.DMA,
        ],
    )(seqT, token_table, posT)


def kernel(seq, token_table, pos_table):
    out5 = _sc_embed(jnp.transpose(seq), token_table,
                     jnp.transpose(pos_table))
    return out5.transpose(2, 4, 0, 1, 3).reshape(B, S, E)

# --- scband reference (transcript-rebuilt; emitter-appended) ---
"""Pipeline reference for scband-seq-embedding-14637248545206 (READ-ONLY COPY).

The authoritative reference and input builder live on the scoring server;
editing this copy changes nothing except your own understanding.
"""

import jax, jax.numpy as jnp
import numpy as np

VOCAB = 1000000
MAX_LEN = 200
EMBED = 32
PAD_IDX = 0

def setup_inputs(seed: int = 0) -> dict:
    key = jax.random.key(seed)
    k1, k2, k3 = jax.random.split(key, 3)
    seq = jax.random.randint(k1, (4096, 200), 0, VOCAB, dtype=jnp.int64 if jax.config.jax_enable_x64 else jnp.int32)
    token_table = jax.random.normal(k2, (VOCAB, EMBED), dtype=jnp.float32) * 0.02
    # nn.Embedding with padding_idx zero-initializes (and keeps) the pad row at zero
    token_table = token_table.at[PAD_IDX].set(0.0)
    pos_table = jax.random.normal(k3, (MAX_LEN, EMBED), dtype=jnp.float32) * 0.02
    return {"seq": seq, "token_table": token_table, "pos_table": pos_table}

def reference(seq, token_table, pos_table):
    # positions: [1, seq_len]
    positions = jnp.arange(seq.shape[1])[None, :]
    pos_emb = jnp.take(pos_table, positions, axis=0)   # [1, S, E]
    tok_emb = jnp.take(token_table, seq, axis=0)       # [B, S, E]
    return tok_emb + pos_emb

if __name__ == "__main__":
    import jax
    _d = setup_inputs()
    print(jax.jit(kernel)(*tuple(_d.values())))

</pallas_src>

<mosaic_0001>
#map = affine_map<(d0, d1) -> (0, 0)>
#map1 = affine_map<(d0, d1) -> (0, 0, 0, 0, 0)>
module attributes {stable_mosaic.version = 14 : i64} {
  func.func @_sc_body(%arg0: i32, %arg1: i32, %arg2: memref<200x4096xi32, #tpu.memory_space<hbm>>, %arg3: memref<1000000x32xf32, #tpu.memory_space<hbm>>, %arg4: memref<32x200xf32, #tpu.memory_space<hbm>>, %arg5: memref<200x4x32x8x128xf32, #tpu.memory_space<hbm>>, %arg6: memref<4x128xi32, #tpu.memory_space<vmem>>, %arg7: memref<4x128xi32, #tpu.memory_space<vmem>>, %arg8: memref<512x32xf32, #tpu.memory_space<vmem>>, %arg9: memref<512x32xf32, #tpu.memory_space<vmem>>, %arg10: memref<16512xf32, #tpu.memory_space<vmem>>, %arg11: memref<4x4x8x128xf32, #tpu.memory_space<vmem>>, %arg12: memref<32x200xf32, #tpu.memory_space<vmem>>, %arg13: memref<!tpu.dma_semaphore, #tpu.memory_space<semaphore_mem>>, %arg14: memref<!tpu.dma_semaphore, #tpu.memory_space<semaphore_mem>>, %arg15: memref<!tpu.dma_semaphore, #tpu.memory_space<semaphore_mem>>) attributes {dimension_semantics = [#tpu.dimension_semantics<core_parallel>, #tpu.dimension_semantics<subcore_parallel>], iteration_bounds = array<i64: 2, 16>, scalar_prefetch = 0 : i64, scratch_operands = 10 : i64, tpu.core_type = #tpu.core_type<sc_vector_subcore>, window_params = [{transform_indices = #map}, {transform_indices = #map}, {transform_indices = #map}, {transform_indices = #map1}]} {
    %mul3A = arith.constant 2 : i32
    %mul3A_0 = arith.muli %arg1, %mul3A : i32
    %add3A = arith.addi %mul3A_0, %arg0 : i32
    "tpu.region"() ({
      %run_scoped3A = tpu.sem_alloc : memref<!tpu.dma_semaphore, #tpu.memory_space<semaphore_mem>>
      tpu.enqueue_dma source(%arg4 : memref<32x200xf32, #tpu.memory_space<hbm>>) target(%arg12 : memref<32x200xf32, #tpu.memory_space<vmem>>) target_semaphore(%run_scoped3A : memref<!tpu.dma_semaphore, #tpu.memory_space<semaphore_mem>>)
      tpu.wait_dma2 semaphore(%run_scoped3A : memref<!tpu.dma_semaphore, #tpu.memory_space<semaphore_mem>>) src(%arg4 : memref<32x200xf32, #tpu.memory_space<hbm>>) dst(%arg12 : memref<32x200xf32, #tpu.memory_space<vmem>>)
      tpu.yield
    }) : () -> ()
    %mul3A_1 = arith.constant 128 : i32
    %mul3A_2 = arith.muli %add3A, %mul3A_1 : i32
    "tpu.region"() ({
      %run_scoped3A = tpu.sem_alloc : memref<!tpu.dma_semaphore, #tpu.memory_space<semaphore_mem>>
      %dma_start3A_59 = arith.constant 0 : i32
      %dma_start3A_60 = tpu.memref_slice %arg2[%dma_start3A_59, %mul3A_2] : memref<200x4096xi32, #tpu.memory_space<hbm>> -> memref<4x128xi32, #tpu.memory_space<hbm>>
      %dma_start3A_61 = arith.constant 0 : i32
      %dma_start3A_62 = tpu.memref_slice %arg2[%dma_start3A_61, %mul3A_2] : memref<200x4096xi32, #tpu.memory_space<hbm>> -> memref<4x128xi32, #tpu.memory_space<hbm>>
      tpu.enqueue_dma source(%dma_start3A_62 : memref<4x128xi32, #tpu.memory_space<hbm>>) target(%arg6 : memref<4x128xi32, #tpu.memory_space<vmem>>) target_semaphore(%run_scoped3A : memref<!tpu.dma_semaphore, #tpu.memory_space<semaphore_mem>>)
      %dma_wait3A_63 = arith.constant 0 : i32
      %dma_wait3A_64 = tpu.memref_slice %arg2[%dma_wait3A_63, %mul3A_2] : memref<200x4096xi32, #tpu.memory_space<hbm>> -> memref<4x128xi32, #tpu.memory_space<hbm>>
      %dma_wait3A_65 = arith.constant 0 : i32
      %dma_wait3A_66 = tpu.memref_slice %arg2[%dma_wait3A_65, %mul3A_2] : memref<200x4096xi32, #tpu.memory_space<hbm>> -> memref<4x128xi32, #tpu.memory_space<hbm>>
      tpu.wait_dma2 semaphore(%run_scoped3A : memref<!tpu.dma_semaphore, #tpu.memory_space<semaphore_mem>>) src(%dma_wait3A_66 : memref<4x128xi32, #tpu.memory_space<hbm>>) dst(%arg6 : memref<4x128xi32, #tpu.memory_space<vmem>>)
      tpu.yield
    }) : () -> ()
    %dma_start3A = arith.constant 0 : i32
    %dma_start3A_3 = arith.constant 0 : i32
    %dma_start3A_4 = arith.constant 0 : i32
    %dma_start3A_5 = tpu.memref_slice %arg8[%dma_start3A_3, %dma_start3A_4] : memref<512x32xf32, #tpu.memory_space<vmem>> -> memref<128x32xf32, #tpu.memory_space<vmem>>
    %dma_start3A_6 = arith.constant 0 : i32
    %dma_start3A_7 = tpu.memref_slice %arg6[%dma_start3A, %dma_start3A_6] : memref<4x128xi32, #tpu.memory_space<vmem>> -> memref<1x128xi32, #tpu.memory_space<vmem>>
    %dma_start3A_8 = tpu.memref_squeeze %dma_start3A_7 : memref<1x128xi32, #tpu.memory_space<vmem>> -> memref<128xi32, #tpu.memory_space<vmem>>
    %dma_start3A_9 = arith.constant 0 : i32
    %dma_start3A_10 = arith.constant 0 : i32
    %dma_start3A_11 = tpu.memref_slice %arg3[%dma_start3A_9, %dma_start3A_10] : memref<1000000x32xf32, #tpu.memory_space<hbm>> -> memref<1000000x32xf32, #tpu.memory_space<hbm>>
    tpu.enqueue_indirect_dma source(%dma_start3A_11 : memref<1000000x32xf32, #tpu.memory_space<hbm>>) target(%dma_start3A_5 : memref<128x32xf32, #tpu.memory_space<vmem>>) offsets(%dma_start3A_8 : memref<128xi32, #tpu.memory_space<vmem>>) semaphore(%arg13 : memref<!tpu.dma_semaphore, #tpu.memory_space<semaphore_mem>>)
    %dma_start3A_12 = arith.constant 1 : i32
    %dma_start3A_13 = arith.constant 128 : i32
    %dma_start3A_14 = arith.constant 0 : i32
    %dma_start3A_15 = tpu.memref_slice %arg8[%dma_start3A_13, %dma_start3A_14] : memref<512x32xf32, #tpu.memory_space<vmem>> -> memref<128x32xf32, #tpu.memory_space<vmem>>
    %dma_start3A_16 = arith.constant 0 : i32
    %dma_start3A_17 = tpu.memref_slice %arg6[%dma_start3A_12, %dma_start3A_16] : memref<4x128xi32, #tpu.memory_space<vmem>> -> memref<1x128xi32, #tpu.memory_space<vmem>>
    %dma_start3A_18 = tpu.memref_squeeze %dma_start3A_17 : memref<1x128xi32, #tpu.memory_space<vmem>> -> memref<128xi32, #tpu.memory_space<vmem>>
    %dma_start3A_19 = arith.constant 0 : i32
    %dma_start3A_20 = arith.constant 0 : i32
    %dma_start3A_21 = tpu.memref_slice %arg3[%dma_start3A_19, %dma_start3A_20] : memref<1000000x32xf32, #tpu.memory_space<hbm>> -> memref<1000000x32xf32, #tpu.memory_space<hbm>>
    tpu.enqueue_indirect_dma source(%dma_start3A_21 : memref<1000000x32xf32, #tpu.memory_space<hbm>>) target(%dma_start3A_15 : memref<128x32xf32, #tpu.memory_space<vmem>>) offsets(%dma_start3A_18 : memref<128xi32, #tpu.memory_space<vmem>>) semaphore(%arg13 : memref<!tpu.dma_semaphore, #tpu.memory_space<semaphore_mem>>)
    %dma_start3A_22 = arith.constant 2 : i32
    %dma_start3A_23 = arith.constant 256 : i32
    %dma_start3A_24 = arith.constant 0 : i32
    %dma_start3A_25 = tpu.memref_slice %arg8[%dma_start3A_23, %dma_start3A_24] : memref<512x32xf32, #tpu.memory_space<vmem>> -> memref<128x32xf32, #tpu.memory_space<vmem>>
    %dma_start3A_26 = arith.constant 0 : i32
    %dma_start3A_27 = tpu.memref_slice %arg6[%dma_start3A_22, %dma_start3A_26] : memref<4x128xi32, #tpu.memory_space<vmem>> -> memref<1x128xi32, #tpu.memory_space<vmem>>
    %dma_start3A_28 = tpu.memref_squeeze %dma_start3A_27 : memref<1x128xi32, #tpu.memory_space<vmem>> -> memref<128xi32, #tpu.memory_space<vmem>>
    %dma_start3A_29 = arith.constant 0 : i32
    %dma_start3A_30 = arith.constant 0 : i32
    %dma_start3A_31 = tpu.memref_slice %arg3[%dma_start3A_29, %dma_start3A_30] : memref<1000000x32xf32, #tpu.memory_space<hbm>> -> memref<1000000x32xf32, #tpu.memory_space<hbm>>
    tpu.enqueue_indirect_dma source(%dma_start3A_31 : memref<1000000x32xf32, #tpu.memory_space<hbm>>) target(%dma_start3A_25 : memref<128x32xf32, #tpu.memory_space<vmem>>) offsets(%dma_start3A_28 : memref<128xi32, #tpu.memory_space<vmem>>) semaphore(%arg13 : memref<!tpu.dma_semaphore, #tpu.memory_space<semaphore_mem>>)
    %dma_start3A_32 = arith.constant 3 : i32
    %dma_start3A_33 = arith.constant 384 : i32
    %dma_start3A_34 = arith.constant 0 : i32
    %dma_start3A_35 = tpu.memref_slice %arg8[%dma_start3A_33, %dma_start3A_34] : memref<512x32xf32, #tpu.memory_space<vmem>> -> memref<128x32xf32, #tpu.memory_space<vmem>>
    %dma_start3A_36 = arith.constant 0 : i32
    %dma_start3A_37 = tpu.memref_slice %arg6[%dma_start3A_32, %dma_start3A_36] : memref<4x128xi32, #tpu.memory_space<vmem>> -> memref<1x128xi32, #tpu.memory_space<vmem>>
    %dma_start3A_38 = tpu.memref_squeeze %dma_start3A_37 : memref<1x128xi32, #tpu.memory_space<vmem>> -> memref<128xi32, #tpu.memory_space<vmem>>
    %dma_start3A_39 = arith.constant 0 : i32
    %dma_start3A_40 = arith.constant 0 : i32
    %dma_start3A_41 = tpu.memref_slice %arg3[%dma_start3A_39, %dma_start3A_40] : memref<1000000x32xf32, #tpu.memory_space<hbm>> -> memref<1000000x32xf32, #tpu.memory_space<hbm>>
    tpu.enqueue_indirect_dma source(%dma_start3A_41 : memref<1000000x32xf32, #tpu.memory_space<hbm>>) target(%dma_start3A_35 : memref<128x32xf32, #tpu.memory_space<vmem>>) offsets(%dma_start3A_38 : memref<128xi32, #tpu.memory_space<vmem>>) semaphore(%arg13 : memref<!tpu.dma_semaphore, #tpu.memory_space<semaphore_mem>>)
    %scan3A = arith.constant 0 : i32
    %scan3A_42 = arith.constant 0 : i32
    %scan3A_43 = arith.constant 25 : i32
    %scan3A_44 = arith.addi %scan3A_42, %scan3A_43 : i32
    %scan3A_45 = arith.constant 1 : i32
    scf.for %scan3A_59 = %scan3A_42 to %scan3A_44 step %scan3A_45  : i32 {
      %mul3A_60 = arith.constant 2 : i32
      %mul3A_61 = arith.muli %scan3A_59, %mul3A_60 : i32
      %mul3A_62 = arith.constant 4 : i32
      %mul3A_63 = arith.muli %mul3A_61, %mul3A_62 : i32
      %dma_wait3A_64 = arith.constant 0 : i32
      %dma_wait3A_65 = arith.constant 0 : i32
      %dma_wait3A_66 = tpu.memref_slice %arg3[%dma_wait3A_64, %dma_wait3A_65] : memref<1000000x32xf32, #tpu.memory_space<hbm>> -> memref<512x32xf32, #tpu.memory_space<hbm>>
      %dma_wait3A_67 = arith.constant 0 : i32
      %dma_wait3A_68 = arith.constant 0 : i32
      %dma_wait3A_69 = tpu.memref_slice %arg3[%dma_wait3A_67, %dma_wait3A_68] : memref<1000000x32xf32, #tpu.memory_space<hbm>> -> memref<512x32xf32, #tpu.memory_space<hbm>>
      tpu.wait_dma2 semaphore(%arg13 : memref<!tpu.dma_semaphore, #tpu.memory_space<semaphore_mem>>) src(%dma_wait3A_69 : memref<512x32xf32, #tpu.memory_space<hbm>>) dst(%arg8 : memref<512x32xf32, #tpu.memory_space<vmem>>)
      %add3A_70 = arith.constant 1 : i32
      %add3A_71 = arith.addi %mul3A_61, %add3A_70 : i32
      %lt3A = arith.constant 50 : i32
      %lt3A_72 = arith.cmpi slt, %add3A_71, %lt3A : i32
      %convert_element_type3A = arith.extui %lt3A_72 : i1 to i32
      %cond3A = arith.constant 0 : i32
      %cond3A_73 = arith.cmpi ne, %convert_element_type3A, %cond3A : i32
      scf.if %cond3A_73 {
        %add3A_317 = arith.constant 1 : i32
        %add3A_318 = arith.addi %mul3A_61, %add3A_317 : i32
        %mul3A_319 = arith.constant 4 : i32
        %mul3A_320 = arith.muli %add3A_318, %mul3A_319 : i32
        %mul3A_321 = arith.constant 128 : i32
        %mul3A_322 = arith.muli %add3A, %mul3A_321 : i32
        "tpu.region"() ({
          %run_scoped3A = tpu.sem_alloc : memref<!tpu.dma_semaphore, #tpu.memory_space<semaphore_mem>>
          %dma_start3A_363 = tpu.memref_slice %arg2[%mul3A_320, %mul3A_322] : memref<200x4096xi32, #tpu.memory_space<hbm>> -> memref<4x128xi32, #tpu.memory_space<hbm>>
          %dma_start3A_364 = tpu.memref_slice %arg2[%mul3A_320, %mul3A_322] : memref<200x4096xi32, #tpu.memory_space<hbm>> -> memref<4x128xi32, #tpu.memory_space<hbm>>
          tpu.enqueue_dma source(%dma_start3A_364 : memref<4x128xi32, #tpu.memory_space<hbm>>) target(%arg7 : memref<4x128xi32, #tpu.memory_space<vmem>>) target_semaphore(%run_scoped3A : memref<!tpu.dma_semaphore, #tpu.memory_space<semaphore_mem>>)
          %dma_wait3A_365 = tpu.memref_slice %arg2[%mul3A_320, %mul3A_322] : memref<200x4096xi32, #tpu.memory_space<hbm>> -> memref<4x128xi32, #tpu.memory_space<hbm>>
          %dma_wait3A_366 = tpu.memref_slice %arg2[%mul3A_320, %mul3A_322] : memref<200x4096xi32, #tpu.memory_space<hbm>> -> memref<4x128xi32, #tpu.memory_space<hbm>>
          tpu.wait_dma2 semaphore(%run_scoped3A : memref<!tpu.dma_semaphore, #tpu.memory_space<semaphore_mem>>) src(%dma_wait3A_366 : memref<4x128xi32, #tpu.memory_space<hbm>>) dst(%arg7 : memref<4x128xi32, #tpu.memory_space<vmem>>)
          tpu.yield
        }) : () -> ()
        %dma_start3A_323 = arith.constant 0 : i32
        %dma_start3A_324 = arith.constant 0 : i32
        %dma_start3A_325 = arith.constant 0 : i32
        %dma_start3A_326 = tpu.memref_slice %arg9[%dma_start3A_324, %dma_start3A_325] : memref<512x32xf32, #tpu.memory_space<vmem>> -> memref<128x32xf32, #tpu.memory_space<vmem>>
        %dma_start3A_327 = arith.constant 0 : i32
        %dma_start3A_328 = tpu.memref_slice %arg7[%dma_start3A_323, %dma_start3A_327] : memref<4x128xi32, #tpu.memory_space<vmem>> -> memref<1x128xi32, #tpu.memory_space<vmem>>
        %dma_start3A_329 = tpu.memref_squeeze %dma_start3A_328 : memref<1x128xi32, #tpu.memory_space<vmem>> -> memref<128xi32, #tpu.memory_space<vmem>>
        %dma_start3A_330 = arith.constant 0 : i32
        %dma_start3A_331 = arith.constant 0 : i32
        %dma_start3A_332 = tpu.memref_slice %arg3[%dma_start3A_330, %dma_start3A_331] : memref<1000000x32xf32, #tpu.memory_space<hbm>> -> memref<1000000x32xf32, #tpu.memory_space<hbm>>
        tpu.enqueue_indirect_dma source(%dma_start3A_332 : memref<1000000x32xf32, #tpu.memory_space<hbm>>) target(%dma_start3A_326 : memref<128x32xf32, #tpu.memory_space<vmem>>) offsets(%dma_start3A_329 : memref<128xi32, #tpu.memory_space<vmem>>) semaphore(%arg14 : memref<!tpu.dma_semaphore, #tpu.memory_space<semaphore_mem>>)
        %dma_start3A_333 = arith.constant 1 : i32
        %dma_start3A_334 = arith.constant 128 : i32
        %dma_start3A_335 = arith.constant 0 : i32
        %dma_start3A_336 = tpu.memref_slice %arg9[%dma_start3A_334, %dma_start3A_335] : memref<512x32xf32, #tpu.memory_space<vmem>> -> memref<128x32xf32, #tpu.memory_space<vmem>>
        %dma_start3A_337 = arith.constant 0 : i32
        %dma_start3A_338 = tpu.memref_slice %arg7[%dma_start3A_333, %dma_start3A_337] : memref<4x128xi32, #tpu.memory_space<vmem>> -> memref<1x128xi32, #tpu.memory_space<vmem>>
        %dma_start3A_339 = tpu.memref_squeeze %dma_start3A_338 : memref<1x128xi32, #tpu.memory_space<vmem>> -> memref<128xi32, #tpu.memory_space<vmem>>
        %dma_start3A_340 = arith.constant 0 : i32
        %dma_start3A_341 = arith.constant 0 : i32
        %dma_start3A_342 = tpu.memref_slice %arg3[%dma_start3A_340, %dma_start3A_341] : memref<1000000x32xf32, #tpu.memory_space<hbm>> -> memref<1000000x32xf32, #tpu.memory_space<hbm>>
        tpu.enqueue_indirect_dma source(%dma_start3A_342 : memref<1000000x32xf32, #tpu.memory_space<hbm>>) target(%dma_start3A_336 : memref<128x32xf32, #tpu.memory_space<vmem>>) offsets(%dma_start3A_339 : memref<128xi32, #tpu.memory_space<vmem>>) semaphore(%arg14 : memref<!tpu.dma_semaphore, #tpu.memory_space<semaphore_mem>>)
        %dma_start3A_343 = arith.constant 2 : i32
        %dma_start3A_344 = arith.constant 256 : i32
        %dma_start3A_345 = arith.constant 0 : i32
        %dma_start3A_346 = tpu.memref_slice %arg9[%dma_start3A_344, %dma_start3A_345] : memref<512x32xf32, #tpu.memory_space<vmem>> -> memref<128x32xf32, #tpu.memory_space<vmem>>
        %dma_start3A_347 = arith.constant 0 : i32
        %dma_start3A_348 = tpu.memref_slice %arg7[%dma_start3A_343, %dma_start3A_347] : memref<4x128xi32, #tpu.memory_space<vmem>> -> memref<1x128xi32, #tpu.memory_space<vmem>>
        %dma_start3A_349 = tpu.memref_squeeze %dma_start3A_348 : memref<1x128xi32, #tpu.memory_space<vmem>> -> memref<128xi32, #tpu.memory_space<vmem>>
        %dma_start3A_350 = arith.constant 0 : i32
        %dma_start3A_351 = arith.constant 0 : i32
        %dma_start3A_352 = tpu.memref_slice %arg3[%dma_start3A_350, %dma_start3A_351] : memref<1000000x32xf32, #tpu.memory_space<hbm>> -> memref<1000000x32xf32, #tpu.memory_space<hbm>>
        tpu.enqueue_indirect_dma source(%dma_start3A_352 : memref<1000000x32xf32, #tpu.memory_space<hbm>>) target(%dma_start3A_346 : memref<128x32xf32, #tpu.memory_space<vmem>>) offsets(%dma_start3A_349 : memref<128xi32, #tpu.memory_space<vmem>>) semaphore(%arg14 : memref<!tpu.dma_semaphore, #tpu.memory_space<semaphore_mem>>)
        %dma_start3A_353 = arith.constant 3 : i32
        %dma_start3A_354 = arith.constant 384 : i32
        %dma_start3A_355 = arith.constant 0 : i32
        %dma_start3A_356 = tpu.memref_slice %arg9[%dma_start3A_354, %dma_start3A_355] : memref<512x32xf32, #tpu.memory_space<vmem>> -> memref<128x32xf32, #tpu.memory_space<vmem>>
        %dma_start3A_357 = arith.constant 0 : i32
        %dma_start3A_358 = tpu.memref_slice %arg7[%dma_start3A_353, %dma_start3A_357] : memref<4x128xi32, #tpu.memory_space<vmem>> -> memref<1x128xi32, #tpu.memory_space<vmem>>
        %dma_start3A_359 = tpu.memref_squeeze %dma_start3A_358 : memref<1x128xi32, #tpu.memory_space<vmem>> -> memref<128xi32, #tpu.memory_space<vmem>>
        %dma_start3A_360 = arith.constant 0 : i32
        %dma_start3A_361 = arith.constant 0 : i32
        %dma_start3A_362 = tpu.memref_slice %arg3[%dma_start3A_360, %dma_start3A_361] : memref<1000000x32xf32, #tpu.memory_space<hbm>> -> memref<1000000x32xf32, #tpu.memory_space<hbm>>
        tpu.enqueue_indirect_dma source(%dma_start3A_362 : memref<1000000x32xf32, #tpu.memory_space<hbm>>) target(%dma_start3A_356 : memref<128x32xf32, #tpu.memory_space<vmem>>) offsets(%dma_start3A_359 : memref<128xi32, #tpu.memory_space<vmem>>) semaphore(%arg14 : memref<!tpu.dma_semaphore, #tpu.memory_space<semaphore_mem>>)
      } else {
      }
      %ge3A = arith.constant 1 : i32
      %ge3A_74 = arith.cmpi sge, %mul3A_61, %ge3A : i32
      %convert_element_type3A_75 = arith.extui %ge3A_74 : i1 to i32
      %cond3A_76 = arith.constant 0 : i32
      %cond3A_77 = arith.cmpi ne, %convert_element_type3A_75, %cond3A_76 : i32
      scf.if %cond3A_77 {
        %dma_wait3A_317 = arith.constant 0 : i32
        %dma_wait3A_318 = arith.constant 0 : i32
        %dma_wait3A_319 = arith.constant 0 : i32
        %dma_wait3A_320 = arith.constant 0 : i32
        %dma_wait3A_321 = arith.constant 0 : i32
        %dma_wait3A_322 = tpu.memref_slice %arg5[%dma_wait3A_318, %dma_wait3A_319, %dma_wait3A_317, %dma_wait3A_320, %dma_wait3A_321] : memref<200x4x32x8x128xf32, #tpu.memory_space<hbm>> -> memref<4x4x1x8x128xf32, #tpu.memory_space<hbm>>
        %dma_wait3A_323 = tpu.memref_squeeze %dma_wait3A_322 : memref<4x4x1x8x128xf32, #tpu.memory_space<hbm>> -> memref<4x4x8x128xf32, #tpu.memory_space<hbm>>
        %dma_wait3A_324 = arith.constant 0 : i32
        %dma_wait3A_325 = arith.constant 0 : i32
        %dma_wait3A_326 = arith.constant 0 : i32
        %dma_wait3A_327 = arith.constant 0 : i32
        %dma_wait3A_328 = tpu.memref_slice %arg5[%dma_wait3A_324, %dma_wait3A_325, %dma_wait3A_317, %dma_wait3A_326, %dma_wait3A_327] : memref<200x4x32x8x128xf32, #tpu.memory_space<hbm>> -> memref<4x4x1x8x128xf32, #tpu.memory_space<hbm>>
        %dma_wait3A_329 = tpu.memref_squeeze %dma_wait3A_328 : memref<4x4x1x8x128xf32, #tpu.memory_space<hbm>> -> memref<4x4x8x128xf32, #tpu.memory_space<hbm>>
        tpu.wait_dma2 semaphore(%arg15 : memref<!tpu.dma_semaphore, #tpu.memory_space<semaphore_mem>>) src(%dma_wait3A_329 : memref<4x4x8x128xf32, #tpu.memory_space<hbm>>) dst(%arg11 : memref<4x4x8x128xf32, #tpu.memory_space<vmem>>)
      } else {
      }
      %iota3A = tpu.iota {dimensions = array<i32: 0>} : vector<16xi32>
      %add3A_78 = arith.constant 0 : i32
      %add3A_79 = vector.broadcast %add3A_78 : i32 to vector<16xi32>
      %add3A_80 = arith.addi %iota3A, %add3A_79 : vector<16xi32>
      %shift_right_arithmetic3A = arith.constant 3 : i32
      %shift_right_arithmetic3A_81 = vector.broadcast %shift_right_arithmetic3A : i32 to vector<16xi32>
      %shift_right_arithmetic3A_82 = arith.shrsi %add3A_80, %shift_right_arithmetic3A_81 : vector<16xi32>
      %mul3A_83 = arith.constant 1032 : i32
      %mul3A_84 = vector.broadcast %mul3A_83 : i32 to vector<16xi32>
      %mul3A_85 = arith.muli %shift_right_arithmetic3A_82, %mul3A_84 : vector<16xi32>
      %and3A = arith.constant 7 : i32
      %and3A_86 = vector.broadcast %and3A : i32 to vector<16xi32>
      %and3A_87 = arith.andi %add3A_80, %and3A_86 : vector<16xi32>
      %mul3A_88 = arith.constant 129 : i32
      %mul3A_89 = vector.broadcast %mul3A_88 : i32 to vector<16xi32>
      %mul3A_90 = arith.muli %and3A_87, %mul3A_89 : vector<16xi32>
      %add3A_91 = arith.addi %mul3A_85, %mul3A_90 : vector<16xi32>
      %add3A_92 = arith.constant 16 : i32
      %add3A_93 = vector.broadcast %add3A_92 : i32 to vector<16xi32>
      %add3A_94 = arith.addi %iota3A, %add3A_93 : vector<16xi32>
      %shift_right_arithmetic3A_95 = arith.constant 3 : i32
      %shift_right_arithmetic3A_96 = vector.broadcast %shift_right_arithmetic3A_95 : i32 to vector<16xi32>
      %shift_right_arithmetic3A_97 = arith.shrsi %add3A_94, %shift_right_arithmetic3A_96 : vector<16xi32>
      %mul3A_98 = arith.constant 1032 : i32
      %mul3A_99 = vector.broadcast %mul3A_98 : i32 to vector<16xi32>
      %mul3A_100 = arith.muli %shift_right_arithmetic3A_97, %mul3A_99 : vector<16xi32>
      %and3A_101 = arith.constant 7 : i32
      %and3A_102 = vector.broadcast %and3A_101 : i32 to vector<16xi32>
      %and3A_103 = arith.andi %add3A_94, %and3A_102 : vector<16xi32>
      %mul3A_104 = arith.constant 129 : i32
      %mul3A_105 = vector.broadcast %mul3A_104 : i32 to vector<16xi32>
      %mul3A_106 = arith.muli %and3A_103, %mul3A_105 : vector<16xi32>
      %add3A_107 = arith.addi %mul3A_100, %mul3A_106 : vector<16xi32>
      %add3A_108 = arith.constant 0 : i32
      %add3A_109 = vector.broadcast %add3A_108 : i32 to vector<16xi32>
      %add3A_110 = arith.addi %iota3A, %add3A_109 : vector<16xi32>
      %add3A_111 = arith.constant 0 : i32
      %add3A_112 = arith.addi %mul3A_63, %add3A_111 : i32
      %broadcast_in_dim3A = vector.broadcast %add3A_112 : i32 to vector<16xi32>
      %gather3A = tpu.vector_load_idx %arg12[%add3A_110, %broadcast_in_dim3A] : memref<32x200xf32, #tpu.memory_space<vmem>>[vector<16xi32>, vector<16xi32>], vector<16xf32>,
      %add3A_113 = arith.constant 16 : i32
      %add3A_114 = vector.broadcast %add3A_113 : i32 to vector<16xi32>
      %add3A_115 = arith.addi %iota3A, %add3A_114 : vector<16xi32>
      %add3A_116 = arith.constant 0 : i32
      %add3A_117 = arith.addi %mul3A_63, %add3A_116 : i32
      %broadcast_in_dim3A_118 = vector.broadcast %add3A_117 : i32 to vector<16xi32>
      %gather3A_119 = tpu.vector_load_idx %arg12[%add3A_115, %broadcast_in_dim3A_118] : memref<32x200xf32, #tpu.memory_space<vmem>>[vector<16xi32>, vector<16xi32>], vector<16xf32>,
      %add3A_120 = arith.constant 0 : i32
      %add3A_121 = vector.broadcast %add3A_120 : i32 to vector<16xi32>
      %add3A_122 = arith.addi %iota3A, %add3A_121 : vector<16xi32>
      %add3A_123 = arith.constant 1 : i32
      %add3A_124 = arith.addi %mul3A_63, %add3A_123 : i32
      %broadcast_in_dim3A_125 = vector.broadcast %add3A_124 : i32 to vector<16xi32>
      %gather3A_126 = tpu.vector_load_idx %arg12[%add3A_122, %broadcast_in_dim3A_125] : memref<32x200xf32, #tpu.memory_space<vmem>>[vector<16xi32>, vector<16xi32>], vector<16xf32>,
      %add3A_127 = arith.constant 16 : i32
      %add3A_128 = vector.broadcast %add3A_127 : i32 to vector<16xi32>
      %add3A_129 = arith.addi %iota3A, %add3A_128 : vector<16xi32>
      %add3A_130 = arith.constant 1 : i32
      %add3A_131 = arith.addi %mul3A_63, %add3A_130 : i32
      %broadcast_in_dim3A_132 = vector.broadcast %add3A_131 : i32 to vector<16xi32>
      %gather3A_133 = tpu.vector_load_idx %arg12[%add3A_129, %broadcast_in_dim3A_132] : memref<32x200xf32, #tpu.memory_space<vmem>>[vector<16xi32>, vector<16xi32>], vector<16xf32>,
      %add3A_134 = arith.constant 0 : i32
      %add3A_135 = vector.broadcast %add3A_134 : i32 to vector<16xi32>
      %add3A_136 = arith.addi %iota3A, %add3A_135 : vector<16xi32>
      %add3A_137 = arith.constant 2 : i32
      %add3A_138 = arith.addi %mul3A_63, %add3A_137 : i32
      %broadcast_in_dim3A_139 = vector.broadcast %add3A_138 : i32 to vector<16xi32>
      %gather3A_140 = tpu.vector_load_idx %arg12[%add3A_136, %broadcast_in_dim3A_139] : memref<32x200xf32, #tpu.memory_space<vmem>>[vector<16xi32>, vector<16xi32>], vector<16xf32>,
      %add3A_141 = arith.constant 16 : i32
      %add3A_142 = vector.broadcast %add3A_141 : i32 to vector<16xi32>
      %add3A_143 = arith.addi %iota3A, %add3A_142 : vector<16xi32>
      %add3A_144 = arith.constant 2 : i32
      %add3A_145 = arith.addi %mul3A_63, %add3A_144 : i32
      %broadcast_in_dim3A_146 = vector.broadcast %add3A_145 : i32 to vector<16xi32>
      %gather3A_147 = tpu.vector_load_idx %arg12[%add3A_143, %broadcast_in_dim3A_146] : memref<32x200xf32, #tpu.memory_space<vmem>>[vector<16xi32>, vector<16xi32>], vector<16xf32>,
      %add3A_148 = arith.constant 0 : i32
      %add3A_149 = vector.broadcast %add3A_148 : i32 to vector<16xi32>
      %add3A_150 = arith.addi %iota3A, %add3A_149 : vector<16xi32>
      %add3A_151 = arith.constant 3 : i32
      %add3A_152 = arith.addi %mul3A_63, %add3A_151 : i32
      %broadcast_in_dim3A_153 = vector.broadcast %add3A_152 : i32 to vector<16xi32>
      %gather3A_154 = tpu.vector_load_idx %arg12[%add3A_150, %broadcast_in_dim3A_153] : memref<32x200xf32, #tpu.memory_space<vmem>>[vector<16xi32>, vector<16xi32>], vector<16xf32>,
      %add3A_155 = arith.constant 16 : i32
      %add3A_156 = vector.broadcast %add3A_155 : i32 to vector<16xi32>
      %add3A_157 = arith.addi %iota3A, %add3A_156 : vector<16xi32>
      %add3A_158 = arith.constant 3 : i32
      %add3A_159 = arith.addi %mul3A_63, %add3A_158 : i32
      %broadcast_in_dim3A_160 = vector.broadcast %add3A_159 : i32 to vector<16xi32>
      %gather3A_161 = tpu.vector_load_idx %arg12[%add3A_157, %broadcast_in_dim3A_160] : memref<32x200xf32, #tpu.memory_space<vmem>>[vector<16xi32>, vector<16xi32>], vector<16xf32>,
      %scan3A_162 = arith.constant 0 : i32
      %scan3A_163 = arith.constant 128 : i32
      %scan3A_164 = arith.addi %scan3A_162, %scan3A_163 : i32
      %scan3A_165 = arith.constant 8 : i32
      scf.for %scan3A_317 = %scan3A_162 to %scan3A_164 step %scan3A_165  : i32 {
        %add3A_318 = arith.constant 0 : i32
        %add3A_319 = arith.addi %add3A_318, %scan3A_317 : i32
        %get3A = arith.index_cast %add3A_319 : i32 to index
        %get3A_320 = arith.constant 0 : index
        %get3A_321 = tpu.vector_load %arg8[%get3A, %get3A_320] {strides = array<i32>} : memref<512x32xf32, #tpu.memory_space<vmem>>, vector<16xf32>,
        %add3A_322 = arith.constant 0 : i32
        %add3A_323 = arith.addi %add3A_322, %scan3A_317 : i32
        %get3A_324 = arith.index_cast %add3A_323 : i32 to index
        %get3A_325 = arith.constant 16 : index
        %get3A_326 = tpu.vector_load %arg8[%get3A_324, %get3A_325] {strides = array<i32>} : memref<512x32xf32, #tpu.memory_space<vmem>>, vector<16xf32>,
        %add3A_327 = arith.constant 128 : i32
        %add3A_328 = arith.addi %add3A_327, %scan3A_317 : i32
        %get3A_329 = arith.index_cast %add3A_328 : i32 to index
        %get3A_330 = arith.constant 0 : index
        %get3A_331 = tpu.vector_load %arg8[%get3A_329, %get3A_330] {strides = array<i32>} : memref<512x32xf32, #tpu.memory_space<vmem>>, vector<16xf32>,
        %add3A_332 = arith.constant 128 : i32
        %add3A_333 = arith.addi %add3A_332, %scan3A_317 : i32
        %get3A_334 = arith.index_cast %add3A_333 : i32 to index
        %get3A_335 = arith.constant 16 : index
        %get3A_336 = tpu.vector_load %arg8[%get3A_334, %get3A_335] {strides = array<i32>} : memref<512x32xf32, #tpu.memory_space<vmem>>, vector<16xf32>,
        %add3A_337 = arith.constant 256 : i32
        %add3A_338 = arith.addi %add3A_337, %scan3A_317 : i32
        %get3A_339 = arith.index_cast %add3A_338 : i32 to index
        %get3A_340 = arith.constant 0 : index
        %get3A_341 = tpu.vector_load %arg8[%get3A_339, %get3A_340] {strides = array<i32>} : memref<512x32xf32, #tpu.memory_space<vmem>>, vector<16xf32>,
        %add3A_342 = arith.constant 256 : i32
        %add3A_343 = arith.addi %add3A_342, %scan3A_317 : i32
        %get3A_344 = arith.index_cast %add3A_343 : i32 to index
        %get3A_345 = arith.constant 16 : index
        %get3A_346 = tpu.vector_load %arg8[%get3A_344, %get3A_345] {strides = array<i32>} : memref<512x32xf32, #tpu.memory_space<vmem>>, vector<16xf32>,
        %add3A_347 = arith.constant 384 : i32
        %add3A_348 = arith.addi %add3A_347, %scan3A_317 : i32
        %get3A_349 = arith.index_cast %add3A_348 : i32 to index
        %get3A_350 = arith.constant 0 : index
        %get3A_351 = tpu.vector_load %arg8[%get3A_349, %get3A_350] {strides = array<i32>} : memref<512x32xf32, #tpu.memory_space<vmem>>, vector<16xf32>,
        %add3A_352 = arith.constant 384 : i32
        %add3A_353 = arith.addi %add3A_352, %scan3A_317 : i32
        %get3A_354 = arith.index_cast %add3A_353 : i32 to index
        %get3A_355 = arith.constant 16 : index
        %get3A_356 = tpu.vector_load %arg8[%get3A_354, %get3A_355] {strides = array<i32>} : memref<512x32xf32, #tpu.memory_space<vmem>>, vector<16xf32>,
        %add3A_357 = arith.constant 0 : i32
        %add3A_358 = arith.addi %add3A_357, %scan3A_317 : i32
        %add3A_359 = vector.broadcast %add3A_358 : i32 to vector<16xi32>
        %add3A_360 = arith.addi %add3A_91, %add3A_359 : vector<16xi32>
        %add3A_361 = arith.addf %get3A_321, %gather3A : vector<16xf32>
        tpu.vector_store_idx %arg10[%add3A_360], %add3A_361 : memref<16512xf32, #tpu.memory_space<vmem>>[vector<16xi32>], vector<16xf32>,
        %add3A_362 = vector.broadcast %add3A_358 : i32 to vector<16xi32>
        %add3A_363 = arith.addi %add3A_107, %add3A_362 : vector<16xi32>
        %add3A_364 = arith.addf %get3A_326, %gather3A_119 : vector<16xf32>
        tpu.vector_store_idx %arg10[%add3A_363], %add3A_364 : memref<16512xf32, #tpu.memory_space<vmem>>[vector<16xi32>], vector<16xf32>,
        %add3A_365 = arith.constant 4128 : i32
        %add3A_366 = arith.addi %add3A_365, %scan3A_317 : i32
        %add3A_367 = vector.broadcast %add3A_366 : i32 to vector<16xi32>
        %add3A_368 = arith.addi %add3A_91, %add3A_367 : vector<16xi32>
        %add3A_369 = arith.addf %get3A_331, %gather3A_126 : vector<16xf32>
        tpu.vector_store_idx %arg10[%add3A_368], %add3A_369 : memref<16512xf32, #tpu.memory_space<vmem>>[vector<16xi32>], vector<16xf32>,
        %add3A_370 = vector.broadcast %add3A_366 : i32 to vector<16xi32>
        %add3A_371 = arith.addi %add3A_107, %add3A_370 : vector<16xi32>
        %add3A_372 = arith.addf %get3A_336, %gather3A_133 : vector<16xf32>
        tpu.vector_store_idx %arg10[%add3A_371], %add3A_372 : memref<16512xf32, #tpu.memory_space<vmem>>[vector<16xi32>], vector<16xf32>,
        %add3A_373 = arith.constant 8256 : i32
        %add3A_374 = arith.addi %add3A_373, %scan3A_317 : i32
        %add3A_375 = vector.broadcast %add3A_374 : i32 to vector<16xi32>
        %add3A_376 = arith.addi %add3A_91, %add3A_375 : vector<16xi32>
        %add3A_377 = arith.addf %get3A_341, %gather3A_140 : vector<16xf32>
        tpu.vector_store_idx %arg10[%add3A_376], %add3A_377 : memref<16512xf32, #tpu.memory_space<vmem>>[vector<16xi32>], vector<16xf32>,
        %add3A_378 = vector.broadcast %add3A_374 : i32 to vector<16xi32>
        %add3A_379 = arith.addi %add3A_107, %add3A_378 : vector<16xi32>
        %add3A_380 = arith.addf %get3A_346, %gather3A_147 : vector<16xf32>
        tpu.vector_store_idx %arg10[%add3A_379], %add3A_380 : memref<16512xf32, #tpu.memory_space<vmem>>[vector<16xi32>], vector<16xf32>,
        %add3A_381 = arith.constant 12384 : i32
        %add3A_382 = arith.addi %add3A_381, %scan3A_317 : i32
        %add3A_383 = vector.broadcast %add3A_382 : i32 to vector<16xi32>
        %add3A_384 = arith.addi %add3A_91, %add3A_383 : vector<16xi32>
        %add3A_385 = arith.addf %get3A_351, %gather3A_154 : vector<16xf32>
        tpu.vector_store_idx %arg10[%add3A_384], %add3A_385 : memref<16512xf32, #tpu.memory_space<vmem>>[vector<16xi32>], vector<16xf32>,
        %add3A_386 = vector.broadcast %add3A_382 : i32 to vector<16xi32>
        %add3A_387 = arith.addi %add3A_107, %add3A_386 : vector<16xi32>
        %add3A_388 = arith.addf %get3A_356, %gather3A_161 : vector<16xf32>
        tpu.vector_store_idx %arg10[%add3A_387], %add3A_388 : memref<16512xf32, #tpu.memory_space<vmem>>[vector<16xi32>], vector<16xf32>,
        %scan3A_389 = arith.constant 1 : i32
        %scan3A_390 = arith.addi %scan3A_317, %scan3A_389 : i32
        %add3A_391 = arith.constant 0 : i32
        %add3A_392 = arith.addi %add3A_391, %scan3A_390 : i32
        %get3A_393 = arith.index_cast %add3A_392 : i32 to index
        %get3A_394 = arith.constant 0 : index
        %get3A_395 = tpu.vector_load %arg8[%get3A_393, %get3A_394] {strides = array<i32>} : memref<512x32xf32, #tpu.memory_space<vmem>>, vector<16xf32>,
        %add3A_396 = arith.constant 0 : i32
        %add3A_397 = arith.addi %add3A_396, %scan3A_390 : i32
        %get3A_398 = arith.index_cast %add3A_397 : i32 to index
        %get3A_399 = arith.constant 16 : index
        %get3A_400 = tpu.vector_load %arg8[%get3A_398, %get3A_399] {strides = array<i32>} : memref<512x32xf32, #tpu.memory_space<vmem>>, vector<16xf32>,
        %add3A_401 = arith.constant 128 : i32
        %add3A_402 = arith.addi %add3A_401, %scan3A_390 : i32
        %get3A_403 = arith.index_cast %add3A_402 : i32 to index
        %get3A_404 = arith.constant 0 : index
        %get3A_405 = tpu.vector_load %arg8[%get3A_403, %get3A_404] {strides = array<i32>} : memref<512x32xf32, #tpu.memory_space<vmem>>, vector<16xf32>,
        %add3A_406 = arith.constant 128 : i32
        %add3A_407 = arith.addi %add3A_406, %scan3A_390 : i32
        %get3A_408 = arith.index_cast %add3A_407 : i32 to index
        %get3A_409 = arith.constant 16 : index
        %get3A_410 = tpu.vector_load %arg8[%get3A_408, %get3A_409] {strides = array<i32>} : memref<512x32xf32, #tpu.memory_space<vmem>>, vector<16xf32>,
        %add3A_411 = arith.constant 256 : i32
        %add3A_412 = arith.addi %add3A_411, %scan3A_390 : i32
        %get3A_413 = arith.index_cast %add3A_412 : i32 to index
        %get3A_414 = arith.constant 0 : index
        %get3A_415 = tpu.vector_load %arg8[%get3A_413, %get3A_414] {strides = array<i32>} : memref<512x32xf32, #tpu.memory_space<vmem>>, vector<16xf32>,
        %add3A_416 = arith.constant 256 : i32
        %add3A_417 = arith.addi %add3A_416, %scan3A_390 : i32
        %get3A_418 = arith.index_cast %add3A_417 : i32 to index
        %get3A_419 = arith.constant 16 : index
        %get3A_420 = tpu.vector_load %arg8[%get3A_418, %get3A_419] {strides = array<i32>} : memref<512x32xf32, #tpu.memory_space<vmem>>, vector<16xf32>,
        %add3A_421 = arith.constant 384 : i32
        %add3A_422 = arith.addi %add3A_421, %scan3A_390 : i32
        %get3A_423 = arith.index_cast %add3A_422 : i32 to index
        %get3A_424 = arith.constant 0 : index
        %get3A_425 = tpu.vector_load %arg8[%get3A_423, %get3A_424] {strides = array<i32>} : memref<512x32xf32, #tpu.memory_space<vmem>>, vector<16xf32>,
        %add3A_426 = arith.constant 384 : i32
        %add3A_427 = arith.addi %add3A_426, %scan3A_390 : i32
        %get3A_428 = arith.index_cast %add3A_427 : i32 to index
        %get3A_429 = arith.constant 16 : index
        %get3A_430 = tpu.vector_load %arg8[%get3A_428, %get3A_429] {strides = array<i32>} : memref<512x32xf32, #tpu.memory_space<vmem>>, vector<16xf32>,
        %add3A_431 = arith.constant 0 : i32
        %add3A_432 = arith.addi %add3A_431, %scan3A_390 : i32
        %add3A_433 = vector.broadcast %add3A_432 : i32 to vector<16xi32>
        %add3A_434 = arith.addi %add3A_91, %add3A_433 : vector<16xi32>
        %add3A_435 = arith.addf %get3A_395, %gather3A : vector<16xf32>
        tpu.vector_store_idx %arg10[%add3A_434], %add3A_435 : memref<16512xf32, #tpu.memory_space<vmem>>[vector<16xi32>], vector<16xf32>,
        %add3A_436 = vector.broadcast %add3A_432 : i32 to vector<16xi32>
        %add3A_437 = arith.addi %add3A_107, %add3A_436 : vector<16xi32>
        %add3A_438 = arith.addf %get3A_400, %gather3A_119 : vector<16xf32>
        tpu.vector_store_idx %arg10[%add3A_437], %add3A_438 : memref<16512xf32, #tpu.memory_space<vmem>>[vector<16xi32>], vector<16xf32>,
        %add3A_439 = arith.constant 4128 : i32
        %add3A_440 = arith.addi %add3A_439, %scan3A_390 : i32
        %add3A_441 = vector.broadcast %add3A_440 : i32 to vector<16xi32>
        %add3A_442 = arith.addi %add3A_91, %add3A_441 : vector<16xi32>
        %add3A_443 = arith.addf %get3A_405, %gather3A_126 : vector<16xf32>
        tpu.vector_store_idx %arg10[%add3A_442], %add3A_443 : memref<16512xf32, #tpu.memory_space<vmem>>[vector<16xi32>], vector<16xf32>,
        %add3A_444 = vector.broadcast %add3A_440 : i32 to vector<16xi32>
        %add3A_445 = arith.addi %add3A_107, %add3A_444 : vector<16xi32>
        %add3A_446 = arith.addf %get3A_410, %gather3A_133 : vector<16xf32>
        tpu.vector_store_idx %arg10[%add3A_445], %add3A_446 : memref<16512xf32, #tpu.memory_space<vmem>>[vector<16xi32>], vector<16xf32>,
        %add3A_447 = arith.constant 8256 : i32
        %add3A_448 = arith.addi %add3A_447, %scan3A_390 : i32
        %add3A_449 = vector.broadcast %add3A_448 : i32 to vector<16xi32>
        %add3A_450 = arith.addi %add3A_91, %add3A_449 : vector<16xi32>
        %add3A_451 = arith.addf %get3A_415, %gather3A_140 : vector<16xf32>
        tpu.vector_store_idx %arg10[%add3A_450], %add3A_451 : memref<16512xf32, #tpu.memory_space<vmem>>[vector<16xi32>], vector<16xf32>,
        %add3A_452 = vector.broadcast %add3A_448 : i32 to vector<16xi32>
        %add3A_453 = arith.addi %add3A_107, %add3A_452 : vector<16xi32>
        %add3A_454 = arith.addf %get3A_420, %gather3A_147 : vector<16xf32>
        tpu.vector_store_idx %arg10[%add3A_453], %add3A_454 : memref<16512xf32, #tpu.memory_space<vmem>>[vector<16xi32>], vector<16xf32>,
        %add3A_455 = arith.constant 12384 : i32
        %add3A_456 = arith.addi %add3A_455, %scan3A_390 : i32
        %add3A_457 = vector.broadcast %add3A_456 : i32 to vector<16xi32>
        %add3A_458 = arith.addi %add3A_91, %add3A_457 : vector<16xi32>
        %add3A_459 = arith.addf %get3A_425, %gather3A_154 : vector<16xf32>
        tpu.vector_store_idx %arg10[%add3A_458], %add3A_459 : memref<16512xf32, #tpu.memory_space<vmem>>[vector<16xi32>], vector<16xf32>,
        %add3A_460 = vector.broadcast %add3A_456 : i32 to vector<16xi32>
        %add3A_461 = arith.addi %add3A_107, %add3A_460 : vector<16xi32>
        %add3A_462 = arith.addf %get3A_430, %gather3A_161 : vector<16xf32>
        tpu.vector_store_idx %arg10[%add3A_461], %add3A_462 : memref<16512xf32, #tpu.memory_space<vmem>>[vector<16xi32>], vector<16xf32>,
        %scan3A_463 = arith.constant 2 : i32
        %scan3A_464 = arith.addi %scan3A_317, %scan3A_463 : i32
        %add3A_465 = arith.constant 0 : i32
        %add3A_466 = arith.addi %add3A_465, %scan3A_464 : i32
        %get3A_467 = arith.index_cast %add3A_466 : i32 to index
        %get3A_468 = arith.constant 0 : index
        %get3A_469 = tpu.vector_load %arg8[%get3A_467, %get3A_468] {strides = array<i32>} : memref<512x32xf32, #tpu.memory_space<vmem>>, vector<16xf32>,
        %add3A_470 = arith.constant 0 : i32
        %add3A_471 = arith.addi %add3A_470, %scan3A_464 : i32
        %get3A_472 = arith.index_cast %add3A_471 : i32 to index
        %get3A_473 = arith.constant 16 : index
        %get3A_474 = tpu.vector_load %arg8[%get3A_472, %get3A_473] {strides = array<i32>} : memref<512x32xf32, #tpu.memory_space<vmem>>, vector<16xf32>,
        %add3A_475 = arith.constant 128 : i32
        %add3A_476 = arith.addi %add3A_475, %scan3A_464 : i32
        %get3A_477 = arith.index_cast %add3A_476 : i32 to index
        %get3A_478 = arith.constant 0 : index
        %get3A_479 = tpu.vector_load %arg8[%get3A_477, %get3A_478] {strides = array<i32>} : memref<512x32xf32, #tpu.memory_space<vmem>>, vector<16xf32>,
        %add3A_480 = arith.constant 128 : i32
        %add3A_481 = arith.addi %add3A_480, %scan3A_464 : i32
        %get3A_482 = arith.index_cast %add3A_481 : i32 to index
        %get3A_483 = arith.constant 16 : index
        %get3A_484 = tpu.vector_load %arg8[%get3A_482, %get3A_483] {strides = array<i32>} : memref<512x32xf32, #tpu.memory_space<vmem>>, vector<16xf32>,
        %add3A_485 = arith.constant 256 : i32
        %add3A_486 = arith.addi %add3A_485, %scan3A_464 : i32
        %get3A_487 = arith.index_cast %add3A_486 : i32 to index
        %get3A_488 = arith.constant 0 : index
        %get3A_489 = tpu.vector_load %arg8[%get3A_487, %get3A_488] {strides = array<i32>} : memref<512x32xf32, #tpu.memory_space<vmem>>, vector<16xf32>,
        %add3A_490 = arith.constant 256 : i32
        %add3A_491 = arith.addi %add3A_490, %scan3A_464 : i32
        %get3A_492 = arith.index_cast %add3A_491 : i32 to index
        %get3A_493 = arith.constant 16 : index
        %get3A_494 = tpu.vector_load %arg8[%get3A_492, %get3A_493] {strides = array<i32>} : memref<512x32xf32, #tpu.memory_space<vmem>>, vector<16xf32>,
        %add3A_495 = arith.constant 384 : i32
        %add3A_496 = arith.addi %add3A_495, %scan3A_464 : i32
        %get3A_497 = arith.index_cast %add3A_496 : i32 to index
        %get3A_498 = arith.constant 0 : index
        %get3A_499 = tpu.vector_load %arg8[%get3A_497, %get3A_498] {strides = array<i32>} : memref<512x32xf32, #tpu.memory_space<vmem>>, vector<16xf32>,
        %add3A_500 = arith.constant 384 : i32
        %add3A_501 = arith.addi %add3A_500, %scan3A_464 : i32
        %get3A_502 = arith.index_cast %add3A_501 : i32 to index
        %get3A_503 = arith.constant 16 : index
        %get3A_504 = tpu.vector_load %arg8[%get3A_502, %get3A_503] {strides = array<i32>} : memref<512x32xf32, #tpu.memory_space<vmem>>, vector<16xf32>,
        %add3A_505 = arith.constant 0 : i32
        %add3A_506 = arith.addi %add3A_505, %scan3A_464 : i32
        %add3A_507 = vector.broadcast %add3A_506 : i32 to vector<16xi32>
        %add3A_508 = arith.addi %add3A_91, %add3A_507 : vector<16xi32>
        %add3A_509 = arith.addf %get3A_469, %gather3A : vector<16xf32>
        tpu.vector_store_idx %arg10[%add3A_508], %add3A_509 : memref<16512xf32, #tpu.memory_space<vmem>>[vector<16xi32>], vector<16xf32>,
        %add3A_510 = vector.broadcast %add3A_506 : i32 to vector<16xi32>
        %add3A_511 = arith.addi %add3A_107, %add3A_510 : vector<16xi32>
        %add3A_512 = arith.addf %get3A_474, %gather3A_119 : vector<16xf32>
        tpu.vector_store_idx %arg10[%add3A_511], %add3A_512 : memref<16512xf32, #tpu.memory_space<vmem>>[vector<16xi32>], vector<16xf32>,
        %add3A_513 = arith.constant 4128 : i32
        %add3A_514 = arith.addi %add3A_513, %scan3A_464 : i32
        %add3A_515 = vector.broadcast %add3A_514 : i32 to vector<16xi32>
        %add3A_516 = arith.addi %add3A_91, %add3A_515 : vector<16xi32>
        %add3A_517 = arith.addf %get3A_479, %gather3A_126 : vector<16xf32>
        tpu.vector_store_idx %arg10[%add3A_516], %add3A_517 : memref<16512xf32, #tpu.memory_space<vmem>>[vector<16xi32>], vector<16xf32>,
        %add3A_518 = vector.broadcast %add3A_514 : i32 to vector<16xi32>
        %add3A_519 = arith.addi %add3A_107, %add3A_518 : vector<16xi32>
        %add3A_520 = arith.addf %get3A_484, %gather3A_133 : vector<16xf32>
        tpu.vector_store_idx %arg10[%add3A_519], %add3A_520 : memref<16512xf32, #tpu.memory_space<vmem>>[vector<16xi32>], vector<16xf32>,
        %add3A_521 = arith.constant 8256 : i32
        %add3A_522 = arith.addi %add3A_521, %scan3A_464 : i32
        %add3A_523 = vector.broadcast %add3A_522 : i32 to vector<16xi32>
        %add3A_524 = arith.addi %add3A_91, %add3A_523 : vector<16xi32>
        %add3A_525 = arith.addf %get3A_489, %gather3A_140 : vector<16xf32>
        tpu.vector_store_idx %arg10[%add3A_524], %add3A_525 : memref<16512xf32, #tpu.memory_space<vmem>>[vector<16xi32>], vector<16xf32>,
        %add3A_526 = vector.broadcast %add3A_522 : i32 to vector<16xi32>
        %add3A_527 = arith.addi %add3A_107, %add3A_526 : vector<16xi32>
        %add3A_528 = arith.addf %get3A_494, %gather3A_147 : vector<16xf32>
        tpu.vector_store_idx %arg10[%add3A_527], %add3A_528 : memref<16512xf32, #tpu.memory_space<vmem>>[vector<16xi32>], vector<16xf32>,
        %add3A_529 = arith.constant 12384 : i32
        %add3A_530 = arith.addi %add3A_529, %scan3A_464 : i32
        %add3A_531 = vector.broadcast %add3A_530 : i32 to vector<16xi32>
        %add3A_532 = arith.addi %add3A_91, %add3A_531 : vector<16xi32>
        %add3A_533 = arith.addf %get3A_499, %gather3A_154 : vector<16xf32>
        tpu.vector_store_idx %arg10[%add3A_532], %add3A_533 : memref<16512xf32, #tpu.memory_space<vmem>>[vector<16xi32>], vector<16xf32>,
        %add3A_534 = vector.broadcast %add3A_530 : i32 to vector<16xi32>
        %add3A_535 = arith.addi %add3A_107, %add3A_534 : vector<16xi32>
        %add3A_536 = arith.addf %get3A_504, %gather3A_161 : vector<16xf32>
        tpu.vector_store_idx %arg10[%add3A_535], %add3A_536 : memref<16512xf32, #tpu.memory_space<vmem>>[vector<16xi32>], vector<16xf32>,
        %scan3A_537 = arith.constant 3 : i32
        %scan3A_538 = arith.addi %scan3A_317, %scan3A_537 : i32
        %add3A_539 = arith.constant 0 : i32
        %add3A_540 = arith.addi %add3A_539, %scan3A_538 : i32
        %get3A_541 = arith.index_cast %add3A_540 : i32 to index
        %get3A_542 = arith.constant 0 : index
        %get3A_543 = tpu.vector_load %arg8[%get3A_541, %get3A_542] {strides = array<i32>} : memref<512x32xf32, #tpu.memory_space<vmem>>, vector<16xf32>,
        %add3A_544 = arith.constant 0 : i32
        %add3A_545 = arith.addi %add3A_544, %scan3A_538 : i32
        %get3A_546 = arith.index_cast %add3A_545 : i32 to index
        %get3A_547 = arith.constant 16 : index
        %get3A_548 = tpu.vector_load %arg8[%get3A_546, %get3A_547] {strides = array<i32>} : memref<512x32xf32, #tpu.memory_space<vmem>>, vector<16xf32>,
        %add3A_549 = arith.constant 128 : i32
        %add3A_550 = arith.addi %add3A_549, %scan3A_538 : i32
        %get3A_551 = arith.index_cast %add3A_550 : i32 to index
        %get3A_552 = arith.constant 0 : index
        %get3A_553 = tpu.vector_load %arg8[%get3A_551, %get3A_552] {strides = array<i32>} : memref<512x32xf32, #tpu.memory_space<vmem>>, vector<16xf32>,
        %add3A_554 = arith.constant 128 : i32
        %add3A_555 = arith.addi %add3A_554, %scan3A_538 : i32
        %get3A_556 = arith.index_cast %add3A_555 : i32 to index
        %get3A_557 = arith.constant 16 : index
        %get3A_558 = tpu.vector_load %arg8[%get3A_556, %get3A_557] {strides = array<i32>} : memref<512x32xf32, #tpu.memory_space<vmem>>, vector<16xf32>,
        %add3A_559 = arith.constant 256 : i32
        %add3A_560 = arith.addi %add3A_559, %scan3A_538 : i32
        %get3A_561 = arith.index_cast %add3A_560 : i32 to index
        %get3A_562 = arith.constant 0 : index
        %get3A_563 = tpu.vector_load %arg8[%get3A_561, %get3A_562] {strides = array<i32>} : memref<512x32xf32, #tpu.memory_space<vmem>>, vector<16xf32>,
        %add3A_564 = arith.constant 256 : i32
        %add3A_565 = arith.addi %add3A_564, %scan3A_538 : i32
        %get3A_566 = arith.index_cast %add3A_565 : i32 to index
        %get3A_567 = arith.constant 16 : index
        %get3A_568 = tpu.vector_load %arg8[%get3A_566, %get3A_567] {strides = array<i32>} : memref<512x32xf32, #tpu.memory_space<vmem>>, vector<16xf32>,
        %add3A_569 = arith.constant 384 : i32
        %add3A_570 = arith.addi %add3A_569, %scan3A_538 : i32
        %get3A_571 = arith.index_cast %add3A_570 : i32 to index
        %get3A_572 = arith.constant 0 : index
        %get3A_573 = tpu.vector_load %arg8[%get3A_571, %get3A_572] {strides = array<i32>} : memref<512x32xf32, #tpu.memory_space<vmem>>, vector<16xf32>,
        %add3A_574 = arith.constant 384 : i32
        %add3A_575 = arith.addi %add3A_574, %scan3A_538 : i32
        %get3A_576 = arith.index_cast %add3A_575 : i32 to index
        %get3A_577 = arith.constant 16 : index
        %get3A_578 = tpu.vector_load %arg8[%get3A_576, %get3A_577] {strides = array<i32>} : memref<512x32xf32, #tpu.memory_space<vmem>>, vector<16xf32>,
        %add3A_579 = arith.constant 0 : i32
        %add3A_580 = arith.addi %add3A_579, %scan3A_538 : i32
        %add3A_581 = vector.broadcast %add3A_580 : i32 to vector<16xi32>
        %add3A_582 = arith.addi %add3A_91, %add3A_581 : vector<16xi32>
        %add3A_583 = arith.addf %get3A_543, %gather3A : vector<16xf32>
        tpu.vector_store_idx %arg10[%add3A_582], %add3A_583 : memref<16512xf32, #tpu.memory_space<vmem>>[vector<16xi32>], vector<16xf32>,
        %add3A_584 = vector.broadcast %add3A_580 : i32 to vector<16xi32>
        %add3A_585 = arith.addi %add3A_107, %add3A_584 : vector<16xi32>
        %add3A_586 = arith.addf %get3A_548, %gather3A_119 : vector<16xf32>
        tpu.vector_store_idx %arg10[%add3A_585], %add3A_586 : memref<16512xf32, #tpu.memory_space<vmem>>[vector<16xi32>], vector<16xf32>,
        %add3A_587 = arith.constant 4128 : i32
        %add3A_588 = arith.addi %add3A_587, %scan3A_538 : i32
        %add3A_589 = vector.broadcast %add3A_588 : i32 to vector<16xi32>
        %add3A_590 = arith.addi %add3A_91, %add3A_589 : vector<16xi32>
        %add3A_591 = arith.addf %get3A_553, %gather3A_126 : vector<16xf32>
        tpu.vector_store_idx %arg10[%add3A_590], %add3A_591 : memref<16512xf32, #tpu.memory_space<vmem>>[vector<16xi32>], vector<16xf32>,
        %add3A_592 = vector.broadcast %add3A_588 : i32 to vector<16xi32>
        %add3A_593 = arith.addi %add3A_107, %add3A_592 : vector<16xi32>
        %add3A_594 = arith.addf %get3A_558, %gather3A_133 : vector<16xf32>
        tpu.vector_store_idx %arg10[%add3A_593], %add3A_594 : memref<16512xf32, #tpu.memory_space<vmem>>[vector<16xi32>], vector<16xf32>,
        %add3A_595 = arith.constant 8256 : i32
        %add3A_596 = arith.addi %add3A_595, %scan3A_538 : i32
        %add3A_597 = vector.broadcast %add3A_596 : i32 to vector<16xi32>
        %add3A_598 = arith.addi %add3A_91, %add3A_597 : vector<16xi32>
        %add3A_599 = arith.addf %get3A_563, %gather3A_140 : vector<16xf32>
        tpu.vector_store_idx %arg10[%add3A_598], %add3A_599 : memref<16512xf32, #tpu.memory_space<vmem>>[vector<16xi32>], vector<16xf32>,
        %add3A_600 = vector.broadcast %add3A_596 : i32 to vector<16xi32>
        %add3A_601 = arith.addi %add3A_107, %add3A_600 : vector<16xi32>
        %add3A_602 = arith.addf %get3A_568, %gather3A_147 : vector<16xf32>
        tpu.vector_store_idx %arg10[%add3A_601], %add3A_602 : memref<16512xf32, #tpu.memory_space<vmem>>[vector<16xi32>], vector<16xf32>,
        %add3A_603 = arith.constant 12384 : i32
        %add3A_604 = arith.addi %add3A_603, %scan3A_538 : i32
        %add3A_605 = vector.broadcast %add3A_604 : i32 to vector<16xi32>
        %add3A_606 = arith.addi %add3A_91, %add3A_605 : vector<16xi32>
        %add3A_607 = arith.addf %get3A_573, %gather3A_154 : vector<16xf32>
        tpu.vector_store_idx %arg10[%add3A_606], %add3A_607 : memref<16512xf32, #tpu.memory_space<vmem>>[vector<16xi32>], vector<16xf32>,
        %add3A_608 = vector.broadcast %add3A_604 : i32 to vector<16xi32>
        %add3A_609 = arith.addi %add3A_107, %add3A_608 : vector<16xi32>
        %add3A_610 = arith.addf %get3A_578, %gather3A_161 : vector<16xf32>
        tpu.vector_store_idx %arg10[%add3A_609], %add3A_610 : memref<16512xf32, #tpu.memory_space<vmem>>[vector<16xi32>], vector<16xf32>,
        %scan3A_611 = arith.constant 4 : i32
        %scan3A_612 = arith.addi %scan3A_317, %scan3A_611 : i32
        %add3A_613 = arith.constant 0 : i32
        %add3A_614 = arith.addi %add3A_613, %scan3A_612 : i32
        %get3A_615 = arith.index_cast %add3A_614 : i32 to index
        %get3A_616 = arith.constant 0 : index
        %get3A_617 = tpu.vector_load %arg8[%get3A_615, %get3A_616] {strides = array<i32>} : memref<512x32xf32, #tpu.memory_space<vmem>>, vector<16xf32>,
        %add3A_618 = arith.constant 0 : i32
        %add3A_619 = arith.addi %add3A_618, %scan3A_612 : i32
        %get3A_620 = arith.index_cast %add3A_619 : i32 to index
        %get3A_621 = arith.constant 16 : index
        %get3A_622 = tpu.vector_load %arg8[%get3A_620, %get3A_621] {strides = array<i32>} : memref<512x32xf32, #tpu.memory_space<vmem>>, vector<16xf32>,
        %add3A_623 = arith.constant 128 : i32
        %add3A_624 = arith.addi %add3A_623, %scan3A_612 : i32
        %get3A_625 = arith.index_cast %add3A_624 : i32 to index
        %get3A_626 = arith.constant 0 : index
        %get3A_627 = tpu.vector_load %arg8[%get3A_625, %get3A_626] {strides = array<i32>} : memref<512x32xf32, #tpu.memory_space<vmem>>, vector<16xf32>,
        %add3A_628 = arith.constant 128 : i32
        %add3A_629 = arith.addi %add3A_628, %scan3A_612 : i32
        %get3A_630 = arith.index_cast %add3A_629 : i32 to index
        %get3A_631 = arith.constant 16 : index
        %get3A_632 = tpu.vector_load %arg8[%get3A_630, %get3A_631] {strides = array<i32>} : memref<512x32xf32, #tpu.memory_space<vmem>>, vector<16xf32>,
        %add3A_633 = arith.constant 256 : i32
        %add3A_634 = arith.addi %add3A_633, %scan3A_612 : i32
        %get3A_635 = arith.index_cast %add3A_634 : i32 to index
        %get3A_636 = arith.constant 0 : index
        %get3A_637 = tpu.vector_load %arg8[%get3A_635, %get3A_636] {strides = array<i32>} : memref<512x32xf32, #tpu.memory_space<vmem>>, vector<16xf32>,
        %add3A_638 = arith.constant 256 : i32
        %add3A_639 = arith.addi %add3A_638, %scan3A_612 : i32
        %get3A_640 = arith.index_cast %add3A_639 : i32 to index
        %get3A_641 = arith.constant 16 : index
        %get3A_642 = tpu.vector_load %arg8[%get3A_640, %get3A_641] {strides = array<i32>} : memref<512x32xf32, #tpu.memory_space<vmem>>, vector<16xf32>,
        %add3A_643 = arith.constant 384 : i32
        %add3A_644 = arith.addi %add3A_643, %scan3A_612 : i32
        %get3A_645 = arith.index_cast %add3A_644 : i32 to index
        %get3A_646 = arith.constant 0 : index
        %get3A_647 = tpu.vector_load %arg8[%get3A_645, %get3A_646] {strides = array<i32>} : memref<512x32xf32, #tpu.memory_space<vmem>>, vector<16xf32>,
        %add3A_648 = arith.constant 384 : i32
        %add3A_649 = arith.addi %add3A_648, %scan3A_612 : i32
        %get3A_650 = arith.index_cast %add3A_649 : i32 to index
        %get3A_651 = arith.constant 16 : index
        %get3A_652 = tpu.vector_load %arg8[%get3A_650, %get3A_651] {strides = array<i32>} : memref<512x32xf32, #tpu.memory_space<vmem>>, vector<16xf32>,
        %add3A_653 = arith.constant 0 : i32
        %add3A_654 = arith.addi %add3A_653, %scan3A_612 : i32
        %add3A_655 = vector.broadcast %add3A_654 : i32 to vector<16xi32>
        %add3A_656 = arith.addi %add3A_91, %add3A_655 : vector<16xi32>
        %add3A_657 = arith.addf %get3A_617, %gather3A : vector<16xf32>
        tpu.vector_store_idx %arg10[%add3A_656], %add3A_657 : memref<16512xf32, #tpu.memory_space<vmem>>[vector<16xi32>], vector<16xf32>,
        %add3A_658 = vector.broadcast %add3A_654 : i32 to vector<16xi32>
        %add3A_659 = arith.addi %add3A_107, %add3A_658 : vector<16xi32>
        %add3A_660 = arith.addf %get3A_622, %gather3A_119 : vector<16xf32>
        tpu.vector_store_idx %arg10[%add3A_659], %add3A_660 : memref<16512xf32, #tpu.memory_space<vmem>>[vector<16xi32>], vector<16xf32>,
        %add3A_661 = arith.constant 4128 : i32
        %add3A_662 = arith.addi %add3A_661, %scan3A_612 : i32
        %add3A_663 = vector.broadcast %add3A_662 : i32 to vector<16xi32>
        %add3A_664 = arith.addi %add3A_91, %add3A_663 : vector<16xi32>
        %add3A_665 = arith.addf %get3A_627, %gather3A_126 : vector<16xf32>
        tpu.vector_store_idx %arg10[%add3A_664], %add3A_665 : memref<16512xf32, #tpu.memory_space<vmem>>[vector<16xi32>], vector<16xf32>,
        %add3A_666 = vector.broadcast %add3A_662 : i32 to vector<16xi32>
        %add3A_667 = arith.addi %add3A_107, %add3A_666 : vector<16xi32>
        %add3A_668 = arith.addf %get3A_632, %gather3A_133 : vector<16xf32>
        tpu.vector_store_idx %arg10[%add3A_667], %add3A_668 : memref<16512xf32, #tpu.memory_space<vmem>>[vector<16xi32>], vector<16xf32>,
        %add3A_669 = arith.constant 8256 : i32
        %add3A_670 = arith.addi %add3A_669, %scan3A_612 : i32
        %add3A_671 = vector.broadcast %add3A_670 : i32 to vector<16xi32>
        %add3A_672 = arith.addi %add3A_91, %add3A_671 : vector<16xi32>
        %add3A_673 = arith.addf %get3A_637, %gather3A_140 : vector<16xf32>
        tpu.vector_store_idx %arg10[%add3A_672], %add3A_673 : memref<16512xf32, #tpu.memory_space<vmem>>[vector<16xi32>], vector<16xf32>,
        %add3A_674 = vector.broadcast %add3A_670 : i32 to vector<16xi32>
        %add3A_675 = arith.addi %add3A_107, %add3A_674 : vector<16xi32>
        %add3A_676 = arith.addf %get3A_642, %gather3A_147 : vector<16xf32>
        tpu.vector_store_idx %arg10[%add3A_675], %add3A_676 : memref<16512xf32, #tpu.memory_space<vmem>>[vector<16xi32>], vector<16xf32>,
        %add3A_677 = arith.constant 12384 : i32
        %add3A_678 = arith.addi %add3A_677, %scan3A_612 : i32
        %add3A_679 = vector.broadcast %add3A_678 : i32 to vector<16xi32>
        %add3A_680 = arith.addi %add3A_91, %add3A_679 : vector<16xi32>
        %add3A_681 = arith.addf %get3A_647, %gather3A_154 : vector<16xf32>
        tpu.vector_store_idx %arg10[%add3A_680], %add3A_681 : memref<16512xf32, #tpu.memory_space<vmem>>[vector<16xi32>], vector<16xf32>,
        %add3A_682 = vector.broadcast %add3A_678 : i32 to vector<16xi32>
        %add3A_683 = arith.addi %add3A_107, %add3A_682 : vector<16xi32>
        %add3A_684 = arith.addf %get3A_652, %gather3A_161 : vector<16xf32>
        tpu.vector_store_idx %arg10[%add3A_683], %add3A_684 : memref<16512xf32, #tpu.memory_space<vmem>>[vector<16xi32>], vector<16xf32>,
        %scan3A_685 = arith.constant 5 : i32
        %scan3A_686 = arith.addi %scan3A_317, %scan3A_685 : i32
        %add3A_687 = arith.constant 0 : i32
        %add3A_688 = arith.addi %add3A_687, %scan3A_686 : i32
        %get3A_689 = arith.index_cast %add3A_688 : i32 to index
        %get3A_690 = arith.constant 0 : index
        %get3A_691 = tpu.vector_load %arg8[%get3A_689, %get3A_690] {strides = array<i32>} : memref<512x32xf32, #tpu.memory_space<vmem>>, vector<16xf32>,
        %add3A_692 = arith.constant 0 : i32
        %add3A_693 = arith.addi %add3A_692, %scan3A_686 : i32
        %get3A_694 = arith.index_cast %add3A_693 : i32 to index
        %get3A_695 = arith.constant 16 : index
        %get3A_696 = tpu.vector_load %arg8[%get3A_694, %get3A_695] {strides = array<i32>} : memref<512x32xf32, #tpu.memory_space<vmem>>, vector<16xf32>,
        %add3A_697 = arith.constant 128 : i32
        %add3A_698 = arith.addi %add3A_697, %scan3A_686 : i32
        %get3A_699 = arith.index_cast %add3A_698 : i32 to index
        %get3A_700 = arith.constant 0 : index
        %get3A_701 = tpu.vector_load %arg8[%get3A_699, %get3A_700] {strides = array<i32>} : memref<512x32xf32, #tpu.memory_space<vmem>>, vector<16xf32>,
        %add3A_702 = arith.constant 128 : i32
        %add3A_703 = arith.addi %add3A_702, %scan3A_686 : i32
        %get3A_704 = arith.index_cast %add3A_703 : i32 to index
        %get3A_705 = arith.constant 16 : index
        %get3A_706 = tpu.vector_load %arg8[%get3A_704, %get3A_705] {strides = array<i32>} : memref<512x32xf32, #tpu.memory_space<vmem>>, vector<16xf32>,
        %add3A_707 = arith.constant 256 : i32
        %add3A_708 = arith.addi %add3A_707, %scan3A_686 : i32
        %get3A_709 = arith.index_cast %add3A_708 : i32 to index
        %get3A_710 = arith.constant 0 : index
        %get3A_711 = tpu.vector_load %arg8[%get3A_709, %get3A_710] {strides = array<i32>} : memref<512x32xf32, #tpu.memory_space<vmem>>, vector<16xf32>,
        %add3A_712 = arith.constant 256 : i32
        %add3A_713 = arith.addi %add3A_712, %scan3A_686 : i32
        %get3A_714 = arith.index_cast %add3A_713 : i32 to index
        %get3A_715 = arith.constant 16 : index
        %get3A_716 = tpu.vector_load %arg8[%get3A_714, %get3A_715] {strides = array<i32>} : memref<512x32xf32, #tpu.memory_space<vmem>>, vector<16xf32>,
        %add3A_717 = arith.constant 384 : i32
        %add3A_718 = arith.addi %add3A_717, %scan3A_686 : i32
        %get3A_719 = arith.index_cast %add3A_718 : i32 to index
        %get3A_720 = arith.constant 0 : index
        %get3A_721 = tpu.vector_load %arg8[%get3A_719, %get3A_720] {strides = array<i32>} : memref<512x32xf32, #tpu.memory_space<vmem>>, vector<16xf32>,
        %add3A_722 = arith.constant 384 : i32
        %add3A_723 = arith.addi %add3A_722, %scan3A_686 : i32
        %get3A_724 = arith.index_cast %add3A_723 : i32 to index
        %get3A_725 = arith.constant 16 : index
        %get3A_726 = tpu.vector_load %arg8[%get3A_724, %get3A_725] {strides = array<i32>} : memref<512x32xf32, #tpu.memory_space<vmem>>, vector<16xf32>,
        %add3A_727 = arith.constant 0 : i32
        %add3A_728 = arith.addi %add3A_727, %scan3A_686 : i32
        %add3A_729 = vector.broadcast %add3A_728 : i32 to vector<16xi32>
        %add3A_730 = arith.addi %add3A_91, %add3A_729 : vector<16xi32>
        %add3A_731 = arith.addf %get3A_691, %gather3A : vector<16xf32>
        tpu.vector_store_idx %arg10[%add3A_730], %add3A_731 : memref<16512xf32, #tpu.memory_space<vmem>>[vector<16xi32>], vector<16xf32>,
        %add3A_732 = vector.broadcast %add3A_728 : i32 to vector<16xi32>
        %add3A_733 = arith.addi %add3A_107, %add3A_732 : vector<16xi32>
        %add3A_734 = arith.addf %get3A_696, %gather3A_119 : vector<16xf32>
        tpu.vector_store_idx %arg10[%add3A_733], %add3A_734 : memref<16512xf32, #tpu.memory_space<vmem>>[vector<16xi32>], vector<16xf32>,
        %add3A_735 = arith.constant 4128 : i32
        %add3A_736 = arith.addi %add3A_735, %scan3A_686 : i32
        %add3A_737 = vector.broadcast %add3A_736 : i32 to vector<16xi32>
        %add3A_738 = arith.addi %add3A_91, %add3A_737 : vector<16xi32>
        %add3A_739 = arith.addf %get3A_701, %gather3A_126 : vector<16xf32>
        tpu.vector_store_idx %arg10[%add3A_738], %add3A_739 : memref<16512xf32, #tpu.memory_space<vmem>>[vector<16xi32>], vector<16xf32>,
        %add3A_740 = vector.broadcast %add3A_736 : i32 to vector<16xi32>
        %add3A_741 = arith.addi %add3A_107, %add3A_740 : vector<16xi32>
        %add3A_742 = arith.addf %get3A_706, %gather3A_133 : vector<16xf32>
        tpu.vector_store_idx %arg10[%add3A_741], %add3A_742 : memref<16512xf32, #tpu.memory_space<vmem>>[vector<16xi32>], vector<16xf32>,
        %add3A_743 = arith.constant 8256 : i32
        %add3A_744 = arith.addi %add3A_743, %scan3A_686 : i32
        %add3A_745 = vector.broadcast %add3A_744 : i32 to vector<16xi32>
        %add3A_746 = arith.addi %add3A_91, %add3A_745 : vector<16xi32>
        %add3A_747 = arith.addf %get3A_711, %gather3A_140 : vector<16xf32>
        tpu.vector_store_idx %arg10[%add3A_746], %add3A_747 : memref<16512xf32, #tpu.memory_space<vmem>>[vector<16xi32>], vector<16xf32>,
        %add3A_748 = vector.broadcast %add3A_744 : i32 to vector<16xi32>
        %add3A_749 = arith.addi %add3A_107, %add3A_748 : vector<16xi32>
        %add3A_750 = arith.addf %get3A_716, %gather3A_147 : vector<16xf32>
        tpu.vector_store_idx %arg10[%add3A_749], %add3A_750 : memref<16512xf32, #tpu.memory_space<vmem>>[vector<16xi32>], vector<16xf32>,
        %add3A_751 = arith.constant 12384 : i32
        %add3A_752 = arith.addi %add3A_751, %scan3A_686 : i32
        %add3A_753 = vector.broadcast %add3A_752 : i32 to vector<16xi32>
        %add3A_754 = arith.addi %add3A_91, %add3A_753 : vector<16xi32>
        %add3A_755 = arith.addf %get3A_721, %gather3A_154 : vector<16xf32>
        tpu.vector_store_idx %arg10[%add3A_754], %add3A_755 : memref<16512xf32, #tpu.memory_space<vmem>>[vector<16xi32>], vector<16xf32>,
        %add3A_756 = vector.broadcast %add3A_752 : i32 to vector<16xi32>
        %add3A_757 = arith.addi %add3A_107, %add3A_756 : vector<16xi32>
        %add3A_758 = arith.addf %get3A_726, %gather3A_161 : vector<16xf32>
        tpu.vector_store_idx %arg10[%add3A_757], %add3A_758 : memref<16512xf32, #tpu.memory_space<vmem>>[vector<16xi32>], vector<16xf32>,
        %scan3A_759 = arith.constant 6 : i32
        %scan3A_760 = arith.addi %scan3A_317, %scan3A_759 : i32
        %add3A_761 = arith.constant 0 : i32
        %add3A_762 = arith.addi %add3A_761, %scan3A_760 : i32
        %get3A_763 = arith.index_cast %add3A_762 : i32 to index
        %get3A_764 = arith.constant 0 : index
        %get3A_765 = tpu.vector_load %arg8[%get3A_763, %get3A_764] {strides = array<i32>} : memref<512x32xf32, #tpu.memory_space<vmem>>, vector<16xf32>,
        %add3A_766 = arith.constant 0 : i32
        %add3A_767 = arith.addi %add3A_766, %scan3A_760 : i32
        %get3A_768 = arith.index_cast %add3A_767 : i32 to index
        %get3A_769 = arith.constant 16 : index
        %get3A_770 = tpu.vector_load %arg8[%get3A_768, %get3A_769] {strides = array<i32>} : memref<512x32xf32, #tpu.memory_space<vmem>>, vector<16xf32>,
        %add3A_771 = arith.constant 128 : i32
        %add3A_772 = arith.addi %add3A_771, %scan3A_760 : i32
        %get3A_773 = arith.index_cast %add3A_772 : i32 to index
        %get3A_774 = arith.constant 0 : index
        %get3A_775 = tpu.vector_load %arg8[%get3A_773, %get3A_774] {strides = array<i32>} : memref<512x32xf32, #tpu.memory_space<vmem>>, vector<16xf32>,
        %add3A_776 = arith.constant 128 : i32
        %add3A_777 = arith.addi %add3A_776, %scan3A_760 : i32
        %get3A_778 = arith.index_cast %add3A_777 : i32 to index
        %get3A_779 = arith.constant 16 : index
        %get3A_780 = tpu.vector_load %arg8[%get3A_778, %get3A_779] {strides = array<i32>} : memref<512x32xf32, #tpu.memory_space<vmem>>, vector<16xf32>,
        %add3A_781 = arith.constant 256 : i32
        %add3A_782 = arith.addi %add3A_781, %scan3A_760 : i32
        %get3A_783 = arith.index_cast %add3A_782 : i32 to index
        %get3A_784 = arith.constant 0 : index
        %get3A_785 = tpu.vector_load %arg8[%get3A_783, %get3A_784] {strides = array<i32>} : memref<512x32xf32, #tpu.memory_space<vmem>>, vector<16xf32>,
        %add3A_786 = arith.constant 256 : i32
        %add3A_787 = arith.addi %add3A_786, %scan3A_760 : i32
        %get3A_788 = arith.index_cast %add3A_787 : i32 to index
        %get3A_789 = arith.constant 16 : index
        %get3A_790 = tpu.vector_load %arg8[%get3A_788, %get3A_789] {strides = array<i32>} : memref<512x32xf32, #tpu.memory_space<vmem>>, vector<16xf32>,
        %add3A_791 = arith.constant 384 : i32
        %add3A_792 = arith.addi %add3A_791, %scan3A_760 : i32
        %get3A_793 = arith.index_cast %add3A_792 : i32 to index
        %get3A_794 = arith.constant 0 : index
        %get3A_795 = tpu.vector_load %arg8[%get3A_793, %get3A_794] {strides = array<i32>} : memref<512x32xf32, #tpu.memory_space<vmem>>, vector<16xf32>,
        %add3A_796 = arith.constant 384 : i32
        %add3A_797 = arith.addi %add3A_796, %scan3A_760 : i32
        %get3A_798 = arith.index_cast %add3A_797 : i32 to index
        %get3A_799 = arith.constant 16 : index
        %get3A_800 = tpu.vector_load %arg8[%get3A_798, %get3A_799] {strides = array<i32>} : memref<512x32xf32, #tpu.memory_space<vmem>>, vector<16xf32>,
        %add3A_801 = arith.constant 0 : i32
        %add3A_802 = arith.addi %add3A_801, %scan3A_760 : i32
        %add3A_803 = vector.broadcast %add3A_802 : i32 to vector<16xi32>
        %add3A_804 = arith.addi %add3A_91, %add3A_803 : vector<16xi32>
        %add3A_805 = arith.addf %get3A_765, %gather3A : vector<16xf32>
        tpu.vector_store_idx %arg10[%add3A_804], %add3A_805 : memref<16512xf32, #tpu.memory_space<vmem>>[vector<16xi32>], vector<16xf32>,
        %add3A_806 = vector.broadcast %add3A_802 : i32 to vector<16xi32>
        %add3A_807 = arith.addi %add3A_107, %add3A_806 : vector<16xi32>
        %add3A_808 = arith.addf %get3A_770, %gather3A_119 : vector<16xf32>
        tpu.vector_store_idx %arg10[%add3A_807], %add3A_808 : memref<16512xf32, #tpu.memory_space<vmem>>[vector<16xi32>], vector<16xf32>,
        %add3A_809 = arith.constant 4128 : i32
        %add3A_810 = arith.addi %add3A_809, %scan3A_760 : i32
        %add3A_811 = vector.broadcast %add3A_810 : i32 to vector<16xi32>
        %add3A_812 = arith.addi %add3A_91, %add3A_811 : vector<16xi32>
        %add3A_813 = arith.addf %get3A_775, %gather3A_126 : vector<16xf32>
        tpu.vector_store_idx %arg10[%add3A_812], %add3A_813 : memref<16512xf32, #tpu.memory_space<vmem>>[vector<16xi32>], vector<16xf32>,
        %add3A_814 = vector.broadcast %add3A_810 : i32 to vector<16xi32>
        %add3A_815 = arith.addi %add3A_107, %add3A_814 : vector<16xi32>
        %add3A_816 = arith.addf %get3A_780, %gather3A_133 : vector<16xf32>
        tpu.vector_store_idx %arg10[%add3A_815], %add3A_816 : memref<16512xf32, #tpu.memory_space<vmem>>[vector<16xi32>], vector<16xf32>,
        %add3A_817 = arith.constant 8256 : i32
        %add3A_818 = arith.addi %add3A_817, %scan3A_760 : i32
        %add3A_819 = vector.broadcast %add3A_818 : i32 to vector<16xi32>
        %add3A_820 = arith.addi %add3A_91, %add3A_819 : vector<16xi32>
        %add3A_821 = arith.addf %get3A_785, %gather3A_140 : vector<16xf32>
        tpu.vector_store_idx %arg10[%add3A_820], %add3A_821 : memref<16512xf32, #tpu.memory_space<vmem>>[vector<16xi32>], vector<16xf32>,
        %add3A_822 = vector.broadcast %add3A_818 : i32 to vector<16xi32>
        %add3A_823 = arith.addi %add3A_107, %add3A_822 : vector<16xi32>
        %add3A_824 = arith.addf %get3A_790, %gather3A_147 : vector<16xf32>
        tpu.vector_store_idx %arg10[%add3A_823], %add3A_824 : memref<16512xf32, #tpu.memory_space<vmem>>[vector<16xi32>], vector<16xf32>,
        %add3A_825 = arith.constant 12384 : i32
        %add3A_826 = arith.addi %add3A_825, %scan3A_760 : i32
        %add3A_827 = vector.broadcast %add3A_826 : i32 to vector<16xi32>
        %add3A_828 = arith.addi %add3A_91, %add3A_827 : vector<16xi32>
        %add3A_829 = arith.addf %get3A_795, %gather3A_154 : vector<16xf32>
        tpu.vector_store_idx %arg10[%add3A_828], %add3A_829 : memref<16512xf32, #tpu.memory_space<vmem>>[vector<16xi32>], vector<16xf32>,
        %add3A_830 = vector.broadcast %add3A_826 : i32 to vector<16xi32>
        %add3A_831 = arith.addi %add3A_107, %add3A_830 : vector<16xi32>
        %add3A_832 = arith.addf %get3A_800, %gather3A_161 : vector<16xf32>
        tpu.vector_store_idx %arg10[%add3A_831], %add3A_832 : memref<16512xf32, #tpu.memory_space<vmem>>[vector<16xi32>], vector<16xf32>,
        %scan3A_833 = arith.constant 7 : i32
        %scan3A_834 = arith.addi %scan3A_317, %scan3A_833 : i32
        %add3A_835 = arith.constant 0 : i32
        %add3A_836 = arith.addi %add3A_835, %scan3A_834 : i32
        %get3A_837 = arith.index_cast %add3A_836 : i32 to index
        %get3A_838 = arith.constant 0 : index
        %get3A_839 = tpu.vector_load %arg8[%get3A_837, %get3A_838] {strides = array<i32>} : memref<512x32xf32, #tpu.memory_space<vmem>>, vector<16xf32>,
        %add3A_840 = arith.constant 0 : i32
        %add3A_841 = arith.addi %add3A_840, %scan3A_834 : i32
        %get3A_842 = arith.index_cast %add3A_841 : i32 to index
        %get3A_843 = arith.constant 16 : index
        %get3A_844 = tpu.vector_load %arg8[%get3A_842, %get3A_843] {strides = array<i32>} : memref<512x32xf32, #tpu.memory_space<vmem>>, vector<16xf32>,
        %add3A_845 = arith.constant 128 : i32
        %add3A_846 = arith.addi %add3A_845, %scan3A_834 : i32
        %get3A_847 = arith.index_cast %add3A_846 : i32 to index
        %get3A_848 = arith.constant 0 : index
        %get3A_849 = tpu.vector_load %arg8[%get3A_847, %get3A_848] {strides = array<i32>} : memref<512x32xf32, #tpu.memory_space<vmem>>, vector<16xf32>,
        %add3A_850 = arith.constant 128 : i32
        %add3A_851 = arith.addi %add3A_850, %scan3A_834 : i32
        %get3A_852 = arith.index_cast %add3A_851 : i32 to index
        %get3A_853 = arith.constant 16 : index
        %get3A_854 = tpu.vector_load %arg8[%get3A_852, %get3A_853] {strides = array<i32>} : memref<512x32xf32, #tpu.memory_space<vmem>>, vector<16xf32>,
        %add3A_855 = arith.constant 256 : i32
        %add3A_856 = arith.addi %add3A_855, %scan3A_834 : i32
        %get3A_857 = arith.index_cast %add3A_856 : i32 to index
        %get3A_858 = arith.constant 0 : index
        %get3A_859 = tpu.vector_load %arg8[%get3A_857, %get3A_858] {strides = array<i32>} : memref<512x32xf32, #tpu.memory_space<vmem>>, vector<16xf32>,
        %add3A_860 = arith.constant 256 : i32
        %add3A_861 = arith.addi %add3A_860, %scan3A_834 : i32
        %get3A_862 = arith.index_cast %add3A_861 : i32 to index
        %get3A_863 = arith.constant 16 : index
        %get3A_864 = tpu.vector_load %arg8[%get3A_862, %get3A_863] {strides = array<i32>} : memref<512x32xf32, #tpu.memory_space<vmem>>, vector<16xf32>,
        %add3A_865 = arith.constant 384 : i32
        %add3A_866 = arith.addi %add3A_865, %scan3A_834 : i32
        %get3A_867 = arith.index_cast %add3A_866 : i32 to index
        %get3A_868 = arith.constant 0 : index
        %get3A_869 = tpu.vector_load %arg8[%get3A_867, %get3A_868] {strides = array<i32>} : memref<512x32xf32, #tpu.memory_space<vmem>>, vector<16xf32>,
        %add3A_870 = arith.constant 384 : i32
        %add3A_871 = arith.addi %add3A_870, %scan3A_834 : i32
        %get3A_872 = arith.index_cast %add3A_871 : i32 to index
        %get3A_873 = arith.constant 16 : index
        %get3A_874 = tpu.vector_load %arg8[%get3A_872, %get3A_873] {strides = array<i32>} : memref<512x32xf32, #tpu.memory_space<vmem>>, vector<16xf32>,
        %add3A_875 = arith.constant 0 : i32
        %add3A_876 = arith.addi %add3A_875, %scan3A_834 : i32
        %add3A_877 = vector.broadcast %add3A_876 : i32 to vector<16xi32>
        %add3A_878 = arith.addi %add3A_91, %add3A_877 : vector<16xi32>
        %add3A_879 = arith.addf %get3A_839, %gather3A : vector<16xf32>
        tpu.vector_store_idx %arg10[%add3A_878], %add3A_879 : memref<16512xf32, #tpu.memory_space<vmem>>[vector<16xi32>], vector<16xf32>,
        %add3A_880 = vector.broadcast %add3A_876 : i32 to vector<16xi32>
        %add3A_881 = arith.addi %add3A_107, %add3A_880 : vector<16xi32>
        %add3A_882 = arith.addf %get3A_844, %gather3A_119 : vector<16xf32>
        tpu.vector_store_idx %arg10[%add3A_881], %add3A_882 : memref<16512xf32, #tpu.memory_space<vmem>>[vector<16xi32>], vector<16xf32>,
        %add3A_883 = arith.constant 4128 : i32
        %add3A_884 = arith.addi %add3A_883, %scan3A_834 : i32
        %add3A_885 = vector.broadcast %add3A_884 : i32 to vector<16xi32>
        %add3A_886 = arith.addi %add3A_91, %add3A_885 : vector<16xi32>
        %add3A_887 = arith.addf %get3A_849, %gather3A_126 : vector<16xf32>
        tpu.vector_store_idx %arg10[%add3A_886], %add3A_887 : memref<16512xf32, #tpu.memory_space<vmem>>[vector<16xi32>], vector<16xf32>,
        %add3A_888 = vector.broadcast %add3A_884 : i32 to vector<16xi32>
        %add3A_889 = arith.addi %add3A_107, %add3A_888 : vector<16xi32>
        %add3A_890 = arith.addf %get3A_854, %gather3A_133 : vector<16xf32>
        tpu.vector_store_idx %arg10[%add3A_889], %add3A_890 : memref<16512xf32, #tpu.memory_space<vmem>>[vector<16xi32>], vector<16xf32>,
        %add3A_891 = arith.constant 8256 : i32
        %add3A_892 = arith.addi %add3A_891, %scan3A_834 : i32
        %add3A_893 = vector.broadcast %add3A_892 : i32 to vector<16xi32>
        %add3A_894 = arith.addi %add3A_91, %add3A_893 : vector<16xi32>
        %add3A_895 = arith.addf %get3A_859, %gather3A_140 : vector<16xf32>
        tpu.vector_store_idx %arg10[%add3A_894], %add3A_895 : memref<16512xf32, #tpu.memory_space<vmem>>[vector<16xi32>], vector<16xf32>,
        %add3A_896 = vector.broadcast %add3A_892 : i32 to vector<16xi32>
        %add3A_897 = arith.addi %add3A_107, %add3A_896 : vector<16xi32>
        %add3A_898 = arith.addf %get3A_864, %gather3A_147 : vector<16xf32>
        tpu.vector_store_idx %arg10[%add3A_897], %add3A_898 : memref<16512xf32, #tpu.memory_space<vmem>>[vector<16xi32>], vector<16xf32>,
        %add3A_899 = arith.constant 12384 : i32
        %add3A_900 = arith.addi %add3A_899, %scan3A_834 : i32
        %add3A_901 = vector.broadcast %add3A_900 : i32 to vector<16xi32>
        %add3A_902 = arith.addi %add3A_91, %add3A_901 : vector<16xi32>
        %add3A_903 = arith.addf %get3A_869, %gather3A_154 : vector<16xf32>
        tpu.vector_store_idx %arg10[%add3A_902], %add3A_903 : memref<16512xf32, #tpu.memory_space<vmem>>[vector<16xi32>], vector<16xf32>,
        %add3A_904 = vector.broadcast %add3A_900 : i32 to vector<16xi32>
        %add3A_905 = arith.addi %add3A_107, %add3A_904 : vector<16xi32>
        %add3A_906 = arith.addf %get3A_874, %gather3A_161 : vector<16xf32>
        tpu.vector_store_idx %arg10[%add3A_905], %add3A_906 : memref<16512xf32, #tpu.memory_space<vmem>>[vector<16xi32>], vector<16xf32>,
      }
      %scan3A_166 = arith.constant 128 : i32
      %scan3A_167 = arith.constant 0 : i32
      %scan3A_168 = arith.constant 0 : i32
      %scan3A_169 = arith.constant 128 : i32
      %scan3A_170 = arith.addi %scan3A_168, %scan3A_169 : i32
      %scan3A_171 = arith.constant 8 : i32
      scf.for %scan3A_317 = %scan3A_168 to %scan3A_170 step %scan3A_171  : i32 {
        %mul3A_318 = arith.constant 129 : i32
        %mul3A_319 = arith.muli %scan3A_317, %mul3A_318 : i32
        %jit3A = arith.constant 32 : i32
        %div3A = arith.divsi %scan3A_317, %jit3A : i32
        %sign3A = arith.constant 0 : i32
        %sign3A_320 = arith.cmpi sgt, %scan3A_317, %sign3A : i32
        %sign3A_321 = arith.extui %sign3A_320 : i1 to i32
        %sign3A_322 = arith.constant 0 : i32
        %sign3A_323 = arith.cmpi slt, %scan3A_317, %sign3A_322 : i32
        %sign3A_324 = arith.extui %sign3A_323 : i1 to i32
        %sign3A_325 = arith.subi %sign3A_321, %sign3A_324 : i32
        %sign3A_326 = arith.constant 0 : i32
        %sign3A_327 = arith.cmpi sgt, %jit3A, %sign3A_326 : i32
        %sign3A_328 = arith.extui %sign3A_327 : i1 to i32
        %sign3A_329 = arith.constant 0 : i32
        %sign3A_330 = arith.cmpi slt, %jit3A, %sign3A_329 : i32
        %sign3A_331 = arith.extui %sign3A_330 : i1 to i32
        %sign3A_332 = arith.subi %sign3A_328, %sign3A_331 : i32
        %ne3A = arith.cmpi ne, %sign3A_325, %sign3A_332 : i32
        %rem3A = arith.remsi %scan3A_317, %jit3A : i32
        %ne3A_333 = arith.constant 0 : i32
        %ne3A_334 = arith.cmpi ne, %rem3A, %ne3A_333 : i32
        %and3A_335 = arith.andi %ne3A, %ne3A_334 : i1
        %sub3A = arith.constant 1 : i32
        %sub3A_336 = arith.subi %div3A, %sub3A : i32
        %select_n3A = arith.select %and3A_335, %sub3A_336, %div3A : i32
        %jit3A_337 = arith.constant 8 : i32
        %div3A_338 = arith.divsi %scan3A_317, %jit3A_337 : i32
        %sign3A_339 = arith.constant 0 : i32
        %sign3A_340 = arith.cmpi sgt, %scan3A_317, %sign3A_339 : i32
        %sign3A_341 = arith.extui %sign3A_340 : i1 to i32
        %sign3A_342 = arith.constant 0 : i32
        %sign3A_343 = arith.cmpi slt, %scan3A_317, %sign3A_342 : i32
        %sign3A_344 = arith.extui %sign3A_343 : i1 to i32
        %sign3A_345 = arith.subi %sign3A_341, %sign3A_344 : i32
        %sign3A_346 = arith.constant 0 : i32
        %sign3A_347 = arith.cmpi sgt, %jit3A_337, %sign3A_346 : i32
        %sign3A_348 = arith.extui %sign3A_347 : i1 to i32
        %sign3A_349 = arith.constant 0 : i32
        %sign3A_350 = arith.cmpi slt, %jit3A_337, %sign3A_349 : i32
        %sign3A_351 = arith.extui %sign3A_350 : i1 to i32
        %sign3A_352 = arith.subi %sign3A_348, %sign3A_351 : i32
        %ne3A_353 = arith.cmpi ne, %sign3A_345, %sign3A_352 : i32
        %rem3A_354 = arith.remsi %scan3A_317, %jit3A_337 : i32
        %ne3A_355 = arith.constant 0 : i32
        %ne3A_356 = arith.cmpi ne, %rem3A_354, %ne3A_355 : i32
        %and3A_357 = arith.andi %ne3A_353, %ne3A_356 : i1
        %sub3A_358 = arith.constant 1 : i32
        %sub3A_359 = arith.subi %div3A_338, %sub3A_358 : i32
        %select_n3A_360 = arith.select %and3A_357, %sub3A_359, %div3A_338 : i32
        %jit3A_361 = arith.constant 4 : i32
        %eq3A = arith.constant 0 : i32
        %eq3A_362 = arith.cmpi eq, %jit3A_361, %eq3A : i32
        %jit3A_363 = arith.constant 1 : i32
        %select_n3A_364 = arith.select %eq3A_362, %jit3A_363, %jit3A_361 : i32
        %rem3A_365 = arith.remsi %select_n3A_360, %select_n3A_364 : i32
        %ne3A_366 = arith.constant 0 : i32
        %ne3A_367 = arith.cmpi ne, %rem3A_365, %ne3A_366 : i32
        %lt3A_368 = arith.constant 0 : i32
        %lt3A_369 = arith.cmpi slt, %rem3A_365, %lt3A_368 : i32
        %lt3A_370 = arith.constant 0 : i32
        %lt3A_371 = arith.cmpi slt, %select_n3A_364, %lt3A_370 : i32
        %ne3A_372 = arith.xori %lt3A_369, %lt3A_371 : i1
        %and3A_373 = arith.andi %ne3A_372, %ne3A_367 : i1
        %add3A_374 = arith.addi %rem3A_365, %select_n3A_364 : i32
        %select_n3A_375 = arith.select %and3A_373, %add3A_374, %rem3A_365 : i32
        %jit3A_376 = arith.constant 8 : i32
        %eq3A_377 = arith.constant 0 : i32
        %eq3A_378 = arith.cmpi eq, %jit3A_376, %eq3A_377 : i32
        %jit3A_379 = arith.constant 1 : i32
        %select_n3A_380 = arith.select %eq3A_378, %jit3A_379, %jit3A_376 : i32
        %rem3A_381 = arith.remsi %scan3A_317, %select_n3A_380 : i32
        %ne3A_382 = arith.constant 0 : i32
        %ne3A_383 = arith.cmpi ne, %rem3A_381, %ne3A_382 : i32
        %lt3A_384 = arith.constant 0 : i32
        %lt3A_385 = arith.cmpi slt, %rem3A_381, %lt3A_384 : i32
        %lt3A_386 = arith.constant 0 : i32
        %lt3A_387 = arith.cmpi slt, %select_n3A_380, %lt3A_386 : i32
        %ne3A_388 = arith.xori %lt3A_385, %lt3A_387 : i1
        %and3A_389 = arith.andi %ne3A_388, %ne3A_383 : i1
        %add3A_390 = arith.addi %rem3A_381, %select_n3A_380 : i32
        %select_n3A_391 = arith.select %and3A_389, %add3A_390, %rem3A_381 : i32
        %add3A_392 = arith.constant 0 : i32
        %add3A_393 = arith.addi %mul3A_319, %add3A_392 : i32
        %get3A = arith.index_cast %add3A_393 : i32 to index
        %get3A_394 = tpu.vector_load %arg10[%get3A] {strides = array<i32>} : memref<16512xf32, #tpu.memory_space<vmem>>, vector<16xf32>,
        %add3A_395 = arith.constant 16 : i32
        %add3A_396 = arith.addi %mul3A_319, %add3A_395 : i32
        %get3A_397 = arith.index_cast %add3A_396 : i32 to index
        %get3A_398 = tpu.vector_load %arg10[%get3A_397] {strides = array<i32>} : memref<16512xf32, #tpu.memory_space<vmem>>, vector<16xf32>,
        %add3A_399 = arith.constant 32 : i32
        %add3A_400 = arith.addi %mul3A_319, %add3A_399 : i32
        %get3A_401 = arith.index_cast %add3A_400 : i32 to index
        %get3A_402 = tpu.vector_load %arg10[%get3A_401] {strides = array<i32>} : memref<16512xf32, #tpu.memory_space<vmem>>, vector<16xf32>,
        %add3A_403 = arith.constant 48 : i32
        %add3A_404 = arith.addi %mul3A_319, %add3A_403 : i32
        %get3A_405 = arith.index_cast %add3A_404 : i32 to index
        %get3A_406 = tpu.vector_load %arg10[%get3A_405] {strides = array<i32>} : memref<16512xf32, #tpu.memory_space<vmem>>, vector<16xf32>,
        %add3A_407 = arith.constant 64 : i32
        %add3A_408 = arith.addi %mul3A_319, %add3A_407 : i32
        %get3A_409 = arith.index_cast %add3A_408 : i32 to index
        %get3A_410 = tpu.vector_load %arg10[%get3A_409] {strides = array<i32>} : memref<16512xf32, #tpu.memory_space<vmem>>, vector<16xf32>,
        %add3A_411 = arith.constant 80 : i32
        %add3A_412 = arith.addi %mul3A_319, %add3A_411 : i32
        %get3A_413 = arith.index_cast %add3A_412 : i32 to index
        %get3A_414 = tpu.vector_load %arg10[%get3A_413] {strides = array<i32>} : memref<16512xf32, #tpu.memory_space<vmem>>, vector<16xf32>,
        %add3A_415 = arith.constant 96 : i32
        %add3A_416 = arith.addi %mul3A_319, %add3A_415 : i32
        %get3A_417 = arith.index_cast %add3A_416 : i32 to index
        %get3A_418 = tpu.vector_load %arg10[%get3A_417] {strides = array<i32>} : memref<16512xf32, #tpu.memory_space<vmem>>, vector<16xf32>,
        %add3A_419 = arith.constant 112 : i32
        %add3A_420 = arith.addi %mul3A_319, %add3A_419 : i32
        %get3A_421 = arith.index_cast %add3A_420 : i32 to index
        %get3A_422 = tpu.vector_load %arg10[%get3A_421] {strides = array<i32>} : memref<16512xf32, #tpu.memory_space<vmem>>, vector<16xf32>,
        %swap3A = arith.index_cast %select_n3A : i32 to index
        %swap3A_423 = arith.index_cast %select_n3A_375 : i32 to index
        %swap3A_424 = arith.index_cast %select_n3A_391 : i32 to index
        %swap3A_425 = arith.constant 0 : index
        %swap3A_426 = tpu.vector_load %arg11[%swap3A, %swap3A_423, %swap3A_424, %swap3A_425] {strides = array<i32>} : memref<4x4x8x128xf32, #tpu.memory_space<vmem>>, vector<16xf32>,
        tpu.vector_store %arg11[%swap3A, %swap3A_423, %swap3A_424, %swap3A_425], %get3A_394 {strides = array<i32>} : memref<4x4x8x128xf32, #tpu.memory_space<vmem>>, vector<16xf32>,
        %swap3A_427 = arith.index_cast %select_n3A : i32 to index
        %swap3A_428 = arith.index_cast %select_n3A_375 : i32 to index
        %swap3A_429 = arith.index_cast %select_n3A_391 : i32 to index
        %swap3A_430 = arith.constant 16 : index
        %swap3A_431 = tpu.vector_load %arg11[%swap3A_427, %swap3A_428, %swap3A_429, %swap3A_430] {strides = array<i32>} : memref<4x4x8x128xf32, #tpu.memory_space<vmem>>, vector<16xf32>,
        tpu.vector_store %arg11[%swap3A_427, %swap3A_428, %swap3A_429, %swap3A_430], %get3A_398 {strides = array<i32>} : memref<4x4x8x128xf32, #tpu.memory_space<vmem>>, vector<16xf32>,
        %swap3A_432 = arith.index_cast %select_n3A : i32 to index
        %swap3A_433 = arith.index_cast %select_n3A_375 : i32 to index
        %swap3A_434 = arith.index_cast %select_n3A_391 : i32 to index
        %swap3A_435 = arith.constant 32 : index
        %swap3A_436 = tpu.vector_load %arg11[%swap3A_432, %swap3A_433, %swap3A_434, %swap3A_435] {strides = array<i32>} : memref<4x4x8x128xf32, #tpu.memory_space<vmem>>, vector<16xf32>,
        tpu.vector_store %arg11[%swap3A_432, %swap3A_433, %swap3A_434, %swap3A_435], %get3A_402 {strides = array<i32>} : memref<4x4x8x128xf32, #tpu.memory_space<vmem>>, vector<16xf32>,
        %swap3A_437 = arith.index_cast %select_n3A : i32 to index
        %swap3A_438 = arith.index_cast %select_n3A_375 : i32 to index
        %swap3A_439 = arith.index_cast %select_n3A_391 : i32 to index
        %swap3A_440 = arith.constant 48 : index
        %swap3A_441 = tpu.vector_load %arg11[%swap3A_437, %swap3A_438, %swap3A_439, %swap3A_440] {strides = array<i32>} : memref<4x4x8x128xf32, #tpu.memory_space<vmem>>, vector<16xf32>,
        tpu.vector_store %arg11[%swap3A_437, %swap3A_438, %swap3A_439, %swap3A_440], %get3A_406 {strides = array<i32>} : memref<4x4x8x128xf32, #tpu.memory_space<vmem>>, vector<16xf32>,
        %swap3A_442 = arith.index_cast %select_n3A : i32 to index
        %swap3A_443 = arith.index_cast %select_n3A_375 : i32 to index
        %swap3A_444 = arith.index_cast %select_n3A_391 : i32 to index
        %swap3A_445 = arith.constant 64 : index
        %swap3A_446 = tpu.vector_load %arg11[%swap3A_442, %swap3A_443, %swap3A_444, %swap3A_445] {strides = array<i32>} : memref<4x4x8x128xf32, #tpu.memory_space<vmem>>, vector<16xf32>,
        tpu.vector_store %arg11[%swap3A_442, %swap3A_443, %swap3A_444, %swap3A_445], %get3A_410 {strides = array<i32>} : memref<4x4x8x128xf32, #tpu.memory_space<vmem>>, vector<16xf32>,
        %swap3A_447 = arith.index_cast %select_n3A : i32 to index
        %swap3A_448 = arith.index_cast %select_n3A_375 : i32 to index
        %swap3A_449 = arith.index_cast %select_n3A_391 : i32 to index
        %swap3A_450 = arith.constant 80 : index
        %swap3A_451 = tpu.vector_load %arg11[%swap3A_447, %swap3A_448, %swap3A_449, %swap3A_450] {strides = array<i32>} : memref<4x4x8x128xf32, #tpu.memory_space<vmem>>, vector<16xf32>,
        tpu.vector_store %arg11[%swap3A_447, %swap3A_448, %swap3A_449, %swap3A_450], %get3A_414 {strides = array<i32>} : memref<4x4x8x128xf32, #tpu.memory_space<vmem>>, vector<16xf32>,
        %swap3A_452 = arith.index_cast %select_n3A : i32 to index
        %swap3A_453 = arith.index_cast %select_n3A_375 : i32 to index
        %swap3A_454 = arith.index_cast %select_n3A_391 : i32 to index
        %swap3A_455 = arith.constant 96 : index
        %swap3A_456 = tpu.vector_load %arg11[%swap3A_452, %swap3A_453, %swap3A_454, %swap3A_455] {strides = array<i32>} : memref<4x4x8x128xf32, #tpu.memory_space<vmem>>, vector<16xf32>,
        tpu.vector_store %arg11[%swap3A_452, %swap3A_453, %swap3A_454, %swap3A_455], %get3A_418 {strides = array<i32>} : memref<4x4x8x128xf32, #tpu.memory_space<vmem>>, vector<16xf32>,
        %swap3A_457 = arith.index_cast %select_n3A : i32 to index
        %swap3A_458 = arith.index_cast %select_n3A_375 : i32 to index
        %swap3A_459 = arith.index_cast %select_n3A_391 : i32 to index
        %swap3A_460 = arith.constant 112 : index
        %swap3A_461 = tpu.vector_load %arg11[%swap3A_457, %swap3A_458, %swap3A_459, %swap3A_460] {strides = array<i32>} : memref<4x4x8x128xf32, #tpu.memory_space<vmem>>, vector<16xf32>,
        tpu.vector_store %arg11[%swap3A_457, %swap3A_458, %swap3A_459, %swap3A_460], %get3A_422 {strides = array<i32>} : memref<4x4x8x128xf32, #tpu.memory_space<vmem>>, vector<16xf32>,
        %scan3A_462 = arith.constant 1 : i32
        %scan3A_463 = arith.addi %scan3A_317, %scan3A_462 : i32
        %mul3A_464 = arith.constant 129 : i32
        %mul3A_465 = arith.muli %scan3A_463, %mul3A_464 : i32
        %jit3A_466 = arith.constant 32 : i32
        %div3A_467 = arith.divsi %scan3A_463, %jit3A_466 : i32
        %sign3A_468 = arith.constant 0 : i32
        %sign3A_469 = arith.cmpi sgt, %scan3A_463, %sign3A_468 : i32
        %sign3A_470 = arith.extui %sign3A_469 : i1 to i32
        %sign3A_471 = arith.constant 0 : i32
        %sign3A_472 = arith.cmpi slt, %scan3A_463, %sign3A_471 : i32
        %sign3A_473 = arith.extui %sign3A_472 : i1 to i32
        %sign3A_474 = arith.subi %sign3A_470, %sign3A_473 : i32
        %sign3A_475 = arith.constant 0 : i32
        %sign3A_476 = arith.cmpi sgt, %jit3A_466, %sign3A_475 : i32
        %sign3A_477 = arith.extui %sign3A_476 : i1 to i32
        %sign3A_478 = arith.constant 0 : i32
        %sign3A_479 = arith.cmpi slt, %jit3A_466, %sign3A_478 : i32
        %sign3A_480 = arith.extui %sign3A_479 : i1 to i32
        %sign3A_481 = arith.subi %sign3A_477, %sign3A_480 : i32
        %ne3A_482 = arith.cmpi ne, %sign3A_474, %sign3A_481 : i32
        %rem3A_483 = arith.remsi %scan3A_463, %jit3A_466 : i32
        %ne3A_484 = arith.constant 0 : i32
        %ne3A_485 = arith.cmpi ne, %rem3A_483, %ne3A_484 : i32
        %and3A_486 = arith.andi %ne3A_482, %ne3A_485 : i1
        %sub3A_487 = arith.constant 1 : i32
        %sub3A_488 = arith.subi %div3A_467, %sub3A_487 : i32
        %select_n3A_489 = arith.select %and3A_486, %sub3A_488, %div3A_467 : i32
        %jit3A_490 = arith.constant 8 : i32
        %div3A_491 = arith.divsi %scan3A_463, %jit3A_490 : i32
        %sign3A_492 = arith.constant 0 : i32
        %sign3A_493 = arith.cmpi sgt, %scan3A_463, %sign3A_492 : i32
        %sign3A_494 = arith.extui %sign3A_493 : i1 to i32
        %sign3A_495 = arith.constant 0 : i32
        %sign3A_496 = arith.cmpi slt, %scan3A_463, %sign3A_495 : i32
        %sign3A_497 = arith.extui %sign3A_496 : i1 to i32
        %sign3A_498 = arith.subi %sign3A_494, %sign3A_497 : i32
        %sign3A_499 = arith.constant 0 : i32
        %sign3A_500 = arith.cmpi sgt, %jit3A_490, %sign3A_499 : i32
        %sign3A_501 = arith.extui %sign3A_500 : i1 to i32
        %sign3A_502 = arith.constant 0 : i32
        %sign3A_503 = arith.cmpi slt, %jit3A_490, %sign3A_502 : i32
        %sign3A_504 = arith.extui %sign3A_503 : i1 to i32
        %sign3A_505 = arith.subi %sign3A_501, %sign3A_504 : i32
        %ne3A_506 = arith.cmpi ne, %sign3A_498, %sign3A_505 : i32
        %rem3A_507 = arith.remsi %scan3A_463, %jit3A_490 : i32
        %ne3A_508 = arith.constant 0 : i32
        %ne3A_509 = arith.cmpi ne, %rem3A_507, %ne3A_508 : i32
        %and3A_510 = arith.andi %ne3A_506, %ne3A_509 : i1
        %sub3A_511 = arith.constant 1 : i32
        %sub3A_512 = arith.subi %div3A_491, %sub3A_511 : i32
        %select_n3A_513 = arith.select %and3A_510, %sub3A_512, %div3A_491 : i32
        %jit3A_514 = arith.constant 4 : i32
        %eq3A_515 = arith.constant 0 : i32
        %eq3A_516 = arith.cmpi eq, %jit3A_514, %eq3A_515 : i32
        %jit3A_517 = arith.constant 1 : i32
        %select_n3A_518 = arith.select %eq3A_516, %jit3A_517, %jit3A_514 : i32
        %rem3A_519 = arith.remsi %select_n3A_513, %select_n3A_518 : i32
        %ne3A_520 = arith.constant 0 : i32
        %ne3A_521 = arith.cmpi ne, %rem3A_519, %ne3A_520 : i32
        %lt3A_522 = arith.constant 0 : i32
        %lt3A_523 = arith.cmpi slt, %rem3A_519, %lt3A_522 : i32
        %lt3A_524 = arith.constant 0 : i32
        %lt3A_525 = arith.cmpi slt, %select_n3A_518, %lt3A_524 : i32
        %ne3A_526 = arith.xori %lt3A_523, %lt3A_525 : i1
        %and3A_527 = arith.andi %ne3A_526, %ne3A_521 : i1
        %add3A_528 = arith.addi %rem3A_519, %select_n3A_518 : i32
        %select_n3A_529 = arith.select %and3A_527, %add3A_528, %rem3A_519 : i32
        %jit3A_530 = arith.constant 8 : i32
        %eq3A_531 = arith.constant 0 : i32
        %eq3A_532 = arith.cmpi eq, %jit3A_530, %eq3A_531 : i32
        %jit3A_533 = arith.constant 1 : i32
        %select_n3A_534 = arith.select %eq3A_532, %jit3A_533, %jit3A_530 : i32
        %rem3A_535 = arith.remsi %scan3A_463, %select_n3A_534 : i32
        %ne3A_536 = arith.constant 0 : i32
        %ne3A_537 = arith.cmpi ne, %rem3A_535, %ne3A_536 : i32
        %lt3A_538 = arith.constant 0 : i32
        %lt3A_539 = arith.cmpi slt, %rem3A_535, %lt3A_538 : i32
        %lt3A_540 = arith.constant 0 : i32
        %lt3A_541 = arith.cmpi slt, %select_n3A_534, %lt3A_540 : i32
        %ne3A_542 = arith.xori %lt3A_539, %lt3A_541 : i1
        %and3A_543 = arith.andi %ne3A_542, %ne3A_537 : i1
        %add3A_544 = arith.addi %rem3A_535, %select_n3A_534 : i32
        %select_n3A_545 = arith.select %and3A_543, %add3A_544, %rem3A_535 : i32
        %add3A_546 = arith.constant 0 : i32
        %add3A_547 = arith.addi %mul3A_465, %add3A_546 : i32
        %get3A_548 = arith.index_cast %add3A_547 : i32 to index
        %get3A_549 = tpu.vector_load %arg10[%get3A_548] {strides = array<i32>} : memref<16512xf32, #tpu.memory_space<vmem>>, vector<16xf32>,
        %add3A_550 = arith.constant 16 : i32
        %add3A_551 = arith.addi %mul3A_465, %add3A_550 : i32
        %get3A_552 = arith.index_cast %add3A_551 : i32 to index
        %get3A_553 = tpu.vector_load %arg10[%get3A_552] {strides = array<i32>} : memref<16512xf32, #tpu.memory_space<vmem>>, vector<16xf32>,
        %add3A_554 = arith.constant 32 : i32
        %add3A_555 = arith.addi %mul3A_465, %add3A_554 : i32
        %get3A_556 = arith.index_cast %add3A_555 : i32 to index
        %get3A_557 = tpu.vector_load %arg10[%get3A_556] {strides = array<i32>} : memref<16512xf32, #tpu.memory_space<vmem>>, vector<16xf32>,
        %add3A_558 = arith.constant 48 : i32
        %add3A_559 = arith.addi %mul3A_465, %add3A_558 : i32
        %get3A_560 = arith.index_cast %add3A_559 : i32 to index
        %get3A_561 = tpu.vector_load %arg10[%get3A_560] {strides = array<i32>} : memref<16512xf32, #tpu.memory_space<vmem>>, vector<16xf32>,
        %add3A_562 = arith.constant 64 : i32
        %add3A_563 = arith.addi %mul3A_465, %add3A_562 : i32
        %get3A_564 = arith.index_cast %add3A_563 : i32 to index
        %get3A_565 = tpu.vector_load %arg10[%get3A_564] {strides = array<i32>} : memref<16512xf32, #tpu.memory_space<vmem>>, vector<16xf32>,
        %add3A_566 = arith.constant 80 : i32
        %add3A_567 = arith.addi %mul3A_465, %add3A_566 : i32
        %get3A_568 = arith.index_cast %add3A_567 : i32 to index
        %get3A_569 = tpu.vector_load %arg10[%get3A_568] {strides = array<i32>} : memref<16512xf32, #tpu.memory_space<vmem>>, vector<16xf32>,
        %add3A_570 = arith.constant 96 : i32
        %add3A_571 = arith.addi %mul3A_465, %add3A_570 : i32
        %get3A_572 = arith.index_cast %add3A_571 : i32 to index
        %get3A_573 = tpu.vector_load %arg10[%get3A_572] {strides = array<i32>} : memref<16512xf32, #tpu.memory_space<vmem>>, vector<16xf32>,
        %add3A_574 = arith.constant 112 : i32
        %add3A_575 = arith.addi %mul3A_465, %add3A_574 : i32
        %get3A_576 = arith.index_cast %add3A_575 : i32 to index
        %get3A_577 = tpu.vector_load %arg10[%get3A_576] {strides = array<i32>} : memref<16512xf32, #tpu.memory_space<vmem>>, vector<16xf32>,
        %swap3A_578 = arith.index_cast %select_n3A_489 : i32 to index
        %swap3A_579 = arith.index_cast %select_n3A_529 : i32 to index
        %swap3A_580 = arith.index_cast %select_n3A_545 : i32 to index
        %swap3A_581 = arith.constant 0 : index
        %swap3A_582 = tpu.vector_load %arg11[%swap3A_578, %swap3A_579, %swap3A_580, %swap3A_581] {strides = array<i32>} : memref<4x4x8x128xf32, #tpu.memory_space<vmem>>, vector<16xf32>,
        tpu.vector_store %arg11[%swap3A_578, %swap3A_579, %swap3A_580, %swap3A_581], %get3A_549 {strides = array<i32>} : memref<4x4x8x128xf32, #tpu.memory_space<vmem>>, vector<16xf32>,
        %swap3A_583 = arith.index_cast %select_n3A_489 : i32 to index
        %swap3A_584 = arith.index_cast %select_n3A_529 : i32 to index
        %swap3A_585 = arith.index_cast %select_n3A_545 : i32 to index
        %swap3A_586 = arith.constant 16 : index
        %swap3A_587 = tpu.vector_load %arg11[%swap3A_583, %swap3A_584, %swap3A_585, %swap3A_586] {strides = array<i32>} : memref<4x4x8x128xf32, #tpu.memory_space<vmem>>, vector<16xf32>,
        tpu.vector_store %arg11[%swap3A_583, %swap3A_584, %swap3A_585, %swap3A_586], %get3A_553 {strides = array<i32>} : memref<4x4x8x128xf32, #tpu.memory_space<vmem>>, vector<16xf32>,
        %swap3A_588 = arith.index_cast %select_n3A_489 : i32 to index
        %swap3A_589 = arith.index_cast %select_n3A_529 : i32 to index
        %swap3A_590 = arith.index_cast %select_n3A_545 : i32 to index
        %swap3A_591 = arith.constant 32 : index
        %swap3A_592 = tpu.vector_load %arg11[%swap3A_588, %swap3A_589, %swap3A_590, %swap3A_591] {strides = array<i32>} : memref<4x4x8x128xf32, #tpu.memory_space<vmem>>, vector<16xf32>,
        tpu.vector_store %arg11[%swap3A_588, %swap3A_589, %swap3A_590, %swap3A_591], %get3A_557 {strides = array<i32>} : memref<4x4x8x128xf32, #tpu.memory_space<vmem>>, vector<16xf32>,
        %swap3A_593 = arith.index_cast %select_n3A_489 : i32 to index
        %swap3A_594 = arith.index_cast %select_n3A_529 : i32 to index
        %swap3A_595 = arith.index_cast %select_n3A_545 : i32 to index
        %swap3A_596 = arith.constant 48 : index
        %swap3A_597 = tpu.vector_load %arg11[%swap3A_593, %swap3A_594, %swap3A_595, %swap3A_596] {strides = array<i32>} : memref<4x4x8x128xf32, #tpu.memory_space<vmem>>, vector<16xf32>,
        tpu.vector_store %arg11[%swap3A_593, %swap3A_594, %swap3A_595, %swap3A_596], %get3A_561 {strides = array<i32>} : memref<4x4x8x128xf32, #tpu.memory_space<vmem>>, vector<16xf32>,
        %swap3A_598 = arith.index_cast %select_n3A_489 : i32 to index
        %swap3A_599 = arith.index_cast %select_n3A_529 : i32 to index
        %swap3A_600 = arith.index_cast %select_n3A_545 : i32 to index
        %swap3A_601 = arith.constant 64 : index
        %swap3A_602 = tpu.vector_load %arg11[%swap3A_598, %swap3A_599, %swap3A_600, %swap3A_601] {strides = array<i32>} : memref<4x4x8x128xf32, #tpu.memory_space<vmem>>, vector<16xf32>,
        tpu.vector_store %arg11[%swap3A_598, %swap3A_599, %swap3A_600, %swap3A_601], %get3A_565 {strides = array<i32>} : memref<4x4x8x128xf32, #tpu.memory_space<vmem>>, vector<16xf32>,
        %swap3A_603 = arith.index_cast %select_n3A_489 : i32 to index
        %swap3A_604 = arith.index_cast %select_n3A_529 : i32 to index
        %swap3A_605 = arith.index_cast %select_n3A_545 : i32 to index
        %swap3A_606 = arith.constant 80 : index
        %swap3A_607 = tpu.vector_load %arg11[%swap3A_603, %swap3A_604, %swap3A_605, %swap3A_606] {strides = array<i32>} : memref<4x4x8x128xf32, #tpu.memory_space<vmem>>, vector<16xf32>,
        tpu.vector_store %arg11[%swap3A_603, %swap3A_604, %swap3A_605, %swap3A_606], %get3A_569 {strides = array<i32>} : memref<4x4x8x128xf32, #tpu.memory_space<vmem>>, vector<16xf32>,
        %swap3A_608 = arith.index_cast %select_n3A_489 : i32 to index
        %swap3A_609 = arith.index_cast %select_n3A_529 : i32 to index
        %swap3A_610 = arith.index_cast %select_n3A_545 : i32 to index
        %swap3A_611 = arith.constant 96 : index
        %swap3A_612 = tpu.vector_load %arg11[%swap3A_608, %swap3A_609, %swap3A_610, %swap3A_611] {strides = array<i32>} : memref<4x4x8x128xf32, #tpu.memory_space<vmem>>, vector<16xf32>,
        tpu.vector_store %arg11[%swap3A_608, %swap3A_609, %swap3A_610, %swap3A_611], %get3A_573 {strides = array<i32>} : memref<4x4x8x128xf32, #tpu.memory_space<vmem>>, vector<16xf32>,
        %swap3A_613 = arith.index_cast %select_n3A_489 : i32 to index
        %swap3A_614 = arith.index_cast %select_n3A_529 : i32 to index
        %swap3A_615 = arith.index_cast %select_n3A_545 : i32 to index
        %swap3A_616 = arith.constant 112 : index
        %swap3A_617 = tpu.vector_load %arg11[%swap3A_613, %swap3A_614, %swap3A_615, %swap3A_616] {strides = array<i32>} : memref<4x4x8x128xf32, #tpu.memory_space<vmem>>, vector<16xf32>,
        tpu.vector_store %arg11[%swap3A_613, %swap3A_614, %swap3A_615, %swap3A_616], %get3A_577 {strides = array<i32>} : memref<4x4x8x128xf32, #tpu.memory_space<vmem>>, vector<16xf32>,
        %scan3A_618 = arith.constant 2 : i32
        %scan3A_619 = arith.addi %scan3A_317, %scan3A_618 : i32
        %mul3A_620 = arith.constant 129 : i32
        %mul3A_621 = arith.muli %scan3A_619, %mul3A_620 : i32
        %jit3A_622 = arith.constant 32 : i32
        %div3A_623 = arith.divsi %scan3A_619, %jit3A_622 : i32
        %sign3A_624 = arith.constant 0 : i32
        %sign3A_625 = arith.cmpi sgt, %scan3A_619, %sign3A_624 : i32
        %sign3A_626 = arith.extui %sign3A_625 : i1 to i32
        %sign3A_627 = arith.constant 0 : i32
        %sign3A_628 = arith.cmpi slt, %scan3A_619, %sign3A_627 : i32
        %sign3A_629 = arith.extui %sign3A_628 : i1 to i32
        %sign3A_630 = arith.subi %sign3A_626, %sign3A_629 : i32
        %sign3A_631 = arith.constant 0 : i32
        %sign3A_632 = arith.cmpi sgt, %jit3A_622, %sign3A_631 : i32
        %sign3A_633 = arith.extui %sign3A_632 : i1 to i32
        %sign3A_634 = arith.constant 0 : i32
        %sign3A_635 = arith.cmpi slt, %jit3A_622, %sign3A_634 : i32
        %sign3A_636 = arith.extui %sign3A_635 : i1 to i32
        %sign3A_637 = arith.subi %sign3A_633, %sign3A_636 : i32
        %ne3A_638 = arith.cmpi ne, %sign3A_630, %sign3A_637 : i32
        %rem3A_639 = arith.remsi %scan3A_619, %jit3A_622 : i32
        %ne3A_640 = arith.constant 0 : i32
        %ne3A_641 = arith.cmpi ne, %rem3A_639, %ne3A_640 : i32
        %and3A_642 = arith.andi %ne3A_638, %ne3A_641 : i1
        %sub3A_643 = arith.constant 1 : i32
        %sub3A_644 = arith.subi %div3A_623, %sub3A_643 : i32
        %select_n3A_645 = arith.select %and3A_642, %sub3A_644, %div3A_623 : i32
        %jit3A_646 = arith.constant 8 : i32
        %div3A_647 = arith.divsi %scan3A_619, %jit3A_646 : i32
        %sign3A_648 = arith.constant 0 : i32
        %sign3A_649 = arith.cmpi sgt, %scan3A_619, %sign3A_648 : i32
        %sign3A_650 = arith.extui %sign3A_649 : i1 to i32
        %sign3A_651 = arith.constant 0 : i32
        %sign3A_652 = arith.cmpi slt, %scan3A_619, %sign3A_651 : i32
        %sign3A_653 = arith.extui %sign3A_652 : i1 to i32
        %sign3A_654 = arith.subi %sign3A_650, %sign3A_653 : i32
        %sign3A_655 = arith.constant 0 : i32
        %sign3A_656 = arith.cmpi sgt, %jit3A_646, %sign3A_655 : i32
        %sign3A_657 = arith.extui %sign3A_656 : i1 to i32
        %sign3A_658 = arith.constant 0 : i32
        %sign3A_659 = arith.cmpi slt, %jit3A_646, %sign3A_658 : i32
        %sign3A_660 = arith.extui %sign3A_659 : i1 to i32
        %sign3A_661 = arith.subi %sign3A_657, %sign3A_660 : i32
        %ne3A_662 = arith.cmpi ne, %sign3A_654, %sign3A_661 : i32
        %rem3A_663 = arith.remsi %scan3A_619, %jit3A_646 : i32
        %ne3A_664 = arith.constant 0 : i32
        %ne3A_665 = arith.cmpi ne, %rem3A_663, %ne3A_664 : i32
        %and3A_666 = arith.andi %ne3A_662, %ne3A_665 : i1
        %sub3A_667 = arith.constant 1 : i32
        %sub3A_668 = arith.subi %div3A_647, %sub3A_667 : i32
        %select_n3A_669 = arith.select %and3A_666, %sub3A_668, %div3A_647 : i32
        %jit3A_670 = arith.constant 4 : i32
        %eq3A_671 = arith.constant 0 : i32
        %eq3A_672 = arith.cmpi eq, %jit3A_670, %eq3A_671 : i32
        %jit3A_673 = arith.constant 1 : i32
        %select_n3A_674 = arith.select %eq3A_672, %jit3A_673, %jit3A_670 : i32
        %rem3A_675 = arith.remsi %select_n3A_669, %select_n3A_674 : i32
        %ne3A_676 = arith.constant 0 : i32
        %ne3A_677 = arith.cmpi ne, %rem3A_675, %ne3A_676 : i32
        %lt3A_678 = arith.constant 0 : i32
        %lt3A_679 = arith.cmpi slt, %rem3A_675, %lt3A_678 : i32
        %lt3A_680 = arith.constant 0 : i32
        %lt3A_681 = arith.cmpi slt, %select_n3A_674, %lt3A_680 : i32
        %ne3A_682 = arith.xori %lt3A_679, %lt3A_681 : i1
        %and3A_683 = arith.andi %ne3A_682, %ne3A_677 : i1
        %add3A_684 = arith.addi %rem3A_675, %select_n3A_674 : i32
        %select_n3A_685 = arith.select %and3A_683, %add3A_684, %rem3A_675 : i32
        %jit3A_686 = arith.constant 8 : i32
        %eq3A_687 = arith.constant 0 : i32
        %eq3A_688 = arith.cmpi eq, %jit3A_686, %eq3A_687 : i32
        %jit3A_689 = arith.constant 1 : i32
        %select_n3A_690 = arith.select %eq3A_688, %jit3A_689, %jit3A_686 : i32
        %rem3A_691 = arith.remsi %scan3A_619, %select_n3A_690 : i32
        %ne3A_692 = arith.constant 0 : i32
        %ne3A_693 = arith.cmpi ne, %rem3A_691, %ne3A_692 : i32
        %lt3A_694 = arith.constant 0 : i32
        %lt3A_695 = arith.cmpi slt, %rem3A_691, %lt3A_694 : i32
        %lt3A_696 = arith.constant 0 : i32
        %lt3A_697 = arith.cmpi slt, %select_n3A_690, %lt3A_696 : i32
        %ne3A_698 = arith.xori %lt3A_695, %lt3A_697 : i1
        %and3A_699 = arith.andi %ne3A_698, %ne3A_693 : i1
        %add3A_700 = arith.addi %rem3A_691, %select_n3A_690 : i32
        %select_n3A_701 = arith.select %and3A_699, %add3A_700, %rem3A_691 : i32
        %add3A_702 = arith.constant 0 : i32
        %add3A_703 = arith.addi %mul3A_621, %add3A_702 : i32
        %get3A_704 = arith.index_cast %add3A_703 : i32 to index
        %get3A_705 = tpu.vector_load %arg10[%get3A_704] {strides = array<i32>} : memref<16512xf32, #tpu.memory_space<vmem>>, vector<16xf32>,
        %add3A_706 = arith.constant 16 : i32
        %add3A_707 = arith.addi %mul3A_621, %add3A_706 : i32
        %get3A_708 = arith.index_cast %add3A_707 : i32 to index
        %get3A_709 = tpu.vector_load %arg10[%get3A_708] {strides = array<i32>} : memref<16512xf32, #tpu.memory_space<vmem>>, vector<16xf32>,
        %add3A_710 = arith.constant 32 : i32
        %add3A_711 = arith.addi %mul3A_621, %add3A_710 : i32
        %get3A_712 = arith.index_cast %add3A_711 : i32 to index
        %get3A_713 = tpu.vector_load %arg10[%get3A_712] {strides = array<i32>} : memref<16512xf32, #tpu.memory_space<vmem>>, vector<16xf32>,
        %add3A_714 = arith.constant 48 : i32
        %add3A_715 = arith.addi %mul3A_621, %add3A_714 : i32
        %get3A_716 = arith.index_cast %add3A_715 : i32 to index
        %get3A_717 = tpu.vector_load %arg10[%get3A_716] {strides = array<i32>} : memref<16512xf32, #tpu.memory_space<vmem>>, vector<16xf32>,
        %add3A_718 = arith.constant 64 : i32
        %add3A_719 = arith.addi %mul3A_621, %add3A_718 : i32
        %get3A_720 = arith.index_cast %add3A_719 : i32 to index
        %get3A_721 = tpu.vector_load %arg10[%get3A_720] {strides = array<i32>} : memref<16512xf32, #tpu.memory_space<vmem>>, vector<16xf32>,
        %add3A_722 = arith.constant 80 : i32
        %add3A_723 = arith.addi %mul3A_621, %add3A_722 : i32
        %get3A_724 = arith.index_cast %add3A_723 : i32 to index
        %get3A_725 = tpu.vector_load %arg10[%get3A_724] {strides = array<i32>} : memref<16512xf32, #tpu.memory_space<vmem>>, vector<16xf32>,
        %add3A_726 = arith.constant 96 : i32
        %add3A_727 = arith.addi %mul3A_621, %add3A_726 : i32
        %get3A_728 = arith.index_cast %add3A_727 : i32 to index
        %get3A_729 = tpu.vector_load %arg10[%get3A_728] {strides = array<i32>} : memref<16512xf32, #tpu.memory_space<vmem>>, vector<16xf32>,
        %add3A_730 = arith.constant 112 : i32
        %add3A_731 = arith.addi %mul3A_621, %add3A_730 : i32
        %get3A_732 = arith.index_cast %add3A_731 : i32 to index
        %get3A_733 = tpu.vector_load %arg10[%get3A_732] {strides = array<i32>} : memref<16512xf32, #tpu.memory_space<vmem>>, vector<16xf32>,
        %swap3A_734 = arith.index_cast %select_n3A_645 : i32 to index
        %swap3A_735 = arith.index_cast %select_n3A_685 : i32 to index
        %swap3A_736 = arith.index_cast %select_n3A_701 : i32 to index
        %swap3A_737 = arith.constant 0 : index
        %swap3A_738 = tpu.vector_load %arg11[%swap3A_734, %swap3A_735, %swap3A_736, %swap3A_737] {strides = array<i32>} : memref<4x4x8x128xf32, #tpu.memory_space<vmem>>, vector<16xf32>,
        tpu.vector_store %arg11[%swap3A_734, %swap3A_735, %swap3A_736, %swap3A_737], %get3A_705 {strides = array<i32>} : memref<4x4x8x128xf32, #tpu.memory_space<vmem>>, vector<16xf32>,
        %swap3A_739 = arith.index_cast %select_n3A_645 : i32 to index
        %swap3A_740 = arith.index_cast %select_n3A_685 : i32 to index
        %swap3A_741 = arith.index_cast %select_n3A_701 : i32 to index
        %swap3A_742 = arith.constant 16 : index
        %swap3A_743 = tpu.vector_load %arg11[%swap3A_739, %swap3A_740, %swap3A_741, %swap3A_742] {strides = array<i32>} : memref<4x4x8x128xf32, #tpu.memory_space<vmem>>, vector<16xf32>,
        tpu.vector_store %arg11[%swap3A_739, %swap3A_740, %swap3A_741, %swap3A_742], %get3A_709 {strides = array<i32>} : memref<4x4x8x128xf32, #tpu.memory_space<vmem>>, vector<16xf32>,
        %swap3A_744 = arith.index_cast %select_n3A_645 : i32 to index
        %swap3A_745 = arith.index_cast %select_n3A_685 : i32 to index
        %swap3A_746 = arith.index_cast %select_n3A_701 : i32 to index
        %swap3A_747 = arith.constant 32 : index
        %swap3A_748 = tpu.vector_load %arg11[%swap3A_744, %swap3A_745, %swap3A_746, %swap3A_747] {strides = array<i32>} : memref<4x4x8x128xf32, #tpu.memory_space<vmem>>, vector<16xf32>,
        tpu.vector_store %arg11[%swap3A_744, %swap3A_745, %swap3A_746, %swap3A_747], %get3A_713 {strides = array<i32>} : memref<4x4x8x128xf32, #tpu.memory_space<vmem>>, vector<16xf32>,
        %swap3A_749 = arith.index_cast %select_n3A_645 : i32 to index
        %swap3A_750 = arith.index_cast %select_n3A_685 : i32 to index
        %swap3A_751 = arith.index_cast %select_n3A_701 : i32 to index
        %swap3A_752 = arith.constant 48 : index
        %swap3A_753 = tpu.vector_load %arg11[%swap3A_749, %swap3A_750, %swap3A_751, %swap3A_752] {strides = array<i32>} : memref<4x4x8x128xf32, #tpu.memory_space<vmem>>, vector<16xf32>,
        tpu.vector_store %arg11[%swap3A_749, %swap3A_750, %swap3A_751, %swap3A_752], %get3A_717 {strides = array<i32>} : memref<4x4x8x128xf32, #tpu.memory_space<vmem>>, vector<16xf32>,
        %swap3A_754 = arith.index_cast %select_n3A_645 : i32 to index
        %swap3A_755 = arith.index_cast %select_n3A_685 : i32 to index
        %swap3A_756 = arith.index_cast %select_n3A_701 : i32 to index
        %swap3A_757 = arith.constant 64 : index
        %swap3A_758 = tpu.vector_load %arg11[%swap3A_754, %swap3A_755, %swap3A_756, %swap3A_757] {strides = array<i32>} : memref<4x4x8x128xf32, #tpu.memory_space<vmem>>, vector<16xf32>,
        tpu.vector_store %arg11[%swap3A_754, %swap3A_755, %swap3A_756, %swap3A_757], %get3A_721 {strides = array<i32>} : memref<4x4x8x128xf32, #tpu.memory_space<vmem>>, vector<16xf32>,
        %swap3A_759 = arith.index_cast %select_n3A_645 : i32 to index
        %swap3A_760 = arith.index_cast %select_n3A_685 : i32 to index
        %swap3A_761 = arith.index_cast %select_n3A_701 : i32 to index
        %swap3A_762 = arith.constant 80 : index
        %swap3A_763 = tpu.vector_load %arg11[%swap3A_759, %swap3A_760, %swap3A_761, %swap3A_762] {strides = array<i32>} : memref<4x4x8x128xf32, #tpu.memory_space<vmem>>, vector<16xf32>,
        tpu.vector_store %arg11[%swap3A_759, %swap3A_760, %swap3A_761, %swap3A_762], %get3A_725 {strides = array<i32>} : memref<4x4x8x128xf32, #tpu.memory_space<vmem>>, vector<16xf32>,
        %swap3A_764 = arith.index_cast %select_n3A_645 : i32 to index
        %swap3A_765 = arith.index_cast %select_n3A_685 : i32 to index
        %swap3A_766 = arith.index_cast %select_n3A_701 : i32 to index
        %swap3A_767 = arith.constant 96 : index
        %swap3A_768 = tpu.vector_load %arg11[%swap3A_764, %swap3A_765, %swap3A_766, %swap3A_767] {strides = array<i32>} : memref<4x4x8x128xf32, #tpu.memory_space<vmem>>, vector<16xf32>,
        tpu.vector_store %arg11[%swap3A_764, %swap3A_765, %swap3A_766, %swap3A_767], %get3A_729 {strides = array<i32>} : memref<4x4x8x128xf32, #tpu.memory_space<vmem>>, vector<16xf32>,
        %swap3A_769 = arith.index_cast %select_n3A_645 : i32 to index
        %swap3A_770 = arith.index_cast %select_n3A_685 : i32 to index
        %swap3A_771 = arith.index_cast %select_n3A_701 : i32 to index
        %swap3A_772 = arith.constant 112 : index
        %swap3A_773 = tpu.vector_load %arg11[%swap3A_769, %swap3A_770, %swap3A_771, %swap3A_772] {strides = array<i32>} : memref<4x4x8x128xf32, #tpu.memory_space<vmem>>, vector<16xf32>,
        tpu.vector_store %arg11[%swap3A_769, %swap3A_770, %swap3A_771, %swap3A_772], %get3A_733 {strides = array<i32>} : memref<4x4x8x128xf32, #tpu.memory_space<vmem>>, vector<16xf32>,
        %scan3A_774 = arith.constant 3 : i32
        %scan3A_775 = arith.addi %scan3A_317, %scan3A_774 : i32
        %mul3A_776 = arith.constant 129 : i32
        %mul3A_777 = arith.muli %scan3A_775, %mul3A_776 : i32
        %jit3A_778 = arith.constant 32 : i32
        %div3A_779 = arith.divsi %scan3A_775, %jit3A_778 : i32
        %sign3A_780 = arith.constant 0 : i32
        %sign3A_781 = arith.cmpi sgt, %scan3A_775, %sign3A_780 : i32
        %sign3A_782 = arith.extui %sign3A_781 : i1 to i32
        %sign3A_783 = arith.constant 0 : i32
        %sign3A_784 = arith.cmpi slt, %scan3A_775, %sign3A_783 : i32
        %sign3A_785 = arith.extui %sign3A_784 : i1 to i32
        %sign3A_786 = arith.subi %sign3A_782, %sign3A_785 : i32
        %sign3A_787 = arith.constant 0 : i32
        %sign3A_788 = arith.cmpi sgt, %jit3A_778, %sign3A_787 : i32
        %sign3A_789 = arith.extui %sign3A_788 : i1 to i32
        %sign3A_790 = arith.constant 0 : i32
        %sign3A_791 = arith.cmpi slt, %jit3A_778, %sign3A_790 : i32
        %sign3A_792 = arith.extui %sign3A_791 : i1 to i32
        %sign3A_793 = arith.subi %sign3A_789, %sign3A_792 : i32
        %ne3A_794 = arith.cmpi ne, %sign3A_786, %sign3A_793 : i32
        %rem3A_795 = arith.remsi %scan3A_775, %jit3A_778 : i32
        %ne3A_796 = arith.constant 0 : i32
        %ne3A_797 = arith.cmpi ne, %rem3A_795, %ne3A_796 : i32
        %and3A_798 = arith.andi %ne3A_794, %ne3A_797 : i1
        %sub3A_799 = arith.constant 1 : i32
        %sub3A_800 = arith.subi %div3A_779, %sub3A_799 : i32
        %select_n3A_801 = arith.select %and3A_798, %sub3A_800, %div3A_779 : i32
        %jit3A_802 = arith.constant 8 : i32
        %div3A_803 = arith.divsi %scan3A_775, %jit3A_802 : i32
        %sign3A_804 = arith.constant 0 : i32
        %sign3A_805 = arith.cmpi sgt, %scan3A_775, %sign3A_804 : i32
        %sign3A_806 = arith.extui %sign3A_805 : i1 to i32
        %sign3A_807 = arith.constant 0 : i32
        %sign3A_808 = arith.cmpi slt, %scan3A_775, %sign3A_807 : i32
        %sign3A_809 = arith.extui %sign3A_808 : i1 to i32
        %sign3A_810 = arith.subi %sign3A_806, %sign3A_809 : i32
        %sign3A_811 = arith.constant 0 : i32
        %sign3A_812 = arith.cmpi sgt, %jit3A_802, %sign3A_811 : i32
        %sign3A_813 = arith.extui %sign3A_812 : i1 to i32
        %sign3A_814 = arith.constant 0 : i32
        %sign3A_815 = arith.cmpi slt, %jit3A_802, %sign3A_814 : i32
        %sign3A_816 = arith.extui %sign3A_815 : i1 to i32
        %sign3A_817 = arith.subi %sign3A_813, %sign3A_816 : i32
        %ne3A_818 = arith.cmpi ne, %sign3A_810, %sign3A_817 : i32
        %rem3A_819 = arith.remsi %scan3A_775, %jit3A_802 : i32
        %ne3A_820 = arith.constant 0 : i32
        %ne3A_821 = arith.cmpi ne, %rem3A_819, %ne3A_820 : i32
        %and3A_822 = arith.andi %ne3A_818, %ne3A_821 : i1
        %sub3A_823 = arith.constant 1 : i32
        %sub3A_824 = arith.subi %div3A_803, %sub3A_823 : i32
        %select_n3A_825 = arith.select %and3A_822, %sub3A_824, %div3A_803 : i32
        %jit3A_826 = arith.constant 4 : i32
        %eq3A_827 = arith.constant 0 : i32
        %eq3A_828 = arith.cmpi eq, %jit3A_826, %eq3A_827 : i32
        %jit3A_829 = arith.constant 1 : i32
        %select_n3A_830 = arith.select %eq3A_828, %jit3A_829, %jit3A_826 : i32
        %rem3A_831 = arith.remsi %select_n3A_825, %select_n3A_830 : i32
        %ne3A_832 = arith.constant 0 : i32
        %ne3A_833 = arith.cmpi ne, %rem3A_831, %ne3A_832 : i32
        %lt3A_834 = arith.constant 0 : i32
        %lt3A_835 = arith.cmpi slt, %rem3A_831, %lt3A_834 : i32
        %lt3A_836 = arith.constant 0 : i32
        %lt3A_837 = arith.cmpi slt, %select_n3A_830, %lt3A_836 : i32
        %ne3A_838 = arith.xori %lt3A_835, %lt3A_837 : i1
        %and3A_839 = arith.andi %ne3A_838, %ne3A_833 : i1
        %add3A_840 = arith.addi %rem3A_831, %select_n3A_830 : i32
        %select_n3A_841 = arith.select %and3A_839, %add3A_840, %rem3A_831 : i32
        %jit3A_842 = arith.constant 8 : i32
        %eq3A_843 = arith.constant 0 : i32
        %eq3A_844 = arith.cmpi eq, %jit3A_842, %eq3A_843 : i32
        %jit3A_845 = arith.constant 1 : i32
        %select_n3A_846 = arith.select %eq3A_844, %jit3A_845, %jit3A_842 : i32
        %rem3A_847 = arith.remsi %scan3A_775, %select_n3A_846 : i32
        %ne3A_848 = arith.constant 0 : i32
        %ne3A_849 = arith.cmpi ne, %rem3A_847, %ne3A_848 : i32
        %lt3A_850 = arith.constant 0 : i32
        %lt3A_851 = arith.cmpi slt, %rem3A_847, %lt3A_850 : i32
        %lt3A_852 = arith.constant 0 : i32
        %lt3A_853 = arith.cmpi slt, %select_n3A_846, %lt3A_852 : i32
        %ne3A_854 = arith.xori %lt3A_851, %lt3A_853 : i1
        %and3A_855 = arith.andi %ne3A_854, %ne3A_849 : i1
        %add3A_856 = arith.addi %rem3A_847, %select_n3A_846 : i32
        %select_n3A_857 = arith.select %and3A_855, %add3A_856, %rem3A_847 : i32
        %add3A_858 = arith.constant 0 : i32
        %add3A_859 = arith.addi %mul3A_777, %add3A_858 : i32
        %get3A_860 = arith.index_cast %add3A_859 : i32 to index
        %get3A_861 = tpu.vector_load %arg10[%get3A_860] {strides = array<i32>} : memref<16512xf32, #tpu.memory_space<vmem>>, vector<16xf32>,
        %add3A_862 = arith.constant 16 : i32
        %add3A_863 = arith.addi %mul3A_777, %add3A_862 : i32
        %get3A_864 = arith.index_cast %add3A_863 : i32 to index
        %get3A_865 = tpu.vector_load %arg10[%get3A_864] {strides = array<i32>} : memref<16512xf32, #tpu.memory_space<vmem>>, vector<16xf32>,
        %add3A_866 = arith.constant 32 : i32
        %add3A_867 = arith.addi %mul3A_777, %add3A_866 : i32
        %get3A_868 = arith.index_cast %add3A_867 : i32 to index
        %get3A_869 = tpu.vector_load %arg10[%get3A_868] {strides = array<i32>} : memref<16512xf32, #tpu.memory_space<vmem>>, vector<16xf32>,
        %add3A_870 = arith.constant 48 : i32
        %add3A_871 = arith.addi %mul3A_777, %add3A_870 : i32
        %get3A_872 = arith.index_cast %add3A_871 : i32 to index
        %get3A_873 = tpu.vector_load %arg10[%get3A_872] {strides = array<i32>} : memref<16512xf32, #tpu.memory_space<vmem>>, vector<16xf32>,
        %add3A_874 = arith.constant 64 : i32
        %add3A_875 = arith.addi %mul3A_777, %add3A_874 : i32
        %get3A_876 = arith.index_cast %add3A_875 : i32 to index
        %get3A_877 = tpu.vector_load %arg10[%get3A_876] {strides = array<i32>} : memref<16512xf32, #tpu.memory_space<vmem>>, vector<16xf32>,
        %add3A_878 = arith.constant 80 : i32
        %add3A_879 = arith.addi %mul3A_777, %add3A_878 : i32
        %get3A_880 = arith.index_cast %add3A_879 : i32 to index
        %get3A_881 = tpu.vector_load %arg10[%get3A_880] {strides = array<i32>} : memref<16512xf32, #tpu.memory_space<vmem>>, vector<16xf32>,
        %add3A_882 = arith.constant 96 : i32
        %add3A_883 = arith.addi %mul3A_777, %add3A_882 : i32
        %get3A_884 = arith.index_cast %add3A_883 : i32 to index
        %get3A_885 = tpu.vector_load %arg10[%get3A_884] {strides = array<i32>} : memref<16512xf32, #tpu.memory_space<vmem>>, vector<16xf32>,
        %add3A_886 = arith.constant 112 : i32
        %add3A_887 = arith.addi %mul3A_777, %add3A_886 : i32
        %get3A_888 = arith.index_cast %add3A_887 : i32 to index
        %get3A_889 = tpu.vector_load %arg10[%get3A_888] {strides = array<i32>} : memref<16512xf32, #tpu.memory_space<vmem>>, vector<16xf32>,
        %swap3A_890 = arith.index_cast %select_n3A_801 : i32 to index
        %swap3A_891 = arith.index_cast %select_n3A_841 : i32 to index
        %swap3A_892 = arith.index_cast %select_n3A_857 : i32 to index
        %swap3A_893 = arith.constant 0 : index
        %swap3A_894 = tpu.vector_load %arg11[%swap3A_890, %swap3A_891, %swap3A_892, %swap3A_893] {strides = array<i32>} : memref<4x4x8x128xf32, #tpu.memory_space<vmem>>, vector<16xf32>,
        tpu.vector_store %arg11[%swap3A_890, %swap3A_891, %swap3A_892, %swap3A_893], %get3A_861 {strides = array<i32>} : memref<4x4x8x128xf32, #tpu.memory_space<vmem>>, vector<16xf32>,
        %swap3A_895 = arith.index_cast %select_n3A_801 : i32 to index
        %swap3A_896 = arith.index_cast %select_n3A_841 : i32 to index
        %swap3A_897 = arith.index_cast %select_n3A_857 : i32 to index
        %swap3A_898 = arith.constant 16 : index
        %swap3A_899 = tpu.vector_load %arg11[%swap3A_895, %swap3A_896, %swap3A_897, %swap3A_898] {strides = array<i32>} : memref<4x4x8x128xf32, #tpu.memory_space<vmem>>, vector<16xf32>,
        tpu.vector_store %arg11[%swap3A_895, %swap3A_896, %swap3A_897, %swap3A_898], %get3A_865 {strides = array<i32>} : memref<4x4x8x128xf32, #tpu.memory_space<vmem>>, vector<16xf32>,
        %swap3A_900 = arith.index_cast %select_n3A_801 : i32 to index
        %swap3A_901 = arith.index_cast %select_n3A_841 : i32 to index
        %swap3A_902 = arith.index_cast %select_n3A_857 : i32 to index
        %swap3A_903 = arith.constant 32 : index
        %swap3A_904 = tpu.vector_load %arg11[%swap3A_900, %swap3A_901, %swap3A_902, %swap3A_903] {strides = array<i32>} : memref<4x4x8x128xf32, #tpu.memory_space<vmem>>, vector<16xf32>,
        tpu.vector_store %arg11[%swap3A_900, %swap3A_901, %swap3A_902, %swap3A_903], %get3A_869 {strides = array<i32>} : memref<4x4x8x128xf32, #tpu.memory_space<vmem>>, vector<16xf32>,
        %swap3A_905 = arith.index_cast %select_n3A_801 : i32 to index
        %swap3A_906 = arith.index_cast %select_n3A_841 : i32 to index
        %swap3A_907 = arith.index_cast %select_n3A_857 : i32 to index
        %swap3A_908 = arith.constant 48 : index
        %swap3A_909 = tpu.vector_load %arg11[%swap3A_905, %swap3A_906, %swap3A_907, %swap3A_908] {strides = array<i32>} : memref<4x4x8x128xf32, #tpu.memory_space<vmem>>, vector<16xf32>,
        tpu.vector_store %arg11[%swap3A_905, %swap3A_906, %swap3A_907, %swap3A_908], %get3A_873 {strides = array<i32>} : memref<4x4x8x128xf32, #tpu.memory_space<vmem>>, vector<16xf32>,
        %swap3A_910 = arith.index_cast %select_n3A_801 : i32 to index
        %swap3A_911 = arith.index_cast %select_n3A_841 : i32 to index
        %swap3A_912 = arith.index_cast %select_n3A_857 : i32 to index
        %swap3A_913 = arith.constant 64 : index
        %swap3A_914 = tpu.vector_load %arg11[%swap3A_910, %swap3A_911, %swap3A_912, %swap3A_913] {strides = array<i32>} : memref<4x4x8x128xf32, #tpu.memory_space<vmem>>, vector<16xf32>,
        tpu.vector_store %arg11[%swap3A_910, %swap3A_911, %swap3A_912, %swap3A_913], %get3A_877 {strides = array<i32>} : memref<4x4x8x128xf32, #tpu.memory_space<vmem>>, vector<16xf32>,
        %swap3A_915 = arith.index_cast %select_n3A_801 : i32 to index
        %swap3A_916 = arith.index_cast %select_n3A_841 : i32 to index
        %swap3A_917 = arith.index_cast %select_n3A_857 : i32 to index
        %swap3A_918 = arith.constant 80 : index
        %swap3A_919 = tpu.vector_load %arg11[%swap3A_915, %swap3A_916, %swap3A_917, %swap3A_918] {strides = array<i32>} : memref<4x4x8x128xf32, #tpu.memory_space<vmem>>, vector<16xf32>,
        tpu.vector_store %arg11[%swap3A_915, %swap3A_916, %swap3A_917, %swap3A_918], %get3A_881 {strides = array<i32>} : memref<4x4x8x128xf32, #tpu.memory_space<vmem>>, vector<16xf32>,
        %swap3A_920 = arith.index_cast %select_n3A_801 : i32 to index
        %swap3A_921 = arith.index_cast %select_n3A_841 : i32 to index
        %swap3A_922 = arith.index_cast %select_n3A_857 : i32 to index
        %swap3A_923 = arith.constant 96 : index
        %swap3A_924 = tpu.vector_load %arg11[%swap3A_920, %swap3A_921, %swap3A_922, %swap3A_923] {strides = array<i32>} : memref<4x4x8x128xf32, #tpu.memory_space<vmem>>, vector<16xf32>,
        tpu.vector_store %arg11[%swap3A_920, %swap3A_921, %swap3A_922, %swap3A_923], %get3A_885 {strides = array<i32>} : memref<4x4x8x128xf32, #tpu.memory_space<vmem>>, vector<16xf32>,
        %swap3A_925 = arith.index_cast %select_n3A_801 : i32 to index
        %swap3A_926 = arith.index_cast %select_n3A_841 : i32 to index
        %swap3A_927 = arith.index_cast %select_n3A_857 : i32 to index
        %swap3A_928 = arith.constant 112 : index
        %swap3A_929 = tpu.vector_load %arg11[%swap3A_925, %swap3A_926, %swap3A_927, %swap3A_928] {strides = array<i32>} : memref<4x4x8x128xf32, #tpu.memory_space<vmem>>, vector<16xf32>,
        tpu.vector_store %arg11[%swap3A_925, %swap3A_926, %swap3A_927, %swap3A_928], %get3A_889 {strides = array<i32>} : memref<4x4x8x128xf32, #tpu.memory_space<vmem>>, vector<16xf32>,
        %scan3A_930 = arith.constant 4 : i32
        %scan3A_931 = arith.addi %scan3A_317, %scan3A_930 : i32
        %mul3A_932 = arith.constant 129 : i32
        %mul3A_933 = arith.muli %scan3A_931, %mul3A_932 : i32
        %jit3A_934 = arith.constant 32 : i32
        %div3A_935 = arith.divsi %scan3A_931, %jit3A_934 : i32
        %sign3A_936 = arith.constant 0 : i32
        %sign3A_937 = arith.cmpi sgt, %scan3A_931, %sign3A_936 : i32
        %sign3A_938 = arith.extui %sign3A_937 : i1 to i32
        %sign3A_939 = arith.constant 0 : i32
        %sign3A_940 = arith.cmpi slt, %scan3A_931, %sign3A_939 : i32
        %sign3A_941 = arith.extui %sign3A_940 : i1 to i32
        %sign3A_942 = arith.subi %sign3A_938, %sign3A_941 : i32
        %sign3A_943 = arith.constant 0 : i32
        %sign3A_944 = arith.cmpi sgt, %jit3A_934, %sign3A_943 : i32
        %sign3A_945 = arith.extui %sign3A_944 : i1 to i32
        %sign3A_946 = arith.constant 0 : i32
        %sign3A_947 = arith.cmpi slt, %jit3A_934, %sign3A_946 : i32
        %sign3A_948 = arith.extui %sign3A_947 : i1 to i32
        %sign3A_949 = arith.subi %sign3A_945, %sign3A_948 : i32
        %ne3A_950 = arith.cmpi ne, %sign3A_942, %sign3A_949 : i32
        %rem3A_951 = arith.remsi %scan3A_931, %jit3A_934 : i32
        %ne3A_952 = arith.constant 0 : i32
        %ne3A_953 = arith.cmpi ne, %rem3A_951, %ne3A_952 : i32
        %and3A_954 = arith.andi %ne3A_950, %ne3A_953 : i1
        %sub3A_955 = arith.constant 1 : i32
        %sub3A_956 = arith.subi %div3A_935, %sub3A_955 : i32
        %select_n3A_957 = arith.select %and3A_954, %sub3A_956, %div3A_935 : i32
        %jit3A_958 = arith.constant 8 : i32
        %div3A_959 = arith.divsi %scan3A_931, %jit3A_958 : i32
        %sign3A_960 = arith.constant 0 : i32
        %sign3A_961 = arith.cmpi sgt, %scan3A_931, %sign3A_960 : i32
        %sign3A_962 = arith.extui %sign3A_961 : i1 to i32
        %sign3A_963 = arith.constant 0 : i32
        %sign3A_964 = arith.cmpi slt, %scan3A_931, %sign3A_963 : i32
        %sign3A_965 = arith.extui %sign3A_964 : i1 to i32
        %sign3A_966 = arith.subi %sign3A_962, %sign3A_965 : i32
        %sign3A_967 = arith.constant 0 : i32
        %sign3A_968 = arith.cmpi sgt, %jit3A_958, %sign3A_967 : i32
        %sign3A_969 = arith.extui %sign3A_968 : i1 to i32
        %sign3A_970 = arith.constant 0 : i32
        %sign3A_971 = arith.cmpi slt, %jit3A_958, %sign3A_970 : i32
        %sign3A_972 = arith.extui %sign3A_971 : i1 to i32
        %sign3A_973 = arith.subi %sign3A_969, %sign3A_972 : i32
        %ne3A_974 = arith.cmpi ne, %sign3A_966, %sign3A_973 : i32
        %rem3A_975 = arith.remsi %scan3A_931, %jit3A_958 : i32
        %ne3A_976 = arith.constant 0 : i32
        %ne3A_977 = arith.cmpi ne, %rem3A_975, %ne3A_976 : i32
        %and3A_978 = arith.andi %ne3A_974, %ne3A_977 : i1
        %sub3A_979 = arith.constant 1 : i32
        %sub3A_980 = arith.subi %div3A_959, %sub3A_979 : i32
        %select_n3A_981 = arith.select %and3A_978, %sub3A_980, %div3A_959 : i32
        %jit3A_982 = arith.constant 4 : i32
        %eq3A_983 = arith.constant 0 : i32
        %eq3A_984 = arith.cmpi eq, %jit3A_982, %eq3A_983 : i32
        %jit3A_985 = arith.constant 1 : i32
        %select_n3A_986 = arith.select %eq3A_984, %jit3A_985, %jit3A_982 : i32
        %rem3A_987 = arith.remsi %select_n3A_981, %select_n3A_986 : i32
        %ne3A_988 = arith.constant 0 : i32
        %ne3A_989 = arith.cmpi ne, %rem3A_987, %ne3A_988 : i32
        %lt3A_990 = arith.constant 0 : i32
        %lt3A_991 = arith.cmpi slt, %rem3A_987, %lt3A_990 : i32
        %lt3A_992 = arith.constant 0 : i32
        %lt3A_993 = arith.cmpi slt, %select_n3A_986, %lt3A_992 : i32
        %ne3A_994 = arith.xori %lt3A_991, %lt3A_993 : i1
        %and3A_995 = arith.andi %ne3A_994, %ne3A_989 : i1
        %add3A_996 = arith.addi %rem3A_987, %select_n3A_986 : i32
        %select_n3A_997 = arith.select %and3A_995, %add3A_996, %rem3A_987 : i32
        %jit3A_998 = arith.constant 8 : i32
        %eq3A_999 = arith.constant 0 : i32
        %eq3A_1000 = arith.cmpi eq, %jit3A_998, %eq3A_999 : i32
        %jit3A_1001 = arith.constant 1 : i32
        %select_n3A_1002 = arith.select %eq3A_1000, %jit3A_1001, %jit3A_998 : i32
        %rem3A_1003 = arith.remsi %scan3A_931, %select_n3A_1002 : i32
        %ne3A_1004 = arith.constant 0 : i32
        %ne3A_1005 = arith.cmpi ne, %rem3A_1003, %ne3A_1004 : i32
        %lt3A_1006 = arith.constant 0 : i32
        %lt3A_1007 = arith.cmpi slt, %rem3A_1003, %lt3A_1006 : i32
        %lt3A_1008 = arith.constant 0 : i32
        %lt3A_1009 = arith.cmpi slt, %select_n3A_1002, %lt3A_1008 : i32
        %ne3A_1010 = arith.xori %lt3A_1007, %lt3A_1009 : i1
        %and3A_1011 = arith.andi %ne3A_1010, %ne3A_1005 : i1
        %add3A_1012 = arith.addi %rem3A_1003, %select_n3A_1002 : i32
        %select_n3A_1013 = arith.select %and3A_1011, %add3A_1012, %rem3A_1003 : i32
        %add3A_1014 = arith.constant 0 : i32
        %add3A_1015 = arith.addi %mul3A_933, %add3A_1014 : i32
        %get3A_1016 = arith.index_cast %add3A_1015 : i32 to index
        %get3A_1017 = tpu.vector_load %arg10[%get3A_1016] {strides = array<i32>} : memref<16512xf32, #tpu.memory_space<vmem>>, vector<16xf32>,
        %add3A_1018 = arith.constant 16 : i32
        %add3A_1019 = arith.addi %mul3A_933, %add3A_1018 : i32
        %get3A_1020 = arith.index_cast %add3A_1019 : i32 to index
        %get3A_1021 = tpu.vector_load %arg10[%get3A_1020] {strides = array<i32>} : memref<16512xf32, #tpu.memory_space<vmem>>, vector<16xf32>,
        %add3A_1022 = arith.constant 32 : i32
        %add3A_1023 = arith.addi %mul3A_933, %add3A_1022 : i32
        %get3A_1024 = arith.index_cast %add3A_1023 : i32 to index
        %get3A_1025 = tpu.vector_load %arg10[%get3A_1024] {strides = array<i32>} : memref<16512xf32, #tpu.memory_space<vmem>>, vector<16xf32>,
        %add3A_1026 = arith.constant 48 : i32
        %add3A_1027 = arith.addi %mul3A_933, %add3A_1026 : i32
        %get3A_1028 = arith.index_cast %add3A_1027 : i32 to index
        %get3A_1029 = tpu.vector_load %arg10[%get3A_1028] {strides = array<i32>} : memref<16512xf32, #tpu.memory_space<vmem>>, vector<16xf32>,
        %add3A_1030 = arith.constant 64 : i32
        %add3A_1031 = arith.addi %mul3A_933, %add3A_1030 : i32
        %get3A_1032 = arith.index_cast %add3A_1031 : i32 to index
        %get3A_1033 = tpu.vector_load %arg10[%get3A_1032] {strides = array<i32>} : memref<16512xf32, #tpu.memory_space<vmem>>, vector<16xf32>,
        %add3A_1034 = arith.constant 80 : i32
        %add3A_1035 = arith.addi %mul3A_933, %add3A_1034 : i32
        %get3A_1036 = arith.index_cast %add3A_1035 : i32 to index
        %get3A_1037 = tpu.vector_load %arg10[%get3A_1036] {strides = array<i32>} : memref<16512xf32, #tpu.memory_space<vmem>>, vector<16xf32>,
        %add3A_1038 = arith.constant 96 : i32
        %add3A_1039 = arith.addi %mul3A_933, %add3A_1038 : i32
        %get3A_1040 = arith.index_cast %add3A_1039 : i32 to index
        %get3A_1041 = tpu.vector_load %arg10[%get3A_1040] {strides = array<i32>} : memref<16512xf32, #tpu.memory_space<vmem>>, vector<16xf32>,
        %add3A_1042 = arith.constant 112 : i32
        %add3A_1043 = arith.addi %mul3A_933, %add3A_1042 : i32
        %get3A_1044 = arith.index_cast %add3A_1043 : i32 to index
        %get3A_1045 = tpu.vector_load %arg10[%get3A_1044] {strides = array<i32>} : memref<16512xf32, #tpu.memory_space<vmem>>, vector<16xf32>,
        %swap3A_1046 = arith.index_cast %select_n3A_957 : i32 to index
        %swap3A_1047 = arith.index_cast %select_n3A_997 : i32 to index
        %swap3A_1048 = arith.index_cast %select_n3A_1013 : i32 to index
        %swap3A_1049 = arith.constant 0 : index
        %swap3A_1050 = tpu.vector_load %arg11[%swap3A_1046, %swap3A_1047, %swap3A_1048, %swap3A_1049] {strides = array<i32>} : memref<4x4x8x128xf32, #tpu.memory_space<vmem>>, vector<16xf32>,
        tpu.vector_store %arg11[%swap3A_1046, %swap3A_1047, %swap3A_1048, %swap3A_1049], %get3A_1017 {strides = array<i32>} : memref<4x4x8x128xf32, #tpu.memory_space<vmem>>, vector<16xf32>,
        %swap3A_1051 = arith.index_cast %select_n3A_957 : i32 to index
        %swap3A_1052 = arith.index_cast %select_n3A_997 : i32 to index
        %swap3A_1053 = arith.index_cast %select_n3A_1013 : i32 to index
        %swap3A_1054 = arith.constant 16 : index
        %swap3A_1055 = tpu.vector_load %arg11[%swap3A_1051, %swap3A_1052, %swap3A_1053, %swap3A_1054] {strides = array<i32>} : memref<4x4x8x128xf32, #tpu.memory_space<vmem>>, vector<16xf32>,
        tpu.vector_store %arg11[%swap3A_1051, %swap3A_1052, %swap3A_1053, %swap3A_1054], %get3A_1021 {strides = array<i32>} : memref<4x4x8x128xf32, #tpu.memory_space<vmem>>, vector<16xf32>,
        %swap3A_1056 = arith.index_cast %select_n3A_957 : i32 to index
        %swap3A_1057 = arith.index_cast %select_n3A_997 : i32 to index
        %swap3A_1058 = arith.index_cast %select_n3A_1013 : i32 to index
        %swap3A_1059 = arith.constant 32 : index
        %swap3A_1060 = tpu.vector_load %arg11[%swap3A_1056, %swap3A_1057, %swap3A_1058, %swap3A_1059] {strides = array<i32>} : memref<4x4x8x128xf32, #tpu.memory_space<vmem>>, vector<16xf32>,
        tpu.vector_store %arg11[%swap3A_1056, %swap3A_1057, %swap3A_1058, %swap3A_1059], %get3A_1025 {strides = array<i32>} : memref<4x4x8x128xf32, #tpu.memory_space<vmem>>, vector<16xf32>,
        %swap3A_1061 = arith.index_cast %select_n3A_957 : i32 to index
        %swap3A_1062 = arith.index_cast %select_n3A_997 : i32 to index
        %swap3A_1063 = arith.index_cast %select_n3A_1013 : i32 to index
        %swap3A_1064 = arith.constant 48 : index
        %swap3A_1065 = tpu.vector_load %arg11[%swap3A_1061, %swap3A_1062, %swap3A_1063, %swap3A_1064] {strides = array<i32>} : memref<4x4x8x128xf32, #tpu.memory_space<vmem>>, vector<16xf32>,
        tpu.vector_store %arg11[%swap3A_1061, %swap3A_1062, %swap3A_1063, %swap3A_1064], %get3A_1029 {strides = array<i32>} : memref<4x4x8x128xf32, #tpu.memory_space<vmem>>, vector<16xf32>,
        %swap3A_1066 = arith.index_cast %select_n3A_957 : i32 to index
        %swap3A_1067 = arith.index_cast %select_n3A_997 : i32 to index
        %swap3A_1068 = arith.index_cast %select_n3A_1013 : i32 to index
        %swap3A_1069 = arith.constant 64 : index
        %swap3A_1070 = tpu.vector_load %arg11[%swap3A_1066, %swap3A_1067, %swap3A_1068, %swap3A_1069] {strides = array<i32>} : memref<4x4x8x128xf32, #tpu.memory_space<vmem>>, vector<16xf32>,
        tpu.vector_store %arg11[%swap3A_1066, %swap3A_1067, %swap3A_1068, %swap3A_1069], %get3A_1033 {strides = array<i32>} : memref<4x4x8x128xf32, #tpu.memory_space<vmem>>, vector<16xf32>,
        %swap3A_1071 = arith.index_cast %select_n3A_957 : i32 to index
        %swap3A_1072 = arith.index_cast %select_n3A_997 : i32 to index
        %swap3A_1073 = arith.index_cast %select_n3A_1013 : i32 to index
        %swap3A_1074 = arith.constant 80 : index
        %swap3A_1075 = tpu.vector_load %arg11[%swap3A_1071, %swap3A_1072, %swap3A_1073, %swap3A_1074] {strides = array<i32>} : memref<4x4x8x128xf32, #tpu.memory_space<vmem>>, vector<16xf32>,
        tpu.vector_store %arg11[%swap3A_1071, %swap3A_1072, %swap3A_1073, %swap3A_1074], %get3A_1037 {strides = array<i32>} : memref<4x4x8x128xf32, #tpu.memory_space<vmem>>, vector<16xf32>,
        %swap3A_1076 = arith.index_cast %select_n3A_957 : i32 to index
        %swap3A_1077 = arith.index_cast %select_n3A_997 : i32 to index
        %swap3A_1078 = arith.index_cast %select_n3A_1013 : i32 to index
        %swap3A_1079 = arith.constant 96 : index
        %swap3A_1080 = tpu.vector_load %arg11[%swap3A_1076, %swap3A_1077, %swap3A_1078, %swap3A_1079] {strides = array<i32>} : memref<4x4x8x128xf32, #tpu.memory_space<vmem>>, vector<16xf32>,
        tpu.vector_store %arg11[%swap3A_1076, %swap3A_1077, %swap3A_1078, %swap3A_1079], %get3A_1041 {strides = array<i32>} : memref<4x4x8x128xf32, #tpu.memory_space<vmem>>, vector<16xf32>,
        %swap3A_1081 = arith.index_cast %select_n3A_957 : i32 to index
        %swap3A_1082 = arith.index_cast %select_n3A_997 : i32 to index
        %swap3A_1083 = arith.index_cast %select_n3A_1013 : i32 to index
        %swap3A_1084 = arith.constant 112 : index
        %swap3A_1085 = tpu.vector_load %arg11[%swap3A_1081, %swap3A_1082, %swap3A_1083, %swap3A_1084] {strides = array<i32>} : memref<4x4x8x128xf32, #tpu.memory_space<vmem>>, vector<16xf32>,
        tpu.vector_store %arg11[%swap3A_1081, %swap3A_1082, %swap3A_1083, %swap3A_1084], %get3A_1045 {strides = array<i32>} : memref<4x4x8x128xf32, #tpu.memory_space<vmem>>, vector<16xf32>,
        %scan3A_1086 = arith.constant 5 : i32
        %scan3A_1087 = arith.addi %scan3A_317, %scan3A_1086 : i32
        %mul3A_1088 = arith.constant 129 : i32
        %mul3A_1089 = arith.muli %scan3A_1087, %mul3A_1088 : i32
        %jit3A_1090 = arith.constant 32 : i32
        %div3A_1091 = arith.divsi %scan3A_1087, %jit3A_1090 : i32
        %sign3A_1092 = arith.constant 0 : i32
        %sign3A_1093 = arith.cmpi sgt, %scan3A_1087, %sign3A_1092 : i32
        %sign3A_1094 = arith.extui %sign3A_1093 : i1 to i32
        %sign3A_1095 = arith.constant 0 : i32
        %sign3A_1096 = arith.cmpi slt, %scan3A_1087, %sign3A_1095 : i32
        %sign3A_1097 = arith.extui %sign3A_1096 : i1 to i32
        %sign3A_1098 = arith.subi %sign3A_1094, %sign3A_1097 : i32
        %sign3A_1099 = arith.constant 0 : i32
        %sign3A_1100 = arith.cmpi sgt, %jit3A_1090, %sign3A_1099 : i32
        %sign3A_1101 = arith.extui %sign3A_1100 : i1 to i32
        %sign3A_1102 = arith.constant 0 : i32
        %sign3A_1103 = arith.cmpi slt, %jit3A_1090, %sign3A_1102 : i32
        %sign3A_1104 = arith.extui %sign3A_1103 : i1 to i32
        %sign3A_1105 = arith.subi %sign3A_1101, %sign3A_1104 : i32
        %ne3A_1106 = arith.cmpi ne, %sign3A_1098, %sign3A_1105 : i32
        %rem3A_1107 = arith.remsi %scan3A_1087, %jit3A_1090 : i32
        %ne3A_1108 = arith.constant 0 : i32
        %ne3A_1109 = arith.cmpi ne, %rem3A_1107, %ne3A_1108 : i32
        %and3A_1110 = arith.andi %ne3A_1106, %ne3A_1109 : i1
        %sub3A_1111 = arith.constant 1 : i32
        %sub3A_1112 = arith.subi %div3A_1091, %sub3A_1111 : i32
        %select_n3A_1113 = arith.select %and3A_1110, %sub3A_1112, %div3A_1091 : i32
        %jit3A_1114 = arith.constant 8 : i32
        %div3A_1115 = arith.divsi %scan3A_1087, %jit3A_1114 : i32
        %sign3A_1116 = arith.constant 0 : i32
        %sign3A_1117 = arith.cmpi sgt, %scan3A_1087, %sign3A_1116 : i32
        %sign3A_1118 = arith.extui %sign3A_1117 : i1 to i32
        %sign3A_1119 = arith.constant 0 : i32
        %sign3A_1120 = arith.cmpi slt, %scan3A_1087, %sign3A_1119 : i32
        %sign3A_1121 = arith.extui %sign3A_1120 : i1 to i32
        %sign3A_1122 = arith.subi %sign3A_1118, %sign3A_1121 : i32
        %sign3A_1123 = arith.constant 0 : i32
        %sign3A_1124 = arith.cmpi sgt, %jit3A_1114, %sign3A_1123 : i32
        %sign3A_1125 = arith.extui %sign3A_1124 : i1 to i32
        %sign3A_1126 = arith.constant 0 : i32
        %sign3A_1127 = arith.cmpi slt, %jit3A_1114, %sign3A_1126 : i32
        %sign3A_1128 = arith.extui %sign3A_1127 : i1 to i32
        %sign3A_1129 = arith.subi %sign3A_1125, %sign3A_1128 : i32
        %ne3A_1130 = arith.cmpi ne, %sign3A_1122, %sign3A_1129 : i32
        %rem3A_1131 = arith.remsi %scan3A_1087, %jit3A_1114 : i32
        %ne3A_1132 = arith.constant 0 : i32
        %ne3A_1133 = arith.cmpi ne, %rem3A_1131, %ne3A_1132 : i32
        %and3A_1134 = arith.andi %ne3A_1130, %ne3A_1133 : i1
        %sub3A_1135 = arith.constant 1 : i32
        %sub3A_1136 = arith.subi %div3A_1115, %sub3A_1135 : i32
        %select_n3A_1137 = arith.select %and3A_1134, %sub3A_1136, %div3A_1115 : i32
        %jit3A_1138 = arith.constant 4 : i32
        %eq3A_1139 = arith.constant 0 : i32
        %eq3A_1140 = arith.cmpi eq, %jit3A_1138, %eq3A_1139 : i32
        %jit3A_1141 = arith.constant 1 : i32
        %select_n3A_1142 = arith.select %eq3A_1140, %jit3A_1141, %jit3A_1138 : i32
        %rem3A_1143 = arith.remsi %select_n3A_1137, %select_n3A_1142 : i32
        %ne3A_1144 = arith.constant 0 : i32
        %ne3A_1145 = arith.cmpi ne, %rem3A_1143, %ne3A_1144 : i32
        %lt3A_1146 = arith.constant 0 : i32
        %lt3A_1147 = arith.cmpi slt, %rem3A_1143, %lt3A_1146 : i32
        %lt3A_1148 = arith.constant 0 : i32
        %lt3A_1149 = arith.cmpi slt, %select_n3A_1142, %lt3A_1148 : i32
        %ne3A_1150 = arith.xori %lt3A_1147, %lt3A_1149 : i1
        %and3A_1151 = arith.andi %ne3A_1150, %ne3A_1145 : i1
        %add3A_1152 = arith.addi %rem3A_1143, %select_n3A_1142 : i32
        %select_n3A_1153 = arith.select %and3A_1151, %add3A_1152, %rem3A_1143 : i32
        %jit3A_1154 = arith.constant 8 : i32
        %eq3A_1155 = arith.constant 0 : i32
        %eq3A_1156 = arith.cmpi eq, %jit3A_1154, %eq3A_1155 : i32
        %jit3A_1157 = arith.constant 1 : i32
        %select_n3A_1158 = arith.select %eq3A_1156, %jit3A_1157, %jit3A_1154 : i32
        %rem3A_1159 = arith.remsi %scan3A_1087, %select_n3A_1158 : i32
        %ne3A_1160 = arith.constant 0 : i32
        %ne3A_1161 = arith.cmpi ne, %rem3A_1159, %ne3A_1160 : i32
        %lt3A_1162 = arith.constant 0 : i32
        %lt3A_1163 = arith.cmpi slt, %rem3A_1159, %lt3A_1162 : i32
        %lt3A_1164 = arith.constant 0 : i32
        %lt3A_1165 = arith.cmpi slt, %select_n3A_1158, %lt3A_1164 : i32
        %ne3A_1166 = arith.xori %lt3A_1163, %lt3A_1165 : i1
        %and3A_1167 = arith.andi %ne3A_1166, %ne3A_1161 : i1
        %add3A_1168 = arith.addi %rem3A_1159, %select_n3A_1158 : i32
        %select_n3A_1169 = arith.select %and3A_1167, %add3A_1168, %rem3A_1159 : i32
        %add3A_1170 = arith.constant 0 : i32
        %add3A_1171 = arith.addi %mul3A_1089, %add3A_1170 : i32
        %get3A_1172 = arith.index_cast %add3A_1171 : i32 to index
        %get3A_1173 = tpu.vector_load %arg10[%get3A_1172] {strides = array<i32>} : memref<16512xf32, #tpu.memory_space<vmem>>, vector<16xf32>,
        %add3A_1174 = arith.constant 16 : i32
        %add3A_1175 = arith.addi %mul3A_1089, %add3A_1174 : i32
        %get3A_1176 = arith.index_cast %add3A_1175 : i32 to index
        %get3A_1177 = tpu.vector_load %arg10[%get3A_1176] {strides = array<i32>} : memref<16512xf32, #tpu.memory_space<vmem>>, vector<16xf32>,
        %add3A_1178 = arith.constant 32 : i32
        %add3A_1179 = arith.addi %mul3A_1089, %add3A_1178 : i32
        %get3A_1180 = arith.index_cast %add3A_1179 : i32 to index
        %get3A_1181 = tpu.vector_load %arg10[%get3A_1180] {strides = array<i32>} : memref<16512xf32, #tpu.memory_space<vmem>>, vector<16xf32>,
        %add3A_1182 = arith.constant 48 : i32
        %add3A_1183 = arith.addi %mul3A_1089, %add3A_1182 : i32
        %get3A_1184 = arith.index_cast %add3A_1183 : i32 to index
        %get3A_1185 = tpu.vector_load %arg10[%get3A_1184] {strides = array<i32>} : memref<16512xf32, #tpu.memory_space<vmem>>, vector<16xf32>,
        %add3A_1186 = arith.constant 64 : i32
        %add3A_1187 = arith.addi %mul3A_1089, %add3A_1186 : i32
        %get3A_1188 = arith.index_cast %add3A_1187 : i32 to index
        %get3A_1189 = tpu.vector_load %arg10[%get3A_1188] {strides = array<i32>} : memref<16512xf32, #tpu.memory_space<vmem>>, vector<16xf32>,
        %add3A_1190 = arith.constant 80 : i32
        %add3A_1191 = arith.addi %mul3A_1089, %add3A_1190 : i32
        %get3A_1192 = arith.index_cast %add3A_1191 : i32 to index
        %get3A_1193 = tpu.vector_load %arg10[%get3A_1192] {strides = array<i32>} : memref<16512xf32, #tpu.memory_space<vmem>>, vector<16xf32>,
        %add3A_1194 = arith.constant 96 : i32
        %add3A_1195 = arith.addi %mul3A_1089, %add3A_1194 : i32
        %get3A_1196 = arith.index_cast %add3A_1195 : i32 to index
        %get3A_1197 = tpu.vector_load %arg10[%get3A_1196] {strides = array<i32>} : memref<16512xf32, #tpu.memory_space<vmem>>, vector<16xf32>,
        %add3A_1198 = arith.constant 112 : i32
        %add3A_1199 = arith.addi %mul3A_1089, %add3A_1198 : i32
        %get3A_1200 = arith.index_cast %add3A_1199 : i32 to index
        %get3A_1201 = tpu.vector_load %arg10[%get3A_1200] {strides = array<i32>} : memref<16512xf32, #tpu.memory_space<vmem>>, vector<16xf32>,
        %swap3A_1202 = arith.index_cast %select_n3A_1113 : i32 to index
        %swap3A_1203 = arith.index_cast %select_n3A_1153 : i32 to index
        %swap3A_1204 = arith.index_cast %select_n3A_1169 : i32 to index
        %swap3A_1205 = arith.constant 0 : index
        %swap3A_1206 = tpu.vector_load %arg11[%swap3A_1202, %swap3A_1203, %swap3A_1204, %swap3A_1205] {strides = array<i32>} : memref<4x4x8x128xf32, #tpu.memory_space<vmem>>, vector<16xf32>,
        tpu.vector_store %arg11[%swap3A_1202, %swap3A_1203, %swap3A_1204, %swap3A_1205], %get3A_1173 {strides = array<i32>} : memref<4x4x8x128xf32, #tpu.memory_space<vmem>>, vector<16xf32>,
        %swap3A_1207 = arith.index_cast %select_n3A_1113 : i32 to index
        %swap3A_1208 = arith.index_cast %select_n3A_1153 : i32 to index
        %swap3A_1209 = arith.index_cast %select_n3A_1169 : i32 to index
        %swap3A_1210 = arith.constant 16 : index
        %swap3A_1211 = tpu.vector_load %arg11[%swap3A_1207, %swap3A_1208, %swap3A_1209, %swap3A_1210] {strides = array<i32>} : memref<4x4x8x128xf32, #tpu.memory_space<vmem>>, vector<16xf32>,
        tpu.vector_store %arg11[%swap3A_1207, %swap3A_1208, %swap3A_1209, %swap3A_1210], %get3A_1177 {strides = array<i32>} : memref<4x4x8x128xf32, #tpu.memory_space<vmem>>, vector<16xf32>,
        %swap3A_1212 = arith.index_cast %select_n3A_1113 : i32 to index
        %swap3A_1213 = arith.index_cast %select_n3A_1153 : i32 to index
        %swap3A_1214 = arith.index_cast %select_n3A_1169 : i32 to index
        %swap3A_1215 = arith.constant 32 : index
        %swap3A_1216 = tpu.vector_load %arg11[%swap3A_1212, %swap3A_1213, %swap3A_1214, %swap3A_1215] {strides = array<i32>} : memref<4x4x8x128xf32, #tpu.memory_space<vmem>>, vector<16xf32>,
        tpu.vector_store %arg11[%swap3A_1212, %swap3A_1213, %swap3A_1214, %swap3A_1215], %get3A_1181 {strides = array<i32>} : memref<4x4x8x128xf32, #tpu.memory_space<vmem>>, vector<16xf32>,
        %swap3A_1217 = arith.index_cast %select_n3A_1113 : i32 to index
        %swap3A_1218 = arith.index_cast %select_n3A_1153 : i32 to index
        %swap3A_1219 = arith.index_cast %select_n3A_1169 : i32 to index
        %swap3A_1220 = arith.constant 48 : index
        %swap3A_1221 = tpu.vector_load %arg11[%swap3A_1217, %swap3A_1218, %swap3A_1219, %swap3A_1220] {strides = array<i32>} : memref<4x4x8x128xf32, #tpu.memory_space<vmem>>, vector<16xf32>,
        tpu.vector_store %arg11[%swap3A_1217, %swap3A_1218, %swap3A_1219, %swap3A_1220], %get3A_1185 {strides = array<i32>} : memref<4x4x8x128xf32, #tpu.memory_space<vmem>>, vector<16xf32>,
        %swap3A_1222 = arith.index_cast %select_n3A_1113 : i32 to index
        %swap3A_1223 = arith.index_cast %select_n3A_1153 : i32 to index
        %swap3A_1224 = arith.index_cast %select_n3A_1169 : i32 to index
        %swap3A_1225 = arith.constant 64 : index
        %swap3A_1226 = tpu.vector_load %arg11[%swap3A_1222, %swap3A_1223, %swap3A_1224, %swap3A_1225] {strides = array<i32>} : memref<4x4x8x128xf32, #tpu.memory_space<vmem>>, vector<16xf32>,
        tpu.vector_store %arg11[%swap3A_1222, %swap3A_1223, %swap3A_1224, %swap3A_1225], %get3A_1189 {strides = array<i32>} : memref<4x4x8x128xf32, #tpu.memory_space<vmem>>, vector<16xf32>,
        %swap3A_1227 = arith.index_cast %select_n3A_1113 : i32 to index
        %swap3A_1228 = arith.index_cast %select_n3A_1153 : i32 to index
        %swap3A_1229 = arith.index_cast %select_n3A_1169 : i32 to index
        %swap3A_1230 = arith.constant 80 : index
        %swap3A_1231 = tpu.vector_load %arg11[%swap3A_1227, %swap3A_1228, %swap3A_1229, %swap3A_1230] {strides = array<i32>} : memref<4x4x8x128xf32, #tpu.memory_space<vmem>>, vector<16xf32>,
        tpu.vector_store %arg11[%swap3A_1227, %swap3A_1228, %swap3A_1229, %swap3A_1230], %get3A_1193 {strides = array<i32>} : memref<4x4x8x128xf32, #tpu.memory_space<vmem>>, vector<16xf32>,
        %swap3A_1232 = arith.index_cast %select_n3A_1113 : i32 to index
        %swap3A_1233 = arith.index_cast %select_n3A_1153 : i32 to index
        %swap3A_1234 = arith.index_cast %select_n3A_1169 : i32 to index
        %swap3A_1235 = arith.constant 96 : index
        %swap3A_1236 = tpu.vector_load %arg11[%swap3A_1232, %swap3A_1233, %swap3A_1234, %swap3A_1235] {strides = array<i32>} : memref<4x4x8x128xf32, #tpu.memory_space<vmem>>, vector<16xf32>,
        tpu.vector_store %arg11[%swap3A_1232, %swap3A_1233, %swap3A_1234, %swap3A_1235], %get3A_1197 {strides = array<i32>} : memref<4x4x8x128xf32, #tpu.memory_space<vmem>>, vector<16xf32>,
        %swap3A_1237 = arith.index_cast %select_n3A_1113 : i32 to index
        %swap3A_1238 = arith.index_cast %select_n3A_1153 : i32 to index
        %swap3A_1239 = arith.index_cast %select_n3A_1169 : i32 to index
        %swap3A_1240 = arith.constant 112 : index
        %swap3A_1241 = tpu.vector_load %arg11[%swap3A_1237, %swap3A_1238, %swap3A_1239, %swap3A_1240] {strides = array<i32>} : memref<4x4x8x128xf32, #tpu.memory_space<vmem>>, vector<16xf32>,
        tpu.vector_store %arg11[%swap3A_1237, %swap3A_1238, %swap3A_1239, %swap3A_1240], %get3A_1201 {strides = array<i32>} : memref<4x4x8x128xf32, #tpu.memory_space<vmem>>, vector<16xf32>,
        %scan3A_1242 = arith.constant 6 : i32
        %scan3A_1243 = arith.addi %scan3A_317, %scan3A_1242 : i32
        %mul3A_1244 = arith.constant 129 : i32
        %mul3A_1245 = arith.muli %scan3A_1243, %mul3A_1244 : i32
        %jit3A_1246 = arith.constant 32 : i32
        %div3A_1247 = arith.divsi %scan3A_1243, %jit3A_1246 : i32
        %sign3A_1248 = arith.constant 0 : i32
        %sign3A_1249 = arith.cmpi sgt, %scan3A_1243, %sign3A_1248 : i32
        %sign3A_1250 = arith.extui %sign3A_1249 : i1 to i32
        %sign3A_1251 = arith.constant 0 : i32
        %sign3A_1252 = arith.cmpi slt, %scan3A_1243, %sign3A_1251 : i32
        %sign3A_1253 = arith.extui %sign3A_1252 : i1 to i32
        %sign3A_1254 = arith.subi %sign3A_1250, %sign3A_1253 : i32
        %sign3A_1255 = arith.constant 0 : i32
        %sign3A_1256 = arith.cmpi sgt, %jit3A_1246, %sign3A_1255 : i32
        %sign3A_1257 = arith.extui %sign3A_1256 : i1 to i32
        %sign3A_1258 = arith.constant 0 : i32
        %sign3A_1259 = arith.cmpi slt, %jit3A_1246, %sign3A_1258 : i32
        %sign3A_1260 = arith.extui %sign3A_1259 : i1 to i32
        %sign3A_1261 = arith.subi %sign3A_1257, %sign3A_1260 : i32
        %ne3A_1262 = arith.cmpi ne, %sign3A_1254, %sign3A_1261 : i32
        %rem3A_1263 = arith.remsi %scan3A_1243, %jit3A_1246 : i32
        %ne3A_1264 = arith.constant 0 : i32
        %ne3A_1265 = arith.cmpi ne, %rem3A_1263, %ne3A_1264 : i32
        %and3A_1266 = arith.andi %ne3A_1262, %ne3A_1265 : i1
        %sub3A_1267 = arith.constant 1 : i32
        %sub3A_1268 = arith.subi %div3A_1247, %sub3A_1267 : i32
        %select_n3A_1269 = arith.select %and3A_1266, %sub3A_1268, %div3A_1247 : i32
        %jit3A_1270 = arith.constant 8 : i32
        %div3A_1271 = arith.divsi %scan3A_1243, %jit3A_1270 : i32
        %sign3A_1272 = arith.constant 0 : i32
        %sign3A_1273 = arith.cmpi sgt, %scan3A_1243, %sign3A_1272 : i32
        %sign3A_1274 = arith.extui %sign3A_1273 : i1 to i32
        %sign3A_1275 = arith.constant 0 : i32
        %sign3A_1276 = arith.cmpi slt, %scan3A_1243, %sign3A_1275 : i32
        %sign3A_1277 = arith.extui %sign3A_1276 : i1 to i32
        %sign3A_1278 = arith.subi %sign3A_1274, %sign3A_1277 : i32
        %sign3A_1279 = arith.constant 0 : i32
        %sign3A_1280 = arith.cmpi sgt, %jit3A_1270, %sign3A_1279 : i32
        %sign3A_1281 = arith.extui %sign3A_1280 : i1 to i32
        %sign3A_1282 = arith.constant 0 : i32
        %sign3A_1283 = arith.cmpi slt, %jit3A_1270, %sign3A_1282 : i32
        %sign3A_1284 = arith.extui %sign3A_1283 : i1 to i32
        %sign3A_1285 = arith.subi %sign3A_1281, %sign3A_1284 : i32
        %ne3A_1286 = arith.cmpi ne, %sign3A_1278, %sign3A_1285 : i32
        %rem3A_1287 = arith.remsi %scan3A_1243, %jit3A_1270 : i32
        %ne3A_1288 = arith.constant 0 : i32
        %ne3A_1289 = arith.cmpi ne, %rem3A_1287, %ne3A_1288 : i32
        %and3A_1290 = arith.andi %ne3A_1286, %ne3A_1289 : i1
        %sub3A_1291 = arith.constant 1 : i32
        %sub3A_1292 = arith.subi %div3A_1271, %sub3A_1291 : i32
        %select_n3A_1293 = arith.select %and3A_1290, %sub3A_1292, %div3A_1271 : i32
        %jit3A_1294 = arith.constant 4 : i32
        %eq3A_1295 = arith.constant 0 : i32
        %eq3A_1296 = arith.cmpi eq, %jit3A_1294, %eq3A_1295 : i32
        %jit3A_1297 = arith.constant 1 : i32
        %select_n3A_1298 = arith.select %eq3A_1296, %jit3A_1297, %jit3A_1294 : i32
        %rem3A_1299 = arith.remsi %select_n3A_1293, %select_n3A_1298 : i32
        %ne3A_1300 = arith.constant 0 : i32
        %ne3A_1301 = arith.cmpi ne, %rem3A_1299, %ne3A_1300 : i32
        %lt3A_1302 = arith.constant 0 : i32
        %lt3A_1303 = arith.cmpi slt, %rem3A_1299, %lt3A_1302 : i32
        %lt3A_1304 = arith.constant 0 : i32
        %lt3A_1305 = arith.cmpi slt, %select_n3A_1298, %lt3A_1304 : i32
        %ne3A_1306 = arith.xori %lt3A_1303, %lt3A_1305 : i1
        %and3A_1307 = arith.andi %ne3A_1306, %ne3A_1301 : i1
        %add3A_1308 = arith.addi %rem3A_1299, %select_n3A_1298 : i32
        %select_n3A_1309 = arith.select %and3A_1307, %add3A_1308, %rem3A_1299 : i32
        %jit3A_1310 = arith.constant 8 : i32
        %eq3A_1311 = arith.constant 0 : i32
        %eq3A_1312 = arith.cmpi eq, %jit3A_1310, %eq3A_1311 : i32
        %jit3A_1313 = arith.constant 1 : i32
        %select_n3A_1314 = arith.select %eq3A_1312, %jit3A_1313, %jit3A_1310 : i32
        %rem3A_1315 = arith.remsi %scan3A_1243, %select_n3A_1314 : i32
        %ne3A_1316 = arith.constant 0 : i32
        %ne3A_1317 = arith.cmpi ne, %rem3A_1315, %ne3A_1316 : i32
        %lt3A_1318 = arith.constant 0 : i32
        %lt3A_1319 = arith.cmpi slt, %rem3A_1315, %lt3A_1318 : i32
        %lt3A_1320 = arith.constant 0 : i32
        %lt3A_1321 = arith.cmpi slt, %select_n3A_1314, %lt3A_1320 : i32
        %ne3A_1322 = arith.xori %lt3A_1319, %lt3A_1321 : i1
        %and3A_1323 = arith.andi %ne3A_1322, %ne3A_1317 : i1
        %add3A_1324 = arith.addi %rem3A_1315, %select_n3A_1314 : i32
        %select_n3A_1325 = arith.select %and3A_1323, %add3A_1324, %rem3A_1315 : i32
        %add3A_1326 = arith.constant 0 : i32
        %add3A_1327 = arith.addi %mul3A_1245, %add3A_1326 : i32
        %get3A_1328 = arith.index_cast %add3A_1327 : i32 to index
        %get3A_1329 = tpu.vector_load %arg10[%get3A_1328] {strides = array<i32>} : memref<16512xf32, #tpu.memory_space<vmem>>, vector<16xf32>,
        %add3A_1330 = arith.constant 16 : i32
        %add3A_1331 = arith.addi %mul3A_1245, %add3A_1330 : i32
        %get3A_1332 = arith.index_cast %add3A_1331 : i32 to index
        %get3A_1333 = tpu.vector_load %arg10[%get3A_1332] {strides = array<i32>} : memref<16512xf32, #tpu.memory_space<vmem>>, vector<16xf32>,
        %add3A_1334 = arith.constant 32 : i32
        %add3A_1335 = arith.addi %mul3A_1245, %add3A_1334 : i32
        %get3A_1336 = arith.index_cast %add3A_1335 : i32 to index
        %get3A_1337 = tpu.vector_load %arg10[%get3A_1336] {strides = array<i32>} : memref<16512xf32, #tpu.memory_space<vmem>>, vector<16xf32>,
        %add3A_1338 = arith.constant 48 : i32
        %add3A_1339 = arith.addi %mul3A_1245, %add3A_1338 : i32
        %get3A_1340 = arith.index_cast %add3A_1339 : i32 to index
        %get3A_1341 = tpu.vector_load %arg10[%get3A_1340] {strides = array<i32>} : memref<16512xf32, #tpu.memory_space<vmem>>, vector<16xf32>,
        %add3A_1342 = arith.constant 64 : i32
        %add3A_1343 = arith.addi %mul3A_1245, %add3A_1342 : i32
        %get3A_1344 = arith.index_cast %add3A_1343 : i32 to index
        %get3A_1345 = tpu.vector_load %arg10[%get3A_1344] {strides = array<i32>} : memref<16512xf32, #tpu.memory_space<vmem>>, vector<16xf32>,
        %add3A_1346 = arith.constant 80 : i32
        %add3A_1347 = arith.addi %mul3A_1245, %add3A_1346 : i32
        %get3A_1348 = arith.index_cast %add3A_1347 : i32 to index
        %get3A_1349 = tpu.vector_load %arg10[%get3A_1348] {strides = array<i32>} : memref<16512xf32, #tpu.memory_space<vmem>>, vector<16xf32>,
        %add3A_1350 = arith.constant 96 : i32
        %add3A_1351 = arith.addi %mul3A_1245, %add3A_1350 : i32
        %get3A_1352 = arith.index_cast %add3A_1351 : i32 to index
        %get3A_1353 = tpu.vector_load %arg10[%get3A_1352] {strides = array<i32>} : memref<16512xf32, #tpu.memory_space<vmem>>, vector<16xf32>,
        %add3A_1354 = arith.constant 112 : i32
        %add3A_1355 = arith.addi %mul3A_1245, %add3A_1354 : i32
        %get3A_1356 = arith.index_cast %add3A_1355 : i32 to index
        %get3A_1357 = tpu.vector_load %arg10[%get3A_1356] {strides = array<i32>} : memref<16512xf32, #tpu.memory_space<vmem>>, vector<16xf32>,
        %swap3A_1358 = arith.index_cast %select_n3A_1269 : i32 to index
        %swap3A_1359 = arith.index_cast %select_n3A_1309 : i32 to index
        %swap3A_1360 = arith.index_cast %select_n3A_1325 : i32 to index
        %swap3A_1361 = arith.constant 0 : index
        %swap3A_1362 = tpu.vector_load %arg11[%swap3A_1358, %swap3A_1359, %swap3A_1360, %swap3A_1361] {strides = array<i32>} : memref<4x4x8x128xf32, #tpu.memory_space<vmem>>, vector<16xf32>,
        tpu.vector_store %arg11[%swap3A_1358, %swap3A_1359, %swap3A_1360, %swap3A_1361], %get3A_1329 {strides = array<i32>} : memref<4x4x8x128xf32, #tpu.memory_space<vmem>>, vector<16xf32>,
        %swap3A_1363 = arith.index_cast %select_n3A_1269 : i32 to index
        %swap3A_1364 = arith.index_cast %select_n3A_1309 : i32 to index
        %swap3A_1365 = arith.index_cast %select_n3A_1325 : i32 to index
        %swap3A_1366 = arith.constant 16 : index
        %swap3A_1367 = tpu.vector_load %arg11[%swap3A_1363, %swap3A_1364, %swap3A_1365, %swap3A_1366] {strides = array<i32>} : memref<4x4x8x128xf32, #tpu.memory_space<vmem>>, vector<16xf32>,
        tpu.vector_store %arg11[%swap3A_1363, %swap3A_1364, %swap3A_1365, %swap3A_1366], %get3A_1333 {strides = array<i32>} : memref<4x4x8x128xf32, #tpu.memory_space<vmem>>, vector<16xf32>,
        %swap3A_1368 = arith.index_cast %select_n3A_1269 : i32 to index
        %swap3A_1369 = arith.index_cast %select_n3A_1309 : i32 to index
        %swap3A_1370 = arith.index_cast %select_n3A_1325 : i32 to index
        %swap3A_1371 = arith.constant 32 : index
        %swap3A_1372 = tpu.vector_load %arg11[%swap3A_1368, %swap3A_1369, %swap3A_1370, %swap3A_1371] {strides = array<i32>} : memref<4x4x8x128xf32, #tpu.memory_space<vmem>>, vector<16xf32>,
        tpu.vector_store %arg11[%swap3A_1368, %swap3A_1369, %swap3A_1370, %swap3A_1371], %get3A_1337 {strides = array<i32>} : memref<4x4x8x128xf32, #tpu.memory_space<vmem>>, vector<16xf32>,
        %swap3A_1373 = arith.index_cast %select_n3A_1269 : i32 to index
        %swap3A_1374 = arith.index_cast %select_n3A_1309 : i32 to index
        %swap3A_1375 = arith.index_cast %select_n3A_1325 : i32 to index
        %swap3A_1376 = arith.constant 48 : index
        %swap3A_1377 = tpu.vector_load %arg11[%swap3A_1373, %swap3A_1374, %swap3A_1375, %swap3A_1376] {strides = array<i32>} : memref<4x4x8x128xf32, #tpu.memory_space<vmem>>, vector<16xf32>,
        tpu.vector_store %arg11[%swap3A_1373, %swap3A_1374, %swap3A_1375, %swap3A_1376], %get3A_1341 {strides = array<i32>} : memref<4x4x8x128xf32, #tpu.memory_space<vmem>>, vector<16xf32>,
        %swap3A_1378 = arith.index_cast %select_n3A_1269 : i32 to index
        %swap3A_1379 = arith.index_cast %select_n3A_1309 : i32 to index
        %swap3A_1380 = arith.index_cast %select_n3A_1325 : i32 to index
        %swap3A_1381 = arith.constant 64 : index
        %swap3A_1382 = tpu.vector_load %arg11[%swap3A_1378, %swap3A_1379, %swap3A_1380, %swap3A_1381] {strides = array<i32>} : memref<4x4x8x128xf32, #tpu.memory_space<vmem>>, vector<16xf32>,
        tpu.vector_store %arg11[%swap3A_1378, %swap3A_1379, %swap3A_1380, %swap3A_1381], %get3A_1345 {strides = array<i32>} : memref<4x4x8x128xf32, #tpu.memory_space<vmem>>, vector<16xf32>,
        %swap3A_1383 = arith.index_cast %select_n3A_1269 : i32 to index
        %swap3A_1384 = arith.index_cast %select_n3A_1309 : i32 to index
        %swap3A_1385 = arith.index_cast %select_n3A_1325 : i32 to index
        %swap3A_1386 = arith.constant 80 : index
        %swap3A_1387 = tpu.vector_load %arg11[%swap3A_1383, %swap3A_1384, %swap3A_1385, %swap3A_1386] {strides = array<i32>} : memref<4x4x8x128xf32, #tpu.memory_space<vmem>>, vector<16xf32>,
        tpu.vector_store %arg11[%swap3A_1383, %swap3A_1384, %swap3A_1385, %swap3A_1386], %get3A_1349 {strides = array<i32>} : memref<4x4x8x128xf32, #tpu.memory_space<vmem>>, vector<16xf32>,
        %swap3A_1388 = arith.index_cast %select_n3A_1269 : i32 to index
        %swap3A_1389 = arith.index_cast %select_n3A_1309 : i32 to index
        %swap3A_1390 = arith.index_cast %select_n3A_1325 : i32 to index
        %swap3A_1391 = arith.constant 96 : index
        %swap3A_1392 = tpu.vector_load %arg11[%swap3A_1388, %swap3A_1389, %swap3A_1390, %swap3A_1391] {strides = array<i32>} : memref<4x4x8x128xf32, #tpu.memory_space<vmem>>, vector<16xf32>,
        tpu.vector_store %arg11[%swap3A_1388, %swap3A_1389, %swap3A_1390, %swap3A_1391], %get3A_1353 {strides = array<i32>} : memref<4x4x8x128xf32, #tpu.memory_space<vmem>>, vector<16xf32>,
        %swap3A_1393 = arith.index_cast %select_n3A_1269 : i32 to index
        %swap3A_1394 = arith.index_cast %select_n3A_1309 : i32 to index
        %swap3A_1395 = arith.index_cast %select_n3A_1325 : i32 to index
        %swap3A_1396 = arith.constant 112 : index
        %swap3A_1397 = tpu.vector_load %arg11[%swap3A_1393, %swap3A_1394, %swap3A_1395, %swap3A_1396] {strides = array<i32>} : memref<4x4x8x128xf32, #tpu.memory_space<vmem>>, vector<16xf32>,
        tpu.vector_store %arg11[%swap3A_1393, %swap3A_1394, %swap3A_1395, %swap3A_1396], %get3A_1357 {strides = array<i32>} : memref<4x4x8x128xf32, #tpu.memory_space<vmem>>, vector<16xf32>,
        %scan3A_1398 = arith.constant 7 : i32
        %scan3A_1399 = arith.addi %scan3A_317, %scan3A_1398 : i32
        %mul3A_1400 = arith.constant 129 : i32
        %mul3A_1401 = arith.muli %scan3A_1399, %mul3A_1400 : i32
        %jit3A_1402 = arith.constant 32 : i32
        %div3A_1403 = arith.divsi %scan3A_1399, %jit3A_1402 : i32
        %sign3A_1404 = arith.constant 0 : i32
        %sign3A_1405 = arith.cmpi sgt, %scan3A_1399, %sign3A_1404 : i32
        %sign3A_1406 = arith.extui %sign3A_1405 : i1 to i32
        %sign3A_1407 = arith.constant 0 : i32
        %sign3A_1408 = arith.cmpi slt, %scan3A_1399, %sign3A_1407 : i32
        %sign3A_1409 = arith.extui %sign3A_1408 : i1 to i32
        %sign3A_1410 = arith.subi %sign3A_1406, %sign3A_1409 : i32
        %sign3A_1411 = arith.constant 0 : i32
        %sign3A_1412 = arith.cmpi sgt, %jit3A_1402, %sign3A_1411 : i32
        %sign3A_1413 = arith.extui %sign3A_1412 : i1 to i32
        %sign3A_1414 = arith.constant 0 : i32
        %sign3A_1415 = arith.cmpi slt, %jit3A_1402, %sign3A_1414 : i32
        %sign3A_1416 = arith.extui %sign3A_1415 : i1 to i32
        %sign3A_1417 = arith.subi %sign3A_1413, %sign3A_1416 : i32
        %ne3A_1418 = arith.cmpi ne, %sign3A_1410, %sign3A_1417 : i32
        %rem3A_1419 = arith.remsi %scan3A_1399, %jit3A_1402 : i32
        %ne3A_1420 = arith.constant 0 : i32
        %ne3A_1421 = arith.cmpi ne, %rem3A_1419, %ne3A_1420 : i32
        %and3A_1422 = arith.andi %ne3A_1418, %ne3A_1421 : i1
        %sub3A_1423 = arith.constant 1 : i32
        %sub3A_1424 = arith.subi %div3A_1403, %sub3A_1423 : i32
        %select_n3A_1425 = arith.select %and3A_1422, %sub3A_1424, %div3A_1403 : i32
        %jit3A_1426 = arith.constant 8 : i32
        %div3A_1427 = arith.divsi %scan3A_1399, %jit3A_1426 : i32
        %sign3A_1428 = arith.constant 0 : i32
        %sign3A_1429 = arith.cmpi sgt, %scan3A_1399, %sign3A_1428 : i32
        %sign3A_1430 = arith.extui %sign3A_1429 : i1 to i32
        %sign3A_1431 = arith.constant 0 : i32
        %sign3A_1432 = arith.cmpi slt, %scan3A_1399, %sign3A_1431 : i32
        %sign3A_1433 = arith.extui %sign3A_1432 : i1 to i32
        %sign3A_1434 = arith.subi %sign3A_1430, %sign3A_1433 : i32
        %sign3A_1435 = arith.constant 0 : i32
        %sign3A_1436 = arith.cmpi sgt, %jit3A_1426, %sign3A_1435 : i32
        %sign3A_1437 = arith.extui %sign3A_1436 : i1 to i32
        %sign3A_1438 = arith.constant 0 : i32
        %sign3A_1439 = arith.cmpi slt, %jit3A_1426, %sign3A_1438 : i32
        %sign3A_1440 = arith.extui %sign3A_1439 : i1 to i32
        %sign3A_1441 = arith.subi %sign3A_1437, %sign3A_1440 : i32
        %ne3A_1442 = arith.cmpi ne, %sign3A_1434, %sign3A_1441 : i32
        %rem3A_1443 = arith.remsi %scan3A_1399, %jit3A_1426 : i32
        %ne3A_1444 = arith.constant 0 : i32
        %ne3A_1445 = arith.cmpi ne, %rem3A_1443, %ne3A_1444 : i32
        %and3A_1446 = arith.andi %ne3A_1442, %ne3A_1445 : i1
        %sub3A_1447 = arith.constant 1 : i32
        %sub3A_1448 = arith.subi %div3A_1427, %sub3A_1447 : i32
        %select_n3A_1449 = arith.select %and3A_1446, %sub3A_1448, %div3A_1427 : i32
        %jit3A_1450 = arith.constant 4 : i32
        %eq3A_1451 = arith.constant 0 : i32
        %eq3A_1452 = arith.cmpi eq, %jit3A_1450, %eq3A_1451 : i32
        %jit3A_1453 = arith.constant 1 : i32
        %select_n3A_1454 = arith.select %eq3A_1452, %jit3A_1453, %jit3A_1450 : i32
        %rem3A_1455 = arith.remsi %select_n3A_1449, %select_n3A_1454 : i32
        %ne3A_1456 = arith.constant 0 : i32
        %ne3A_1457 = arith.cmpi ne, %rem3A_1455, %ne3A_1456 : i32
        %lt3A_1458 = arith.constant 0 : i32
        %lt3A_1459 = arith.cmpi slt, %rem3A_1455, %lt3A_1458 : i32
        %lt3A_1460 = arith.constant 0 : i32
        %lt3A_1461 = arith.cmpi slt, %select_n3A_1454, %lt3A_1460 : i32
        %ne3A_1462 = arith.xori %lt3A_1459, %lt3A_1461 : i1
        %and3A_1463 = arith.andi %ne3A_1462, %ne3A_1457 : i1
        %add3A_1464 = arith.addi %rem3A_1455, %select_n3A_1454 : i32
        %select_n3A_1465 = arith.select %and3A_1463, %add3A_1464, %rem3A_1455 : i32
        %jit3A_1466 = arith.constant 8 : i32
        %eq3A_1467 = arith.constant 0 : i32
        %eq3A_1468 = arith.cmpi eq, %jit3A_1466, %eq3A_1467 : i32
        %jit3A_1469 = arith.constant 1 : i32
        %select_n3A_1470 = arith.select %eq3A_1468, %jit3A_1469, %jit3A_1466 : i32
        %rem3A_1471 = arith.remsi %scan3A_1399, %select_n3A_1470 : i32
        %ne3A_1472 = arith.constant 0 : i32
        %ne3A_1473 = arith.cmpi ne, %rem3A_1471, %ne3A_1472 : i32
        %lt3A_1474 = arith.constant 0 : i32
        %lt3A_1475 = arith.cmpi slt, %rem3A_1471, %lt3A_1474 : i32
        %lt3A_1476 = arith.constant 0 : i32
        %lt3A_1477 = arith.cmpi slt, %select_n3A_1470, %lt3A_1476 : i32
        %ne3A_1478 = arith.xori %lt3A_1475, %lt3A_1477 : i1
        %and3A_1479 = arith.andi %ne3A_1478, %ne3A_1473 : i1
        %add3A_1480 = arith.addi %rem3A_1471, %select_n3A_1470 : i32
        %select_n3A_1481 = arith.select %and3A_1479, %add3A_1480, %rem3A_1471 : i32
        %add3A_1482 = arith.constant 0 : i32
        %add3A_1483 = arith.addi %mul3A_1401, %add3A_1482 : i32
        %get3A_1484 = arith.index_cast %add3A_1483 : i32 to index
        %get3A_1485 = tpu.vector_load %arg10[%get3A_1484] {strides = array<i32>} : memref<16512xf32, #tpu.memory_space<vmem>>, vector<16xf32>,
        %add3A_1486 = arith.constant 16 : i32
        %add3A_1487 = arith.addi %mul3A_1401, %add3A_1486 : i32
        %get3A_1488 = arith.index_cast %add3A_1487 : i32 to index
        %get3A_1489 = tpu.vector_load %arg10[%get3A_1488] {strides = array<i32>} : memref<16512xf32, #tpu.memory_space<vmem>>, vector<16xf32>,
        %add3A_1490 = arith.constant 32 : i32
        %add3A_1491 = arith.addi %mul3A_1401, %add3A_1490 : i32
        %get3A_1492 = arith.index_cast %add3A_1491 : i32 to index
        %get3A_1493 = tpu.vector_load %arg10[%get3A_1492] {strides = array<i32>} : memref<16512xf32, #tpu.memory_space<vmem>>, vector<16xf32>,
        %add3A_1494 = arith.constant 48 : i32
        %add3A_1495 = arith.addi %mul3A_1401, %add3A_1494 : i32
        %get3A_1496 = arith.index_cast %add3A_1495 : i32 to index
        %get3A_1497 = tpu.vector_load %arg10[%get3A_1496] {strides = array<i32>} : memref<16512xf32, #tpu.memory_space<vmem>>, vector<16xf32>,
        %add3A_1498 = arith.constant 64 : i32
        %add3A_1499 = arith.addi %mul3A_1401, %add3A_1498 : i32
        %get3A_1500 = arith.index_cast %add3A_1499 : i32 to index
        %get3A_1501 = tpu.vector_load %arg10[%get3A_1500] {strides = array<i32>} : memref<16512xf32, #tpu.memory_space<vmem>>, vector<16xf32>,
        %add3A_1502 = arith.constant 80 : i32
        %add3A_1503 = arith.addi %mul3A_1401, %add3A_1502 : i32
        %get3A_1504 = arith.index_cast %add3A_1503 : i32 to index
        %get3A_1505 = tpu.vector_load %arg10[%get3A_1504] {strides = array<i32>} : memref<16512xf32, #tpu.memory_space<vmem>>, vector<16xf32>,
        %add3A_1506 = arith.constant 96 : i32
        %add3A_1507 = arith.addi %mul3A_1401, %add3A_1506 : i32
        %get3A_1508 = arith.index_cast %add3A_1507 : i32 to index
        %get3A_1509 = tpu.vector_load %arg10[%get3A_1508] {strides = array<i32>} : memref<16512xf32, #tpu.memory_space<vmem>>, vector<16xf32>,
        %add3A_1510 = arith.constant 112 : i32
        %add3A_1511 = arith.addi %mul3A_1401, %add3A_1510 : i32
        %get3A_1512 = arith.index_cast %add3A_1511 : i32 to index
        %get3A_1513 = tpu.vector_load %arg10[%get3A_1512] {strides = array<i32>} : memref<16512xf32, #tpu.memory_space<vmem>>, vector<16xf32>,
        %swap3A_1514 = arith.index_cast %select_n3A_1425 : i32 to index
        %swap3A_1515 = arith.index_cast %select_n3A_1465 : i32 to index
        %swap3A_1516 = arith.index_cast %select_n3A_1481 : i32 to index
        %swap3A_1517 = arith.constant 0 : index
        %swap3A_1518 = tpu.vector_load %arg11[%swap3A_1514, %swap3A_1515, %swap3A_1516, %swap3A_1517] {strides = array<i32>} : memref<4x4x8x128xf32, #tpu.memory_space<vmem>>, vector<16xf32>,
        tpu.vector_store %arg11[%swap3A_1514, %swap3A_1515, %swap3A_1516, %swap3A_1517], %get3A_1485 {strides = array<i32>} : memref<4x4x8x128xf32, #tpu.memory_space<vmem>>, vector<16xf32>,
        %swap3A_1519 = arith.index_cast %select_n3A_1425 : i32 to index
        %swap3A_1520 = arith.index_cast %select_n3A_1465 : i32 to index
        %swap3A_1521 = arith.index_cast %select_n3A_1481 : i32 to index
        %swap3A_1522 = arith.constant 16 : index
        %swap3A_1523 = tpu.vector_load %arg11[%swap3A_1519, %swap3A_1520, %swap3A_1521, %swap3A_1522] {strides = array<i32>} : memref<4x4x8x128xf32, #tpu.memory_space<vmem>>, vector<16xf32>,
        tpu.vector_store %arg11[%swap3A_1519, %swap3A_1520, %swap3A_1521, %swap3A_1522], %get3A_1489 {strides = array<i32>} : memref<4x4x8x128xf32, #tpu.memory_space<vmem>>, vector<16xf32>,
        %swap3A_1524 = arith.index_cast %select_n3A_1425 : i32 to index
        %swap3A_1525 = arith.index_cast %select_n3A_1465 : i32 to index
        %swap3A_1526 = arith.index_cast %select_n3A_1481 : i32 to index
        %swap3A_1527 = arith.constant 32 : index
        %swap3A_1528 = tpu.vector_load %arg11[%swap3A_1524, %swap3A_1525, %swap3A_1526, %swap3A_1527] {strides = array<i32>} : memref<4x4x8x128xf32, #tpu.memory_space<vmem>>, vector<16xf32>,
        tpu.vector_store %arg11[%swap3A_1524, %swap3A_1525, %swap3A_1526, %swap3A_1527], %get3A_1493 {strides = array<i32>} : memref<4x4x8x128xf32, #tpu.memory_space<vmem>>, vector<16xf32>,
        %swap3A_1529 = arith.index_cast %select_n3A_1425 : i32 to index
        %swap3A_1530 = arith.index_cast %select_n3A_1465 : i32 to index
        %swap3A_1531 = arith.index_cast %select_n3A_1481 : i32 to index
        %swap3A_1532 = arith.constant 48 : index
        %swap3A_1533 = tpu.vector_load %arg11[%swap3A_1529, %swap3A_1530, %swap3A_1531, %swap3A_1532] {strides = array<i32>} : memref<4x4x8x128xf32, #tpu.memory_space<vmem>>, vector<16xf32>,
        tpu.vector_store %arg11[%swap3A_1529, %swap3A_1530, %swap3A_1531, %swap3A_1532], %get3A_1497 {strides = array<i32>} : memref<4x4x8x128xf32, #tpu.memory_space<vmem>>, vector<16xf32>,
        %swap3A_1534 = arith.index_cast %select_n3A_1425 : i32 to index
        %swap3A_1535 = arith.index_cast %select_n3A_1465 : i32 to index
        %swap3A_1536 = arith.index_cast %select_n3A_1481 : i32 to index
        %swap3A_1537 = arith.constant 64 : index
        %swap3A_1538 = tpu.vector_load %arg11[%swap3A_1534, %swap3A_1535, %swap3A_1536, %swap3A_1537] {strides = array<i32>} : memref<4x4x8x128xf32, #tpu.memory_space<vmem>>, vector<16xf32>,
        tpu.vector_store %arg11[%swap3A_1534, %swap3A_1535, %swap3A_1536, %swap3A_1537], %get3A_1501 {strides = array<i32>} : memref<4x4x8x128xf32, #tpu.memory_space<vmem>>, vector<16xf32>,
        %swap3A_1539 = arith.index_cast %select_n3A_1425 : i32 to index
        %swap3A_1540 = arith.index_cast %select_n3A_1465 : i32 to index
        %swap3A_1541 = arith.index_cast %select_n3A_1481 : i32 to index
        %swap3A_1542 = arith.constant 80 : index
        %swap3A_1543 = tpu.vector_load %arg11[%swap3A_1539, %swap3A_1540, %swap3A_1541, %swap3A_1542] {strides = array<i32>} : memref<4x4x8x128xf32, #tpu.memory_space<vmem>>, vector<16xf32>,
        tpu.vector_store %arg11[%swap3A_1539, %swap3A_1540, %swap3A_1541, %swap3A_1542], %get3A_1505 {strides = array<i32>} : memref<4x4x8x128xf32, #tpu.memory_space<vmem>>, vector<16xf32>,
        %swap3A_1544 = arith.index_cast %select_n3A_1425 : i32 to index
        %swap3A_1545 = arith.index_cast %select_n3A_1465 : i32 to index
        %swap3A_1546 = arith.index_cast %select_n3A_1481 : i32 to index
        %swap3A_1547 = arith.constant 96 : index
        %swap3A_1548 = tpu.vector_load %arg11[%swap3A_1544, %swap3A_1545, %swap3A_1546, %swap3A_1547] {strides = array<i32>} : memref<4x4x8x128xf32, #tpu.memory_space<vmem>>, vector<16xf32>,
        tpu.vector_store %arg11[%swap3A_1544, %swap3A_1545, %swap3A_1546, %swap3A_1547], %get3A_1509 {strides = array<i32>} : memref<4x4x8x128xf32, #tpu.memory_space<vmem>>, vector<16xf32>,
        %swap3A_1549 = arith.index_cast %select_n3A_1425 : i32 to index
        %swap3A_1550 = arith.index_cast %select_n3A_1465 : i32 to index
        %swap3A_1551 = arith.index_cast %select_n3A_1481 : i32 to index
        %swap3A_1552 = arith.constant 112 : index
        %swap3A_1553 = tpu.vector_load %arg11[%swap3A_1549, %swap3A_1550, %swap3A_1551, %swap3A_1552] {strides = array<i32>} : memref<4x4x8x128xf32, #tpu.memory_space<vmem>>, vector<16xf32>,
        tpu.vector_store %arg11[%swap3A_1549, %swap3A_1550, %swap3A_1551, %swap3A_1552], %get3A_1513 {strides = array<i32>} : memref<4x4x8x128xf32, #tpu.memory_space<vmem>>, vector<16xf32>,
      }
      %scan3A_172 = arith.constant 128 : i32
      %dma_start3A_173 = arith.constant 0 : i32
      %dma_start3A_174 = arith.constant 0 : i32
      %dma_start3A_175 = arith.constant 0 : i32
      %dma_start3A_176 = tpu.memref_slice %arg5[%mul3A_63, %dma_start3A_173, %add3A, %dma_start3A_174, %dma_start3A_175] : memref<200x4x32x8x128xf32, #tpu.memory_space<hbm>> -> memref<4x4x1x8x128xf32, #tpu.memory_space<hbm>>
      %dma_start3A_177 = tpu.memref_squeeze %dma_start3A_176 : memref<4x4x1x8x128xf32, #tpu.memory_space<hbm>> -> memref<4x4x8x128xf32, #tpu.memory_space<hbm>>
      %dma_start3A_178 = arith.constant 0 : i32
      %dma_start3A_179 = arith.constant 0 : i32
      %dma_start3A_180 = arith.constant 0 : i32
      %dma_start3A_181 = tpu.memref_slice %arg5[%mul3A_63, %dma_start3A_178, %add3A, %dma_start3A_179, %dma_start3A_180] : memref<200x4x32x8x128xf32, #tpu.memory_space<hbm>> -> memref<4x4x1x8x128xf32, #tpu.memory_space<hbm>>
      %dma_start3A_182 = tpu.memref_squeeze %dma_start3A_181 : memref<4x4x1x8x128xf32, #tpu.memory_space<hbm>> -> memref<4x4x8x128xf32, #tpu.memory_space<hbm>>
      tpu.enqueue_dma source(%arg11 : memref<4x4x8x128xf32, #tpu.memory_space<vmem>>) target(%dma_start3A_182 : memref<4x4x8x128xf32, #tpu.memory_space<hbm>>) target_semaphore(%arg15 : memref<!tpu.dma_semaphore, #tpu.memory_space<semaphore_mem>>)
      %mul3A_183 = arith.constant 2 : i32
      %mul3A_184 = arith.muli %scan3A_59, %mul3A_183 : i32
      %add3A_185 = arith.constant 1 : i32
      %add3A_186 = arith.addi %mul3A_184, %add3A_185 : i32
      %mul3A_187 = arith.constant 4 : i32
      %mul3A_188 = arith.muli %add3A_186, %mul3A_187 : i32
      %dma_wait3A_189 = arith.constant 0 : i32
      %dma_wait3A_190 = arith.constant 0 : i32
      %dma_wait3A_191 = tpu.memref_slice %arg3[%dma_wait3A_189, %dma_wait3A_190] : memref<1000000x32xf32, #tpu.memory_space<hbm>> -> memref<512x32xf32, #tpu.memory_space<hbm>>
      %dma_wait3A_192 = arith.constant 0 : i32
      %dma_wait3A_193 = arith.constant 0 : i32
      %dma_wait3A_194 = tpu.memref_slice %arg3[%dma_wait3A_192, %dma_wait3A_193] : memref<1000000x32xf32, #tpu.memory_space<hbm>> -> memref<512x32xf32, #tpu.memory_space<hbm>>
      tpu.wait_dma2 semaphore(%arg14 : memref<!tpu.dma_semaphore, #tpu.memory_space<semaphore_mem>>) src(%dma_wait3A_194 : memref<512x32xf32, #tpu.memory_space<hbm>>) dst(%arg9 : memref<512x32xf32, #tpu.memory_space<vmem>>)
      %add3A_195 = arith.constant 1 : i32
      %add3A_196 = arith.addi %add3A_186, %add3A_195 : i32
      %lt3A_197 = arith.constant 50 : i32
      %lt3A_198 = arith.cmpi slt, %add3A_196, %lt3A_197 : i32
      %convert_element_type3A_199 = arith.extui %lt3A_198 : i1 to i32
      %cond3A_200 = arith.constant 0 : i32
      %cond3A_201 = arith.cmpi ne, %convert_element_type3A_199, %cond3A_200 : i32
      scf.if %cond3A_201 {
        %add3A_317 = arith.constant 1 : i32
        %add3A_318 = arith.addi %add3A_186, %add3A_317 : i32
        %mul3A_319 = arith.constant 4 : i32
        %mul3A_320 = arith.muli %add3A_318, %mul3A_319 : i32
        %mul3A_321 = arith.constant 128 : i32
        %mul3A_322 = arith.muli %add3A, %mul3A_321 : i32
        "tpu.region"() ({
          %run_scoped3A = tpu.sem_alloc : memref<!tpu.dma_semaphore, #tpu.memory_space<semaphore_mem>>
          %dma_start3A_363 = tpu.memref_slice %arg2[%mul3A_320, %mul3A_322] : memref<200x4096xi32, #tpu.memory_space<hbm>> -> memref<4x128xi32, #tpu.memory_space<hbm>>
          %dma_start3A_364 = tpu.memref_slice %arg2[%mul3A_320, %mul3A_322] : memref<200x4096xi32, #tpu.memory_space<hbm>> -> memref<4x128xi32, #tpu.memory_space<hbm>>
          tpu.enqueue_dma source(%dma_start3A_364 : memref<4x128xi32, #tpu.memory_space<hbm>>) target(%arg6 : memref<4x128xi32, #tpu.memory_space<vmem>>) target_semaphore(%run_scoped3A : memref<!tpu.dma_semaphore, #tpu.memory_space<semaphore_mem>>)
          %dma_wait3A_365 = tpu.memref_slice %arg2[%mul3A_320, %mul3A_322] : memref<200x4096xi32, #tpu.memory_space<hbm>> -> memref<4x128xi32, #tpu.memory_space<hbm>>
          %dma_wait3A_366 = tpu.memref_slice %arg2[%mul3A_320, %mul3A_322] : memref<200x4096xi32, #tpu.memory_space<hbm>> -> memref<4x128xi32, #tpu.memory_space<hbm>>
          tpu.wait_dma2 semaphore(%run_scoped3A : memref<!tpu.dma_semaphore, #tpu.memory_space<semaphore_mem>>) src(%dma_wait3A_366 : memref<4x128xi32, #tpu.memory_space<hbm>>) dst(%arg6 : memref<4x128xi32, #tpu.memory_space<vmem>>)
          tpu.yield
        }) : () -> ()
        %dma_start3A_323 = arith.constant 0 : i32
        %dma_start3A_324 = arith.constant 0 : i32
        %dma_start3A_325 = arith.constant 0 : i32
        %dma_start3A_326 = tpu.memref_slice %arg8[%dma_start3A_324, %dma_start3A_325] : memref<512x32xf32, #tpu.memory_space<vmem>> -> memref<128x32xf32, #tpu.memory_space<vmem>>
        %dma_start3A_327 = arith.constant 0 : i32
        %dma_start3A_328 = tpu.memref_slice %arg6[%dma_start3A_323, %dma_start3A_327] : memref<4x128xi32, #tpu.memory_space<vmem>> -> memref<1x128xi32, #tpu.memory_space<vmem>>
        %dma_start3A_329 = tpu.memref_squeeze %dma_start3A_328 : memref<1x128xi32, #tpu.memory_space<vmem>> -> memref<128xi32, #tpu.memory_space<vmem>>
        %dma_start3A_330 = arith.constant 0 : i32
        %dma_start3A_331 = arith.constant 0 : i32
        %dma_start3A_332 = tpu.memref_slice %arg3[%dma_start3A_330, %dma_start3A_331] : memref<1000000x32xf32, #tpu.memory_space<hbm>> -> memref<1000000x32xf32, #tpu.memory_space<hbm>>
        tpu.enqueue_indirect_dma source(%dma_start3A_332 : memref<1000000x32xf32, #tpu.memory_space<hbm>>) target(%dma_start3A_326 : memref<128x32xf32, #tpu.memory_space<vmem>>) offsets(%dma_start3A_329 : memref<128xi32, #tpu.memory_space<vmem>>) semaphore(%arg13 : memref<!tpu.dma_semaphore, #tpu.memory_space<semaphore_mem>>)
        %dma_start3A_333 = arith.constant 1 : i32
        %dma_start3A_334 = arith.constant 128 : i32
        %dma_start3A_335 = arith.constant 0 : i32
        %dma_start3A_336 = tpu.memref_slice %arg8[%dma_start3A_334, %dma_start3A_335] : memref<512x32xf32, #tpu.memory_space<vmem>> -> memref<128x32xf32, #tpu.memory_space<vmem>>
        %dma_start3A_337 = arith.constant 0 : i32
        %dma_start3A_338 = tpu.memref_slice %arg6[%dma_start3A_333, %dma_start3A_337] : memref<4x128xi32, #tpu.memory_space<vmem>> -> memref<1x128xi32, #tpu.memory_space<vmem>>
        %dma_start3A_339 = tpu.memref_squeeze %dma_start3A_338 : memref<1x128xi32, #tpu.memory_space<vmem>> -> memref<128xi32, #tpu.memory_space<vmem>>
        %dma_start3A_340 = arith.constant 0 : i32
        %dma_start3A_341 = arith.constant 0 : i32
        %dma_start3A_342 = tpu.memref_slice %arg3[%dma_start3A_340, %dma_start3A_341] : memref<1000000x32xf32, #tpu.memory_space<hbm>> -> memref<1000000x32xf32, #tpu.memory_space<hbm>>
        tpu.enqueue_indirect_dma source(%dma_start3A_342 : memref<1000000x32xf32, #tpu.memory_space<hbm>>) target(%dma_start3A_336 : memref<128x32xf32, #tpu.memory_space<vmem>>) offsets(%dma_start3A_339 : memref<128xi32, #tpu.memory_space<vmem>>) semaphore(%arg13 : memref<!tpu.dma_semaphore, #tpu.memory_space<semaphore_mem>>)
        %dma_start3A_343 = arith.constant 2 : i32
        %dma_start3A_344 = arith.constant 256 : i32
        %dma_start3A_345 = arith.constant 0 : i32
        %dma_start3A_346 = tpu.memref_slice %arg8[%dma_start3A_344, %dma_start3A_345] : memref<512x32xf32, #tpu.memory_space<vmem>> -> memref<128x32xf32, #tpu.memory_space<vmem>>
        %dma_start3A_347 = arith.constant 0 : i32
        %dma_start3A_348 = tpu.memref_slice %arg6[%dma_start3A_343, %dma_start3A_347] : memref<4x128xi32, #tpu.memory_space<vmem>> -> memref<1x128xi32, #tpu.memory_space<vmem>>
        %dma_start3A_349 = tpu.memref_squeeze %dma_start3A_348 : memref<1x128xi32, #tpu.memory_space<vmem>> -> memref<128xi32, #tpu.memory_space<vmem>>
        %dma_start3A_350 = arith.constant 0 : i32
        %dma_start3A_351 = arith.constant 0 : i32
        %dma_start3A_352 = tpu.memref_slice %arg3[%dma_start3A_350, %dma_start3A_351] : memref<1000000x32xf32, #tpu.memory_space<hbm>> -> memref<1000000x32xf32, #tpu.memory_space<hbm>>
        tpu.enqueue_indirect_dma source(%dma_start3A_352 : memref<1000000x32xf32, #tpu.memory_space<hbm>>) target(%dma_start3A_346 : memref<128x32xf32, #tpu.memory_space<vmem>>) offsets(%dma_start3A_349 : memref<128xi32, #tpu.memory_space<vmem>>) semaphore(%arg13 : memref<!tpu.dma_semaphore, #tpu.memory_space<semaphore_mem>>)
        %dma_start3A_353 = arith.constant 3 : i32
        %dma_start3A_354 = arith.constant 384 : i32
        %dma_start3A_355 = arith.constant 0 : i32
        %dma_start3A_356 = tpu.memref_slice %arg8[%dma_start3A_354, %dma_start3A_355] : memref<512x32xf32, #tpu.memory_space<vmem>> -> memref<128x32xf32, #tpu.memory_space<vmem>>
        %dma_start3A_357 = arith.constant 0 : i32
        %dma_start3A_358 = tpu.memref_slice %arg6[%dma_start3A_353, %dma_start3A_357] : memref<4x128xi32, #tpu.memory_space<vmem>> -> memref<1x128xi32, #tpu.memory_space<vmem>>
        %dma_start3A_359 = tpu.memref_squeeze %dma_start3A_358 : memref<1x128xi32, #tpu.memory_space<vmem>> -> memref<128xi32, #tpu.memory_space<vmem>>
        %dma_start3A_360 = arith.constant 0 : i32
        %dma_start3A_361 = arith.constant 0 : i32
        %dma_start3A_362 = tpu.memref_slice %arg3[%dma_start3A_360, %dma_start3A_361] : memref<1000000x32xf32, #tpu.memory_space<hbm>> -> memref<1000000x32xf32, #tpu.memory_space<hbm>>
        tpu.enqueue_indirect_dma source(%dma_start3A_362 : memref<1000000x32xf32, #tpu.memory_space<hbm>>) target(%dma_start3A_356 : memref<128x32xf32, #tpu.memory_space<vmem>>) offsets(%dma_start3A_359 : memref<128xi32, #tpu.memory_space<vmem>>) semaphore(%arg13 : memref<!tpu.dma_semaphore, #tpu.memory_space<semaphore_mem>>)
      } else {
      }
      %ge3A_202 = arith.constant 1 : i32
      %ge3A_203 = arith.cmpi sge, %add3A_186, %ge3A_202 : i32
      %convert_element_type3A_204 = arith.extui %ge3A_203 : i1 to i32
      %cond3A_205 = arith.constant 0 : i32
      %cond3A_206 = arith.cmpi ne, %convert_element_type3A_204, %cond3A_205 : i32
      scf.if %cond3A_206 {
        %dma_wait3A_317 = arith.constant 0 : i32
        %dma_wait3A_318 = arith.constant 0 : i32
        %dma_wait3A_319 = arith.constant 0 : i32
        %dma_wait3A_320 = arith.constant 0 : i32
        %dma_wait3A_321 = arith.constant 0 : i32
        %dma_wait3A_322 = tpu.memref_slice %arg5[%dma_wait3A_318, %dma_wait3A_319, %dma_wait3A_317, %dma_wait3A_320, %dma_wait3A_321] : memref<200x4x32x8x128xf32, #tpu.memory_space<hbm>> -> memref<4x4x1x8x128xf32, #tpu.memory_space<hbm>>
        %dma_wait3A_323 = tpu.memref_squeeze %dma_wait3A_322 : memref<4x4x1x8x128xf32, #tpu.memory_space<hbm>> -> memref<4x4x8x128xf32, #tpu.memory_space<hbm>>
        %dma_wait3A_324 = arith.constant 0 : i32
        %dma_wait3A_325 = arith.constant 0 : i32
        %dma_wait3A_326 = arith.constant 0 : i32
        %dma_wait3A_327 = arith.constant 0 : i32
        %dma_wait3A_328 = tpu.memref_slice %arg5[%dma_wait3A_324, %dma_wait3A_325, %dma_wait3A_317, %dma_wait3A_326, %dma_wait3A_327] : memref<200x4x32x8x128xf32, #tpu.memory_space<hbm>> -> memref<4x4x1x8x128xf32, #tpu.memory_space<hbm>>
        %dma_wait3A_329 = tpu.memref_squeeze %dma_wait3A_328 : memref<4x4x1x8x128xf32, #tpu.memory_space<hbm>> -> memref<4x4x8x128xf32, #tpu.memory_space<hbm>>
        tpu.wait_dma2 semaphore(%arg15 : memref<!tpu.dma_semaphore, #tpu.memory_space<semaphore_mem>>) src(%dma_wait3A_329 : memref<4x4x8x128xf32, #tpu.memory_space<hbm>>) dst(%arg11 : memref<4x4x8x128xf32, #tpu.memory_space<vmem>>)
      } else {
      }
      %iota3A_207 = tpu.iota {dimensions = array<i32: 0>} : vector<16xi32>
      %add3A_208 = arith.constant 0 : i32
      %add3A_209 = vector.broadcast %add3A_208 : i32 to vector<16xi32>
      %add3A_210 = arith.addi %iota3A_207, %add3A_209 : vector<16xi32>
      %shift_right_arithmetic3A_211 = arith.constant 3 : i32
      %shift_right_arithmetic3A_212 = vector.broadcast %shift_right_arithmetic3A_211 : i32 to vector<16xi32>
      %shift_right_arithmetic3A_213 = arith.shrsi %add3A_210, %shift_right_arithmetic3A_212 : vector<16xi32>
      %mul3A_214 = arith.constant 1032 : i32
      %mul3A_215 = vector.broadcast %mul3A_214 : i32 to vector<16xi32>
      %mul3A_216 = arith.muli %shift_right_arithmetic3A_213, %mul3A_215 : vector<16xi32>
      %and3A_217 = arith.constant 7 : i32
      %and3A_218 = vector.broadcast %and3A_217 : i32 to vector<16xi32>
      %and3A_219 = arith.andi %add3A_210, %and3A_218 : vector<16xi32>
      %mul3A_220 = arith.constant 129 : i32
      %mul3A_221 = vector.broadcast %mul3A_220 : i32 to vector<16xi32>
      %mul3A_222 = arith.muli %and3A_219, %mul3A_221 : vector<16xi32>
      %add3A_223 = arith.addi %mul3A_216, %mul3A_222 : vector<16xi32>
      %add3A_224 = arith.constant 16 : i32
      %add3A_225 = vector.broadcast %add3A_224 : i32 to vector<16xi32>
      %add3A_226 = arith.addi %iota3A_207, %add3A_225 : vector<16xi32>
      %shift_right_arithmetic3A_227 = arith.constant 3 : i32
      %shift_right_arithmetic3A_228 = vector.broadcast %shift_right_arithmetic3A_227 : i32 to vector<16xi32>
      %shift_right_arithmetic3A_229 = arith.shrsi %add3A_226, %shift_right_arithmetic3A_228 : vector<16xi32>
      %mul3A_230 = arith.constant 1032 : i32
      %mul3A_231 = vector.broadcast %mul3A_230 : i32 to vector<16xi32>
      %mul3A_232 = arith.muli %shift_right_arithmetic3A_229, %mul3A_231 : vector<16xi32>
      %and3A_233 = arith.constant 7 : i32
      %and3A_234 = vector.broadcast %and3A_233 : i32 to vector<16xi32>
      %and3A_235 = arith.andi %add3A_226, %and3A_234 : vector<16xi32>
      %mul3A_236 = arith.constant 129 : i32
      %mul3A_237 = vector.broadcast %mul3A_236 : i32 to vector<16xi32>
      %mul3A_238 = arith.muli %and3A_235, %mul3A_237 : vector<16xi32>
      %add3A_239 = arith.addi %mul3A_232, %mul3A_238 : vector<16xi32>
      %add3A_240 = arith.constant 0 : i32
      %add3A_241 = vector.broadcast %add3A_240 : i32 to vector<16xi32>
      %add3A_242 = arith.addi %iota3A_207, %add3A_241 : vector<16xi32>
      %add3A_243 = arith.constant 0 : i32
      %add3A_244 = arith.addi %mul3A_188, %add3A_243 : i32
      %broadcast_in_dim3A_245 = vector.broadcast %add3A_244 : i32 to vector<16xi32>
      %gather3A_246 = tpu.vector_load_idx %arg12[%add3A_242, %broadcast_in_dim3A_245] : memref<32x200xf32, #tpu.memory_space<vmem>>[vector<16xi32>, vector<16xi32>], vector<16xf32>,
      %add3A_247 = arith.constant 16 : i32
      %add3A_248 = vector.broadcast %add3A_247 : i32 to vector<16xi32>
      %add3A_249 = arith.addi %iota3A_207, %add3A_248 : vector<16xi32>
      %add3A_250 = arith.constant 0 : i32
      %add3A_251 = arith.addi %mul3A_188, %add3A_250 : i32
      %broadcast_in_dim3A_252 = vector.broadcast %add3A_251 : i32 to vector<16xi32>
      %gather3A_253 = tpu.vector_load_idx %arg12[%add3A_249, %broadcast_in_dim3A_252] : memref<32x200xf32, #tpu.memory_space<vmem>>[vector<16xi32>, vector<16xi32>], vector<16xf32>,
      %add3A_254 = arith.constant 0 : i32
      %add3A_255 = vector.broadcast %add3A_254 : i32 to vector<16xi32>
      %add3A_256 = arith.addi %iota3A_207, %add3A_255 : vector<16xi32>
      %add3A_257 = arith.constant 1 : i32
      %add3A_258 = arith.addi %mul3A_188, %add3A_257 : i32
      %broadcast_in_dim3A_259 = vector.broadcast %add3A_258 : i32 to vector<16xi32>
      %gather3A_260 = tpu.vector_load_idx %arg12[%add3A_256, %broadcast_in_dim3A_259] : memref<32x200xf32, #tpu.memory_space<vmem>>[vector<16xi32>, vector<16xi32>], vector<16xf32>,
      %add3A_261 = arith.constant 16 : i32
      %add3A_262 = vector.broadcast %add3A_261 : i32 to vector<16xi32>
      %add3A_263 = arith.addi %iota3A_207, %add3A_262 : vector<16xi32>
      %add3A_264 = arith.constant 1 : i32
      %add3A_265 = arith.addi %mul3A_188, %add3A_264 : i32
      %broadcast_in_dim3A_266 = vector.broadcast %add3A_265 : i32 to vector<16xi32>
      %gather3A_267 = tpu.vector_load_idx %arg12[%add3A_263, %broadcast_in_dim3A_266] : memref<32x200xf32, #tpu.memory_space<vmem>>[vector<16xi32>, vector<16xi32>], vector<16xf32>,
      %add3A_268 = arith.constant 0 : i32
      %add3A_269 = vector.broadcast %add3A_268 : i32 to vector<16xi32>
      %add3A_270 = arith.addi %iota3A_207, %add3A_269 : vector<16xi32>
      %add3A_271 = arith.constant 2 : i32
      %add3A_272 = arith.addi %mul3A_188, %add3A_271 : i32
      %broadcast_in_dim3A_273 = vector.broadcast %add3A_272 : i32 to vector<16xi32>
      %gather3A_274 = tpu.vector_load_idx %arg12[%add3A_270, %broadcast_in_dim3A_273] : memref<32x200xf32, #tpu.memory_space<vmem>>[vector<16xi32>, vector<16xi32>], vector<16xf32>,
      %add3A_275 = arith.constant 16 : i32
      %add3A_276 = vector.broadcast %add3A_275 : i32 to vector<16xi32>
      %add3A_277 = arith.addi %iota3A_207, %add3A_276 : vector<16xi32>
      %add3A_278 = arith.constant 2 : i32
      %add3A_279 = arith.addi %mul3A_188, %add3A_278 : i32
      %broadcast_in_dim3A_280 = vector.broadcast %add3A_279 : i32 to vector<16xi32>
      %gather3A_281 = tpu.vector_load_idx %arg12[%add3A_277, %broadcast_in_dim3A_280] : memref<32x200xf32, #tpu.memory_space<vmem>>[vector<16xi32>, vector<16xi32>], vector<16xf32>,
      %add3A_282 = arith.constant 0 : i32
      %add3A_283 = vector.broadcast %add3A_282 : i32 to vector<16xi32>
      %add3A_284 = arith.addi %iota3A_207, %add3A_283 : vector<16xi32>
      %add3A_285 = arith.constant 3 : i32
      %add3A_286 = arith.addi %mul3A_188, %add3A_285 : i32
      %broadcast_in_dim3A_287 = vector.broadcast %add3A_286 : i32 to vector<16xi32>
      %gather3A_288 = tpu.vector_load_idx %arg12[%add3A_284, %broadcast_in_dim3A_287] : memref<32x200xf32, #tpu.memory_space<vmem>>[vector<16xi32>, vector<16xi32>], vector<16xf32>,
      %add3A_289 = arith.constant 16 : i32
      %add3A_290 = vector.broadcast %add3A_289 : i32 to vector<16xi32>
      %add3A_291 = arith.addi %iota3A_207, %add3A_290 : vector<16xi32>
      %add3A_292 = arith.constant 3 : i32
      %add3A_293 = arith.addi %mul3A_188, %add3A_292 : i32
      %broadcast_in_dim3A_294 = vector.broadcast %add3A_293 : i32 to vector<16xi32>
      %gather3A_295 = tpu.vector_load_idx %arg12[%add3A_291, %broadcast_in_dim3A_294] : memref<32x200xf32, #tpu.memory_space<vmem>>[vector<16xi32>, vector<16xi32>], vector<16xf32>,
      %scan3A_296 = arith.constant 0 : i32
      %scan3A_297 = arith.constant 128 : i32
      %scan3A_298 = arith.addi %scan3A_296, %scan3A_297 : i32
      %scan3A_299 = arith.constant 8 : i32
      scf.for %scan3A_317 = %scan3A_296 to %scan3A_298 step %scan3A_299  : i32 {
        %add3A_318 = arith.constant 0 : i32
        %add3A_319 = arith.addi %add3A_318, %scan3A_317 : i32
        %get3A = arith.index_cast %add3A_319 : i32 to index
        %get3A_320 = arith.constant 0 : index
        %get3A_321 = tpu.vector_load %arg9[%get3A, %get3A_320] {strides = array<i32>} : memref<512x32xf32, #tpu.memory_space<vmem>>, vector<16xf32>,
        %add3A_322 = arith.constant 0 : i32
        %add3A_323 = arith.addi %add3A_322, %scan3A_317 : i32
        %get3A_324 = arith.index_cast %add3A_323 : i32 to index
        %get3A_325 = arith.constant 16 : index
        %get3A_326 = tpu.vector_load %arg9[%get3A_324, %get3A_325] {strides = array<i32>} : memref<512x32xf32, #tpu.memory_space<vmem>>, vector<16xf32>,
        %add3A_327 = arith.constant 128 : i32
        %add3A_328 = arith.addi %add3A_327, %scan3A_317 : i32
        %get3A_329 = arith.index_cast %add3A_328 : i32 to index
        %get3A_330 = arith.constant 0 : index
        %get3A_331 = tpu.vector_load %arg9[%get3A_329, %get3A_330] {strides = array<i32>} : memref<512x32xf32, #tpu.memory_space<vmem>>, vector<16xf32>,
        %add3A_332 = arith.constant 128 : i32
        %add3A_333 = arith.addi %add3A_332, %scan3A_317 : i32
        %get3A_334 = arith.index_cast %add3A_333 : i32 to index
        %get3A_335 = arith.constant 16 : index
        %get3A_336 = tpu.vector_load %arg9[%get3A_334, %get3A_335] {strides = array<i32>} : memref<512x32xf32, #tpu.memory_space<vmem>>, vector<16xf32>,
        %add3A_337 = arith.constant 256 : i32
        %add3A_338 = arith.addi %add3A_337, %scan3A_317 : i32
        %get3A_339 = arith.index_cast %add3A_338 : i32 to index
        %get3A_340 = arith.constant 0 : index
        %get3A_341 = tpu.vector_load %arg9[%get3A_339, %get3A_340] {strides = array<i32>} : memref<512x32xf32, #tpu.memory_space<vmem>>, vector<16xf32>,
        %add3A_342 = arith.constant 256 : i32
        %add3A_343 = arith.addi %add3A_342, %scan3A_317 : i32
        %get3A_344 = arith.index_cast %add3A_343 : i32 to index
        %get3A_345 = arith.constant 16 : index
        %get3A_346 = tpu.vector_load %arg9[%get3A_344, %get3A_345] {strides = array<i32>} : memref<512x32xf32, #tpu.memory_space<vmem>>, vector<16xf32>,
        %add3A_347 = arith.constant 384 : i32
        %add3A_348 = arith.addi %add3A_347, %scan3A_317 : i32
        %get3A_349 = arith.index_cast %add3A_348 : i32 to index
        %get3A_350 = arith.constant 0 : index
        %get3A_351 = tpu.vector_load %arg9[%get3A_349, %get3A_350] {strides = array<i32>} : memref<512x32xf32, #tpu.memory_space<vmem>>, vector<16xf32>,
        %add3A_352 = arith.constant 384 : i32
        %add3A_353 = arith.addi %add3A_352, %scan3A_317 : i32
        %get3A_354 = arith.index_cast %add3A_353 : i32 to index
        %get3A_355 = arith.constant 16 : index
        %get3A_356 = tpu.vector_load %arg9[%get3A_354, %get3A_355] {strides = array<i32>} : memref<512x32xf32, #tpu.memory_space<vmem>>, vector<16xf32>,
        %add3A_357 = arith.constant 0 : i32
        %add3A_358 = arith.addi %add3A_357, %scan3A_317 : i32
        %add3A_359 = vector.broadcast %add3A_358 : i32 to vector<16xi32>
        %add3A_360 = arith.addi %add3A_223, %add3A_359 : vector<16xi32>
        %add3A_361 = arith.addf %get3A_321, %gather3A_246 : vector<16xf32>
        tpu.vector_store_idx %arg10[%add3A_360], %add3A_361 : memref<16512xf32, #tpu.memory_space<vmem>>[vector<16xi32>], vector<16xf32>,
        %add3A_362 = vector.broadcast %add3A_358 : i32 to vector<16xi32>
        %add3A_363 = arith.addi %add3A_239, %add3A_362 : vector<16xi32>
        %add3A_364 = arith.addf %get3A_326, %gather3A_253 : vector<16xf32>
        tpu.vector_store_idx %arg10[%add3A_363], %add3A_364 : memref<16512xf32, #tpu.memory_space<vmem>>[vector<16xi32>], vector<16xf32>,
        %add3A_365 = arith.constant 4128 : i32
        %add3A_366 = arith.addi %add3A_365, %scan3A_317 : i32
        %add3A_367 = vector.broadcast %add3A_366 : i32 to vector<16xi32>
        %add3A_368 = arith.addi %add3A_223, %add3A_367 : vector<16xi32>
        %add3A_369 = arith.addf %get3A_331, %gather3A_260 : vector<16xf32>
        tpu.vector_store_idx %arg10[%add3A_368], %add3A_369 : memref<16512xf32, #tpu.memory_space<vmem>>[vector<16xi32>], vector<16xf32>,
        %add3A_370 = vector.broadcast %add3A_366 : i32 to vector<16xi32>
        %add3A_371 = arith.addi %add3A_239, %add3A_370 : vector<16xi32>
        %add3A_372 = arith.addf %get3A_336, %gather3A_267 : vector<16xf32>
        tpu.vector_store_idx %arg10[%add3A_371], %add3A_372 : memref<16512xf32, #tpu.memory_space<vmem>>[vector<16xi32>], vector<16xf32>,
        %add3A_373 = arith.constant 8256 : i32
        %add3A_374 = arith.addi %add3A_373, %scan3A_317 : i32
        %add3A_375 = vector.broadcast %add3A_374 : i32 to vector<16xi32>
        %add3A_376 = arith.addi %add3A_223, %add3A_375 : vector<16xi32>
        %add3A_377 = arith.addf %get3A_341, %gather3A_274 : vector<16xf32>
        tpu.vector_store_idx %arg10[%add3A_376], %add3A_377 : memref<16512xf32, #tpu.memory_space<vmem>>[vector<16xi32>], vector<16xf32>,
        %add3A_378 = vector.broadcast %add3A_374 : i32 to vector<16xi32>
        %add3A_379 = arith.addi %add3A_239, %add3A_378 : vector<16xi32>
        %add3A_380 = arith.addf %get3A_346, %gather3A_281 : vector<16xf32>
        tpu.vector_store_idx %arg10[%add3A_379], %add3A_380 : memref<16512xf32, #tpu.memory_space<vmem>>[vector<16xi32>], vector<16xf32>,
        %add3A_381 = arith.constant 12384 : i32
        %add3A_382 = arith.addi %add3A_381, %scan3A_317 : i32
        %add3A_383 = vector.broadcast %add3A_382 : i32 to vector<16xi32>
        %add3A_384 = arith.addi %add3A_223, %add3A_383 : vector<16xi32>
        %add3A_385 = arith.addf %get3A_351, %gather3A_288 : vector<16xf32>
        tpu.vector_store_idx %arg10[%add3A_384], %add3A_385 : memref<16512xf32, #tpu.memory_space<vmem>>[vector<16xi32>], vector<16xf32>,
        %add3A_386 = vector.broadcast %add3A_382 : i32 to vector<16xi32>
        %add3A_387 = arith.addi %add3A_239, %add3A_386 : vector<16xi32>
        %add3A_388 = arith.addf %get3A_356, %gather3A_295 : vector<16xf32>
        tpu.vector_store_idx %arg10[%add3A_387], %add3A_388 : memref<16512xf32, #tpu.memory_space<vmem>>[vector<16xi32>], vector<16xf32>,
        %scan3A_389 = arith.constant 1 : i32
        %scan3A_390 = arith.addi %scan3A_317, %scan3A_389 : i32
        %add3A_391 = arith.constant 0 : i32
        %add3A_392 = arith.addi %add3A_391, %scan3A_390 : i32
        %get3A_393 = arith.index_cast %add3A_392 : i32 to index
        %get3A_394 = arith.constant 0 : index
        %get3A_395 = tpu.vector_load %arg9[%get3A_393, %get3A_394] {strides = array<i32>} : memref<512x32xf32, #tpu.memory_space<vmem>>, vector<16xf32>,
        %add3A_396 = arith.constant 0 : i32
        %add3A_397 = arith.addi %add3A_396, %scan3A_390 : i32
        %get3A_398 = arith.index_cast %add3A_397 : i32 to index
        %get3A_399 = arith.constant 16 : index
        %get3A_400 = tpu.vector_load %arg9[%get3A_398, %get3A_399] {strides = array<i32>} : memref<512x32xf32, #tpu.memory_space<vmem>>, vector<16xf32>,
        %add3A_401 = arith.constant 128 : i32
        %add3A_402 = arith.addi %add3A_401, %scan3A_390 : i32
        %get3A_403 = arith.index_cast %add3A_402 : i32 to index
        %get3A_404 = arith.constant 0 : index
        %get3A_405 = tpu.vector_load %arg9[%get3A_403, %get3A_404] {strides = array<i32>} : memref<512x32xf32, #tpu.memory_space<vmem>>, vector<16xf32>,
        %add3A_406 = arith.constant 128 : i32
        %add3A_407 = arith.addi %add3A_406, %scan3A_390 : i32
        %get3A_408 = arith.index_cast %add3A_407 : i32 to index
        %get3A_409 = arith.constant 16 : index
        %get3A_410 = tpu.vector_load %arg9[%get3A_408, %get3A_409] {strides = array<i32>} : memref<512x32xf32, #tpu.memory_space<vmem>>, vector<16xf32>,
        %add3A_411 = arith.constant 256 : i32
        %add3A_412 = arith.addi %add3A_411, %scan3A_390 : i32
        %get3A_413 = arith.index_cast %add3A_412 : i32 to index
        %get3A_414 = arith.constant 0 : index
        %get3A_415 = tpu.vector_load %arg9[%get3A_413, %get3A_414] {strides = array<i32>} : memref<512x32xf32, #tpu.memory_space<vmem>>, vector<16xf32>,
        %add3A_416 = arith.constant 256 : i32
        %add3A_417 = arith.addi %add3A_416, %scan3A_390 : i32
        %get3A_418 = arith.index_cast %add3A_417 : i32 to index
        %get3A_419 = arith.constant 16 : index
        %get3A_420 = tpu.vector_load %arg9[%get3A_418, %get3A_419] {strides = array<i32>} : memref<512x32xf32, #tpu.memory_space<vmem>>, vector<16xf32>,
        %add3A_421 = arith.constant 384 : i32
        %add3A_422 = arith.addi %add3A_421, %scan3A_390 : i32
        %get3A_423 = arith.index_cast %add3A_422 : i32 to index
        %get3A_424 = arith.constant 0 : index
        %get3A_425 = tpu.vector_load %arg9[%get3A_423, %get3A_424] {strides = array<i32>} : memref<512x32xf32, #tpu.memory_space<vmem>>, vector<16xf32>,
        %add3A_426 = arith.constant 384 : i32
        %add3A_427 = arith.addi %add3A_426, %scan3A_390 : i32
        %get3A_428 = arith.index_cast %add3A_427 : i32 to index
        %get3A_429 = arith.constant 16 : index
        %get3A_430 = tpu.vector_load %arg9[%get3A_428, %get3A_429] {strides = array<i32>} : memref<512x32xf32, #tpu.memory_space<vmem>>, vector<16xf32>,
        %add3A_431 = arith.constant 0 : i32
        %add3A_432 = arith.addi %add3A_431, %scan3A_390 : i32
        %add3A_433 = vector.broadcast %add3A_432 : i32 to vector<16xi32>
        %add3A_434 = arith.addi %add3A_223, %add3A_433 : vector<16xi32>
        %add3A_435 = arith.addf %get3A_395, %gather3A_246 : vector<16xf32>
        tpu.vector_store_idx %arg10[%add3A_434], %add3A_435 : memref<16512xf32, #tpu.memory_space<vmem>>[vector<16xi32>], vector<16xf32>,
        %add3A_436 = vector.broadcast %add3A_432 : i32 to vector<16xi32>
        %add3A_437 = arith.addi %add3A_239, %add3A_436 : vector<16xi32>
        %add3A_438 = arith.addf %get3A_400, %gather3A_253 : vector<16xf32>
        tpu.vector_store_idx %arg10[%add3A_437], %add3A_438 : memref<16512xf32, #tpu.memory_space<vmem>>[vector<16xi32>], vector<16xf32>,
        %add3A_439 = arith.constant 4128 : i32
        %add3A_440 = arith.addi %add3A_439, %scan3A_390 : i32
        %add3A_441 = vector.broadcast %add3A_440 : i32 to vector<16xi32>
        %add3A_442 = arith.addi %add3A_223, %add3A_441 : vector<16xi32>
        %add3A_443 = arith.addf %get3A_405, %gather3A_260 : vector<16xf32>
        tpu.vector_store_idx %arg10[%add3A_442], %add3A_443 : memref<16512xf32, #tpu.memory_space<vmem>>[vector<16xi32>], vector<16xf32>,
        %add3A_444 = vector.broadcast %add3A_440 : i32 to vector<16xi32>
        %add3A_445 = arith.addi %add3A_239, %add3A_444 : vector<16xi32>
        %add3A_446 = arith.addf %get3A_410, %gather3A_267 : vector<16xf32>
        tpu.vector_store_idx %arg10[%add3A_445], %add3A_446 : memref<16512xf32, #tpu.memory_space<vmem>>[vector<16xi32>], vector<16xf32>,
        %add3A_447 = arith.constant 8256 : i32
        %add3A_448 = arith.addi %add3A_447, %scan3A_390 : i32
        %add3A_449 = vector.broadcast %add3A_448 : i32 to vector<16xi32>
        %add3A_450 = arith.addi %add3A_223, %add3A_449 : vector<16xi32>
        %add3A_451 = arith.addf %get3A_415, %gather3A_274 : vector<16xf32>
        tpu.vector_store_idx %arg10[%add3A_450], %add3A_451 : memref<16512xf32, #tpu.memory_space<vmem>>[vector<16xi32>], vector<16xf32>,
        %add3A_452 = vector.broadcast %add3A_448 : i32 to vector<16xi32>
        %add3A_453 = arith.addi %add3A_239, %add3A_452 : vector<16xi32>
        %add3A_454 = arith.addf %get3A_420, %gather3A_281 : vector<16xf32>
        tpu.vector_store_idx %arg10[%add3A_453], %add3A_454 : memref<16512xf32, #tpu.memory_space<vmem>>[vector<16xi32>], vector<16xf32>,
        %add3A_455 = arith.constant 12384 : i32
        %add3A_456 = arith.addi %add3A_455, %scan3A_390 : i32
        %add3A_457 = vector.broadcast %add3A_456 : i32 to vector<16xi32>
        %add3A_458 = arith.addi %add3A_223, %add3A_457 : vector<16xi32>
        %add3A_459 = arith.addf %get3A_425, %gather3A_288 : vector<16xf32>
        tpu.vector_store_idx %arg10[%add3A_458], %add3A_459 : memref<16512xf32, #tpu.memory_space<vmem>>[vector<16xi32>], vector<16xf32>,
        %add3A_460 = vector.broadcast %add3A_456 : i32 to vector<16xi32>
        %add3A_461 = arith.addi %add3A_239, %add3A_460 : vector<16xi32>
        %add3A_462 = arith.addf %get3A_430, %gather3A_295 : vector<16xf32>
        tpu.vector_store_idx %arg10[%add3A_461], %add3A_462 : memref<16512xf32, #tpu.memory_space<vmem>>[vector<16xi32>], vector<16xf32>,
        %scan3A_463 = arith.constant 2 : i32
        %scan3A_464 = arith.addi %scan3A_317, %scan3A_463 : i32
        %add3A_465 = arith.constant 0 : i32
        %add3A_466 = arith.addi %add3A_465, %scan3A_464 : i32
        %get3A_467 = arith.index_cast %add3A_466 : i32 to index
        %get3A_468 = arith.constant 0 : index
        %get3A_469 = tpu.vector_load %arg9[%get3A_467, %get3A_468] {strides = array<i32>} : memref<512x32xf32, #tpu.memory_space<vmem>>, vector<16xf32>,
        %add3A_470 = arith.constant 0 : i32
        %add3A_471 = arith.addi %add3A_470, %scan3A_464 : i32
        %get3A_472 = arith.index_cast %add3A_471 : i32 to index
        %get3A_473 = arith.constant 16 : index
        %get3A_474 = tpu.vector_load %arg9[%get3A_472, %get3A_473] {strides = array<i32>} : memref<512x32xf32, #tpu.memory_space<vmem>>, vector<16xf32>,
        %add3A_475 = arith.constant 128 : i32
        %add3A_476 = arith.addi %add3A_475, %scan3A_464 : i32
        %get3A_477 = arith.index_cast %add3A_476 : i32 to index
        %get3A_478 = arith.constant 0 : index
        %get3A_479 = tpu.vector_load %arg9[%get3A_477, %get3A_478] {strides = array<i32>} : memref<512x32xf32, #tpu.memory_space<vmem>>, vector<16xf32>,
        %add3A_480 = arith.constant 128 : i32
        %add3A_481 = arith.addi %add3A_480, %scan3A_464 : i32
        %get3A_482 = arith.index_cast %add3A_481 : i32 to index
        %get3A_483 = arith.constant 16 : index
        %get3A_484 = tpu.vector_load %arg9[%get3A_482, %get3A_483] {strides = array<i32>} : memref<512x32xf32, #tpu.memory_space<vmem>>, vector<16xf32>,
        %add3A_485 = arith.constant 256 : i32
        %add3A_486 = arith.addi %add3A_485, %scan3A_464 : i32
        %get3A_487 = arith.index_cast %add3A_486 : i32 to index
        %get3A_488 = arith.constant 0 : index
        %get3A_489 = tpu.vector_load %arg9[%get3A_487, %get3A_488] {strides = array<i32>} : memref<512x32xf32, #tpu.memory_space<vmem>>, vector<16xf32>,
        %add3A_490 = arith.constant 256 : i32
        %add3A_491 = arith.addi %add3A_490, %scan3A_464 : i32
        %get3A_492 = arith.index_cast %add3A_491 : i32 to index
        %get3A_493 = arith.constant 16 : index
        %get3A_494 = tpu.vector_load %arg9[%get3A_492, %get3A_493] {strides = array<i32>} : memref<512x32xf32, #tpu.memory_space<vmem>>, vector<16xf32>,
        %add3A_495 = arith.constant 384 : i32
        %add3A_496 = arith.addi %add3A_495, %scan3A_464 : i32
        %get3A_497 = arith.index_cast %add3A_496 : i32 to index
        %get3A_498 = arith.constant 0 : index
        %get3A_499 = tpu.vector_load %arg9[%get3A_497, %get3A_498] {strides = array<i32>} : memref<512x32xf32, #tpu.memory_space<vmem>>, vector<16xf32>,
        %add3A_500 = arith.constant 384 : i32
        %add3A_501 = arith.addi %add3A_500, %scan3A_464 : i32
        %get3A_502 = arith.index_cast %add3A_501 : i32 to index
        %get3A_503 = arith.constant 16 : index
        %get3A_504 = tpu.vector_load %arg9[%get3A_502, %get3A_503] {strides = array<i32>} : memref<512x32xf32, #tpu.memory_space<vmem>>, vector<16xf32>,
        %add3A_505 = arith.constant 0 : i32
        %add3A_506 = arith.addi %add3A_505, %scan3A_464 : i32
        %add3A_507 = vector.broadcast %add3A_506 : i32 to vector<16xi32>
        %add3A_508 = arith.addi %add3A_223, %add3A_507 : vector<16xi32>
        %add3A_509 = arith.addf %get3A_469, %gather3A_246 : vector<16xf32>
        tpu.vector_store_idx %arg10[%add3A_508], %add3A_509 : memref<16512xf32, #tpu.memory_space<vmem>>[vector<16xi32>], vector<16xf32>,
        %add3A_510 = vector.broadcast %add3A_506 : i32 to vector<16xi32>
        %add3A_511 = arith.addi %add3A_239, %add3A_510 : vector<16xi32>
        %add3A_512 = arith.addf %get3A_474, %gather3A_253 : vector<16xf32>
        tpu.vector_store_idx %arg10[%add3A_511], %add3A_512 : memref<16512xf32, #tpu.memory_space<vmem>>[vector<16xi32>], vector<16xf32>,
        %add3A_513 = arith.constant 4128 : i32
        %add3A_514 = arith.addi %add3A_513, %scan3A_464 : i32
        %add3A_515 = vector.broadcast %add3A_514 : i32 to vector<16xi32>
        %add3A_516 = arith.addi %add3A_223, %add3A_515 : vector<16xi32>
        %add3A_517 = arith.addf %get3A_479, %gather3A_260 : vector<16xf32>
        tpu.vector_store_idx %arg10[%add3A_516], %add3A_517 : memref<16512xf32, #tpu.memory_space<vmem>>[vector<16xi32>], vector<16xf32>,
        %add3A_518 = vector.broadcast %add3A_514 : i32 to vector<16xi32>
        %add3A_519 = arith.addi %add3A_239, %add3A_518 : vector<16xi32>
        %add3A_520 = arith.addf %get3A_484, %gather3A_267 : vector<16xf32>
        tpu.vector_store_idx %arg10[%add3A_519], %add3A_520 : memref<16512xf32, #tpu.memory_space<vmem>>[vector<16xi32>], vector<16xf32>,
        %add3A_521 = arith.constant 8256 : i32
        %add3A_522 = arith.addi %add3A_521, %scan3A_464 : i32
        %add3A_523 = vector.broadcast %add3A_522 : i32 to vector<16xi32>
        %add3A_524 = arith.addi %add3A_223, %add3A_523 : vector<16xi32>
        %add3A_525 = arith.addf %get3A_489, %gather3A_274 : vector<16xf32>
        tpu.vector_store_idx %arg10[%add3A_524], %add3A_525 : memref<16512xf32, #tpu.memory_space<vmem>>[vector<16xi32>], vector<16xf32>,
        %add3A_526 = vector.broadcast %add3A_522 : i32 to vector<16xi32>
        %add3A_527 = arith.addi %add3A_239, %add3A_526 : vector<16xi32>
        %add3A_528 = arith.addf %get3A_494, %gather3A_281 : vector<16xf32>
        tpu.vector_store_idx %arg10[%add3A_527], %add3A_528 : memref<16512xf32, #tpu.memory_space<vmem>>[vector<16xi32>], vector<16xf32>,
        %add3A_529 = arith.constant 12384 : i32
        %add3A_530 = arith.addi %add3A_529, %scan3A_464 : i32
        %add3A_531 = vector.broadcast %add3A_530 : i32 to vector<16xi32>
        %add3A_532 = arith.addi %add3A_223, %add3A_531 : vector<16xi32>
        %add3A_533 = arith.addf %get3A_499, %gather3A_288 : vector<16xf32>
        tpu.vector_store_idx %arg10[%add3A_532], %add3A_533 : memref<16512xf32, #tpu.memory_space<vmem>>[vector<16xi32>], vector<16xf32>,
        %add3A_534 = vector.broadcast %add3A_530 : i32 to vector<16xi32>
        %add3A_535 = arith.addi %add3A_239, %add3A_534 : vector<16xi32>
        %add3A_536 = arith.addf %get3A_504, %gather3A_295 : vector<16xf32>
        tpu.vector_store_idx %arg10[%add3A_535], %add3A_536 : memref<16512xf32, #tpu.memory_space<vmem>>[vector<16xi32>], vector<16xf32>,
        %scan3A_537 = arith.constant 3 : i32
        %scan3A_538 = arith.addi %scan3A_317, %scan3A_537 : i32
        %add3A_539 = arith.constant 0 : i32
        %add3A_540 = arith.addi %add3A_539, %scan3A_538 : i32
        %get3A_541 = arith.index_cast %add3A_540 : i32 to index
        %get3A_542 = arith.constant 0 : index
        %get3A_543 = tpu.vector_load %arg9[%get3A_541, %get3A_542] {strides = array<i32>} : memref<512x32xf32, #tpu.memory_space<vmem>>, vector<16xf32>,
        %add3A_544 = arith.constant 0 : i32
        %add3A_545 = arith.addi %add3A_544, %scan3A_538 : i32
        %get3A_546 = arith.index_cast %add3A_545 : i32 to index
        %get3A_547 = arith.constant 16 : index
        %get3A_548 = tpu.vector_load %arg9[%get3A_546, %get3A_547] {strides = array<i32>} : memref<512x32xf32, #tpu.memory_space<vmem>>, vector<16xf32>,
        %add3A_549 = arith.constant 128 : i32
        %add3A_550 = arith.addi %add3A_549, %scan3A_538 : i32
        %get3A_551 = arith.index_cast %add3A_550 : i32 to index
        %get3A_552 = arith.constant 0 : index
        %get3A_553 = tpu.vector_load %arg9[%get3A_551, %get3A_552] {strides = array<i32>} : memref<512x32xf32, #tpu.memory_space<vmem>>, vector<16xf32>,
        %add3A_554 = arith.constant 128 : i32
        %add3A_555 = arith.addi %add3A_554, %scan3A_538 : i32
        %get3A_556 = arith.index_cast %add3A_555 : i32 to index
        %get3A_557 = arith.constant 16 : index
        %get3A_558 = tpu.vector_load %arg9[%get3A_556, %get3A_557] {strides = array<i32>} : memref<512x32xf32, #tpu.memory_space<vmem>>, vector<16xf32>,
        %add3A_559 = arith.constant 256 : i32
        %add3A_560 = arith.addi %add3A_559, %scan3A_538 : i32
        %get3A_561 = arith.index_cast %add3A_560 : i32 to index
        %get3A_562 = arith.constant 0 : index
        %get3A_563 = tpu.vector_load %arg9[%get3A_561, %get3A_562] {strides = array<i32>} : memref<512x32xf32, #tpu.memory_space<vmem>>, vector<16xf32>,
        %add3A_564 = arith.constant 256 : i32
        %add3A_565 = arith.addi %add3A_564, %scan3A_538 : i32
        %get3A_566 = arith.index_cast %add3A_565 : i32 to index
        %get3A_567 = arith.constant 16 : index
        %get3A_568 = tpu.vector_load %arg9[%get3A_566, %get3A_567] {strides = array<i32>} : memref<512x32xf32, #tpu.memory_space<vmem>>, vector<16xf32>,
        %add3A_569 = arith.constant 384 : i32
        %add3A_570 = arith.addi %add3A_569, %scan3A_538 : i32
        %get3A_571 = arith.index_cast %add3A_570 : i32 to index
        %get3A_572 = arith.constant 0 : index
        %get3A_573 = tpu.vector_load %arg9[%get3A_571, %get3A_572] {strides = array<i32>} : memref<512x32xf32, #tpu.memory_space<vmem>>, vector<16xf32>,
        %add3A_574 = arith.constant 384 : i32
        %add3A_575 = arith.addi %add3A_574, %scan3A_538 : i32
        %get3A_576 = arith.index_cast %add3A_575 : i32 to index
        %get3A_577 = arith.constant 16 : index
        %get3A_578 = tpu.vector_load %arg9[%get3A_576, %get3A_577] {strides = array<i32>} : memref<512x32xf32, #tpu.memory_space<vmem>>, vector<16xf32>,
        %add3A_579 = arith.constant 0 : i32
        %add3A_580 = arith.addi %add3A_579, %scan3A_538 : i32
        %add3A_581 = vector.broadcast %add3A_580 : i32 to vector<16xi32>
        %add3A_582 = arith.addi %add3A_223, %add3A_581 : vector<16xi32>
        %add3A_583 = arith.addf %get3A_543, %gather3A_246 : vector<16xf32>
        tpu.vector_store_idx %arg10[%add3A_582], %add3A_583 : memref<16512xf32, #tpu.memory_space<vmem>>[vector<16xi32>], vector<16xf32>,
        %add3A_584 = vector.broadcast %add3A_580 : i32 to vector<16xi32>
        %add3A_585 = arith.addi %add3A_239, %add3A_584 : vector<16xi32>
        %add3A_586 = arith.addf %get3A_548, %gather3A_253 : vector<16xf32>
        tpu.vector_store_idx %arg10[%add3A_585], %add3A_586 : memref<16512xf32, #tpu.memory_space<vmem>>[vector<16xi32>], vector<16xf32>,
        %add3A_587 = arith.constant 4128 : i32
        %add3A_588 = arith.addi %add3A_587, %scan3A_538 : i32
        %add3A_589 = vector.broadcast %add3A_588 : i32 to vector<16xi32>
        %add3A_590 = arith.addi %add3A_223, %add3A_589 : vector<16xi32>
        %add3A_591 = arith.addf %get3A_553, %gather3A_260 : vector<16xf32>
        tpu.vector_store_idx %arg10[%add3A_590], %add3A_591 : memref<16512xf32, #tpu.memory_space<vmem>>[vector<16xi32>], vector<16xf32>,
        %add3A_592 = vector.broadcast %add3A_588 : i32 to vector<16xi32>
        %add3A_593 = arith.addi %add3A_239, %add3A_592 : vector<16xi32>
        %add3A_594 = arith.addf %get3A_558, %gather3A_267 : vector<16xf32>
        tpu.vector_store_idx %arg10[%add3A_593], %add3A_594 : memref<16512xf32, #tpu.memory_space<vmem>>[vector<16xi32>], vector<16xf32>,
        %add3A_595 = arith.constant 8256 : i32
        %add3A_596 = arith.addi %add3A_595, %scan3A_538 : i32
        %add3A_597 = vector.broadcast %add3A_596 : i32 to vector<16xi32>
        %add3A_598 = arith.addi %add3A_223, %add3A_597 : vector<16xi32>
        %add3A_599 = arith.addf %get3A_563, %gather3A_274 : vector<16xf32>
        tpu.vector_store_idx %arg10[%add3A_598], %add3A_599 : memref<16512xf32, #tpu.memory_space<vmem>>[vector<16xi32>], vector<16xf32>,
        %add3A_600 = vector.broadcast %add3A_596 : i32 to vector<16xi32>
        %add3A_601 = arith.addi %add3A_239, %add3A_600 : vector<16xi32>
        %add3A_602 = arith.addf %get3A_568, %gather3A_281 : vector<16xf32>
        tpu.vector_store_idx %arg10[%add3A_601], %add3A_602 : memref<16512xf32, #tpu.memory_space<vmem>>[vector<16xi32>], vector<16xf32>,
        %add3A_603 = arith.constant 12384 : i32
        %add3A_604 = arith.addi %add3A_603, %scan3A_538 : i32
        %add3A_605 = vector.broadcast %add3A_604 : i32 to vector<16xi32>
        %add3A_606 = arith.addi %add3A_223, %add3A_605 : vector<16xi32>
        %add3A_607 = arith.addf %get3A_573, %gather3A_288 : vector<16xf32>
        tpu.vector_store_idx %arg10[%add3A_606], %add3A_607 : memref<16512xf32, #tpu.memory_space<vmem>>[vector<16xi32>], vector<16xf32>,
        %add3A_608 = vector.broadcast %add3A_604 : i32 to vector<16xi32>
        %add3A_609 = arith.addi %add3A_239, %add3A_608 : vector<16xi32>
        %add3A_610 = arith.addf %get3A_578, %gather3A_295 : vector<16xf32>
        tpu.vector_store_idx %arg10[%add3A_609], %add3A_610 : memref<16512xf32, #tpu.memory_space<vmem>>[vector<16xi32>], vector<16xf32>,
        %scan3A_611 = arith.constant 4 : i32
        %scan3A_612 = arith.addi %scan3A_317, %scan3A_611 : i32
        %add3A_613 = arith.constant 0 : i32
        %add3A_614 = arith.addi %add3A_613, %scan3A_612 : i32
        %get3A_615 = arith.index_cast %add3A_614 : i32 to index
        %get3A_616 = arith.constant 0 : index
        %get3A_617 = tpu.vector_load %arg9[%get3A_615, %get3A_616] {strides = array<i32>} : memref<512x32xf32, #tpu.memory_space<vmem>>, vector<16xf32>,
        %add3A_618 = arith.constant 0 : i32
        %add3A_619 = arith.addi %add3A_618, %scan3A_612 : i32
        %get3A_620 = arith.index_cast %add3A_619 : i32 to index
        %get3A_621 = arith.constant 16 : index
        %get3A_622 = tpu.vector_load %arg9[%get3A_620, %get3A_621] {strides = array<i32>} : memref<512x32xf32, #tpu.memory_space<vmem>>, vector<16xf32>,
        %add3A_623 = arith.constant 128 : i32
        %add3A_624 = arith.addi %add3A_623, %scan3A_612 : i32
        %get3A_625 = arith.index_cast %add3A_624 : i32 to index
        %get3A_626 = arith.constant 0 : index
        %get3A_627 = tpu.vector_load %arg9[%get3A_625, %get3A_626] {strides = array<i32>} : memref<512x32xf32, #tpu.memory_space<vmem>>, vector<16xf32>,
        %add3A_628 = arith.constant 128 : i32
        %add3A_629 = arith.addi %add3A_628, %scan3A_612 : i32
        %get3A_630 = arith.index_cast %add3A_629 : i32 to index
        %get3A_631 = arith.constant 16 : index
        %get3A_632 = tpu.vector_load %arg9[%get3A_630, %get3A_631] {strides = array<i32>} : memref<512x32xf32, #tpu.memory_space<vmem>>, vector<16xf32>,
        %add3A_633 = arith.constant 256 : i32
        %add3A_634 = arith.addi %add3A_633, %scan3A_612 : i32
        %get3A_635 = arith.index_cast %add3A_634 : i32 to index
        %get3A_636 = arith.constant 0 : index
        %get3A_637 = tpu.vector_load %arg9[%get3A_635, %get3A_636] {strides = array<i32>} : memref<512x32xf32, #tpu.memory_space<vmem>>, vector<16xf32>,
        %add3A_638 = arith.constant 256 : i32
        %add3A_639 = arith.addi %add3A_638, %scan3A_612 : i32
        %get3A_640 = arith.index_cast %add3A_639 : i32 to index
        %get3A_641 = arith.constant 16 : index
        %get3A_642 = tpu.vector_load %arg9[%get3A_640, %get3A_641] {strides = array<i32>} : memref<512x32xf32, #tpu.memory_space<vmem>>, vector<16xf32>,
        %add3A_643 = arith.constant 384 : i32
        %add3A_644 = arith.addi %add3A_643, %scan3A_612 : i32
        %get3A_645 = arith.index_cast %add3A_644 : i32 to index
        %get3A_646 = arith.constant 0 : index
        %get3A_647 = tpu.vector_load %arg9[%get3A_645, %get3A_646] {strides = array<i32>} : memref<512x32xf32, #tpu.memory_space<vmem>>, vector<16xf32>,
        %add3A_648 = arith.constant 384 : i32
        %add3A_649 = arith.addi %add3A_648, %scan3A_612 : i32
        %get3A_650 = arith.index_cast %add3A_649 : i32 to index
        %get3A_651 = arith.constant 16 : index
        %get3A_652 = tpu.vector_load %arg9[%get3A_650, %get3A_651] {strides = array<i32>} : memref<512x32xf32, #tpu.memory_space<vmem>>, vector<16xf32>,
        %add3A_653 = arith.constant 0 : i32
        %add3A_654 = arith.addi %add3A_653, %scan3A_612 : i32
        %add3A_655 = vector.broadcast %add3A_654 : i32 to vector<16xi32>
        %add3A_656 = arith.addi %add3A_223, %add3A_655 : vector<16xi32>
        %add3A_657 = arith.addf %get3A_617, %gather3A_246 : vector<16xf32>
        tpu.vector_store_idx %arg10[%add3A_656], %add3A_657 : memref<16512xf32, #tpu.memory_space<vmem>>[vector<16xi32>], vector<16xf32>,
        %add3A_658 = vector.broadcast %add3A_654 : i32 to vector<16xi32>
        %add3A_659 = arith.addi %add3A_239, %add3A_658 : vector<16xi32>
        %add3A_660 = arith.addf %get3A_622, %gather3A_253 : vector<16xf32>
        tpu.vector_store_idx %arg10[%add3A_659], %add3A_660 : memref<16512xf32, #tpu.memory_space<vmem>>[vector<16xi32>], vector<16xf32>,
        %add3A_661 = arith.constant 4128 : i32
        %add3A_662 = arith.addi %add3A_661, %scan3A_612 : i32
        %add3A_663 = vector.broadcast %add3A_662 : i32 to vector<16xi32>
        %add3A_664 = arith.addi %add3A_223, %add3A_663 : vector<16xi32>
        %add3A_665 = arith.addf %get3A_627, %gather3A_260 : vector<16xf32>
        tpu.vector_store_idx %arg10[%add3A_664], %add3A_665 : memref<16512xf32, #tpu.memory_space<vmem>>[vector<16xi32>], vector<16xf32>,
        %add3A_666 = vector.broadcast %add3A_662 : i32 to vector<16xi32>
        %add3A_667 = arith.addi %add3A_239, %add3A_666 : vector<16xi32>
        %add3A_668 = arith.addf %get3A_632, %gather3A_267 : vector<16xf32>
        tpu.vector_store_idx %arg10[%add3A_667], %add3A_668 : memref<16512xf32, #tpu.memory_space<vmem>>[vector<16xi32>], vector<16xf32>,
        %add3A_669 = arith.constant 8256 : i32
        %add3A_670 = arith.addi %add3A_669, %scan3A_612 : i32
        %add3A_671 = vector.broadcast %add3A_670 : i32 to vector<16xi32>
        %add3A_672 = arith.addi %add3A_223, %add3A_671 : vector<16xi32>
        %add3A_673 = arith.addf %get3A_637, %gather3A_274 : vector<16xf32>
        tpu.vector_store_idx %arg10[%add3A_672], %add3A_673 : memref<16512xf32, #tpu.memory_space<vmem>>[vector<16xi32>], vector<16xf32>,
        %add3A_674 = vector.broadcast %add3A_670 : i32 to vector<16xi32>
        %add3A_675 = arith.addi %add3A_239, %add3A_674 : vector<16xi32>
        %add3A_676 = arith.addf %get3A_642, %gather3A_281 : vector<16xf32>
        tpu.vector_store_idx %arg10[%add3A_675], %add3A_676 : memref<16512xf32, #tpu.memory_space<vmem>>[vector<16xi32>], vector<16xf32>,
        %add3A_677 = arith.constant 12384 : i32
        %add3A_678 = arith.addi %add3A_677, %scan3A_612 : i32
        %add3A_679 = vector.broadcast %add3A_678 : i32 to vector<16xi32>
        %add3A_680 = arith.addi %add3A_223, %add3A_679 : vector<16xi32>
        %add3A_681 = arith.addf %get3A_647, %gather3A_288 : vector<16xf32>
        tpu.vector_store_idx %arg10[%add3A_680], %add3A_681 : memref<16512xf32, #tpu.memory_space<vmem>>[vector<16xi32>], vector<16xf32>,
        %add3A_682 = vector.broadcast %add3A_678 : i32 to vector<16xi32>
        %add3A_683 = arith.addi %add3A_239, %add3A_682 : vector<16xi32>
        %add3A_684 = arith.addf %get3A_652, %gather3A_295 : vector<16xf32>
        tpu.vector_store_idx %arg10[%add3A_683], %add3A_684 : memref<16512xf32, #tpu.memory_space<vmem>>[vector<16xi32>], vector<16xf32>,
        %scan3A_685 = arith.constant 5 : i32
        %scan3A_686 = arith.addi %scan3A_317, %scan3A_685 : i32
        %add3A_687 = arith.constant 0 : i32
        %add3A_688 = arith.addi %add3A_687, %scan3A_686 : i32
        %get3A_689 = arith.index_cast %add3A_688 : i32 to index
        %get3A_690 = arith.constant 0 : index
        %get3A_691 = tpu.vector_load %arg9[%get3A_689, %get3A_690] {strides = array<i32>} : memref<512x32xf32, #tpu.memory_space<vmem>>, vector<16xf32>,
        %add3A_692 = arith.constant 0 : i32
        %add3A_693 = arith.addi %add3A_692, %scan3A_686 : i32
        %get3A_694 = arith.index_cast %add3A_693 : i32 to index
        %get3A_695 = arith.constant 16 : index
        %get3A_696 = tpu.vector_load %arg9[%get3A_694, %get3A_695] {strides = array<i32>} : memref<512x32xf32, #tpu.memory_space<vmem>>, vector<16xf32>,
        %add3A_697 = arith.constant 128 : i32
        %add3A_698 = arith.addi %add3A_697, %scan3A_686 : i32
        %get3A_699 = arith.index_cast %add3A_698 : i32 to index
        %get3A_700 = arith.constant 0 : index
        %get3A_701 = tpu.vector_load %arg9[%get3A_699, %get3A_700] {strides = array<i32>} : memref<512x32xf32, #tpu.memory_space<vmem>>, vector<16xf32>,
        %add3A_702 = arith.constant 128 : i32
        %add3A_703 = arith.addi %add3A_702, %scan3A_686 : i32
        %get3A_704 = arith.index_cast %add3A_703 : i32 to index
        %get3A_705 = arith.constant 16 : index
        %get3A_706 = tpu.vector_load %arg9[%get3A_704, %get3A_705] {strides = array<i32>} : memref<512x32xf32, #tpu.memory_space<vmem>>, vector<16xf32>,
        %add3A_707 = arith.constant 256 : i32
        %add3A_708 = arith.addi %add3A_707, %scan3A_686 : i32
        %get3A_709 = arith.index_cast %add3A_708 : i32 to index
        %get3A_710 = arith.constant 0 : index
        %get3A_711 = tpu.vector_load %arg9[%get3A_709, %get3A_710] {strides = array<i32>} : memref<512x32xf32, #tpu.memory_space<vmem>>, vector<16xf32>,
        %add3A_712 = arith.constant 256 : i32
        %add3A_713 = arith.addi %add3A_712, %scan3A_686 : i32
        %get3A_714 = arith.index_cast %add3A_713 : i32 to index
        %get3A_715 = arith.constant 16 : index
        %get3A_716 = tpu.vector_load %arg9[%get3A_714, %get3A_715] {strides = array<i32>} : memref<512x32xf32, #tpu.memory_space<vmem>>, vector<16xf32>,
        %add3A_717 = arith.constant 384 : i32
        %add3A_718 = arith.addi %add3A_717, %scan3A_686 : i32
        %get3A_719 = arith.index_cast %add3A_718 : i32 to index
        %get3A_720 = arith.constant 0 : index
        %get3A_721 = tpu.vector_load %arg9[%get3A_719, %get3A_720] {strides = array<i32>} : memref<512x32xf32, #tpu.memory_space<vmem>>, vector<16xf32>,
        %add3A_722 = arith.constant 384 : i32
        %add3A_723 = arith.addi %add3A_722, %scan3A_686 : i32
        %get3A_724 = arith.index_cast %add3A_723 : i32 to index
        %get3A_725 = arith.constant 16 : index
        %get3A_726 = tpu.vector_load %arg9[%get3A_724, %get3A_725] {strides = array<i32>} : memref<512x32xf32, #tpu.memory_space<vmem>>, vector<16xf32>,
        %add3A_727 = arith.constant 0 : i32
        %add3A_728 = arith.addi %add3A_727, %scan3A_686 : i32
        %add3A_729 = vector.broadcast %add3A_728 : i32 to vector<16xi32>
        %add3A_730 = arith.addi %add3A_223, %add3A_729 : vector<16xi32>
        %add3A_731 = arith.addf %get3A_691, %gather3A_246 : vector<16xf32>
        tpu.vector_store_idx %arg10[%add3A_730], %add3A_731 : memref<16512xf32, #tpu.memory_space<vmem>>[vector<16xi32>], vector<16xf32>,
        %add3A_732 = vector.broadcast %add3A_728 : i32 to vector<16xi32>
        %add3A_733 = arith.addi %add3A_239, %add3A_732 : vector<16xi32>
        %add3A_734 = arith.addf %get3A_696, %gather3A_253 : vector<16xf32>
        tpu.vector_store_idx %arg10[%add3A_733], %add3A_734 : memref<16512xf32, #tpu.memory_space<vmem>>[vector<16xi32>], vector<16xf32>,
        %add3A_735 = arith.constant 4128 : i32
        %add3A_736 = arith.addi %add3A_735, %scan3A_686 : i32
        %add3A_737 = vector.broadcast %add3A_736 : i32 to vector<16xi32>
        %add3A_738 = arith.addi %add3A_223, %add3A_737 : vector<16xi32>
        %add3A_739 = arith.addf %get3A_701, %gather3A_260 : vector<16xf32>
        tpu.vector_store_idx %arg10[%add3A_738], %add3A_739 : memref<16512xf32, #tpu.memory_space<vmem>>[vector<16xi32>], vector<16xf32>,
        %add3A_740 = vector.broadcast %add3A_736 : i32 to vector<16xi32>
        %add3A_741 = arith.addi %add3A_239, %add3A_740 : vector<16xi32>
        %add3A_742 = arith.addf %get3A_706, %gather3A_267 : vector<16xf32>
        tpu.vector_store_idx %arg10[%add3A_741], %add3A_742 : memref<16512xf32, #tpu.memory_space<vmem>>[vector<16xi32>], vector<16xf32>,
        %add3A_743 = arith.constant 8256 : i32
        %add3A_744 = arith.addi %add3A_743, %scan3A_686 : i32
        %add3A_745 = vector.broadcast %add3A_744 : i32 to vector<16xi32>
        %add3A_746 = arith.addi %add3A_223, %add3A_745 : vector<16xi32>
        %add3A_747 = arith.addf %get3A_711, %gather3A_274 : vector<16xf32>
        tpu.vector_store_idx %arg10[%add3A_746], %add3A_747 : memref<16512xf32, #tpu.memory_space<vmem>>[vector<16xi32>], vector<16xf32>,
        %add3A_748 = vector.broadcast %add3A_744 : i32 to vector<16xi32>
        %add3A_749 = arith.addi %add3A_239, %add3A_748 : vector<16xi32>
        %add3A_750 = arith.addf %get3A_716, %gather3A_281 : vector<16xf32>
        tpu.vector_store_idx %arg10[%add3A_749], %add3A_750 : memref<16512xf32, #tpu.memory_space<vmem>>[vector<16xi32>], vector<16xf32>,
        %add3A_751 = arith.constant 12384 : i32
        %add3A_752 = arith.addi %add3A_751, %scan3A_686 : i32
        %add3A_753 = vector.broadcast %add3A_752 : i32 to vector<16xi32>
        %add3A_754 = arith.addi %add3A_223, %add3A_753 : vector<16xi32>
        %add3A_755 = arith.addf %get3A_721, %gather3A_288 : vector<16xf32>
        tpu.vector_store_idx %arg10[%add3A_754], %add3A_755 : memref<16512xf32, #tpu.memory_space<vmem>>[vector<16xi32>], vector<16xf32>,
        %add3A_756 = vector.broadcast %add3A_752 : i32 to vector<16xi32>
        %add3A_757 = arith.addi %add3A_239, %add3A_756 : vector<16xi32>
        %add3A_758 = arith.addf %get3A_726, %gather3A_295 : vector<16xf32>
        tpu.vector_store_idx %arg10[%add3A_757], %add3A_758 : memref<16512xf32, #tpu.memory_space<vmem>>[vector<16xi32>], vector<16xf32>,
        %scan3A_759 = arith.constant 6 : i32
        %scan3A_760 = arith.addi %scan3A_317, %scan3A_759 : i32
        %add3A_761 = arith.constant 0 : i32
        %add3A_762 = arith.addi %add3A_761, %scan3A_760 : i32
        %get3A_763 = arith.index_cast %add3A_762 : i32 to index
        %get3A_764 = arith.constant 0 : index
        %get3A_765 = tpu.vector_load %arg9[%get3A_763, %get3A_764] {strides = array<i32>} : memref<512x32xf32, #tpu.memory_space<vmem>>, vector<16xf32>,
        %add3A_766 = arith.constant 0 : i32
        %add3A_767 = arith.addi %add3A_766, %scan3A_760 : i32
        %get3A_768 = arith.index_cast %add3A_767 : i32 to index
        %get3A_769 = arith.constant 16 : index
        %get3A_770 = tpu.vector_load %arg9[%get3A_768, %get3A_769] {strides = array<i32>} : memref<512x32xf32, #tpu.memory_space<vmem>>, vector<16xf32>,
        %add3A_771 = arith.constant 128 : i32
        %add3A_772 = arith.addi %add3A_771, %scan3A_760 : i32
        %get3A_773 = arith.index_cast %add3A_772 : i32 to index
        %get3A_774 = arith.constant 0 : index
        %get3A_775 = tpu.vector_load %arg9[%get3A_773, %get3A_774] {strides = array<i32>} : memref<512x32xf32, #tpu.memory_space<vmem>>, vector<16xf32>,
        %add3A_776 = arith.constant 128 : i32
        %add3A_777 = arith.addi %add3A_776, %scan3A_760 : i32
        %get3A_778 = arith.index_cast %add3A_777 : i32 to index
        %get3A_779 = arith.constant 16 : index
        %get3A_780 = tpu.vector_load %arg9[%get3A_778, %get3A_779] {strides = array<i32>} : memref<512x32xf32, #tpu.memory_space<vmem>>, vector<16xf32>,
        %add3A_781 = arith.constant 256 : i32
        %add3A_782 = arith.addi %add3A_781, %scan3A_760 : i32
        %get3A_783 = arith.index_cast %add3A_782 : i32 to index
        %get3A_784 = arith.constant 0 : index
        %get3A_785 = tpu.vector_load %arg9[%get3A_783, %get3A_784] {strides = array<i32>} : memref<512x32xf32, #tpu.memory_space<vmem>>, vector<16xf32>,
        %add3A_786 = arith.constant 256 : i32
        %add3A_787 = arith.addi %add3A_786, %scan3A_760 : i32
        %get3A_788 = arith.index_cast %add3A_787 : i32 to index
        %get3A_789 = arith.constant 16 : index
        %get3A_790 = tpu.vector_load %arg9[%get3A_788, %get3A_789] {strides = array<i32>} : memref<512x32xf32, #tpu.memory_space<vmem>>, vector<16xf32>,
        %add3A_791 = arith.constant 384 : i32
        %add3A_792 = arith.addi %add3A_791, %scan3A_760 : i32
        %get3A_793 = arith.index_cast %add3A_792 : i32 to index
        %get3A_794 = arith.constant 0 : index
        %get3A_795 = tpu.vector_load %arg9[%get3A_793, %get3A_794] {strides = array<i32>} : memref<512x32xf32, #tpu.memory_space<vmem>>, vector<16xf32>,
        %add3A_796 = arith.constant 384 : i32
        %add3A_797 = arith.addi %add3A_796, %scan3A_760 : i32
        %get3A_798 = arith.index_cast %add3A_797 : i32 to index
        %get3A_799 = arith.constant 16 : index
        %get3A_800 = tpu.vector_load %arg9[%get3A_798, %get3A_799] {strides = array<i32>} : memref<512x32xf32, #tpu.memory_space<vmem>>, vector<16xf32>,
        %add3A_801 = arith.constant 0 : i32
        %add3A_802 = arith.addi %add3A_801, %scan3A_760 : i32
        %add3A_803 = vector.broadcast %add3A_802 : i32 to vector<16xi32>
        %add3A_804 = arith.addi %add3A_223, %add3A_803 : vector<16xi32>
        %add3A_805 = arith.addf %get3A_765, %gather3A_246 : vector<16xf32>
        tpu.vector_store_idx %arg10[%add3A_804], %add3A_805 : memref<16512xf32, #tpu.memory_space<vmem>>[vector<16xi32>], vector<16xf32>,
        %add3A_806 = vector.broadcast %add3A_802 : i32 to vector<16xi32>
        %add3A_807 = arith.addi %add3A_239, %add3A_806 : vector<16xi32>
        %add3A_808 = arith.addf %get3A_770, %gather3A_253 : vector<16xf32>
        tpu.vector_store_idx %arg10[%add3A_807], %add3A_808 : memref<16512xf32, #tpu.memory_space<vmem>>[vector<16xi32>], vector<16xf32>,
        %add3A_809 = arith.constant 4128 : i32
        %add3A_810 = arith.addi %add3A_809, %scan3A_760 : i32
        %add3A_811 = vector.broadcast %add3A_810 : i32 to vector<16xi32>
        %add3A_812 = arith.addi %add3A_223, %add3A_811 : vector<16xi32>
        %add3A_813 = arith.addf %get3A_775, %gather3A_260 : vector<16xf32>
        tpu.vector_store_idx %arg10[%add3A_812], %add3A_813 : memref<16512xf32, #tpu.memory_space<vmem>>[vector<16xi32>], vector<16xf32>,
        %add3A_814 = vector.broadcast %add3A_810 : i32 to vector<16xi32>
        %add3A_815 = arith.addi %add3A_239, %add3A_814 : vector<16xi32>
        %add3A_816 = arith.addf %get3A_780, %gather3A_267 : vector<16xf32>
        tpu.vector_store_idx %arg10[%add3A_815], %add3A_816 : memref<16512xf32, #tpu.memory_space<vmem>>[vector<16xi32>], vector<16xf32>,
        %add3A_817 = arith.constant 8256 : i32
        %add3A_818 = arith.addi %add3A_817, %scan3A_760 : i32
        %add3A_819 = vector.broadcast %add3A_818 : i32 to vector<16xi32>
        %add3A_820 = arith.addi %add3A_223, %add3A_819 : vector<16xi32>
        %add3A_821 = arith.addf %get3A_785, %gather3A_274 : vector<16xf32>
        tpu.vector_store_idx %arg10[%add3A_820], %add3A_821 : memref<16512xf32, #tpu.memory_space<vmem>>[vector<16xi32>], vector<16xf32>,
        %add3A_822 = vector.broadcast %add3A_818 : i32 to vector<16xi32>
        %add3A_823 = arith.addi %add3A_239, %add3A_822 : vector<16xi32>
        %add3A_824 = arith.addf %get3A_790, %gather3A_281 : vector<16xf32>
        tpu.vector_store_idx %arg10[%add3A_823], %add3A_824 : memref<16512xf32, #tpu.memory_space<vmem>>[vector<16xi32>], vector<16xf32>,
        %add3A_825 = arith.constant 12384 : i32
        %add3A_826 = arith.addi %add3A_825, %scan3A_760 : i32
        %add3A_827 = vector.broadcast %add3A_826 : i32 to vector<16xi32>
        %add3A_828 = arith.addi %add3A_223, %add3A_827 : vector<16xi32>
        %add3A_829 = arith.addf %get3A_795, %gather3A_288 : vector<16xf32>
        tpu.vector_store_idx %arg10[%add3A_828], %add3A_829 : memref<16512xf32, #tpu.memory_space<vmem>>[vector<16xi32>], vector<16xf32>,
        %add3A_830 = vector.broadcast %add3A_826 : i32 to vector<16xi32>
        %add3A_831 = arith.addi %add3A_239, %add3A_830 : vector<16xi32>
        %add3A_832 = arith.addf %get3A_800, %gather3A_295 : vector<16xf32>
        tpu.vector_store_idx %arg10[%add3A_831], %add3A_832 : memref<16512xf32, #tpu.memory_space<vmem>>[vector<16xi32>], vector<16xf32>,
        %scan3A_833 = arith.constant 7 : i32
        %scan3A_834 = arith.addi %scan3A_317, %scan3A_833 : i32
        %add3A_835 = arith.constant 0 : i32
        %add3A_836 = arith.addi %add3A_835, %scan3A_834 : i32
        %get3A_837 = arith.index_cast %add3A_836 : i32 to index
        %get3A_838 = arith.constant 0 : index
        %get3A_839 = tpu.vector_load %arg9[%get3A_837, %get3A_838] {strides = array<i32>} : memref<512x32xf32, #tpu.memory_space<vmem>>, vector<16xf32>,
        %add3A_840 = arith.constant 0 : i32
        %add3A_841 = arith.addi %add3A_840, %scan3A_834 : i32
        %get3A_842 = arith.index_cast %add3A_841 : i32 to index
        %get3A_843 = arith.constant 16 : index
        %get3A_844 = tpu.vector_load %arg9[%get3A_842, %get3A_843] {strides = array<i32>} : memref<512x32xf32, #tpu.memory_space<vmem>>, vector<16xf32>,
        %add3A_845 = arith.constant 128 : i32
        %add3A_846 = arith.addi %add3A_845, %scan3A_834 : i32
        %get3A_847 = arith.index_cast %add3A_846 : i32 to index
        %get3A_848 = arith.constant 0 : index
        %get3A_849 = tpu.vector_load %arg9[%get3A_847, %get3A_848] {strides = array<i32>} : memref<512x32xf32, #tpu.memory_space<vmem>>, vector<16xf32>,
        %add3A_850 = arith.constant 128 : i32
        %add3A_851 = arith.addi %add3A_850, %scan3A_834 : i32
        %get3A_852 = arith.index_cast %add3A_851 : i32 to index
        %get3A_853 = arith.constant 16 : index
        %get3A_854 = tpu.vector_load %arg9[%get3A_852, %get3A_853] {strides = array<i32>} : memref<512x32xf32, #tpu.memory_space<vmem>>, vector<16xf32>,
        %add3A_855 = arith.constant 256 : i32
        %add3A_856 = arith.addi %add3A_855, %scan3A_834 : i32
        %get3A_857 = arith.index_cast %add3A_856 : i32 to index
        %get3A_858 = arith.constant 0 : index
        %get3A_859 = tpu.vector_load %arg9[%get3A_857, %get3A_858] {strides = array<i32>} : memref<512x32xf32, #tpu.memory_space<vmem>>, vector<16xf32>,
        %add3A_860 = arith.constant 256 : i32
        %add3A_861 = arith.addi %add3A_860, %scan3A_834 : i32
        %get3A_862 = arith.index_cast %add3A_861 : i32 to index
        %get3A_863 = arith.constant 16 : index
        %get3A_864 = tpu.vector_load %arg9[%get3A_862, %get3A_863] {strides = array<i32>} : memref<512x32xf32, #tpu.memory_space<vmem>>, vector<16xf32>,
        %add3A_865 = arith.constant 384 : i32
        %add3A_866 = arith.addi %add3A_865, %scan3A_834 : i32
        %get3A_867 = arith.index_cast %add3A_866 : i32 to index
        %get3A_868 = arith.constant 0 : index
        %get3A_869 = tpu.vector_load %arg9[%get3A_867, %get3A_868] {strides = array<i32>} : memref<512x32xf32, #tpu.memory_space<vmem>>, vector<16xf32>,
        %add3A_870 = arith.constant 384 : i32
        %add3A_871 = arith.addi %add3A_870, %scan3A_834 : i32
        %get3A_872 = arith.index_cast %add3A_871 : i32 to index
        %get3A_873 = arith.constant 16 : index
        %get3A_874 = tpu.vector_load %arg9[%get3A_872, %get3A_873] {strides = array<i32>} : memref<512x32xf32, #tpu.memory_space<vmem>>, vector<16xf32>,
        %add3A_875 = arith.constant 0 : i32
        %add3A_876 = arith.addi %add3A_875, %scan3A_834 : i32
        %add3A_877 = vector.broadcast %add3A_876 : i32 to vector<16xi32>
        %add3A_878 = arith.addi %add3A_223, %add3A_877 : vector<16xi32>
        %add3A_879 = arith.addf %get3A_839, %gather3A_246 : vector<16xf32>
        tpu.vector_store_idx %arg10[%add3A_878], %add3A_879 : memref<16512xf32, #tpu.memory_space<vmem>>[vector<16xi32>], vector<16xf32>,
        %add3A_880 = vector.broadcast %add3A_876 : i32 to vector<16xi32>
        %add3A_881 = arith.addi %add3A_239, %add3A_880 : vector<16xi32>
        %add3A_882 = arith.addf %get3A_844, %gather3A_253 : vector<16xf32>
        tpu.vector_store_idx %arg10[%add3A_881], %add3A_882 : memref<16512xf32, #tpu.memory_space<vmem>>[vector<16xi32>], vector<16xf32>,
        %add3A_883 = arith.constant 4128 : i32
        %add3A_884 = arith.addi %add3A_883, %scan3A_834 : i32
        %add3A_885 = vector.broadcast %add3A_884 : i32 to vector<16xi32>
        %add3A_886 = arith.addi %add3A_223, %add3A_885 : vector<16xi32>
        %add3A_887 = arith.addf %get3A_849, %gather3A_260 : vector<16xf32>
        tpu.vector_store_idx %arg10[%add3A_886], %add3A_887 : memref<16512xf32, #tpu.memory_space<vmem>>[vector<16xi32>], vector<16xf32>,
        %add3A_888 = vector.broadcast %add3A_884 : i32 to vector<16xi32>
        %add3A_889 = arith.addi %add3A_239, %add3A_888 : vector<16xi32>
        %add3A_890 = arith.addf %get3A_854, %gather3A_267 : vector<16xf32>
        tpu.vector_store_idx %arg10[%add3A_889], %add3A_890 : memref<16512xf32, #tpu.memory_space<vmem>>[vector<16xi32>], vector<16xf32>,
        %add3A_891 = arith.constant 8256 : i32
        %add3A_892 = arith.addi %add3A_891, %scan3A_834 : i32
        %add3A_893 = vector.broadcast %add3A_892 : i32 to vector<16xi32>
        %add3A_894 = arith.addi %add3A_223, %add3A_893 : vector<16xi32>
        %add3A_895 = arith.addf %get3A_859, %gather3A_274 : vector<16xf32>
        tpu.vector_store_idx %arg10[%add3A_894], %add3A_895 : memref<16512xf32, #tpu.memory_space<vmem>>[vector<16xi32>], vector<16xf32>,
        %add3A_896 = vector.broadcast %add3A_892 : i32 to vector<16xi32>
        %add3A_897 = arith.addi %add3A_239, %add3A_896 : vector<16xi32>
        %add3A_898 = arith.addf %get3A_864, %gather3A_281 : vector<16xf32>
        tpu.vector_store_idx %arg10[%add3A_897], %add3A_898 : memref<16512xf32, #tpu.memory_space<vmem>>[vector<16xi32>], vector<16xf32>,
        %add3A_899 = arith.constant 12384 : i32
        %add3A_900 = arith.addi %add3A_899, %scan3A_834 : i32
        %add3A_901 = vector.broadcast %add3A_900 : i32 to vector<16xi32>
        %add3A_902 = arith.addi %add3A_223, %add3A_901 : vector<16xi32>
        %add3A_903 = arith.addf %get3A_869, %gather3A_288 : vector<16xf32>
        tpu.vector_store_idx %arg10[%add3A_902], %add3A_903 : memref<16512xf32, #tpu.memory_space<vmem>>[vector<16xi32>], vector<16xf32>,
        %add3A_904 = vector.broadcast %add3A_900 : i32 to vector<16xi32>
        %add3A_905 = arith.addi %add3A_239, %add3A_904 : vector<16xi32>
        %add3A_906 = arith.addf %get3A_874, %gather3A_295 : vector<16xf32>
        tpu.vector_store_idx %arg10[%add3A_905], %add3A_906 : memref<16512xf32, #tpu.memory_space<vmem>>[vector<16xi32>], vector<16xf32>,
      }
      %scan3A_300 = arith.constant 128 : i32
      %scan3A_301 = arith.constant 0 : i32
      %scan3A_302 = arith.constant 0 : i32
      %scan3A_303 = arith.constant 128 : i32
      %scan3A_304 = arith.addi %scan3A_302, %scan3A_303 : i32
      %scan3A_305 = arith.constant 8 : i32
      scf.for %scan3A_317 = %scan3A_302 to %scan3A_304 step %scan3A_305  : i32 {
        %mul3A_318 = arith.constant 129 : i32
        %mul3A_319 = arith.muli %scan3A_317, %mul3A_318 : i32
        %jit3A = arith.constant 32 : i32
        %div3A = arith.divsi %scan3A_317, %jit3A : i32
        %sign3A = arith.constant 0 : i32
        %sign3A_320 = arith.cmpi sgt, %scan3A_317, %sign3A : i32
        %sign3A_321 = arith.extui %sign3A_320 : i1 to i32
        %sign3A_322 = arith.constant 0 : i32
        %sign3A_323 = arith.cmpi slt, %scan3A_317, %sign3A_322 : i32
        %sign3A_324 = arith.extui %sign3A_323 : i1 to i32
        %sign3A_325 = arith.subi %sign3A_321, %sign3A_324 : i32
        %sign3A_326 = arith.constant 0 : i32
        %sign3A_327 = arith.cmpi sgt, %jit3A, %sign3A_326 : i32
        %sign3A_328 = arith.extui %sign3A_327 : i1 to i32
        %sign3A_329 = arith.constant 0 : i32
        %sign3A_330 = arith.cmpi slt, %jit3A, %sign3A_329 : i32
        %sign3A_331 = arith.extui %sign3A_330 : i1 to i32
        %sign3A_332 = arith.subi %sign3A_328, %sign3A_331 : i32
        %ne3A = arith.cmpi ne, %sign3A_325, %sign3A_332 : i32
        %rem3A = arith.remsi %scan3A_317, %jit3A : i32
        %ne3A_333 = arith.constant 0 : i32
        %ne3A_334 = arith.cmpi ne, %rem3A, %ne3A_333 : i32
        %and3A_335 = arith.andi %ne3A, %ne3A_334 : i1
        %sub3A = arith.constant 1 : i32
        %sub3A_336 = arith.subi %div3A, %sub3A : i32
        %select_n3A = arith.select %and3A_335, %sub3A_336, %div3A : i32
        %jit3A_337 = arith.constant 8 : i32
        %div3A_338 = arith.divsi %scan3A_317, %jit3A_337 : i32
        %sign3A_339 = arith.constant 0 : i32
        %sign3A_340 = arith.cmpi sgt, %scan3A_317, %sign3A_339 : i32
        %sign3A_341 = arith.extui %sign3A_340 : i1 to i32
        %sign3A_342 = arith.constant 0 : i32
        %sign3A_343 = arith.cmpi slt, %scan3A_317, %sign3A_342 : i32
        %sign3A_344 = arith.extui %sign3A_343 : i1 to i32
        %sign3A_345 = arith.subi %sign3A_341, %sign3A_344 : i32
        %sign3A_346 = arith.constant 0 : i32
        %sign3A_347 = arith.cmpi sgt, %jit3A_337, %sign3A_346 : i32
        %sign3A_348 = arith.extui %sign3A_347 : i1 to i32
        %sign3A_349 = arith.constant 0 : i32
        %sign3A_350 = arith.cmpi slt, %jit3A_337, %sign3A_349 : i32
        %sign3A_351 = arith.extui %sign3A_350 : i1 to i32
        %sign3A_352 = arith.subi %sign3A_348, %sign3A_351 : i32
        %ne3A_353 = arith.cmpi ne, %sign3A_345, %sign3A_352 : i32
        %rem3A_354 = arith.remsi %scan3A_317, %jit3A_337 : i32
        %ne3A_355 = arith.constant 0 : i32
        %ne3A_356 = arith.cmpi ne, %rem3A_354, %ne3A_355 : i32
        %and3A_357 = arith.andi %ne3A_353, %ne3A_356 : i1
        %sub3A_358 = arith.constant 1 : i32
        %sub3A_359 = arith.subi %div3A_338, %sub3A_358 : i32
        %select_n3A_360 = arith.select %and3A_357, %sub3A_359, %div3A_338 : i32
        %jit3A_361 = arith.constant 4 : i32
        %eq3A = arith.constant 0 : i32
        %eq3A_362 = arith.cmpi eq, %jit3A_361, %eq3A : i32
        %jit3A_363 = arith.constant 1 : i32
        %select_n3A_364 = arith.select %eq3A_362, %jit3A_363, %jit3A_361 : i32
        %rem3A_365 = arith.remsi %select_n3A_360, %select_n3A_364 : i32
        %ne3A_366 = arith.constant 0 : i32
        %ne3A_367 = arith.cmpi ne, %rem3A_365, %ne3A_366 : i32
        %lt3A_368 = arith.constant 0 : i32
        %lt3A_369 = arith.cmpi slt, %rem3A_365, %lt3A_368 : i32
        %lt3A_370 = arith.constant 0 : i32
        %lt3A_371 = arith.cmpi slt, %select_n3A_364, %lt3A_370 : i32
        %ne3A_372 = arith.xori %lt3A_369, %lt3A_371 : i1
        %and3A_373 = arith.andi %ne3A_372, %ne3A_367 : i1
        %add3A_374 = arith.addi %rem3A_365, %select_n3A_364 : i32
        %select_n3A_375 = arith.select %and3A_373, %add3A_374, %rem3A_365 : i32
        %jit3A_376 = arith.constant 8 : i32
        %eq3A_377 = arith.constant 0 : i32
        %eq3A_378 = arith.cmpi eq, %jit3A_376, %eq3A_377 : i32
        %jit3A_379 = arith.constant 1 : i32
        %select_n3A_380 = arith.select %eq3A_378, %jit3A_379, %jit3A_376 : i32
        %rem3A_381 = arith.remsi %scan3A_317, %select_n3A_380 : i32
        %ne3A_382 = arith.constant 0 : i32
        %ne3A_383 = arith.cmpi ne, %rem3A_381, %ne3A_382 : i32
        %lt3A_384 = arith.constant 0 : i32
        %lt3A_385 = arith.cmpi slt, %rem3A_381, %lt3A_384 : i32
        %lt3A_386 = arith.constant 0 : i32
        %lt3A_387 = arith.cmpi slt, %select_n3A_380, %lt3A_386 : i32
        %ne3A_388 = arith.xori %lt3A_385, %lt3A_387 : i1
        %and3A_389 = arith.andi %ne3A_388, %ne3A_383 : i1
        %add3A_390 = arith.addi %rem3A_381, %select_n3A_380 : i32
        %select_n3A_391 = arith.select %and3A_389, %add3A_390, %rem3A_381 : i32
        %add3A_392 = arith.constant 0 : i32
        %add3A_393 = arith.addi %mul3A_319, %add3A_392 : i32
        %get3A = arith.index_cast %add3A_393 : i32 to index
        %get3A_394 = tpu.vector_load %arg10[%get3A] {strides = array<i32>} : memref<16512xf32, #tpu.memory_space<vmem>>, vector<16xf32>,
        %add3A_395 = arith.constant 16 : i32
        %add3A_396 = arith.addi %mul3A_319, %add3A_395 : i32
        %get3A_397 = arith.index_cast %add3A_396 : i32 to index
        %get3A_398 = tpu.vector_load %arg10[%get3A_397] {strides = array<i32>} : memref<16512xf32, #tpu.memory_space<vmem>>, vector<16xf32>,
        %add3A_399 = arith.constant 32 : i32
        %add3A_400 = arith.addi %mul3A_319, %add3A_399 : i32
        %get3A_401 = arith.index_cast %add3A_400 : i32 to index
        %get3A_402 = tpu.vector_load %arg10[%get3A_401] {strides = array<i32>} : memref<16512xf32, #tpu.memory_space<vmem>>, vector<16xf32>,
        %add3A_403 = arith.constant 48 : i32
        %add3A_404 = arith.addi %mul3A_319, %add3A_403 : i32
        %get3A_405 = arith.index_cast %add3A_404 : i32 to index
        %get3A_406 = tpu.vector_load %arg10[%get3A_405] {strides = array<i32>} : memref<16512xf32, #tpu.memory_space<vmem>>, vector<16xf32>,
        %add3A_407 = arith.constant 64 : i32
        %add3A_408 = arith.addi %mul3A_319, %add3A_407 : i32
        %get3A_409 = arith.index_cast %add3A_408 : i32 to index
        %get3A_410 = tpu.vector_load %arg10[%get3A_409] {strides = array<i32>} : memref<16512xf32, #tpu.memory_space<vmem>>, vector<16xf32>,
        %add3A_411 = arith.constant 80 : i32
        %add3A_412 = arith.addi %mul3A_319, %add3A_411 : i32
        %get3A_413 = arith.index_cast %add3A_412 : i32 to index
        %get3A_414 = tpu.vector_load %arg10[%get3A_413] {strides = array<i32>} : memref<16512xf32, #tpu.memory_space<vmem>>, vector<16xf32>,
        %add3A_415 = arith.constant 96 : i32
        %add3A_416 = arith.addi %mul3A_319, %add3A_415 : i32
        %get3A_417 = arith.index_cast %add3A_416 : i32 to index
        %get3A_418 = tpu.vector_load %arg10[%get3A_417] {strides = array<i32>} : memref<16512xf32, #tpu.memory_space<vmem>>, vector<16xf32>,
        %add3A_419 = arith.constant 112 : i32
        %add3A_420 = arith.addi %mul3A_319, %add3A_419 : i32
        %get3A_421 = arith.index_cast %add3A_420 : i32 to index
        %get3A_422 = tpu.vector_load %arg10[%get3A_421] {strides = array<i32>} : memref<16512xf32, #tpu.memory_space<vmem>>, vector<16xf32>,
        %swap3A = arith.index_cast %select_n3A : i32 to index
        %swap3A_423 = arith.index_cast %select_n3A_375 : i32 to index
        %swap3A_424 = arith.index_cast %select_n3A_391 : i32 to index
        %swap3A_425 = arith.constant 0 : index
        %swap3A_426 = tpu.vector_load %arg11[%swap3A, %swap3A_423, %swap3A_424, %swap3A_425] {strides = array<i32>} : memref<4x4x8x128xf32, #tpu.memory_space<vmem>>, vector<16xf32>,
        tpu.vector_store %arg11[%swap3A, %swap3A_423, %swap3A_424, %swap3A_425], %get3A_394 {strides = array<i32>} : memref<4x4x8x128xf32, #tpu.memory_space<vmem>>, vector<16xf32>,
        %swap3A_427 = arith.index_cast %select_n3A : i32 to index
        %swap3A_428 = arith.index_cast %select_n3A_375 : i32 to index
        %swap3A_429 = arith.index_cast %select_n3A_391 : i32 to index
        %swap3A_430 = arith.constant 16 : index
        %swap3A_431 = tpu.vector_load %arg11[%swap3A_427, %swap3A_428, %swap3A_429, %swap3A_430] {strides = array<i32>} : memref<4x4x8x128xf32, #tpu.memory_space<vmem>>, vector<16xf32>,
        tpu.vector_store %arg11[%swap3A_427, %swap3A_428, %swap3A_429, %swap3A_430], %get3A_398 {strides = array<i32>} : memref<4x4x8x128xf32, #tpu.memory_space<vmem>>, vector<16xf32>,
        %swap3A_432 = arith.index_cast %select_n3A : i32 to index
        %swap3A_433 = arith.index_cast %select_n3A_375 : i32 to index
        %swap3A_434 = arith.index_cast %select_n3A_391 : i32 to index
        %swap3A_435 = arith.constant 32 : index
        %swap3A_436 = tpu.vector_load %arg11[%swap3A_432, %swap3A_433, %swap3A_434, %swap3A_435] {strides = array<i32>} : memref<4x4x8x128xf32, #tpu.memory_space<vmem>>, vector<16xf32>,
        tpu.vector_store %arg11[%swap3A_432, %swap3A_433, %swap3A_434, %swap3A_435], %get3A_402 {strides = array<i32>} : memref<4x4x8x128xf32, #tpu.memory_space<vmem>>, vector<16xf32>,
        %swap3A_437 = arith.index_cast %select_n3A : i32 to index
        %swap3A_438 = arith.index_cast %select_n3A_375 : i32 to index
        %swap3A_439 = arith.index_cast %select_n3A_391 : i32 to index
        %swap3A_440 = arith.constant 48 : index
        %swap3A_441 = tpu.vector_load %arg11[%swap3A_437, %swap3A_438, %swap3A_439, %swap3A_440] {strides = array<i32>} : memref<4x4x8x128xf32, #tpu.memory_space<vmem>>, vector<16xf32>,
        tpu.vector_store %arg11[%swap3A_437, %swap3A_438, %swap3A_439, %swap3A_440], %get3A_406 {strides = array<i32>} : memref<4x4x8x128xf32, #tpu.memory_space<vmem>>, vector<16xf32>,
        %swap3A_442 = arith.index_cast %select_n3A : i32 to index
        %swap3A_443 = arith.index_cast %select_n3A_375 : i32 to index
        %swap3A_444 = arith.index_cast %select_n3A_391 : i32 to index
        %swap3A_445 = arith.constant 64 : index
        %swap3A_446 = tpu.vector_load %arg11[%swap3A_442, %swap3A_443, %swap3A_444, %swap3A_445] {strides = array<i32>} : memref<4x4x8x128xf32, #tpu.memory_space<vmem>>, vector<16xf32>,
        tpu.vector_store %arg11[%swap3A_442, %swap3A_443, %swap3A_444, %swap3A_445], %get3A_410 {strides = array<i32>} : memref<4x4x8x128xf32, #tpu.memory_space<vmem>>, vector<16xf32>,
        %swap3A_447 = arith.index_cast %select_n3A : i32 to index
        %swap3A_448 = arith.index_cast %select_n3A_375 : i32 to index
        %swap3A_449 = arith.index_cast %select_n3A_391 : i32 to index
        %swap3A_450 = arith.constant 80 : index
        %swap3A_451 = tpu.vector_load %arg11[%swap3A_447, %swap3A_448, %swap3A_449, %swap3A_450] {strides = array<i32>} : memref<4x4x8x128xf32, #tpu.memory_space<vmem>>, vector<16xf32>,
        tpu.vector_store %arg11[%swap3A_447, %swap3A_448, %swap3A_449, %swap3A_450], %get3A_414 {strides = array<i32>} : memref<4x4x8x128xf32, #tpu.memory_space<vmem>>, vector<16xf32>,
        %swap3A_452 = arith.index_cast %select_n3A : i32 to index
        %swap3A_453 = arith.index_cast %select_n3A_375 : i32 to index
        %swap3A_454 = arith.index_cast %select_n3A_391 : i32 to index
        %swap3A_455 = arith.constant 96 : index
        %swap3A_456 = tpu.vector_load %arg11[%swap3A_452, %swap3A_453, %swap3A_454, %swap3A_455] {strides = array<i32>} : memref<4x4x8x128xf32, #tpu.memory_space<vmem>>, vector<16xf32>,
        tpu.vector_store %arg11[%swap3A_452, %swap3A_453, %swap3A_454, %swap3A_455], %get3A_418 {strides = array<i32>} : memref<4x4x8x128xf32, #tpu.memory_space<vmem>>, vector<16xf32>,
        %swap3A_457 = arith.index_cast %select_n3A : i32 to index
        %swap3A_458 = arith.index_cast %select_n3A_375 : i32 to index
        %swap3A_459 = arith.index_cast %select_n3A_391 : i32 to index
        %swap3A_460 = arith.constant 112 : index
        %swap3A_461 = tpu.vector_load %arg11[%swap3A_457, %swap3A_458, %swap3A_459, %swap3A_460] {strides = array<i32>} : memref<4x4x8x128xf32, #tpu.memory_space<vmem>>, vector<16xf32>,
        tpu.vector_store %arg11[%swap3A_457, %swap3A_458, %swap3A_459, %swap3A_460], %get3A_422 {strides = array<i32>} : memref<4x4x8x128xf32, #tpu.memory_space<vmem>>, vector<16xf32>,
        %scan3A_462 = arith.constant 1 : i32
        %scan3A_463 = arith.addi %scan3A_317, %scan3A_462 : i32
        %mul3A_464 = arith.constant 129 : i32
        %mul3A_465 = arith.muli %scan3A_463, %mul3A_464 : i32
        %jit3A_466 = arith.constant 32 : i32
        %div3A_467 = arith.divsi %scan3A_463, %jit3A_466 : i32
        %sign3A_468 = arith.constant 0 : i32
        %sign3A_469 = arith.cmpi sgt, %scan3A_463, %sign3A_468 : i32
        %sign3A_470 = arith.extui %sign3A_469 : i1 to i32
        %sign3A_471 = arith.constant 0 : i32
        %sign3A_472 = arith.cmpi slt, %scan3A_463, %sign3A_471 : i32
        %sign3A_473 = arith.extui %sign3A_472 : i1 to i32
        %sign3A_474 = arith.subi %sign3A_470, %sign3A_473 : i32
        %sign3A_475 = arith.constant 0 : i32
        %sign3A_476 = arith.cmpi sgt, %jit3A_466, %sign3A_475 : i32
        %sign3A_477 = arith.extui %sign3A_476 : i1 to i32
        %sign3A_478 = arith.constant 0 : i32
        %sign3A_479 = arith.cmpi slt, %jit3A_466, %sign3A_478 : i32
        %sign3A_480 = arith.extui %sign3A_479 : i1 to i32
        %sign3A_481 = arith.subi %sign3A_477, %sign3A_480 : i32
        %ne3A_482 = arith.cmpi ne, %sign3A_474, %sign3A_481 : i32
        %rem3A_483 = arith.remsi %scan3A_463, %jit3A_466 : i32
        %ne3A_484 = arith.constant 0 : i32
        %ne3A_485 = arith.cmpi ne, %rem3A_483, %ne3A_484 : i32
        %and3A_486 = arith.andi %ne3A_482, %ne3A_485 : i1
        %sub3A_487 = arith.constant 1 : i32
        %sub3A_488 = arith.subi %div3A_467, %sub3A_487 : i32
        %select_n3A_489 = arith.select %and3A_486, %sub3A_488, %div3A_467 : i32
        %jit3A_490 = arith.constant 8 : i32
        %div3A_491 = arith.divsi %scan3A_463, %jit3A_490 : i32
        %sign3A_492 = arith.constant 0 : i32
        %sign3A_493 = arith.cmpi sgt, %scan3A_463, %sign3A_492 : i32
        %sign3A_494 = arith.extui %sign3A_493 : i1 to i32
        %sign3A_495 = arith.constant 0 : i32
        %sign3A_496 = arith.cmpi slt, %scan3A_463, %sign3A_495 : i32
        %sign3A_497 = arith.extui %sign3A_496 : i1 to i32
        %sign3A_498 = arith.subi %sign3A_494, %sign3A_497 : i32
        %sign3A_499 = arith.constant 0 : i32
        %sign3A_500 = arith.cmpi sgt, %jit3A_490, %sign3A_499 : i32
        %sign3A_501 = arith.extui %sign3A_500 : i1 to i32
        %sign3A_502 = arith.constant 0 : i32
        %sign3A_503 = arith.cmpi slt, %jit3A_490, %sign3A_502 : i32
        %sign3A_504 = arith.extui %sign3A_503 : i1 to i32
        %sign3A_505 = arith.subi %sign3A_501, %sign3A_504 : i32
        %ne3A_506 = arith.cmpi ne, %sign3A_498, %sign3A_505 : i32
        %rem3A_507 = arith.remsi %scan3A_463, %jit3A_490 : i32
        %ne3A_508 = arith.constant 0 : i32
        %ne3A_509 = arith.cmpi ne, %rem3A_507, %ne3A_508 : i32
        %and3A_510 = arith.andi %ne3A_506, %ne3A_509 : i1
        %sub3A_511 = arith.constant 1 : i32
        %sub3A_512 = arith.subi %div3A_491, %sub3A_511 : i32
        %select_n3A_513 = arith.select %and3A_510, %sub3A_512, %div3A_491 : i32
        %jit3A_514 = arith.constant 4 : i32
        %eq3A_515 = arith.constant 0 : i32
        %eq3A_516 = arith.cmpi eq, %jit3A_514, %eq3A_515 : i32
        %jit3A_517 = arith.constant 1 : i32
        %select_n3A_518 = arith.select %eq3A_516, %jit3A_517, %jit3A_514 : i32
        %rem3A_519 = arith.remsi %select_n3A_513, %select_n3A_518 : i32
        %ne3A_520 = arith.constant 0 : i32
        %ne3A_521 = arith.cmpi ne, %rem3A_519, %ne3A_520 : i32
        %lt3A_522 = arith.constant 0 : i32
        %lt3A_523 = arith.cmpi slt, %rem3A_519, %lt3A_522 : i32
        %lt3A_524 = arith.constant 0 : i32
        %lt3A_525 = arith.cmpi slt, %select_n3A_518, %lt3A_524 : i32
        %ne3A_526 = arith.xori %lt3A_523, %lt3A_525 : i1
        %and3A_527 = arith.andi %ne3A_526, %ne3A_521 : i1
        %add3A_528 = arith.addi %rem3A_519, %select_n3A_518 : i32
        %select_n3A_529 = arith.select %and3A_527, %add3A_528, %rem3A_519 : i32
        %jit3A_530 = arith.constant 8 : i32
        %eq3A_531 = arith.constant 0 : i32
        %eq3A_532 = arith.cmpi eq, %jit3A_530, %eq3A_531 : i32
        %jit3A_533 = arith.constant 1 : i32
        %select_n3A_534 = arith.select %eq3A_532, %jit3A_533, %jit3A_530 : i32
        %rem3A_535 = arith.remsi %scan3A_463, %select_n3A_534 : i32
        %ne3A_536 = arith.constant 0 : i32
        %ne3A_537 = arith.cmpi ne, %rem3A_535, %ne3A_536 : i32
        %lt3A_538 = arith.constant 0 : i32
        %lt3A_539 = arith.cmpi slt, %rem3A_535, %lt3A_538 : i32
        %lt3A_540 = arith.constant 0 : i32
        %lt3A_541 = arith.cmpi slt, %select_n3A_534, %lt3A_540 : i32
        %ne3A_542 = arith.xori %lt3A_539, %lt3A_541 : i1
        %and3A_543 = arith.andi %ne3A_542, %ne3A_537 : i1
        %add3A_544 = arith.addi %rem3A_535, %select_n3A_534 : i32
        %select_n3A_545 = arith.select %and3A_543, %add3A_544, %rem3A_535 : i32
        %add3A_546 = arith.constant 0 : i32
        %add3A_547 = arith.addi %mul3A_465, %add3A_546 : i32
        %get3A_548 = arith.index_cast %add3A_547 : i32 to index
        %get3A_549 = tpu.vector_load %arg10[%get3A_548] {strides = array<i32>} : memref<16512xf32, #tpu.memory_space<vmem>>, vector<16xf32>,
        %add3A_550 = arith.constant 16 : i32
        %add3A_551 = arith.addi %mul3A_465, %add3A_550 : i32
        %get3A_552 = arith.index_cast %add3A_551 : i32 to index
        %get3A_553 = tpu.vector_load %arg10[%get3A_552] {strides = array<i32>} : memref<16512xf32, #tpu.memory_space<vmem>>, vector<16xf32>,
        %add3A_554 = arith.constant 32 : i32
        %add3A_555 = arith.addi %mul3A_465, %add3A_554 : i32
        %get3A_556 = arith.index_cast %add3A_555 : i32 to index
        %get3A_557 = tpu.vector_load %arg10[%get3A_556] {strides = array<i32>} : memref<16512xf32, #tpu.memory_space<vmem>>, vector<16xf32>,
        %add3A_558 = arith.constant 48 : i32
        %add3A_559 = arith.addi %mul3A_465, %add3A_558 : i32
        %get3A_560 = arith.index_cast %add3A_559 : i32 to index
        %get3A_561 = tpu.vector_load %arg10[%get3A_560] {strides = array<i32>} : memref<16512xf32, #tpu.memory_space<vmem>>, vector<16xf32>,
        %add3A_562 = arith.constant 64 : i32
        %add3A_563 = arith.addi %mul3A_465, %add3A_562 : i32
        %get3A_564 = arith.index_cast %add3A_563 : i32 to index
        %get3A_565 = tpu.vector_load %arg10[%get3A_564] {strides = array<i32>} : memref<16512xf32, #tpu.memory_space<vmem>>, vector<16xf32>,
        %add3A_566 = arith.constant 80 : i32
        %add3A_567 = arith.addi %mul3A_465, %add3A_566 : i32
        %get3A_568 = arith.index_cast %add3A_567 : i32 to index
        %get3A_569 = tpu.vector_load %arg10[%get3A_568] {strides = array<i32>} : memref<16512xf32, #tpu.memory_space<vmem>>, vector<16xf32>,
        %add3A_570 = arith.constant 96 : i32
        %add3A_571 = arith.addi %mul3A_465, %add3A_570 : i32
        %get3A_572 = arith.index_cast %add3A_571 : i32 to index
        %get3A_573 = tpu.vector_load %arg10[%get3A_572] {strides = array<i32>} : memref<16512xf32, #tpu.memory_space<vmem>>, vector<16xf32>,
        %add3A_574 = arith.constant 112 : i32
        %add3A_575 = arith.addi %mul3A_465, %add3A_574 : i32
        %get3A_576 = arith.index_cast %add3A_575 : i32 to index
        %get3A_577 = tpu.vector_load %arg10[%get3A_576] {strides = array<i32>} : memref<16512xf32, #tpu.memory_space<vmem>>, vector<16xf32>,
        %swap3A_578 = arith.index_cast %select_n3A_489 : i32 to index
        %swap3A_579 = arith.index_cast %select_n3A_529 : i32 to index
        %swap3A_580 = arith.index_cast %select_n3A_545 : i32 to index
        %swap3A_581 = arith.constant 0 : index
        %swap3A_582 = tpu.vector_load %arg11[%swap3A_578, %swap3A_579, %swap3A_580, %swap3A_581] {strides = array<i32>} : memref<4x4x8x128xf32, #tpu.memory_space<vmem>>, vector<16xf32>,
        tpu.vector_store %arg11[%swap3A_578, %swap3A_579, %swap3A_580, %swap3A_581], %get3A_549 {strides = array<i32>} : memref<4x4x8x128xf32, #tpu.memory_space<vmem>>, vector<16xf32>,
        %swap3A_583 = arith.index_cast %select_n3A_489 : i32 to index
        %swap3A_584 = arith.index_cast %select_n3A_529 : i32 to index
        %swap3A_585 = arith.index_cast %select_n3A_545 : i32 to index
        %swap3A_586 = arith.constant 16 : index
        %swap3A_587 = tpu.vector_load %arg11[%swap3A_583, %swap3A_584, %swap3A_585, %swap3A_586] {strides = array<i32>} : memref<4x4x8x128xf32, #tpu.memory_space<vmem>>, vector<16xf32>,
        tpu.vector_store %arg11[%swap3A_583, %swap3A_584, %swap3A_585, %swap3A_586], %get3A_553 {strides = array<i32>} : memref<4x4x8x128xf32, #tpu.memory_space<vmem>>, vector<16xf32>,
        %swap3A_588 = arith.index_cast %select_n3A_489 : i32 to index
        %swap3A_589 = arith.index_cast %select_n3A_529 : i32 to index
        %swap3A_590 = arith.index_cast %select_n3A_545 : i32 to index
        %swap3A_591 = arith.constant 32 : index
        %swap3A_592 = tpu.vector_load %arg11[%swap3A_588, %swap3A_589, %swap3A_590, %swap3A_591] {strides = array<i32>} : memref<4x4x8x128xf32, #tpu.memory_space<vmem>>, vector<16xf32>,
        tpu.vector_store %arg11[%swap3A_588, %swap3A_589, %swap3A_590, %swap3A_591], %get3A_557 {strides = array<i32>} : memref<4x4x8x128xf32, #tpu.memory_space<vmem>>, vector<16xf32>,
        %swap3A_593 = arith.index_cast %select_n3A_489 : i32 to index
        %swap3A_594 = arith.index_cast %select_n3A_529 : i32 to index
        %swap3A_595 = arith.index_cast %select_n3A_545 : i32 to index
        %swap3A_596 = arith.constant 48 : index
        %swap3A_597 = tpu.vector_load %arg11[%swap3A_593, %swap3A_594, %swap3A_595, %swap3A_596] {strides = array<i32>} : memref<4x4x8x128xf32, #tpu.memory_space<vmem>>, vector<16xf32>,
        tpu.vector_store %arg11[%swap3A_593, %swap3A_594, %swap3A_595, %swap3A_596], %get3A_561 {strides = array<i32>} : memref<4x4x8x128xf32, #tpu.memory_space<vmem>>, vector<16xf32>,
        %swap3A_598 = arith.index_cast %select_n3A_489 : i32 to index
        %swap3A_599 = arith.index_cast %select_n3A_529 : i32 to index
        %swap3A_600 = arith.index_cast %select_n3A_545 : i32 to index
        %swap3A_601 = arith.constant 64 : index
        %swap3A_602 = tpu.vector_load %arg11[%swap3A_598, %swap3A_599, %swap3A_600, %swap3A_601] {strides = array<i32>} : memref<4x4x8x128xf32, #tpu.memory_space<vmem>>, vector<16xf32>,
        tpu.vector_store %arg11[%swap3A_598, %swap3A_599, %swap3A_600, %swap3A_601], %get3A_565 {strides = array<i32>} : memref<4x4x8x128xf32, #tpu.memory_space<vmem>>, vector<16xf32>,
        %swap3A_603 = arith.index_cast %select_n3A_489 : i32 to index
        %swap3A_604 = arith.index_cast %select_n3A_529 : i32 to index
        %swap3A_605 = arith.index_cast %select_n3A_545 : i32 to index
        %swap3A_606 = arith.constant 80 : index
        %swap3A_607 = tpu.vector_load %arg11[%swap3A_603, %swap3A_604, %swap3A_605, %swap3A_606] {strides = array<i32>} : memref<4x4x8x128xf32, #tpu.memory_space<vmem>>, vector<16xf32>,
        tpu.vector_store %arg11[%swap3A_603, %swap3A_604, %swap3A_605, %swap3A_606], %get3A_569 {strides = array<i32>} : memref<4x4x8x128xf32, #tpu.memory_space<vmem>>, vector<16xf32>,
        %swap3A_608 = arith.index_cast %select_n3A_489 : i32 to index
        %swap3A_609 = arith.index_cast %select_n3A_529 : i32 to index
        %swap3A_610 = arith.index_cast %select_n3A_545 : i32 to index
        %swap3A_611 = arith.constant 96 : index
        %swap3A_612 = tpu.vector_load %arg11[%swap3A_608, %swap3A_609, %swap3A_610, %swap3A_611] {strides = array<i32>} : memref<4x4x8x128xf32, #tpu.memory_space<vmem>>, vector<16xf32>,
        tpu.vector_store %arg11[%swap3A_608, %swap3A_609, %swap3A_610, %swap3A_611], %get3A_573 {strides = array<i32>} : memref<4x4x8x128xf32, #tpu.memory_space<vmem>>, vector<16xf32>,
        %swap3A_613 = arith.index_cast %select_n3A_489 : i32 to index
        %swap3A_614 = arith.index_cast %select_n3A_529 : i32 to index
        %swap3A_615 = arith.index_cast %select_n3A_545 : i32 to index
        %swap3A_616 = arith.constant 112 : index
        %swap3A_617 = tpu.vector_load %arg11[%swap3A_613, %swap3A_614, %swap3A_615, %swap3A_616] {strides = array<i32>} : memref<4x4x8x128xf32, #tpu.memory_space<vmem>>, vector<16xf32>,
        tpu.vector_store %arg11[%swap3A_613, %swap3A_614, %swap3A_615, %swap3A_616], %get3A_577 {strides = array<i32>} : memref<4x4x8x128xf32, #tpu.memory_space<vmem>>, vector<16xf32>,
        %scan3A_618 = arith.constant 2 : i32
        %scan3A_619 = arith.addi %scan3A_317, %scan3A_618 : i32
        %mul3A_620 = arith.constant 129 : i32
        %mul3A_621 = arith.muli %scan3A_619, %mul3A_620 : i32
        %jit3A_622 = arith.constant 32 : i32
        %div3A_623 = arith.divsi %scan3A_619, %jit3A_622 : i32
        %sign3A_624 = arith.constant 0 : i32
        %sign3A_625 = arith.cmpi sgt, %scan3A_619, %sign3A_624 : i32
        %sign3A_626 = arith.extui %sign3A_625 : i1 to i32
        %sign3A_627 = arith.constant 0 : i32
        %sign3A_628 = arith.cmpi slt, %scan3A_619, %sign3A_627 : i32
        %sign3A_629 = arith.extui %sign3A_628 : i1 to i32
        %sign3A_630 = arith.subi %sign3A_626, %sign3A_629 : i32
        %sign3A_631 = arith.constant 0 : i32
        %sign3A_632 = arith.cmpi sgt, %jit3A_622, %sign3A_631 : i32
        %sign3A_633 = arith.extui %sign3A_632 : i1 to i32
        %sign3A_634 = arith.constant 0 : i32
        %sign3A_635 = arith.cmpi slt, %jit3A_622, %sign3A_634 : i32
        %sign3A_636 = arith.extui %sign3A_635 : i1 to i32
        %sign3A_637 = arith.subi %sign3A_633, %sign3A_636 : i32
        %ne3A_638 = arith.cmpi ne, %sign3A_630, %sign3A_637 : i32
        %rem3A_639 = arith.remsi %scan3A_619, %jit3A_622 : i32
        %ne3A_640 = arith.constant 0 : i32
        %ne3A_641 = arith.cmpi ne, %rem3A_639, %ne3A_640 : i32
        %and3A_642 = arith.andi %ne3A_638, %ne3A_641 : i1
        %sub3A_643 = arith.constant 1 : i32
        %sub3A_644 = arith.subi %div3A_623, %sub3A_643 : i32
        %select_n3A_645 = arith.select %and3A_642, %sub3A_644, %div3A_623 : i32
        %jit3A_646 = arith.constant 8 : i32
        %div3A_647 = arith.divsi %scan3A_619, %jit3A_646 : i32
        %sign3A_648 = arith.constant 0 : i32
        %sign3A_649 = arith.cmpi sgt, %scan3A_619, %sign3A_648 : i32
        %sign3A_650 = arith.extui %sign3A_649 : i1 to i32
        %sign3A_651 = arith.constant 0 : i32
        %sign3A_652 = arith.cmpi slt, %scan3A_619, %sign3A_651 : i32
        %sign3A_653 = arith.extui %sign3A_652 : i1 to i32
        %sign3A_654 = arith.subi %sign3A_650, %sign3A_653 : i32
        %sign3A_655 = arith.constant 0 : i32
        %sign3A_656 = arith.cmpi sgt, %jit3A_646, %sign3A_655 : i32
        %sign3A_657 = arith.extui %sign3A_656 : i1 to i32
        %sign3A_658 = arith.constant 0 : i32
        %sign3A_659 = arith.cmpi slt, %jit3A_646, %sign3A_658 : i32
        %sign3A_660 = arith.extui %sign3A_659 : i1 to i32
        %sign3A_661 = arith.subi %sign3A_657, %sign3A_660 : i32
        %ne3A_662 = arith.cmpi ne, %sign3A_654, %sign3A_661 : i32
        %rem3A_663 = arith.remsi %scan3A_619, %jit3A_646 : i32
        %ne3A_664 = arith.constant 0 : i32
        %ne3A_665 = arith.cmpi ne, %rem3A_663, %ne3A_664 : i32
        %and3A_666 = arith.andi %ne3A_662, %ne3A_665 : i1
        %sub3A_667 = arith.constant 1 : i32
        %sub3A_668 = arith.subi %div3A_647, %sub3A_667 : i32
        %select_n3A_669 = arith.select %and3A_666, %sub3A_668, %div3A_647 : i32
        %jit3A_670 = arith.constant 4 : i32
        %eq3A_671 = arith.constant 0 : i32
        %eq3A_672 = arith.cmpi eq, %jit3A_670, %eq3A_671 : i32
        %jit3A_673 = arith.constant 1 : i32
        %select_n3A_674 = arith.select %eq3A_672, %jit3A_673, %jit3A_670 : i32
        %rem3A_675 = arith.remsi %select_n3A_669, %select_n3A_674 : i32
        %ne3A_676 = arith.constant 0 : i32
        %ne3A_677 = arith.cmpi ne, %rem3A_675, %ne3A_676 : i32
        %lt3A_678 = arith.constant 0 : i32
        %lt3A_679 = arith.cmpi slt, %rem3A_675, %lt3A_678 : i32
        %lt3A_680 = arith.constant 0 : i32
        %lt3A_681 = arith.cmpi slt, %select_n3A_674, %lt3A_680 : i32
        %ne3A_682 = arith.xori %lt3A_679, %lt3A_681 : i1
        %and3A_683 = arith.andi %ne3A_682, %ne3A_677 : i1
        %add3A_684 = arith.addi %rem3A_675, %select_n3A_674 : i32
        %select_n3A_685 = arith.select %and3A_683, %add3A_684, %rem3A_675 : i32
        %jit3A_686 = arith.constant 8 : i32
        %eq3A_687 = arith.constant 0 : i32
        %eq3A_688 = arith.cmpi eq, %jit3A_686, %eq3A_687 : i32
        %jit3A_689 = arith.constant 1 : i32
        %select_n3A_690 = arith.select %eq3A_688, %jit3A_689, %jit3A_686 : i32
        %rem3A_691 = arith.remsi %scan3A_619, %select_n3A_690 : i32
        %ne3A_692 = arith.constant 0 : i32
        %ne3A_693 = arith.cmpi ne, %rem3A_691, %ne3A_692 : i32
        %lt3A_694 = arith.constant 0 : i32
        %lt3A_695 = arith.cmpi slt, %rem3A_691, %lt3A_694 : i32
        %lt3A_696 = arith.constant 0 : i32
        %lt3A_697 = arith.cmpi slt, %select_n3A_690, %lt3A_696 : i32
        %ne3A_698 = arith.xori %lt3A_695, %lt3A_697 : i1
        %and3A_699 = arith.andi %ne3A_698, %ne3A_693 : i1
        %add3A_700 = arith.addi %rem3A_691, %select_n3A_690 : i32
        %select_n3A_701 = arith.select %and3A_699, %add3A_700, %rem3A_691 : i32
        %add3A_702 = arith.constant 0 : i32
        %add3A_703 = arith.addi %mul3A_621, %add3A_702 : i32
        %get3A_704 = arith.index_cast %add3A_703 : i32 to index
        %get3A_705 = tpu.vector_load %arg10[%get3A_704] {strides = array<i32>} : memref<16512xf32, #tpu.memory_space<vmem>>, vector<16xf32>,
        %add3A_706 = arith.constant 16 : i32
        %add3A_707 = arith.addi %mul3A_621, %add3A_706 : i32
        %get3A_708 = arith.index_cast %add3A_707 : i32 to index
        %get3A_709 = tpu.vector_load %arg10[%get3A_708] {strides = array<i32>} : memref<16512xf32, #tpu.memory_space<vmem>>, vector<16xf32>,
        %add3A_710 = arith.constant 32 : i32
        %add3A_711 = arith.addi %mul3A_621, %add3A_710 : i32
        %get3A_712 = arith.index_cast %add3A_711 : i32 to index
        %get3A_713 = tpu.vector_load %arg10[%get3A_712] {strides = array<i32>} : memref<16512xf32, #tpu.memory_space<vmem>>, vector<16xf32>,
        %add3A_714 = arith.constant 48 : i32
        %add3A_715 = arith.addi %mul3A_621, %add3A_714 : i32
        %get3A_716 = arith.index_cast %add3A_715 : i32 to index
        %get3A_717 = tpu.vector_load %arg10[%get3A_716] {strides = array<i32>} : memref<16512xf32, #tpu.memory_space<vmem>>, vector<16xf32>,
        %add3A_718 = arith.constant 64 : i32
        %add3A_719 = arith.addi %mul3A_621, %add3A_718 : i32
        %get3A_720 = arith.index_cast %add3A_719 : i32 to index
        %get3A_721 = tpu.vector_load %arg10[%get3A_720] {strides = array<i32>} : memref<16512xf32, #tpu.memory_space<vmem>>, vector<16xf32>,
        %add3A_722 = arith.constant 80 : i32
        %add3A_723 = arith.addi %mul3A_621, %add3A_722 : i32
        %get3A_724 = arith.index_cast %add3A_723 : i32 to index
        %get3A_725 = tpu.vector_load %arg10[%get3A_724] {strides = array<i32>} : memref<16512xf32, #tpu.memory_space<vmem>>, vector<16xf32>,
        %add3A_726 = arith.constant 96 : i32
        %add3A_727 = arith.addi %mul3A_621, %add3A_726 : i32
        %get3A_728 = arith.index_cast %add3A_727 : i32 to index
        %get3A_729 = tpu.vector_load %arg10[%get3A_728] {strides = array<i32>} : memref<16512xf32, #tpu.memory_space<vmem>>, vector<16xf32>,
        %add3A_730 = arith.constant 112 : i32
        %add3A_731 = arith.addi %mul3A_621, %add3A_730 : i32
        %get3A_732 = arith.index_cast %add3A_731 : i32 to index
        %get3A_733 = tpu.vector_load %arg10[%get3A_732] {strides = array<i32>} : memref<16512xf32, #tpu.memory_space<vmem>>, vector<16xf32>,
        %swap3A_734 = arith.index_cast %select_n3A_645 : i32 to index
        %swap3A_735 = arith.index_cast %select_n3A_685 : i32 to index
        %swap3A_736 = arith.index_cast %select_n3A_701 : i32 to index
        %swap3A_737 = arith.constant 0 : index
        %swap3A_738 = tpu.vector_load %arg11[%swap3A_734, %swap3A_735, %swap3A_736, %swap3A_737] {strides = array<i32>} : memref<4x4x8x128xf32, #tpu.memory_space<vmem>>, vector<16xf32>,
        tpu.vector_store %arg11[%swap3A_734, %swap3A_735, %swap3A_736, %swap3A_737], %get3A_705 {strides = array<i32>} : memref<4x4x8x128xf32, #tpu.memory_space<vmem>>, vector<16xf32>,
        %swap3A_739 = arith.index_cast %select_n3A_645 : i32 to index
        %swap3A_740 = arith.index_cast %select_n3A_685 : i32 to index
        %swap3A_741 = arith.index_cast %select_n3A_701 : i32 to index
        %swap3A_742 = arith.constant 16 : index
        %swap3A_743 = tpu.vector_load %arg11[%swap3A_739, %swap3A_740, %swap3A_741, %swap3A_742] {strides = array<i32>} : memref<4x4x8x128xf32, #tpu.memory_space<vmem>>, vector<16xf32>,
        tpu.vector_store %arg11[%swap3A_739, %swap3A_740, %swap3A_741, %swap3A_742], %get3A_709 {strides = array<i32>} : memref<4x4x8x128xf32, #tpu.memory_space<vmem>>, vector<16xf32>,
        %swap3A_744 = arith.index_cast %select_n3A_645 : i32 to index
        %swap3A_745 = arith.index_cast %select_n3A_685 : i32 to index
        %swap3A_746 = arith.index_cast %select_n3A_701 : i32 to index
        %swap3A_747 = arith.constant 32 : index
        %swap3A_748 = tpu.vector_load %arg11[%swap3A_744, %swap3A_745, %swap3A_746, %swap3A_747] {strides = array<i32>} : memref<4x4x8x128xf32, #tpu.memory_space<vmem>>, vector<16xf32>,
        tpu.vector_store %arg11[%swap3A_744, %swap3A_745, %swap3A_746, %swap3A_747], %get3A_713 {strides = array<i32>} : memref<4x4x8x128xf32, #tpu.memory_space<vmem>>, vector<16xf32>,
        %swap3A_749 = arith.index_cast %select_n3A_645 : i32 to index
        %swap3A_750 = arith.index_cast %select_n3A_685 : i32 to index
        %swap3A_751 = arith.index_cast %select_n3A_701 : i32 to index
        %swap3A_752 = arith.constant 48 : index
        %swap3A_753 = tpu.vector_load %arg11[%swap3A_749, %swap3A_750, %swap3A_751, %swap3A_752] {strides = array<i32>} : memref<4x4x8x128xf32, #tpu.memory_space<vmem>>, vector<16xf32>,
        tpu.vector_store %arg11[%swap3A_749, %swap3A_750, %swap3A_751, %swap3A_752], %get3A_717 {strides = array<i32>} : memref<4x4x8x128xf32, #tpu.memory_space<vmem>>, vector<16xf32>,
        %swap3A_754 = arith.index_cast %select_n3A_645 : i32 to index
        %swap3A_755 = arith.index_cast %select_n3A_685 : i32 to index
        %swap3A_756 = arith.index_cast %select_n3A_701 : i32 to index
        %swap3A_757 = arith.constant 64 : index
        %swap3A_758 = tpu.vector_load %arg11[%swap3A_754, %swap3A_755, %swap3A_756, %swap3A_757] {strides = array<i32>} : memref<4x4x8x128xf32, #tpu.memory_space<vmem>>, vector<16xf32>,
        tpu.vector_store %arg11[%swap3A_754, %swap3A_755, %swap3A_756, %swap3A_757], %get3A_721 {strides = array<i32>} : memref<4x4x8x128xf32, #tpu.memory_space<vmem>>, vector<16xf32>,
        %swap3A_759 = arith.index_cast %select_n3A_645 : i32 to index
        %swap3A_760 = arith.index_cast %select_n3A_685 : i32 to index
        %swap3A_761 = arith.index_cast %select_n3A_701 : i32 to index
        %swap3A_762 = arith.constant 80 : index
        %swap3A_763 = tpu.vector_load %arg11[%swap3A_759, %swap3A_760, %swap3A_761, %swap3A_762] {strides = array<i32>} : memref<4x4x8x128xf32, #tpu.memory_space<vmem>>, vector<16xf32>,
        tpu.vector_store %arg11[%swap3A_759, %swap3A_760, %swap3A_761, %swap3A_762], %get3A_725 {strides = array<i32>} : memref<4x4x8x128xf32, #tpu.memory_space<vmem>>, vector<16xf32>,
        %swap3A_764 = arith.index_cast %select_n3A_645 : i32 to index
        %swap3A_765 = arith.index_cast %select_n3A_685 : i32 to index
        %swap3A_766 = arith.index_cast %select_n3A_701 : i32 to index
        %swap3A_767 = arith.constant 96 : index
        %swap3A_768 = tpu.vector_load %arg11[%swap3A_764, %swap3A_765, %swap3A_766, %swap3A_767] {strides = array<i32>} : memref<4x4x8x128xf32, #tpu.memory_space<vmem>>, vector<16xf32>,
        tpu.vector_store %arg11[%swap3A_764, %swap3A_765, %swap3A_766, %swap3A_767], %get3A_729 {strides = array<i32>} : memref<4x4x8x128xf32, #tpu.memory_space<vmem>>, vector<16xf32>,
        %swap3A_769 = arith.index_cast %select_n3A_645 : i32 to index
        %swap3A_770 = arith.index_cast %select_n3A_685 : i32 to index
        %swap3A_771 = arith.index_cast %select_n3A_701 : i32 to index
        %swap3A_772 = arith.constant 112 : index
        %swap3A_773 = tpu.vector_load %arg11[%swap3A_769, %swap3A_770, %swap3A_771, %swap3A_772] {strides = array<i32>} : memref<4x4x8x128xf32, #tpu.memory_space<vmem>>, vector<16xf32>,
        tpu.vector_store %arg11[%swap3A_769, %swap3A_770, %swap3A_771, %swap3A_772], %get3A_733 {strides = array<i32>} : memref<4x4x8x128xf32, #tpu.memory_space<vmem>>, vector<16xf32>,
        %scan3A_774 = arith.constant 3 : i32
        %scan3A_775 = arith.addi %scan3A_317, %scan3A_774 : i32
        %mul3A_776 = arith.constant 129 : i32
        %mul3A_777 = arith.muli %scan3A_775, %mul3A_776 : i32
        %jit3A_778 = arith.constant 32 : i32
        %div3A_779 = arith.divsi %scan3A_775, %jit3A_778 : i32
        %sign3A_780 = arith.constant 0 : i32
        %sign3A_781 = arith.cmpi sgt, %scan3A_775, %sign3A_780 : i32
        %sign3A_782 = arith.extui %sign3A_781 : i1 to i32
        %sign3A_783 = arith.constant 0 : i32
        %sign3A_784 = arith.cmpi slt, %scan3A_775, %sign3A_783 : i32
        %sign3A_785 = arith.extui %sign3A_784 : i1 to i32
        %sign3A_786 = arith.subi %sign3A_782, %sign3A_785 : i32
        %sign3A_787 = arith.constant 0 : i32
        %sign3A_788 = arith.cmpi sgt, %jit3A_778, %sign3A_787 : i32
        %sign3A_789 = arith.extui %sign3A_788 : i1 to i32
        %sign3A_790 = arith.constant 0 : i32
        %sign3A_791 = arith.cmpi slt, %jit3A_778, %sign3A_790 : i32
        %sign3A_792 = arith.extui %sign3A_791 : i1 to i32
        %sign3A_793 = arith.subi %sign3A_789, %sign3A_792 : i32
        %ne3A_794 = arith.cmpi ne, %sign3A_786, %sign3A_793 : i32
        %rem3A_795 = arith.remsi %scan3A_775, %jit3A_778 : i32
        %ne3A_796 = arith.constant 0 : i32
        %ne3A_797 = arith.cmpi ne, %rem3A_795, %ne3A_796 : i32
        %and3A_798 = arith.andi %ne3A_794, %ne3A_797 : i1
        %sub3A_799 = arith.constant 1 : i32
        %sub3A_800 = arith.subi %div3A_779, %sub3A_799 : i32
        %select_n3A_801 = arith.select %and3A_798, %sub3A_800, %div3A_779 : i32
        %jit3A_802 = arith.constant 8 : i32
        %div3A_803 = arith.divsi %scan3A_775, %jit3A_802 : i32
        %sign3A_804 = arith.constant 0 : i32
        %sign3A_805 = arith.cmpi sgt, %scan3A_775, %sign3A_804 : i32
        %sign3A_806 = arith.extui %sign3A_805 : i1 to i32
        %sign3A_807 = arith.constant 0 : i32
        %sign3A_808 = arith.cmpi slt, %scan3A_775, %sign3A_807 : i32
        %sign3A_809 = arith.extui %sign3A_808 : i1 to i32
        %sign3A_810 = arith.subi %sign3A_806, %sign3A_809 : i32
        %sign3A_811 = arith.constant 0 : i32
        %sign3A_812 = arith.cmpi sgt, %jit3A_802, %sign3A_811 : i32
        %sign3A_813 = arith.extui %sign3A_812 : i1 to i32
        %sign3A_814 = arith.constant 0 : i32
        %sign3A_815 = arith.cmpi slt, %jit3A_802, %sign3A_814 : i32
        %sign3A_816 = arith.extui %sign3A_815 : i1 to i32
        %sign3A_817 = arith.subi %sign3A_813, %sign3A_816 : i32
        %ne3A_818 = arith.cmpi ne, %sign3A_810, %sign3A_817 : i32
        %rem3A_819 = arith.remsi %scan3A_775, %jit3A_802 : i32
        %ne3A_820 = arith.constant 0 : i32
        %ne3A_821 = arith.cmpi ne, %rem3A_819, %ne3A_820 : i32
        %and3A_822 = arith.andi %ne3A_818, %ne3A_821 : i1
        %sub3A_823 = arith.constant 1 : i32
        %sub3A_824 = arith.subi %div3A_803, %sub3A_823 : i32
        %select_n3A_825 = arith.select %and3A_822, %sub3A_824, %div3A_803 : i32
        %jit3A_826 = arith.constant 4 : i32
        %eq3A_827 = arith.constant 0 : i32
        %eq3A_828 = arith.cmpi eq, %jit3A_826, %eq3A_827 : i32
        %jit3A_829 = arith.constant 1 : i32
        %select_n3A_830 = arith.select %eq3A_828, %jit3A_829, %jit3A_826 : i32
        %rem3A_831 = arith.remsi %select_n3A_825, %select_n3A_830 : i32
        %ne3A_832 = arith.constant 0 : i32
        %ne3A_833 = arith.cmpi ne, %rem3A_831, %ne3A_832 : i32
        %lt3A_834 = arith.constant 0 : i32
        %lt3A_835 = arith.cmpi slt, %rem3A_831, %lt3A_834 : i32
        %lt3A_836 = arith.constant 0 : i32
        %lt3A_837 = arith.cmpi slt, %select_n3A_830, %lt3A_836 : i32
        %ne3A_838 = arith.xori %lt3A_835, %lt3A_837 : i1
        %and3A_839 = arith.andi %ne3A_838, %ne3A_833 : i1
        %add3A_840 = arith.addi %rem3A_831, %select_n3A_830 : i32
        %select_n3A_841 = arith.select %and3A_839, %add3A_840, %rem3A_831 : i32
        %jit3A_842 = arith.constant 8 : i32
        %eq3A_843 = arith.constant 0 : i32
        %eq3A_844 = arith.cmpi eq, %jit3A_842, %eq3A_843 : i32
        %jit3A_845 = arith.constant 1 : i32
        %select_n3A_846 = arith.select %eq3A_844, %jit3A_845, %jit3A_842 : i32
        %rem3A_847 = arith.remsi %scan3A_775, %select_n3A_846 : i32
        %ne3A_848 = arith.constant 0 : i32
        %ne3A_849 = arith.cmpi ne, %rem3A_847, %ne3A_848 : i32
        %lt3A_850 = arith.constant 0 : i32
        %lt3A_851 = arith.cmpi slt, %rem3A_847, %lt3A_850 : i32
        %lt3A_852 = arith.constant 0 : i32
        %lt3A_853 = arith.cmpi slt, %select_n3A_846, %lt3A_852 : i32
        %ne3A_854 = arith.xori %lt3A_851, %lt3A_853 : i1
        %and3A_855 = arith.andi %ne3A_854, %ne3A_849 : i1
        %add3A_856 = arith.addi %rem3A_847, %select_n3A_846 : i32
        %select_n3A_857 = arith.select %and3A_855, %add3A_856, %rem3A_847 : i32
        %add3A_858 = arith.constant 0 : i32
        %add3A_859 = arith.addi %mul3A_777, %add3A_858 : i32
        %get3A_860 = arith.index_cast %add3A_859 : i32 to index
        %get3A_861 = tpu.vector_load %arg10[%get3A_860] {strides = array<i32>} : memref<16512xf32, #tpu.memory_space<vmem>>, vector<16xf32>,
        %add3A_862 = arith.constant 16 : i32
        %add3A_863 = arith.addi %mul3A_777, %add3A_862 : i32
        %get3A_864 = arith.index_cast %add3A_863 : i32 to index
        %get3A_865 = tpu.vector_load %arg10[%get3A_864] {strides = array<i32>} : memref<16512xf32, #tpu.memory_space<vmem>>, vector<16xf32>,
        %add3A_866 = arith.constant 32 : i32
        %add3A_867 = arith.addi %mul3A_777, %add3A_866 : i32
        %get3A_868 = arith.index_cast %add3A_867 : i32 to index
        %get3A_869 = tpu.vector_load %arg10[%get3A_868] {strides = array<i32>} : memref<16512xf32, #tpu.memory_space<vmem>>, vector<16xf32>,
        %add3A_870 = arith.constant 48 : i32
        %add3A_871 = arith.addi %mul3A_777, %add3A_870 : i32
        %get3A_872 = arith.index_cast %add3A_871 : i32 to index
        %get3A_873 = tpu.vector_load %arg10[%get3A_872] {strides = array<i32>} : memref<16512xf32, #tpu.memory_space<vmem>>, vector<16xf32>,
        %add3A_874 = arith.constant 64 : i32
        %add3A_875 = arith.addi %mul3A_777, %add3A_874 : i32
        %get3A_876 = arith.index_cast %add3A_875 : i32 to index
        %get3A_877 = tpu.vector_load %arg10[%get3A_876] {strides = array<i32>} : memref<16512xf32, #tpu.memory_space<vmem>>, vector<16xf32>,
        %add3A_878 = arith.constant 80 : i32
        %add3A_879 = arith.addi %mul3A_777, %add3A_878 : i32
        %get3A_880 = arith.index_cast %add3A_879 : i32 to index
        %get3A_881 = tpu.vector_load %arg10[%get3A_880] {strides = array<i32>} : memref<16512xf32, #tpu.memory_space<vmem>>, vector<16xf32>,
        %add3A_882 = arith.constant 96 : i32
        %add3A_883 = arith.addi %mul3A_777, %add3A_882 : i32
        %get3A_884 = arith.index_cast %add3A_883 : i32 to index
        %get3A_885 = tpu.vector_load %arg10[%get3A_884] {strides = array<i32>} : memref<16512xf32, #tpu.memory_space<vmem>>, vector<16xf32>,
        %add3A_886 = arith.constant 112 : i32
        %add3A_887 = arith.addi %mul3A_777, %add3A_886 : i32
        %get3A_888 = arith.index_cast %add3A_887 : i32 to index
        %get3A_889 = tpu.vector_load %arg10[%get3A_888] {strides = array<i32>} : memref<16512xf32, #tpu.memory_space<vmem>>, vector<16xf32>,
        %swap3A_890 = arith.index_cast %select_n3A_801 : i32 to index
        %swap3A_891 = arith.index_cast %select_n3A_841 : i32 to index
        %swap3A_892 = arith.index_cast %select_n3A_857 : i32 to index
        %swap3A_893 = arith.constant 0 : index
        %swap3A_894 = tpu.vector_load %arg11[%swap3A_890, %swap3A_891, %swap3A_892, %swap3A_893] {strides = array<i32>} : memref<4x4x8x128xf32, #tpu.memory_space<vmem>>, vector<16xf32>,
        tpu.vector_store %arg11[%swap3A_890, %swap3A_891, %swap3A_892, %swap3A_893], %get3A_861 {strides = array<i32>} : memref<4x4x8x128xf32, #tpu.memory_space<vmem>>, vector<16xf32>,
        %swap3A_895 = arith.index_cast %select_n3A_801 : i32 to index
        %swap3A_896 = arith.index_cast %select_n3A_841 : i32 to index
        %swap3A_897 = arith.index_cast %select_n3A_857 : i32 to index
        %swap3A_898 = arith.constant 16 : index
        %swap3A_899 = tpu.vector_load %arg11[%swap3A_895, %swap3A_896, %swap3A_897, %swap3A_898] {strides = array<i32>} : memref<4x4x8x128xf32, #tpu.memory_space<vmem>>, vector<16xf32>,
        tpu.vector_store %arg11[%swap3A_895, %swap3A_896, %swap3A_897, %swap3A_898], %get3A_865 {strides = array<i32>} : memref<4x4x8x128xf32, #tpu.memory_space<vmem>>, vector<16xf32>,
        %swap3A_900 = arith.index_cast %select_n3A_801 : i32 to index
        %swap3A_901 = arith.index_cast %select_n3A_841 : i32 to index
        %swap3A_902 = arith.index_cast %select_n3A_857 : i32 to index
        %swap3A_903 = arith.constant 32 : index
        %swap3A_904 = tpu.vector_load %arg11[%swap3A_900, %swap3A_901, %swap3A_902, %swap3A_903] {strides = array<i32>} : memref<4x4x8x128xf32, #tpu.memory_space<vmem>>, vector<16xf32>,
        tpu.vector_store %arg11[%swap3A_900, %swap3A_901, %swap3A_902, %swap3A_903], %get3A_869 {strides = array<i32>} : memref<4x4x8x128xf32, #tpu.memory_space<vmem>>, vector<16xf32>,
        %swap3A_905 = arith.index_cast %select_n3A_801 : i32 to index
        %swap3A_906 = arith.index_cast %select_n3A_841 : i32 to index
        %swap3A_907 = arith.index_cast %select_n3A_857 : i32 to index
        %swap3A_908 = arith.constant 48 : index
        %swap3A_909 = tpu.vector_load %arg11[%swap3A_905, %swap3A_906, %swap3A_907, %swap3A_908] {strides = array<i32>} : memref<4x4x8x128xf32, #tpu.memory_space<vmem>>, vector<16xf32>,
        tpu.vector_store %arg11[%swap3A_905, %swap3A_906, %swap3A_907, %swap3A_908], %get3A_873 {strides = array<i32>} : memref<4x4x8x128xf32, #tpu.memory_space<vmem>>, vector<16xf32>,
        %swap3A_910 = arith.index_cast %select_n3A_801 : i32 to index
        %swap3A_911 = arith.index_cast %select_n3A_841 : i32 to index
        %swap3A_912 = arith.index_cast %select_n3A_857 : i32 to index
        %swap3A_913 = arith.constant 64 : index
        %swap3A_914 = tpu.vector_load %arg11[%swap3A_910, %swap3A_911, %swap3A_912, %swap3A_913] {strides = array<i32>} : memref<4x4x8x128xf32, #tpu.memory_space<vmem>>, vector<16xf32>,
        tpu.vector_store %arg11[%swap3A_910, %swap3A_911, %swap3A_912, %swap3A_913], %get3A_877 {strides = array<i32>} : memref<4x4x8x128xf32, #tpu.memory_space<vmem>>, vector<16xf32>,
        %swap3A_915 = arith.index_cast %select_n3A_801 : i32 to index
        %swap3A_916 = arith.index_cast %select_n3A_841 : i32 to index
        %swap3A_917 = arith.index_cast %select_n3A_857 : i32 to index
        %swap3A_918 = arith.constant 80 : index
        %swap3A_919 = tpu.vector_load %arg11[%swap3A_915, %swap3A_916, %swap3A_917, %swap3A_918] {strides = array<i32>} : memref<4x4x8x128xf32, #tpu.memory_space<vmem>>, vector<16xf32>,
        tpu.vector_store %arg11[%swap3A_915, %swap3A_916, %swap3A_917, %swap3A_918], %get3A_881 {strides = array<i32>} : memref<4x4x8x128xf32, #tpu.memory_space<vmem>>, vector<16xf32>,
        %swap3A_920 = arith.index_cast %select_n3A_801 : i32 to index
        %swap3A_921 = arith.index_cast %select_n3A_841 : i32 to index
        %swap3A_922 = arith.index_cast %select_n3A_857 : i32 to index
        %swap3A_923 = arith.constant 96 : index
        %swap3A_924 = tpu.vector_load %arg11[%swap3A_920, %swap3A_921, %swap3A_922, %swap3A_923] {strides = array<i32>} : memref<4x4x8x128xf32, #tpu.memory_space<vmem>>, vector<16xf32>,
        tpu.vector_store %arg11[%swap3A_920, %swap3A_921, %swap3A_922, %swap3A_923], %get3A_885 {strides = array<i32>} : memref<4x4x8x128xf32, #tpu.memory_space<vmem>>, vector<16xf32>,
        %swap3A_925 = arith.index_cast %select_n3A_801 : i32 to index
        %swap3A_926 = arith.index_cast %select_n3A_841 : i32 to index
        %swap3A_927 = arith.index_cast %select_n3A_857 : i32 to index
        %swap3A_928 = arith.constant 112 : index
        %swap3A_929 = tpu.vector_load %arg11[%swap3A_925, %swap3A_926, %swap3A_927, %swap3A_928] {strides = array<i32>} : memref<4x4x8x128xf32, #tpu.memory_space<vmem>>, vector<16xf32>,
        tpu.vector_store %arg11[%swap3A_925, %swap3A_926, %swap3A_927, %swap3A_928], %get3A_889 {strides = array<i32>} : memref<4x4x8x128xf32, #tpu.memory_space<vmem>>, vector<16xf32>,
        %scan3A_930 = arith.constant 4 : i32
        %scan3A_931 = arith.addi %scan3A_317, %scan3A_930 : i32
        %mul3A_932 = arith.constant 129 : i32
        %mul3A_933 = arith.muli %scan3A_931, %mul3A_932 : i32
        %jit3A_934 = arith.constant 32 : i32
        %div3A_935 = arith.divsi %scan3A_931, %jit3A_934 : i32
        %sign3A_936 = arith.constant 0 : i32
        %sign3A_937 = arith.cmpi sgt, %scan3A_931, %sign3A_936 : i32
        %sign3A_938 = arith.extui %sign3A_937 : i1 to i32
        %sign3A_939 = arith.constant 0 : i32
        %sign3A_940 = arith.cmpi slt, %scan3A_931, %sign3A_939 : i32
        %sign3A_941 = arith.extui %sign3A_940 : i1 to i32
        %sign3A_942 = arith.subi %sign3A_938, %sign3A_941 : i32
        %sign3A_943 = arith.constant 0 : i32
        %sign3A_944 = arith.cmpi sgt, %jit3A_934, %sign3A_943 : i32
        %sign3A_945 = arith.extui %sign3A_944 : i1 to i32
        %sign3A_946 = arith.constant 0 : i32
        %sign3A_947 = arith.cmpi slt, %jit3A_934, %sign3A_946 : i32
        %sign3A_948 = arith.extui %sign3A_947 : i1 to i32
        %sign3A_949 = arith.subi %sign3A_945, %sign3A_948 : i32
        %ne3A_950 = arith.cmpi ne, %sign3A_942, %sign3A_949 : i32
        %rem3A_951 = arith.remsi %scan3A_931, %jit3A_934 : i32
        %ne3A_952 = arith.constant 0 : i32
        %ne3A_953 = arith.cmpi ne, %rem3A_951, %ne3A_952 : i32
        %and3A_954 = arith.andi %ne3A_950, %ne3A_953 : i1
        %sub3A_955 = arith.constant 1 : i32
        %sub3A_956 = arith.subi %div3A_935, %sub3A_955 : i32
        %select_n3A_957 = arith.select %and3A_954, %sub3A_956, %div3A_935 : i32
        %jit3A_958 = arith.constant 8 : i32
        %div3A_959 = arith.divsi %scan3A_931, %jit3A_958 : i32
        %sign3A_960 = arith.constant 0 : i32
        %sign3A_961 = arith.cmpi sgt, %scan3A_931, %sign3A_960 : i32
        %sign3A_962 = arith.extui %sign3A_961 : i1 to i32
        %sign3A_963 = arith.constant 0 : i32
        %sign3A_964 = arith.cmpi slt, %scan3A_931, %sign3A_963 : i32
        %sign3A_965 = arith.extui %sign3A_964 : i1 to i32
        %sign3A_966 = arith.subi %sign3A_962, %sign3A_965 : i32
        %sign3A_967 = arith.constant 0 : i32
        %sign3A_968 = arith.cmpi sgt, %jit3A_958, %sign3A_967 : i32
        %sign3A_969 = arith.extui %sign3A_968 : i1 to i32
        %sign3A_970 = arith.constant 0 : i32
        %sign3A_971 = arith.cmpi slt, %jit3A_958, %sign3A_970 : i32
        %sign3A_972 = arith.extui %sign3A_971 : i1 to i32
        %sign3A_973 = arith.subi %sign3A_969, %sign3A_972 : i32
        %ne3A_974 = arith.cmpi ne, %sign3A_966, %sign3A_973 : i32
        %rem3A_975 = arith.remsi %scan3A_931, %jit3A_958 : i32
        %ne3A_976 = arith.constant 0 : i32
        %ne3A_977 = arith.cmpi ne, %rem3A_975, %ne3A_976 : i32
        %and3A_978 = arith.andi %ne3A_974, %ne3A_977 : i1
        %sub3A_979 = arith.constant 1 : i32
        %sub3A_980 = arith.subi %div3A_959, %sub3A_979 : i32
        %select_n3A_981 = arith.select %and3A_978, %sub3A_980, %div3A_959 : i32
        %jit3A_982 = arith.constant 4 : i32
        %eq3A_983 = arith.constant 0 : i32
        %eq3A_984 = arith.cmpi eq, %jit3A_982, %eq3A_983 : i32
        %jit3A_985 = arith.constant 1 : i32
        %select_n3A_986 = arith.select %eq3A_984, %jit3A_985, %jit3A_982 : i32
        %rem3A_987 = arith.remsi %select_n3A_981, %select_n3A_986 : i32
        %ne3A_988 = arith.constant 0 : i32
        %ne3A_989 = arith.cmpi ne, %rem3A_987, %ne3A_988 : i32
        %lt3A_990 = arith.constant 0 : i32
        %lt3A_991 = arith.cmpi slt, %rem3A_987, %lt3A_990 : i32
        %lt3A_992 = arith.constant 0 : i32
        %lt3A_993 = arith.cmpi slt, %select_n3A_986, %lt3A_992 : i32
        %ne3A_994 = arith.xori %lt3A_991, %lt3A_993 : i1
        %and3A_995 = arith.andi %ne3A_994, %ne3A_989 : i1
        %add3A_996 = arith.addi %rem3A_987, %select_n3A_986 : i32
        %select_n3A_997 = arith.select %and3A_995, %add3A_996, %rem3A_987 : i32
        %jit3A_998 = arith.constant 8 : i32
        %eq3A_999 = arith.constant 0 : i32
        %eq3A_1000 = arith.cmpi eq, %jit3A_998, %eq3A_999 : i32
        %jit3A_1001 = arith.constant 1 : i32
        %select_n3A_1002 = arith.select %eq3A_1000, %jit3A_1001, %jit3A_998 : i32
        %rem3A_1003 = arith.remsi %scan3A_931, %select_n3A_1002 : i32
        %ne3A_1004 = arith.constant 0 : i32
        %ne3A_1005 = arith.cmpi ne, %rem3A_1003, %ne3A_1004 : i32
        %lt3A_1006 = arith.constant 0 : i32
        %lt3A_1007 = arith.cmpi slt, %rem3A_1003, %lt3A_1006 : i32
        %lt3A_1008 = arith.constant 0 : i32
        %lt3A_1009 = arith.cmpi slt, %select_n3A_1002, %lt3A_1008 : i32
        %ne3A_1010 = arith.xori %lt3A_1007, %lt3A_1009 : i1
        %and3A_1011 = arith.andi %ne3A_1010, %ne3A_1005 : i1
        %add3A_1012 = arith.addi %rem3A_1003, %select_n3A_1002 : i32
        %select_n3A_1013 = arith.select %and3A_1011, %add3A_1012, %rem3A_1003 : i32
        %add3A_1014 = arith.constant 0 : i32
        %add3A_1015 = arith.addi %mul3A_933, %add3A_1014 : i32
        %get3A_1016 = arith.index_cast %add3A_1015 : i32 to index
        %get3A_1017 = tpu.vector_load %arg10[%get3A_1016] {strides = array<i32>} : memref<16512xf32, #tpu.memory_space<vmem>>, vector<16xf32>,
        %add3A_1018 = arith.constant 16 : i32
        %add3A_1019 = arith.addi %mul3A_933, %add3A_1018 : i32
        %get3A_1020 = arith.index_cast %add3A_1019 : i32 to index
        %get3A_1021 = tpu.vector_load %arg10[%get3A_1020] {strides = array<i32>} : memref<16512xf32, #tpu.memory_space<vmem>>, vector<16xf32>,
        %add3A_1022 = arith.constant 32 : i32
        %add3A_1023 = arith.addi %mul3A_933, %add3A_1022 : i32
        %get3A_1024 = arith.index_cast %add3A_1023 : i32 to index
        %get3A_1025 = tpu.vector_load %arg10[%get3A_1024] {strides = array<i32>} : memref<16512xf32, #tpu.memory_space<vmem>>, vector<16xf32>,
        %add3A_1026 = arith.constant 48 : i32
        %add3A_1027 = arith.addi %mul3A_933, %add3A_1026 : i32
        %get3A_1028 = arith.index_cast %add3A_1027 : i32 to index
        %get3A_1029 = tpu.vector_load %arg10[%get3A_1028] {strides = array<i32>} : memref<16512xf32, #tpu.memory_space<vmem>>, vector<16xf32>,
        %add3A_1030 = arith.constant 64 : i32
        %add3A_1031 = arith.addi %mul3A_933, %add3A_1030 : i32
        %get3A_1032 = arith.index_cast %add3A_1031 : i32 to index
        %get3A_1033 = tpu.vector_load %arg10[%get3A_1032] {strides = array<i32>} : memref<16512xf32, #tpu.memory_space<vmem>>, vector<16xf32>,
        %add3A_1034 = arith.constant 80 : i32
        %add3A_1035 = arith.addi %mul3A_933, %add3A_1034 : i32
        %get3A_1036 = arith.index_cast %add3A_1035 : i32 to index
        %get3A_1037 = tpu.vector_load %arg10[%get3A_1036] {strides = array<i32>} : memref<16512xf32, #tpu.memory_space<vmem>>, vector<16xf32>,
        %add3A_1038 = arith.constant 96 : i32
        %add3A_1039 = arith.addi %mul3A_933, %add3A_1038 : i32
        %get3A_1040 = arith.index_cast %add3A_1039 : i32 to index
        %get3A_1041 = tpu.vector_load %arg10[%get3A_1040] {strides = array<i32>} : memref<16512xf32, #tpu.memory_space<vmem>>, vector<16xf32>,
        %add3A_1042 = arith.constant 112 : i32
        %add3A_1043 = arith.addi %mul3A_933, %add3A_1042 : i32
        %get3A_1044 = arith.index_cast %add3A_1043 : i32 to index
        %get3A_1045 = tpu.vector_load %arg10[%get3A_1044] {strides = array<i32>} : memref<16512xf32, #tpu.memory_space<vmem>>, vector<16xf32>,
        %swap3A_1046 = arith.index_cast %select_n3A_957 : i32 to index
        %swap3A_1047 = arith.index_cast %select_n3A_997 : i32 to index
        %swap3A_1048 = arith.index_cast %select_n3A_1013 : i32 to index
        %swap3A_1049 = arith.constant 0 : index
        %swap3A_1050 = tpu.vector_load %arg11[%swap3A_1046, %swap3A_1047, %swap3A_1048, %swap3A_1049] {strides = array<i32>} : memref<4x4x8x128xf32, #tpu.memory_space<vmem>>, vector<16xf32>,
        tpu.vector_store %arg11[%swap3A_1046, %swap3A_1047, %swap3A_1048, %swap3A_1049], %get3A_1017 {strides = array<i32>} : memref<4x4x8x128xf32, #tpu.memory_space<vmem>>, vector<16xf32>,
        %swap3A_1051 = arith.index_cast %select_n3A_957 : i32 to index
        %swap3A_1052 = arith.index_cast %select_n3A_997 : i32 to index
        %swap3A_1053 = arith.index_cast %select_n3A_1013 : i32 to index
        %swap3A_1054 = arith.constant 16 : index
        %swap3A_1055 = tpu.vector_load %arg11[%swap3A_1051, %swap3A_1052, %swap3A_1053, %swap3A_1054] {strides = array<i32>} : memref<4x4x8x128xf32, #tpu.memory_space<vmem>>, vector<16xf32>,
        tpu.vector_store %arg11[%swap3A_1051, %swap3A_1052, %swap3A_1053, %swap3A_1054], %get3A_1021 {strides = array<i32>} : memref<4x4x8x128xf32, #tpu.memory_space<vmem>>, vector<16xf32>,
        %swap3A_1056 = arith.index_cast %select_n3A_957 : i32 to index
        %swap3A_1057 = arith.index_cast %select_n3A_997 : i32 to index
        %swap3A_1058 = arith.index_cast %select_n3A_1013 : i32 to index
        %swap3A_1059 = arith.constant 32 : index
        %swap3A_1060 = tpu.vector_load %arg11[%swap3A_1056, %swap3A_1057, %swap3A_1058, %swap3A_1059] {strides = array<i32>} : memref<4x4x8x128xf32, #tpu.memory_space<vmem>>, vector<16xf32>,
        tpu.vector_store %arg11[%swap3A_1056, %swap3A_1057, %swap3A_1058, %swap3A_1059], %get3A_1025 {strides = array<i32>} : memref<4x4x8x128xf32, #tpu.memory_space<vmem>>, vector<16xf32>,
        %swap3A_1061 = arith.index_cast %select_n3A_957 : i32 to index
        %swap3A_1062 = arith.index_cast %select_n3A_997 : i32 to index
        %swap3A_1063 = arith.index_cast %select_n3A_1013 : i32 to index
        %swap3A_1064 = arith.constant 48 : index
        %swap3A_1065 = tpu.vector_load %arg11[%swap3A_1061, %swap3A_1062, %swap3A_1063, %swap3A_1064] {strides = array<i32>} : memref<4x4x8x128xf32, #tpu.memory_space<vmem>>, vector<16xf32>,
        tpu.vector_store %arg11[%swap3A_1061, %swap3A_1062, %swap3A_1063, %swap3A_1064], %get3A_1029 {strides = array<i32>} : memref<4x4x8x128xf32, #tpu.memory_space<vmem>>, vector<16xf32>,
        %swap3A_1066 = arith.index_cast %select_n3A_957 : i32 to index
        %swap3A_1067 = arith.index_cast %select_n3A_997 : i32 to index
        %swap3A_1068 = arith.index_cast %select_n3A_1013 : i32 to index
        %swap3A_1069 = arith.constant 64 : index
        %swap3A_1070 = tpu.vector_load %arg11[%swap3A_1066, %swap3A_1067, %swap3A_1068, %swap3A_1069] {strides = array<i32>} : memref<4x4x8x128xf32, #tpu.memory_space<vmem>>, vector<16xf32>,
        tpu.vector_store %arg11[%swap3A_1066, %swap3A_1067, %swap3A_1068, %swap3A_1069], %get3A_1033 {strides = array<i32>} : memref<4x4x8x128xf32, #tpu.memory_space<vmem>>, vector<16xf32>,
        %swap3A_1071 = arith.index_cast %select_n3A_957 : i32 to index
        %swap3A_1072 = arith.index_cast %select_n3A_997 : i32 to index
        %swap3A_1073 = arith.index_cast %select_n3A_1013 : i32 to index
        %swap3A_1074 = arith.constant 80 : index
        %swap3A_1075 = tpu.vector_load %arg11[%swap3A_1071, %swap3A_1072, %swap3A_1073, %swap3A_1074] {strides = array<i32>} : memref<4x4x8x128xf32, #tpu.memory_space<vmem>>, vector<16xf32>,
        tpu.vector_store %arg11[%swap3A_1071, %swap3A_1072, %swap3A_1073, %swap3A_1074], %get3A_1037 {strides = array<i32>} : memref<4x4x8x128xf32, #tpu.memory_space<vmem>>, vector<16xf32>,
        %swap3A_1076 = arith.index_cast %select_n3A_957 : i32 to index
        %swap3A_1077 = arith.index_cast %select_n3A_997 : i32 to index
        %swap3A_1078 = arith.index_cast %select_n3A_1013 : i32 to index
        %swap3A_1079 = arith.constant 96 : index
        %swap3A_1080 = tpu.vector_load %arg11[%swap3A_1076, %swap3A_1077, %swap3A_1078, %swap3A_1079] {strides = array<i32>} : memref<4x4x8x128xf32, #tpu.memory_space<vmem>>, vector<16xf32>,
        tpu.vector_store %arg11[%swap3A_1076, %swap3A_1077, %swap3A_1078, %swap3A_1079], %get3A_1041 {strides = array<i32>} : memref<4x4x8x128xf32, #tpu.memory_space<vmem>>, vector<16xf32>,
        %swap3A_1081 = arith.index_cast %select_n3A_957 : i32 to index
        %swap3A_1082 = arith.index_cast %select_n3A_997 : i32 to index
        %swap3A_1083 = arith.index_cast %select_n3A_1013 : i32 to index
        %swap3A_1084 = arith.constant 112 : index
        %swap3A_1085 = tpu.vector_load %arg11[%swap3A_1081, %swap3A_1082, %swap3A_1083, %swap3A_1084] {strides = array<i32>} : memref<4x4x8x128xf32, #tpu.memory_space<vmem>>, vector<16xf32>,
        tpu.vector_store %arg11[%swap3A_1081, %swap3A_1082, %swap3A_1083, %swap3A_1084], %get3A_1045 {strides = array<i32>} : memref<4x4x8x128xf32, #tpu.memory_space<vmem>>, vector<16xf32>,
        %scan3A_1086 = arith.constant 5 : i32
        %scan3A_1087 = arith.addi %scan3A_317, %scan3A_1086 : i32
        %mul3A_1088 = arith.constant 129 : i32
        %mul3A_1089 = arith.muli %scan3A_1087, %mul3A_1088 : i32
        %jit3A_1090 = arith.constant 32 : i32
        %div3A_1091 = arith.divsi %scan3A_1087, %jit3A_1090 : i32
        %sign3A_1092 = arith.constant 0 : i32
        %sign3A_1093 = arith.cmpi sgt, %scan3A_1087, %sign3A_1092 : i32
        %sign3A_1094 = arith.extui %sign3A_1093 : i1 to i32
        %sign3A_1095 = arith.constant 0 : i32
        %sign3A_1096 = arith.cmpi slt, %scan3A_1087, %sign3A_1095 : i32
        %sign3A_1097 = arith.extui %sign3A_1096 : i1 to i32
        %sign3A_1098 = arith.subi %sign3A_1094, %sign3A_1097 : i32
        %sign3A_1099 = arith.constant 0 : i32
        %sign3A_1100 = arith.cmpi sgt, %jit3A_1090, %sign3A_1099 : i32
        %sign3A_1101 = arith.extui %sign3A_1100 : i1 to i32
        %sign3A_1102 = arith.constant 0 : i32
        %sign3A_1103 = arith.cmpi slt, %jit3A_1090, %sign3A_1102 : i32
        %sign3A_1104 = arith.extui %sign3A_1103 : i1 to i32
        %sign3A_1105 = arith.subi %sign3A_1101, %sign3A_1104 : i32
        %ne3A_1106 = arith.cmpi ne, %sign3A_1098, %sign3A_1105 : i32
        %rem3A_1107 = arith.remsi %scan3A_1087, %jit3A_1090 : i32
        %ne3A_1108 = arith.constant 0 : i32
        %ne3A_1109 = arith.cmpi ne, %rem3A_1107, %ne3A_1108 : i32
        %and3A_1110 = arith.andi %ne3A_1106, %ne3A_1109 : i1
        %sub3A_1111 = arith.constant 1 : i32
        %sub3A_1112 = arith.subi %div3A_1091, %sub3A_1111 : i32
        %select_n3A_1113 = arith.select %and3A_1110, %sub3A_1112, %div3A_1091 : i32
        %jit3A_1114 = arith.constant 8 : i32
        %div3A_1115 = arith.divsi %scan3A_1087, %jit3A_1114 : i32
        %sign3A_1116 = arith.constant 0 : i32
        %sign3A_1117 = arith.cmpi sgt, %scan3A_1087, %sign3A_1116 : i32
        %sign3A_1118 = arith.extui %sign3A_1117 : i1 to i32
        %sign3A_1119 = arith.constant 0 : i32
        %sign3A_1120 = arith.cmpi slt, %scan3A_1087, %sign3A_1119 : i32
        %sign3A_1121 = arith.extui %sign3A_1120 : i1 to i32
        %sign3A_1122 = arith.subi %sign3A_1118, %sign3A_1121 : i32
        %sign3A_1123 = arith.constant 0 : i32
        %sign3A_1124 = arith.cmpi sgt, %jit3A_1114, %sign3A_1123 : i32
        %sign3A_1125 = arith.extui %sign3A_1124 : i1 to i32
        %sign3A_1126 = arith.constant 0 : i32
        %sign3A_1127 = arith.cmpi slt, %jit3A_1114, %sign3A_1126 : i32
        %sign3A_1128 = arith.extui %sign3A_1127 : i1 to i32
        %sign3A_1129 = arith.subi %sign3A_1125, %sign3A_1128 : i32
        %ne3A_1130 = arith.cmpi ne, %sign3A_1122, %sign3A_1129 : i32
        %rem3A_1131 = arith.remsi %scan3A_1087, %jit3A_1114 : i32
        %ne3A_1132 = arith.constant 0 : i32
        %ne3A_1133 = arith.cmpi ne, %rem3A_1131, %ne3A_1132 : i32
        %and3A_1134 = arith.andi %ne3A_1130, %ne3A_1133 : i1
        %sub3A_1135 = arith.constant 1 : i32
        %sub3A_1136 = arith.subi %div3A_1115, %sub3A_1135 : i32
        %select_n3A_1137 = arith.select %and3A_1134, %sub3A_1136, %div3A_1115 : i32
        %jit3A_1138 = arith.constant 4 : i32
        %eq3A_1139 = arith.constant 0 : i32
        %eq3A_1140 = arith.cmpi eq, %jit3A_1138, %eq3A_1139 : i32
        %jit3A_1141 = arith.constant 1 : i32
        %select_n3A_1142 = arith.select %eq3A_1140, %jit3A_1141, %jit3A_1138 : i32
        %rem3A_1143 = arith.remsi %select_n3A_1137, %select_n3A_1142 : i32
        %ne3A_1144 = arith.constant 0 : i32
        %ne3A_1145 = arith.cmpi ne, %rem3A_1143, %ne3A_1144 : i32
        %lt3A_1146 = arith.constant 0 : i32
        %lt3A_1147 = arith.cmpi slt, %rem3A_1143, %lt3A_1146 : i32
        %lt3A_1148 = arith.constant 0 : i32
        %lt3A_1149 = arith.cmpi slt, %select_n3A_1142, %lt3A_1148 : i32
        %ne3A_1150 = arith.xori %lt3A_1147, %lt3A_1149 : i1
        %and3A_1151 = arith.andi %ne3A_1150, %ne3A_1145 : i1
        %add3A_1152 = arith.addi %rem3A_1143, %select_n3A_1142 : i32
        %select_n3A_1153 = arith.select %and3A_1151, %add3A_1152, %rem3A_1143 : i32
        %jit3A_1154 = arith.constant 8 : i32
        %eq3A_1155 = arith.constant 0 : i32
        %eq3A_1156 = arith.cmpi eq, %jit3A_1154, %eq3A_1155 : i32
        %jit3A_1157 = arith.constant 1 : i32
        %select_n3A_1158 = arith.select %eq3A_1156, %jit3A_1157, %jit3A_1154 : i32
        %rem3A_1159 = arith.remsi %scan3A_1087, %select_n3A_1158 : i32
        %ne3A_1160 = arith.constant 0 : i32
        %ne3A_1161 = arith.cmpi ne, %rem3A_1159, %ne3A_1160 : i32
        %lt3A_1162 = arith.constant 0 : i32
        %lt3A_1163 = arith.cmpi slt, %rem3A_1159, %lt3A_1162 : i32
        %lt3A_1164 = arith.constant 0 : i32
        %lt3A_1165 = arith.cmpi slt, %select_n3A_1158, %lt3A_1164 : i32
        %ne3A_1166 = arith.xori %lt3A_1163, %lt3A_1165 : i1
        %and3A_1167 = arith.andi %ne3A_1166, %ne3A_1161 : i1
        %add3A_1168 = arith.addi %rem3A_1159, %select_n3A_1158 : i32
        %select_n3A_1169 = arith.select %and3A_1167, %add3A_1168, %rem3A_1159 : i32
        %add3A_1170 = arith.constant 0 : i32
        %add3A_1171 = arith.addi %mul3A_1089, %add3A_1170 : i32
        %get3A_1172 = arith.index_cast %add3A_1171 : i32 to index
        %get3A_1173 = tpu.vector_load %arg10[%get3A_1172] {strides = array<i32>} : memref<16512xf32, #tpu.memory_space<vmem>>, vector<16xf32>,
        %add3A_1174 = arith.constant 16 : i32
        %add3A_1175 = arith.addi %mul3A_1089, %add3A_1174 : i32
        %get3A_1176 = arith.index_cast %add3A_1175 : i32 to index
        %get3A_1177 = tpu.vector_load %arg10[%get3A_1176] {strides = array<i32>} : memref<16512xf32, #tpu.memory_space<vmem>>, vector<16xf32>,
        %add3A_1178 = arith.constant 32 : i32
        %add3A_1179 = arith.addi %mul3A_1089, %add3A_1178 : i32
        %get3A_1180 = arith.index_cast %add3A_1179 : i32 to index
        %get3A_1181 = tpu.vector_load %arg10[%get3A_1180] {strides = array<i32>} : memref<16512xf32, #tpu.memory_space<vmem>>, vector<16xf32>,
        %add3A_1182 = arith.constant 48 : i32
        %add3A_1183 = arith.addi %mul3A_1089, %add3A_1182 : i32
        %get3A_1184 = arith.index_cast %add3A_1183 : i32 to index
        %get3A_1185 = tpu.vector_load %arg10[%get3A_1184] {strides = array<i32>} : memref<16512xf32, #tpu.memory_space<vmem>>, vector<16xf32>,
        %add3A_1186 = arith.constant 64 : i32
        %add3A_1187 = arith.addi %mul3A_1089, %add3A_1186 : i32
        %get3A_1188 = arith.index_cast %add3A_1187 : i32 to index
        %get3A_1189 = tpu.vector_load %arg10[%get3A_1188] {strides = array<i32>} : memref<16512xf32, #tpu.memory_space<vmem>>, vector<16xf32>,
        %add3A_1190 = arith.constant 80 : i32
        %add3A_1191 = arith.addi %mul3A_1089, %add3A_1190 : i32
        %get3A_1192 = arith.index_cast %add3A_1191 : i32 to index
        %get3A_1193 = tpu.vector_load %arg10[%get3A_1192] {strides = array<i32>} : memref<16512xf32, #tpu.memory_space<vmem>>, vector<16xf32>,
        %add3A_1194 = arith.constant 96 : i32
        %add3A_1195 = arith.addi %mul3A_1089, %add3A_1194 : i32
        %get3A_1196 = arith.index_cast %add3A_1195 : i32 to index
        %get3A_1197 = tpu.vector_load %arg10[%get3A_1196] {strides = array<i32>} : memref<16512xf32, #tpu.memory_space<vmem>>, vector<16xf32>,
        %add3A_1198 = arith.constant 112 : i32
        %add3A_1199 = arith.addi %mul3A_1089, %add3A_1198 : i32
        %get3A_1200 = arith.index_cast %add3A_1199 : i32 to index
        %get3A_1201 = tpu.vector_load %arg10[%get3A_1200] {strides = array<i32>} : memref<16512xf32, #tpu.memory_space<vmem>>, vector<16xf32>,
        %swap3A_1202 = arith.index_cast %select_n3A_1113 : i32 to index
        %swap3A_1203 = arith.index_cast %select_n3A_1153 : i32 to index
        %swap3A_1204 = arith.index_cast %select_n3A_1169 : i32 to index
        %swap3A_1205 = arith.constant 0 : index
        %swap3A_1206 = tpu.vector_load %arg11[%swap3A_1202, %swap3A_1203, %swap3A_1204, %swap3A_1205] {strides = array<i32>} : memref<4x4x8x128xf32, #tpu.memory_space<vmem>>, vector<16xf32>,
        tpu.vector_store %arg11[%swap3A_1202, %swap3A_1203, %swap3A_1204, %swap3A_1205], %get3A_1173 {strides = array<i32>} : memref<4x4x8x128xf32, #tpu.memory_space<vmem>>, vector<16xf32>,
        %swap3A_1207 = arith.index_cast %select_n3A_1113 : i32 to index
        %swap3A_1208 = arith.index_cast %select_n3A_1153 : i32 to index
        %swap3A_1209 = arith.index_cast %select_n3A_1169 : i32 to index
        %swap3A_1210 = arith.constant 16 : index
        %swap3A_1211 = tpu.vector_load %arg11[%swap3A_1207, %swap3A_1208, %swap3A_1209, %swap3A_1210] {strides = array<i32>} : memref<4x4x8x128xf32, #tpu.memory_space<vmem>>, vector<16xf32>,
        tpu.vector_store %arg11[%swap3A_1207, %swap3A_1208, %swap3A_1209, %swap3A_1210], %get3A_1177 {strides = array<i32>} : memref<4x4x8x128xf32, #tpu.memory_space<vmem>>, vector<16xf32>,
        %swap3A_1212 = arith.index_cast %select_n3A_1113 : i32 to index
        %swap3A_1213 = arith.index_cast %select_n3A_1153 : i32 to index
        %swap3A_1214 = arith.index_cast %select_n3A_1169 : i32 to index
        %swap3A_1215 = arith.constant 32 : index
        %swap3A_1216 = tpu.vector_load %arg11[%swap3A_1212, %swap3A_1213, %swap3A_1214, %swap3A_1215] {strides = array<i32>} : memref<4x4x8x128xf32, #tpu.memory_space<vmem>>, vector<16xf32>,
        tpu.vector_store %arg11[%swap3A_1212, %swap3A_1213, %swap3A_1214, %swap3A_1215], %get3A_1181 {strides = array<i32>} : memref<4x4x8x128xf32, #tpu.memory_space<vmem>>, vector<16xf32>,
        %swap3A_1217 = arith.index_cast %select_n3A_1113 : i32 to index
        %swap3A_1218 = arith.index_cast %select_n3A_1153 : i32 to index
        %swap3A_1219 = arith.index_cast %select_n3A_1169 : i32 to index
        %swap3A_1220 = arith.constant 48 : index
        %swap3A_1221 = tpu.vector_load %arg11[%swap3A_1217, %swap3A_1218, %swap3A_1219, %swap3A_1220] {strides = array<i32>} : memref<4x4x8x128xf32, #tpu.memory_space<vmem>>, vector<16xf32>,
        tpu.vector_store %arg11[%swap3A_1217, %swap3A_1218, %swap3A_1219, %swap3A_1220], %get3A_1185 {strides = array<i32>} : memref<4x4x8x128xf32, #tpu.memory_space<vmem>>, vector<16xf32>,
        %swap3A_1222 = arith.index_cast %select_n3A_1113 : i32 to index
        %swap3A_1223 = arith.index_cast %select_n3A_1153 : i32 to index
        %swap3A_1224 = arith.index_cast %select_n3A_1169 : i32 to index
        %swap3A_1225 = arith.constant 64 : index
        %swap3A_1226 = tpu.vector_load %arg11[%swap3A_1222, %swap3A_1223, %swap3A_1224, %swap3A_1225] {strides = array<i32>} : memref<4x4x8x128xf32, #tpu.memory_space<vmem>>, vector<16xf32>,
        tpu.vector_store %arg11[%swap3A_1222, %swap3A_1223, %swap3A_1224, %swap3A_1225], %get3A_1189 {strides = array<i32>} : memref<4x4x8x128xf32, #tpu.memory_space<vmem>>, vector<16xf32>,
        %swap3A_1227 = arith.index_cast %select_n3A_1113 : i32 to index
        %swap3A_1228 = arith.index_cast %select_n3A_1153 : i32 to index
        %swap3A_1229 = arith.index_cast %select_n3A_1169 : i32 to index
        %swap3A_1230 = arith.constant 80 : index
        %swap3A_1231 = tpu.vector_load %arg11[%swap3A_1227, %swap3A_1228, %swap3A_1229, %swap3A_1230] {strides = array<i32>} : memref<4x4x8x128xf32, #tpu.memory_space<vmem>>, vector<16xf32>,
        tpu.vector_store %arg11[%swap3A_1227, %swap3A_1228, %swap3A_1229, %swap3A_1230], %get3A_1193 {strides = array<i32>} : memref<4x4x8x128xf32, #tpu.memory_space<vmem>>, vector<16xf32>,
        %swap3A_1232 = arith.index_cast %select_n3A_1113 : i32 to index
        %swap3A_1233 = arith.index_cast %select_n3A_1153 : i32 to index
        %swap3A_1234 = arith.index_cast %select_n3A_1169 : i32 to index
        %swap3A_1235 = arith.constant 96 : index
        %swap3A_1236 = tpu.vector_load %arg11[%swap3A_1232, %swap3A_1233, %swap3A_1234, %swap3A_1235] {strides = array<i32>} : memref<4x4x8x128xf32, #tpu.memory_space<vmem>>, vector<16xf32>,
        tpu.vector_store %arg11[%swap3A_1232, %swap3A_1233, %swap3A_1234, %swap3A_1235], %get3A_1197 {strides = array<i32>} : memref<4x4x8x128xf32, #tpu.memory_space<vmem>>, vector<16xf32>,
        %swap3A_1237 = arith.index_cast %select_n3A_1113 : i32 to index
        %swap3A_1238 = arith.index_cast %select_n3A_1153 : i32 to index
        %swap3A_1239 = arith.index_cast %select_n3A_1169 : i32 to index
        %swap3A_1240 = arith.constant 112 : index
        %swap3A_1241 = tpu.vector_load %arg11[%swap3A_1237, %swap3A_1238, %swap3A_1239, %swap3A_1240] {strides = array<i32>} : memref<4x4x8x128xf32, #tpu.memory_space<vmem>>, vector<16xf32>,
        tpu.vector_store %arg11[%swap3A_1237, %swap3A_1238, %swap3A_1239, %swap3A_1240], %get3A_1201 {strides = array<i32>} : memref<4x4x8x128xf32, #tpu.memory_space<vmem>>, vector<16xf32>,
        %scan3A_1242 = arith.constant 6 : i32
        %scan3A_1243 = arith.addi %scan3A_317, %scan3A_1242 : i32
        %mul3A_1244 = arith.constant 129 : i32
        %mul3A_1245 = arith.muli %scan3A_1243, %mul3A_1244 : i32
        %jit3A_1246 = arith.constant 32 : i32
        %div3A_1247 = arith.divsi %scan3A_1243, %jit3A_1246 : i32
        %sign3A_1248 = arith.constant 0 : i32
        %sign3A_1249 = arith.cmpi sgt, %scan3A_1243, %sign3A_1248 : i32
        %sign3A_1250 = arith.extui %sign3A_1249 : i1 to i32
        %sign3A_1251 = arith.constant 0 : i32
        %sign3A_1252 = arith.cmpi slt, %scan3A_1243, %sign3A_1251 : i32
        %sign3A_1253 = arith.extui %sign3A_1252 : i1 to i32
        %sign3A_1254 = arith.subi %sign3A_1250, %sign3A_1253 : i32
        %sign3A_1255 = arith.constant 0 : i32
        %sign3A_1256 = arith.cmpi sgt, %jit3A_1246, %sign3A_1255 : i32
        %sign3A_1257 = arith.extui %sign3A_1256 : i1 to i32
        %sign3A_1258 = arith.constant 0 : i32
        %sign3A_1259 = arith.cmpi slt, %jit3A_1246, %sign3A_1258 : i32
        %sign3A_1260 = arith.extui %sign3A_1259 : i1 to i32
        %sign3A_1261 = arith.subi %sign3A_1257, %sign3A_1260 : i32
        %ne3A_1262 = arith.cmpi ne, %sign3A_1254, %sign3A_1261 : i32
        %rem3A_1263 = arith.remsi %scan3A_1243, %jit3A_1246 : i32
        %ne3A_1264 = arith.constant 0 : i32
        %ne3A_1265 = arith.cmpi ne, %rem3A_1263, %ne3A_1264 : i32
        %and3A_1266 = arith.andi %ne3A_1262, %ne3A_1265 : i1
        %sub3A_1267 = arith.constant 1 : i32
        %sub3A_1268 = arith.subi %div3A_1247, %sub3A_1267 : i32
        %select_n3A_1269 = arith.select %and3A_1266, %sub3A_1268, %div3A_1247 : i32
        %jit3A_1270 = arith.constant 8 : i32
        %div3A_1271 = arith.divsi %scan3A_1243, %jit3A_1270 : i32
        %sign3A_1272 = arith.constant 0 : i32
        %sign3A_1273 = arith.cmpi sgt, %scan3A_1243, %sign3A_1272 : i32
        %sign3A_1274 = arith.extui %sign3A_1273 : i1 to i32
        %sign3A_1275 = arith.constant 0 : i32
        %sign3A_1276 = arith.cmpi slt, %scan3A_1243, %sign3A_1275 : i32
        %sign3A_1277 = arith.extui %sign3A_1276 : i1 to i32
        %sign3A_1278 = arith.subi %sign3A_1274, %sign3A_1277 : i32
        %sign3A_1279 = arith.constant 0 : i32
        %sign3A_1280 = arith.cmpi sgt, %jit3A_1270, %sign3A_1279 : i32
        %sign3A_1281 = arith.extui %sign3A_1280 : i1 to i32
        %sign3A_1282 = arith.constant 0 : i32
        %sign3A_1283 = arith.cmpi slt, %jit3A_1270, %sign3A_1282 : i32
        %sign3A_1284 = arith.extui %sign3A_1283 : i1 to i32
        %sign3A_1285 = arith.subi %sign3A_1281, %sign3A_1284 : i32
        %ne3A_1286 = arith.cmpi ne, %sign3A_1278, %sign3A_1285 : i32
        %rem3A_1287 = arith.remsi %scan3A_1243, %jit3A_1270 : i32
        %ne3A_1288 = arith.constant 0 : i32
        %ne3A_1289 = arith.cmpi ne, %rem3A_1287, %ne3A_1288 : i32
        %and3A_1290 = arith.andi %ne3A_1286, %ne3A_1289 : i1
        %sub3A_1291 = arith.constant 1 : i32
        %sub3A_1292 = arith.subi %div3A_1271, %sub3A_1291 : i32
        %select_n3A_1293 = arith.select %and3A_1290, %sub3A_1292, %div3A_1271 : i32
        %jit3A_1294 = arith.constant 4 : i32
        %eq3A_1295 = arith.constant 0 : i32
        %eq3A_1296 = arith.cmpi eq, %jit3A_1294, %eq3A_1295 : i32
        %jit3A_1297 = arith.constant 1 : i32
        %select_n3A_1298 = arith.select %eq3A_1296, %jit3A_1297, %jit3A_1294 : i32
        %rem3A_1299 = arith.remsi %select_n3A_1293, %select_n3A_1298 : i32
        %ne3A_1300 = arith.constant 0 : i32
        %ne3A_1301 = arith.cmpi ne, %rem3A_1299, %ne3A_1300 : i32
        %lt3A_1302 = arith.constant 0 : i32
        %lt3A_1303 = arith.cmpi slt, %rem3A_1299, %lt3A_1302 : i32
        %lt3A_1304 = arith.constant 0 : i32
        %lt3A_1305 = arith.cmpi slt, %select_n3A_1298, %lt3A_1304 : i32
        %ne3A_1306 = arith.xori %lt3A_1303, %lt3A_1305 : i1
        %and3A_1307 = arith.andi %ne3A_1306, %ne3A_1301 : i1
        %add3A_1308 = arith.addi %rem3A_1299, %select_n3A_1298 : i32
        %select_n3A_1309 = arith.select %and3A_1307, %add3A_1308, %rem3A_1299 : i32
        %jit3A_1310 = arith.constant 8 : i32
        %eq3A_1311 = arith.constant 0 : i32
        %eq3A_1312 = arith.cmpi eq, %jit3A_1310, %eq3A_1311 : i32
        %jit3A_1313 = arith.constant 1 : i32
        %select_n3A_1314 = arith.select %eq3A_1312, %jit3A_1313, %jit3A_1310 : i32
        %rem3A_1315 = arith.remsi %scan3A_1243, %select_n3A_1314 : i32
        %ne3A_1316 = arith.constant 0 : i32
        %ne3A_1317 = arith.cmpi ne, %rem3A_1315, %ne3A_1316 : i32
        %lt3A_1318 = arith.constant 0 : i32
        %lt3A_1319 = arith.cmpi slt, %rem3A_1315, %lt3A_1318 : i32
        %lt3A_1320 = arith.constant 0 : i32
        %lt3A_1321 = arith.cmpi slt, %select_n3A_1314, %lt3A_1320 : i32
        %ne3A_1322 = arith.xori %lt3A_1319, %lt3A_1321 : i1
        %and3A_1323 = arith.andi %ne3A_1322, %ne3A_1317 : i1
        %add3A_1324 = arith.addi %rem3A_1315, %select_n3A_1314 : i32
        %select_n3A_1325 = arith.select %and3A_1323, %add3A_1324, %rem3A_1315 : i32
        %add3A_1326 = arith.constant 0 : i32
        %add3A_1327 = arith.addi %mul3A_1245, %add3A_1326 : i32
        %get3A_1328 = arith.index_cast %add3A_1327 : i32 to index
        %get3A_1329 = tpu.vector_load %arg10[%get3A_1328] {strides = array<i32>} : memref<16512xf32, #tpu.memory_space<vmem>>, vector<16xf32>,
        %add3A_1330 = arith.constant 16 : i32
        %add3A_1331 = arith.addi %mul3A_1245, %add3A_1330 : i32
        %get3A_1332 = arith.index_cast %add3A_1331 : i32 to index
        %get3A_1333 = tpu.vector_load %arg10[%get3A_1332] {strides = array<i32>} : memref<16512xf32, #tpu.memory_space<vmem>>, vector<16xf32>,
        %add3A_1334 = arith.constant 32 : i32
        %add3A_1335 = arith.addi %mul3A_1245, %add3A_1334 : i32
        %get3A_1336 = arith.index_cast %add3A_1335 : i32 to index
        %get3A_1337 = tpu.vector_load %arg10[%get3A_1336] {strides = array<i32>} : memref<16512xf32, #tpu.memory_space<vmem>>, vector<16xf32>,
        %add3A_1338 = arith.constant 48 : i32
        %add3A_1339 = arith.addi %mul3A_1245, %add3A_1338 : i32
        %get3A_1340 = arith.index_cast %add3A_1339 : i32 to index
        %get3A_1341 = tpu.vector_load %arg10[%get3A_1340] {strides = array<i32>} : memref<16512xf32, #tpu.memory_space<vmem>>, vector<16xf32>,
        %add3A_1342 = arith.constant 64 : i32
        %add3A_1343 = arith.addi %mul3A_1245, %add3A_1342 : i32
        %get3A_1344 = arith.index_cast %add3A_1343 : i32 to index
        %get3A_1345 = tpu.vector_load %arg10[%get3A_1344] {strides = array<i32>} : memref<16512xf32, #tpu.memory_space<vmem>>, vector<16xf32>,
        %add3A_1346 = arith.constant 80 : i32
        %add3A_1347 = arith.addi %mul3A_1245, %add3A_1346 : i32
        %get3A_1348 = arith.index_cast %add3A_1347 : i32 to index
        %get3A_1349 = tpu.vector_load %arg10[%get3A_1348] {strides = array<i32>} : memref<16512xf32, #tpu.memory_space<vmem>>, vector<16xf32>,
        %add3A_1350 = arith.constant 96 : i32
        %add3A_1351 = arith.addi %mul3A_1245, %add3A_1350 : i32
        %get3A_1352 = arith.index_cast %add3A_1351 : i32 to index
        %get3A_1353 = tpu.vector_load %arg10[%get3A_1352] {strides = array<i32>} : memref<16512xf32, #tpu.memory_space<vmem>>, vector<16xf32>,
        %add3A_1354 = arith.constant 112 : i32
        %add3A_1355 = arith.addi %mul3A_1245, %add3A_1354 : i32
        %get3A_1356 = arith.index_cast %add3A_1355 : i32 to index
        %get3A_1357 = tpu.vector_load %arg10[%get3A_1356] {strides = array<i32>} : memref<16512xf32, #tpu.memory_space<vmem>>, vector<16xf32>,
        %swap3A_1358 = arith.index_cast %select_n3A_1269 : i32 to index
        %swap3A_1359 = arith.index_cast %select_n3A_1309 : i32 to index
        %swap3A_1360 = arith.index_cast %select_n3A_1325 : i32 to index
        %swap3A_1361 = arith.constant 0 : index
        %swap3A_1362 = tpu.vector_load %arg11[%swap3A_1358, %swap3A_1359, %swap3A_1360, %swap3A_1361] {strides = array<i32>} : memref<4x4x8x128xf32, #tpu.memory_space<vmem>>, vector<16xf32>,
        tpu.vector_store %arg11[%swap3A_1358, %swap3A_1359, %swap3A_1360, %swap3A_1361], %get3A_1329 {strides = array<i32>} : memref<4x4x8x128xf32, #tpu.memory_space<vmem>>, vector<16xf32>,
        %swap3A_1363 = arith.index_cast %select_n3A_1269 : i32 to index
        %swap3A_1364 = arith.index_cast %select_n3A_1309 : i32 to index
        %swap3A_1365 = arith.index_cast %select_n3A_1325 : i32 to index
        %swap3A_1366 = arith.constant 16 : index
        %swap3A_1367 = tpu.vector_load %arg11[%swap3A_1363, %swap3A_1364, %swap3A_1365, %swap3A_1366] {strides = array<i32>} : memref<4x4x8x128xf32, #tpu.memory_space<vmem>>, vector<16xf32>,
        tpu.vector_store %arg11[%swap3A_1363, %swap3A_1364, %swap3A_1365, %swap3A_1366], %get3A_1333 {strides = array<i32>} : memref<4x4x8x128xf32, #tpu.memory_space<vmem>>, vector<16xf32>,
        %swap3A_1368 = arith.index_cast %select_n3A_1269 : i32 to index
        %swap3A_1369 = arith.index_cast %select_n3A_1309 : i32 to index
        %swap3A_1370 = arith.index_cast %select_n3A_1325 : i32 to index
        %swap3A_1371 = arith.constant 32 : index
        %swap3A_1372 = tpu.vector_load %arg11[%swap3A_1368, %swap3A_1369, %swap3A_1370, %swap3A_1371] {strides = array<i32>} : memref<4x4x8x128xf32, #tpu.memory_space<vmem>>, vector<16xf32>,
        tpu.vector_store %arg11[%swap3A_1368, %swap3A_1369, %swap3A_1370, %swap3A_1371], %get3A_1337 {strides = array<i32>} : memref<4x4x8x128xf32, #tpu.memory_space<vmem>>, vector<16xf32>,
        %swap3A_1373 = arith.index_cast %select_n3A_1269 : i32 to index
        %swap3A_1374 = arith.index_cast %select_n3A_1309 : i32 to index
        %swap3A_1375 = arith.index_cast %select_n3A_1325 : i32 to index
        %swap3A_1376 = arith.constant 48 : index
        %swap3A_1377 = tpu.vector_load %arg11[%swap3A_1373, %swap3A_1374, %swap3A_1375, %swap3A_1376] {strides = array<i32>} : memref<4x4x8x128xf32, #tpu.memory_space<vmem>>, vector<16xf32>,
        tpu.vector_store %arg11[%swap3A_1373, %swap3A_1374, %swap3A_1375, %swap3A_1376], %get3A_1341 {strides = array<i32>} : memref<4x4x8x128xf32, #tpu.memory_space<vmem>>, vector<16xf32>,
        %swap3A_1378 = arith.index_cast %select_n3A_1269 : i32 to index
        %swap3A_1379 = arith.index_cast %select_n3A_1309 : i32 to index
        %swap3A_1380 = arith.index_cast %select_n3A_1325 : i32 to index
        %swap3A_1381 = arith.constant 64 : index
        %swap3A_1382 = tpu.vector_load %arg11[%swap3A_1378, %swap3A_1379, %swap3A_1380, %swap3A_1381] {strides = array<i32>} : memref<4x4x8x128xf32, #tpu.memory_space<vmem>>, vector<16xf32>,
        tpu.vector_store %arg11[%swap3A_1378, %swap3A_1379, %swap3A_1380, %swap3A_1381], %get3A_1345 {strides = array<i32>} : memref<4x4x8x128xf32, #tpu.memory_space<vmem>>, vector<16xf32>,
        %swap3A_1383 = arith.index_cast %select_n3A_1269 : i32 to index
        %swap3A_1384 = arith.index_cast %select_n3A_1309 : i32 to index
        %swap3A_1385 = arith.index_cast %select_n3A_1325 : i32 to index
        %swap3A_1386 = arith.constant 80 : index
        %swap3A_1387 = tpu.vector_load %arg11[%swap3A_1383, %swap3A_1384, %swap3A_1385, %swap3A_1386] {strides = array<i32>} : memref<4x4x8x128xf32, #tpu.memory_space<vmem>>, vector<16xf32>,
        tpu.vector_store %arg11[%swap3A_1383, %swap3A_1384, %swap3A_1385, %swap3A_1386], %get3A_1349 {strides = array<i32>} : memref<4x4x8x128xf32, #tpu.memory_space<vmem>>, vector<16xf32>,
        %swap3A_1388 = arith.index_cast %select_n3A_1269 : i32 to index
        %swap3A_1389 = arith.index_cast %select_n3A_1309 : i32 to index
        %swap3A_1390 = arith.index_cast %select_n3A_1325 : i32 to index
        %swap3A_1391 = arith.constant 96 : index
        %swap3A_1392 = tpu.vector_load %arg11[%swap3A_1388, %swap3A_1389, %swap3A_1390, %swap3A_1391] {strides = array<i32>} : memref<4x4x8x128xf32, #tpu.memory_space<vmem>>, vector<16xf32>,
        tpu.vector_store %arg11[%swap3A_1388, %swap3A_1389, %swap3A_1390, %swap3A_1391], %get3A_1353 {strides = array<i32>} : memref<4x4x8x128xf32, #tpu.memory_space<vmem>>, vector<16xf32>,
        %swap3A_1393 = arith.index_cast %select_n3A_1269 : i32 to index
        %swap3A_1394 = arith.index_cast %select_n3A_1309 : i32 to index
        %swap3A_1395 = arith.index_cast %select_n3A_1325 : i32 to index
        %swap3A_1396 = arith.constant 112 : index
        %swap3A_1397 = tpu.vector_load %arg11[%swap3A_1393, %swap3A_1394, %swap3A_1395, %swap3A_1396] {strides = array<i32>} : memref<4x4x8x128xf32, #tpu.memory_space<vmem>>, vector<16xf32>,
        tpu.vector_store %arg11[%swap3A_1393, %swap3A_1394, %swap3A_1395, %swap3A_1396], %get3A_1357 {strides = array<i32>} : memref<4x4x8x128xf32, #tpu.memory_space<vmem>>, vector<16xf32>,
        %scan3A_1398 = arith.constant 7 : i32
        %scan3A_1399 = arith.addi %scan3A_317, %scan3A_1398 : i32
        %mul3A_1400 = arith.constant 129 : i32
        %mul3A_1401 = arith.muli %scan3A_1399, %mul3A_1400 : i32
        %jit3A_1402 = arith.constant 32 : i32
        %div3A_1403 = arith.divsi %scan3A_1399, %jit3A_1402 : i32
        %sign3A_1404 = arith.constant 0 : i32
        %sign3A_1405 = arith.cmpi sgt, %scan3A_1399, %sign3A_1404 : i32
        %sign3A_1406 = arith.extui %sign3A_1405 : i1 to i32
        %sign3A_1407 = arith.constant 0 : i32
        %sign3A_1408 = arith.cmpi slt, %scan3A_1399, %sign3A_1407 : i32
        %sign3A_1409 = arith.extui %sign3A_1408 : i1 to i32
        %sign3A_1410 = arith.subi %sign3A_1406, %sign3A_1409 : i32
        %sign3A_1411 = arith.constant 0 : i32
        %sign3A_1412 = arith.cmpi sgt, %jit3A_1402, %sign3A_1411 : i32
        %sign3A_1413 = arith.extui %sign3A_1412 : i1 to i32
        %sign3A_1414 = arith.constant 0 : i32
        %sign3A_1415 = arith.cmpi slt, %jit3A_1402, %sign3A_1414 : i32
        %sign3A_1416 = arith.extui %sign3A_1415 : i1 to i32
        %sign3A_1417 = arith.subi %sign3A_1413, %sign3A_1416 : i32
        %ne3A_1418 = arith.cmpi ne, %sign3A_1410, %sign3A_1417 : i32
        %rem3A_1419 = arith.remsi %scan3A_1399, %jit3A_1402 : i32
        %ne3A_1420 = arith.constant 0 : i32
        %ne3A_1421 = arith.cmpi ne, %rem3A_1419, %ne3A_1420 : i32
        %and3A_1422 = arith.andi %ne3A_1418, %ne3A_1421 : i1
        %sub3A_1423 = arith.constant 1 : i32
        %sub3A_1424 = arith.subi %div3A_1403, %sub3A_1423 : i32
        %select_n3A_1425 = arith.select %and3A_1422, %sub3A_1424, %div3A_1403 : i32
        %jit3A_1426 = arith.constant 8 : i32
        %div3A_1427 = arith.divsi %scan3A_1399, %jit3A_1426 : i32
        %sign3A_1428 = arith.constant 0 : i32
        %sign3A_1429 = arith.cmpi sgt, %scan3A_1399, %sign3A_1428 : i32
        %sign3A_1430 = arith.extui %sign3A_1429 : i1 to i32
        %sign3A_1431 = arith.constant 0 : i32
        %sign3A_1432 = arith.cmpi slt, %scan3A_1399, %sign3A_1431 : i32
        %sign3A_1433 = arith.extui %sign3A_1432 : i1 to i32
        %sign3A_1434 = arith.subi %sign3A_1430, %sign3A_1433 : i32
        %sign3A_1435 = arith.constant 0 : i32
        %sign3A_1436 = arith.cmpi sgt, %jit3A_1426, %sign3A_1435 : i32
        %sign3A_1437 = arith.extui %sign3A_1436 : i1 to i32
        %sign3A_1438 = arith.constant 0 : i32
        %sign3A_1439 = arith.cmpi slt, %jit3A_1426, %sign3A_1438 : i32
        %sign3A_1440 = arith.extui %sign3A_1439 : i1 to i32
        %sign3A_1441 = arith.subi %sign3A_1437, %sign3A_1440 : i32
        %ne3A_1442 = arith.cmpi ne, %sign3A_1434, %sign3A_1441 : i32
        %rem3A_1443 = arith.remsi %scan3A_1399, %jit3A_1426 : i32
        %ne3A_1444 = arith.constant 0 : i32
        %ne3A_1445 = arith.cmpi ne, %rem3A_1443, %ne3A_1444 : i32
        %and3A_1446 = arith.andi %ne3A_1442, %ne3A_1445 : i1
        %sub3A_1447 = arith.constant 1 : i32
        %sub3A_1448 = arith.subi %div3A_1427, %sub3A_1447 : i32
        %select_n3A_1449 = arith.select %and3A_1446, %sub3A_1448, %div3A_1427 : i32
        %jit3A_1450 = arith.constant 4 : i32
        %eq3A_1451 = arith.constant 0 : i32
        %eq3A_1452 = arith.cmpi eq, %jit3A_1450, %eq3A_1451 : i32
        %jit3A_1453 = arith.constant 1 : i32
        %select_n3A_1454 = arith.select %eq3A_1452, %jit3A_1453, %jit3A_1450 : i32
        %rem3A_1455 = arith.remsi %select_n3A_1449, %select_n3A_1454 : i32
        %ne3A_1456 = arith.constant 0 : i32
        %ne3A_1457 = arith.cmpi ne, %rem3A_1455, %ne3A_1456 : i32
        %lt3A_1458 = arith.constant 0 : i32
        %lt3A_1459 = arith.cmpi slt, %rem3A_1455, %lt3A_1458 : i32
        %lt3A_1460 = arith.constant 0 : i32
        %lt3A_1461 = arith.cmpi slt, %select_n3A_1454, %lt3A_1460 : i32
        %ne3A_1462 = arith.xori %lt3A_1459, %lt3A_1461 : i1
        %and3A_1463 = arith.andi %ne3A_1462, %ne3A_1457 : i1
        %add3A_1464 = arith.addi %rem3A_1455, %select_n3A_1454 : i32
        %select_n3A_1465 = arith.select %and3A_1463, %add3A_1464, %rem3A_1455 : i32
        %jit3A_1466 = arith.constant 8 : i32
        %eq3A_1467 = arith.constant 0 : i32
        %eq3A_1468 = arith.cmpi eq, %jit3A_1466, %eq3A_1467 : i32
        %jit3A_1469 = arith.constant 1 : i32
        %select_n3A_1470 = arith.select %eq3A_1468, %jit3A_1469, %jit3A_1466 : i32
        %rem3A_1471 = arith.remsi %scan3A_1399, %select_n3A_1470 : i32
        %ne3A_1472 = arith.constant 0 : i32
        %ne3A_1473 = arith.cmpi ne, %rem3A_1471, %ne3A_1472 : i32
        %lt3A_1474 = arith.constant 0 : i32
        %lt3A_1475 = arith.cmpi slt, %rem3A_1471, %lt3A_1474 : i32
        %lt3A_1476 = arith.constant 0 : i32
        %lt3A_1477 = arith.cmpi slt, %select_n3A_1470, %lt3A_1476 : i32
        %ne3A_1478 = arith.xori %lt3A_1475, %lt3A_1477 : i1
        %and3A_1479 = arith.andi %ne3A_1478, %ne3A_1473 : i1
        %add3A_1480 = arith.addi %rem3A_1471, %select_n3A_1470 : i32
        %select_n3A_1481 = arith.select %and3A_1479, %add3A_1480, %rem3A_1471 : i32
        %add3A_1482 = arith.constant 0 : i32
        %add3A_1483 = arith.addi %mul3A_1401, %add3A_1482 : i32
        %get3A_1484 = arith.index_cast %add3A_1483 : i32 to index
        %get3A_1485 = tpu.vector_load %arg10[%get3A_1484] {strides = array<i32>} : memref<16512xf32, #tpu.memory_space<vmem>>, vector<16xf32>,
        %add3A_1486 = arith.constant 16 : i32
        %add3A_1487 = arith.addi %mul3A_1401, %add3A_1486 : i32
        %get3A_1488 = arith.index_cast %add3A_1487 : i32 to index
        %get3A_1489 = tpu.vector_load %arg10[%get3A_1488] {strides = array<i32>} : memref<16512xf32, #tpu.memory_space<vmem>>, vector<16xf32>,
        %add3A_1490 = arith.constant 32 : i32
        %add3A_1491 = arith.addi %mul3A_1401, %add3A_1490 : i32
        %get3A_1492 = arith.index_cast %add3A_1491 : i32 to index
        %get3A_1493 = tpu.vector_load %arg10[%get3A_1492] {strides = array<i32>} : memref<16512xf32, #tpu.memory_space<vmem>>, vector<16xf32>,
        %add3A_1494 = arith.constant 48 : i32
        %add3A_1495 = arith.addi %mul3A_1401, %add3A_1494 : i32
        %get3A_1496 = arith.index_cast %add3A_1495 : i32 to index
        %get3A_1497 = tpu.vector_load %arg10[%get3A_1496] {strides = array<i32>} : memref<16512xf32, #tpu.memory_space<vmem>>, vector<16xf32>,
        %add3A_1498 = arith.constant 64 : i32
        %add3A_1499 = arith.addi %mul3A_1401, %add3A_1498 : i32
        %get3A_1500 = arith.index_cast %add3A_1499 : i32 to index
        %get3A_1501 = tpu.vector_load %arg10[%get3A_1500] {strides = array<i32>} : memref<16512xf32, #tpu.memory_space<vmem>>, vector<16xf32>,
        %add3A_1502 = arith.constant 80 : i32
        %add3A_1503 = arith.addi %mul3A_1401, %add3A_1502 : i32
        %get3A_1504 = arith.index_cast %add3A_1503 : i32 to index
        %get3A_1505 = tpu.vector_load %arg10[%get3A_1504] {strides = array<i32>} : memref<16512xf32, #tpu.memory_space<vmem>>, vector<16xf32>,
        %add3A_1506 = arith.constant 96 : i32
        %add3A_1507 = arith.addi %mul3A_1401, %add3A_1506 : i32
        %get3A_1508 = arith.index_cast %add3A_1507 : i32 to index
        %get3A_1509 = tpu.vector_load %arg10[%get3A_1508] {strides = array<i32>} : memref<16512xf32, #tpu.memory_space<vmem>>, vector<16xf32>,
        %add3A_1510 = arith.constant 112 : i32
        %add3A_1511 = arith.addi %mul3A_1401, %add3A_1510 : i32
        %get3A_1512 = arith.index_cast %add3A_1511 : i32 to index
        %get3A_1513 = tpu.vector_load %arg10[%get3A_1512] {strides = array<i32>} : memref<16512xf32, #tpu.memory_space<vmem>>, vector<16xf32>,
        %swap3A_1514 = arith.index_cast %select_n3A_1425 : i32 to index
        %swap3A_1515 = arith.index_cast %select_n3A_1465 : i32 to index
        %swap3A_1516 = arith.index_cast %select_n3A_1481 : i32 to index
        %swap3A_1517 = arith.constant 0 : index
        %swap3A_1518 = tpu.vector_load %arg11[%swap3A_1514, %swap3A_1515, %swap3A_1516, %swap3A_1517] {strides = array<i32>} : memref<4x4x8x128xf32, #tpu.memory_space<vmem>>, vector<16xf32>,
        tpu.vector_store %arg11[%swap3A_1514, %swap3A_1515, %swap3A_1516, %swap3A_1517], %get3A_1485 {strides = array<i32>} : memref<4x4x8x128xf32, #tpu.memory_space<vmem>>, vector<16xf32>,
        %swap3A_1519 = arith.index_cast %select_n3A_1425 : i32 to index
        %swap3A_1520 = arith.index_cast %select_n3A_1465 : i32 to index
        %swap3A_1521 = arith.index_cast %select_n3A_1481 : i32 to index
        %swap3A_1522 = arith.constant 16 : index
        %swap3A_1523 = tpu.vector_load %arg11[%swap3A_1519, %swap3A_1520, %swap3A_1521, %swap3A_1522] {strides = array<i32>} : memref<4x4x8x128xf32, #tpu.memory_space<vmem>>, vector<16xf32>,
        tpu.vector_store %arg11[%swap3A_1519, %swap3A_1520, %swap3A_1521, %swap3A_1522], %get3A_1489 {strides = array<i32>} : memref<4x4x8x128xf32, #tpu.memory_space<vmem>>, vector<16xf32>,
        %swap3A_1524 = arith.index_cast %select_n3A_1425 : i32 to index
        %swap3A_1525 = arith.index_cast %select_n3A_1465 : i32 to index
        %swap3A_1526 = arith.index_cast %select_n3A_1481 : i32 to index
        %swap3A_1527 = arith.constant 32 : index
        %swap3A_1528 = tpu.vector_load %arg11[%swap3A_1524, %swap3A_1525, %swap3A_1526, %swap3A_1527] {strides = array<i32>} : memref<4x4x8x128xf32, #tpu.memory_space<vmem>>, vector<16xf32>,
        tpu.vector_store %arg11[%swap3A_1524, %swap3A_1525, %swap3A_1526, %swap3A_1527], %get3A_1493 {strides = array<i32>} : memref<4x4x8x128xf32, #tpu.memory_space<vmem>>, vector<16xf32>,
        %swap3A_1529 = arith.index_cast %select_n3A_1425 : i32 to index
        %swap3A_1530 = arith.index_cast %select_n3A_1465 : i32 to index
        %swap3A_1531 = arith.index_cast %select_n3A_1481 : i32 to index
        %swap3A_1532 = arith.constant 48 : index
        %swap3A_1533 = tpu.vector_load %arg11[%swap3A_1529, %swap3A_1530, %swap3A_1531, %swap3A_1532] {strides = array<i32>} : memref<4x4x8x128xf32, #tpu.memory_space<vmem>>, vector<16xf32>,
        tpu.vector_store %arg11[%swap3A_1529, %swap3A_1530, %swap3A_1531, %swap3A_1532], %get3A_1497 {strides = array<i32>} : memref<4x4x8x128xf32, #tpu.memory_space<vmem>>, vector<16xf32>,
        %swap3A_1534 = arith.index_cast %select_n3A_1425 : i32 to index
        %swap3A_1535 = arith.index_cast %select_n3A_1465 : i32 to index
        %swap3A_1536 = arith.index_cast %select_n3A_1481 : i32 to index
        %swap3A_1537 = arith.constant 64 : index
        %swap3A_1538 = tpu.vector_load %arg11[%swap3A_1534, %swap3A_1535, %swap3A_1536, %swap3A_1537] {strides = array<i32>} : memref<4x4x8x128xf32, #tpu.memory_space<vmem>>, vector<16xf32>,
        tpu.vector_store %arg11[%swap3A_1534, %swap3A_1535, %swap3A_1536, %swap3A_1537], %get3A_1501 {strides = array<i32>} : memref<4x4x8x128xf32, #tpu.memory_space<vmem>>, vector<16xf32>,
        %swap3A_1539 = arith.index_cast %select_n3A_1425 : i32 to index
        %swap3A_1540 = arith.index_cast %select_n3A_1465 : i32 to index
        %swap3A_1541 = arith.index_cast %select_n3A_1481 : i32 to index
        %swap3A_1542 = arith.constant 80 : index
        %swap3A_1543 = tpu.vector_load %arg11[%swap3A_1539, %swap3A_1540, %swap3A_1541, %swap3A_1542] {strides = array<i32>} : memref<4x4x8x128xf32, #tpu.memory_space<vmem>>, vector<16xf32>,
        tpu.vector_store %arg11[%swap3A_1539, %swap3A_1540, %swap3A_1541, %swap3A_1542], %get3A_1505 {strides = array<i32>} : memref<4x4x8x128xf32, #tpu.memory_space<vmem>>, vector<16xf32>,
        %swap3A_1544 = arith.index_cast %select_n3A_1425 : i32 to index
        %swap3A_1545 = arith.index_cast %select_n3A_1465 : i32 to index
        %swap3A_1546 = arith.index_cast %select_n3A_1481 : i32 to index
        %swap3A_1547 = arith.constant 96 : index
        %swap3A_1548 = tpu.vector_load %arg11[%swap3A_1544, %swap3A_1545, %swap3A_1546, %swap3A_1547] {strides = array<i32>} : memref<4x4x8x128xf32, #tpu.memory_space<vmem>>, vector<16xf32>,
        tpu.vector_store %arg11[%swap3A_1544, %swap3A_1545, %swap3A_1546, %swap3A_1547], %get3A_1509 {strides = array<i32>} : memref<4x4x8x128xf32, #tpu.memory_space<vmem>>, vector<16xf32>,
        %swap3A_1549 = arith.index_cast %select_n3A_1425 : i32 to index
        %swap3A_1550 = arith.index_cast %select_n3A_1465 : i32 to index
        %swap3A_1551 = arith.index_cast %select_n3A_1481 : i32 to index
        %swap3A_1552 = arith.constant 112 : index
        %swap3A_1553 = tpu.vector_load %arg11[%swap3A_1549, %swap3A_1550, %swap3A_1551, %swap3A_1552] {strides = array<i32>} : memref<4x4x8x128xf32, #tpu.memory_space<vmem>>, vector<16xf32>,
        tpu.vector_store %arg11[%swap3A_1549, %swap3A_1550, %swap3A_1551, %swap3A_1552], %get3A_1513 {strides = array<i32>} : memref<4x4x8x128xf32, #tpu.memory_space<vmem>>, vector<16xf32>,
      }
      %scan3A_306 = arith.constant 128 : i32
      %dma_start3A_307 = arith.constant 0 : i32
      %dma_start3A_308 = arith.constant 0 : i32
      %dma_start3A_309 = arith.constant 0 : i32
      %dma_start3A_310 = tpu.memref_slice %arg5[%mul3A_188, %dma_start3A_307, %add3A, %dma_start3A_308, %dma_start3A_309] : memref<200x4x32x8x128xf32, #tpu.memory_space<hbm>> -> memref<4x4x1x8x128xf32, #tpu.memory_space<hbm>>
      %dma_start3A_311 = tpu.memref_squeeze %dma_start3A_310 : memref<4x4x1x8x128xf32, #tpu.memory_space<hbm>> -> memref<4x4x8x128xf32, #tpu.memory_space<hbm>>
      %dma_start3A_312 = arith.constant 0 : i32
      %dma_start3A_313 = arith.constant 0 : i32
      %dma_start3A_314 = arith.constant 0 : i32
      %dma_start3A_315 = tpu.memref_slice %arg5[%mul3A_188, %dma_start3A_312, %add3A, %dma_start3A_313, %dma_start3A_314] : memref<200x4x32x8x128xf32, #tpu.memory_space<hbm>> -> memref<4x4x1x8x128xf32, #tpu.memory_space<hbm>>
      %dma_start3A_316 = tpu.memref_squeeze %dma_start3A_315 : memref<4x4x1x8x128xf32, #tpu.memory_space<hbm>> -> memref<4x4x8x128xf32, #tpu.memory_space<hbm>>
      tpu.enqueue_dma source(%arg11 : memref<4x4x8x128xf32, #tpu.memory_space<vmem>>) target(%dma_start3A_316 : memref<4x4x8x128xf32, #tpu.memory_space<hbm>>) target_semaphore(%arg15 : memref<!tpu.dma_semaphore, #tpu.memory_space<semaphore_mem>>)
    }
    %scan3A_46 = arith.constant 25 : i32
    %dma_wait3A = arith.constant 0 : i32
    %dma_wait3A_47 = arith.constant 0 : i32
    %dma_wait3A_48 = arith.constant 0 : i32
    %dma_wait3A_49 = arith.constant 0 : i32
    %dma_wait3A_50 = arith.constant 0 : i32
    %dma_wait3A_51 = tpu.memref_slice %arg5[%dma_wait3A_47, %dma_wait3A_48, %dma_wait3A, %dma_wait3A_49, %dma_wait3A_50] : memref<200x4x32x8x128xf32, #tpu.memory_space<hbm>> -> memref<4x4x1x8x128xf32, #tpu.memory_space<hbm>>
    %dma_wait3A_52 = tpu.memref_squeeze %dma_wait3A_51 : memref<4x4x1x8x128xf32, #tpu.memory_space<hbm>> -> memref<4x4x8x128xf32, #tpu.memory_space<hbm>>
    %dma_wait3A_53 = arith.constant 0 : i32
    %dma_wait3A_54 = arith.constant 0 : i32
    %dma_wait3A_55 = arith.constant 0 : i32
    %dma_wait3A_56 = arith.constant 0 : i32
    %dma_wait3A_57 = tpu.memref_slice %arg5[%dma_wait3A_53, %dma_wait3A_54, %dma_wait3A, %dma_wait3A_55, %dma_wait3A_56] : memref<200x4x32x8x128xf32, #tpu.memory_space<hbm>> -> memref<4x4x1x8x128xf32, #tpu.memory_space<hbm>>
    %dma_wait3A_58 = tpu.memref_squeeze %dma_wait3A_57 : memref<4x4x1x8x128xf32, #tpu.memory_space<hbm>> -> memref<4x4x8x128xf32, #tpu.memory_space<hbm>>
    tpu.wait_dma2 semaphore(%arg15 : memref<!tpu.dma_semaphore, #tpu.memory_space<semaphore_mem>>) src(%dma_wait3A_58 : memref<4x4x8x128xf32, #tpu.memory_space<hbm>>) dst(%arg11 : memref<4x4x8x128xf32, #tpu.memory_space<vmem>>)
    return
  }
}

</mosaic_0001>

<sc_bundles>
// kernel: _sc_embed.3.cloned.1.call-start
scs
__scs_entry_jumppad:
0x0: {  	(pc) =	sbr.rel $0x88, $3  }
0x1: {  	(tag) =	ssettag $0x0;
	lr =	simm.s32 $0x1  }
0x2: {  	[smem:$0x3F9E] =	sst lr;
	_ =	strace $0xD0000000  }
0x3: {  	_ = 	snop  }
0x4: {  	_ = 	snop  }
0x5: {  	_ = 	snop  }
0x6: {  	_ = 	snop  }
0x7: {  	_ = 	snop  }
__scs_overlays_trampoline_lowered:
0x8: {  	[smem:$0x3FAD] =	sst s0  }
0x9: {  	[smem:$0x3FAE] =	sst s1  }
0xa: {  	[smem:$0x3FAF] =	sst s2  }
0xb: {  	[smem:$0x3FB0] =	sst s3  }
0xc: {  	[smem:$0x3FB1] =	sst s4  }
0xd: {  	[smem:$0x3FB2] =	sst s5  }
0xe: {  	[smem:$0x3FB3] =	sst s6  }
0xf: {  	[smem:$0x3FB4] =	sst s7  }
0x10: {  	[smem:$0x3FB5] =	sst s8  }
0x11: {  	[smem:$0x3FB6] =	sst s9;
	s0 =	simm.s32 @!p0 $0x0  }
0x12: {  	s1 =	sld [smem:$0x3F9C];
	s0 =	simm.s32 @p0 $0x1  }
0x13: {  	[smem:$0x3FB7] =	sst s0;
	s0 =	simm.s32 @!p1 $0x0  }
0x14: {  	s2 =	sld [smem:$0x3F9B];
	s0 =	simm.s32 @p1 $0x1  }
0x15: {  	[smem:$0x3FB8] =	sst s0;
	s0 =	simm.s32 @!p2 $0x0  }
0x16: {  	s3 =	sld [smem:$0x3FDB];
	s0 =	simm.s32 @p2 $0x1  }
0x17: {  	s4 =	simm.s32 $0x1BF5;
	[smem:$0x3FBA] =	sst s0  }
0x18: {  	s0 =	sld [smem:$0x3F9D];
	_ =	swait.ge [sflag:s4], $0x0  }
0x19: {  	s7 =	sld [smem:$0x3F9E]  }
0x1a: {  	s8 =	sadd.s32 $0xFFFFE003, lr  }
0x1b: {  	s9 =	sadd.s32 $0xFFFFFEF7, lr;
	s5 =	simm.s32 $0xFFFFFFFF;
	p2 =	slt.u32 s8, $0xFFFFF086  }
0x1c: {  	p1 =	slt.u32 s9, $0xF7A;
	s5 =	simm.s32 @!p2 $0x0  }
0x1d: {  	s5 =	simm.s32 @p1 $0x1;
	p0 =	seq.s32 s7, s2  }
0x1e: {  	s7 =	smul.u32 @!p0 $0xF7A, s2;
	p2 =	seq.s32 @!p0 s5, $0x0  }
0x1f: {  	s9 =	smul.u32 $0xF7A, s1;
	s8 =	simm.s32 @!p0 $0x1BF5;
	p2 =	por !p2, p0  }
0x20: {  	[sflag:s8] =	ssyncset.s32 @!p0 $0xFFFFF086;
	s6 =	sadd.s32 @!p0 s3, s7;
	s7 =	simm.s32 @!p0 $0x108  }
0x21: {  	s3 =	sadd.s32 s3, s9;
	s6 =	sadd.s32 @!p0 $0x88, s6;
	s7 =	simm.s32 @p2 $0x1082  }
0x22: {  	[simem:s7], [sflag:s8] =	dma.local @!p0 [hbm:s6], $0xF7A  }
0x23: {  	s9 =	sor.u32 $0xD0000000, s2;
	s6 =	simm.s32 $0x108;
	_ =	swait.ge @!p0 [sflag:s8], $0x0  }
0x24: {  	s3 =	sadd.s32 $0x88, s3;
	s6 =	simm.s32 @!p1 $0x1082;
	[sflag:s4] =	ssyncset.s32 $0xFFFFF086  }
0x25: {  	[simem:s6], [sflag:s4] =	dma.local [hbm:s3], $0xF7A  }
0x26: {  	[smem:$0x3F9E] =	sst s1;
	(tag) =	ssettag s2;
	_ =	strace s9  }
0x27: {  	s1 =	sld [smem:$0x3FAE]  }
0x28: {  	s2 =	sld [smem:$0x3FAF]  }
0x29: {  	s4 =	sld [smem:$0x3FB1]  }
0x2a: {  	p0 =	seq.s32 s5, $0x0;
	s5 =	sld [smem:$0x3FB2]  }
0x2b: {  	s6 =	sld [smem:$0x3FB3]  }
0x2c: {  	s7 =	sld [smem:$0x3FB4]  }
0x2d: {  	s3 =	simm.s32 $0x108;
	s8 =	sld [smem:$0x3FB5]  }
0x2e: {  	s3 =	simm.s32 @!p0 $0x1082;
	s9 =	sld [smem:$0x3FB6]  }
0x2f: {  	lr =	sadd.s32 s0, s3;
	s0 =	sld [smem:$0x3FAD]  }
0x30: {  	s3 =	sld [smem:$0x3FB0]  }
0x31: {  	[smem:$0x3FB9] =	sst s10  }
0x32: {  	s10 =	sld [smem:$0x3FB7];
	_ =	sdelay $0x3  }
0x33: {  	p0 =	seq.s32 s10, $0x1;
	s10 =	sld [smem:$0x3FB9];
	_ =	sdelay $0x3  }
0x34: {  	[smem:$0x3FB9] =	sst s10  }
0x35: {  	s10 =	sld [smem:$0x3FB8];
	_ =	sdelay $0x3  }
0x36: {  	p1 =	seq.s32 s10, $0x1;
	s10 =	sld [smem:$0x3FB9];
	_ =	sdelay $0x3  }
0x37: {  	[smem:$0x3FB9] =	sst s10  }
0x38: {  	s10 =	sld [smem:$0x3FBA]  }
0x39: {  	_ = 	snop;
	(pc) =	sbr.ind lr, $3  }
0x3a: {  	_ = 	snop  }
0x3b: {  	_ = 	snop  }
0x3c: {  	p2 =	seq.s32 s10, $0x1;
	s10 =	sld [smem:$0x3FB9]  }
0x3d: {  	_ =	shalt  }
0x3e: {  	_ =	shalt  }
0x3f: {  	_ =	shalt  }
0x40: {  	_ =	shalt  }
0x41: {  	_ =	shalt  }
0x42: {  	_ =	shalt  }
0x43: {  	_ =	shalt  }
0x44: {  	_ =	shalt  }
0x45: {  	_ =	shalt  }
0x46: {  	_ =	shalt  }
0x47: {  	_ =	shalt  }
0x48: {  	_ =	shalt  }
0x49: {  	_ =	shalt  }
0x4a: {  	_ =	shalt  }
0x4b: {  	_ =	shalt  }
0x4c: {  	_ =	shalt  }
0x4d: {  	_ =	shalt  }
0x4e: {  	_ =	shalt  }
0x4f: {  	_ =	shalt  }
0x50: {  	_ =	shalt  }
0x51: {  	_ =	shalt  }
0x52: {  	_ =	shalt  }
0x53: {  	_ =	shalt  }
0x54: {  	_ =	shalt  }
0x55: {  	_ =	shalt  }
0x56: {  	_ =	shalt  }
0x57: {  	_ =	shalt  }
0x58: {  	_ =	shalt  }
0x59: {  	_ =	shalt  }
0x5a: {  	_ =	shalt  }
0x5b: {  	_ =	shalt  }
0x5c: {  	_ =	shalt  }
0x5d: {  	_ =	shalt  }
0x5e: {  	_ =	shalt  }
0x5f: {  	_ =	shalt  }
0x60: {  	_ =	shalt  }
0x61: {  	_ =	shalt  }
0x62: {  	_ =	shalt  }
0x63: {  	_ =	shalt  }
0x64: {  	_ =	shalt  }
0x65: {  	_ =	shalt  }
0x66: {  	_ =	shalt  }
0x67: {  	_ =	shalt  }
0x68: {  	_ =	shalt  }
0x69: {  	_ =	shalt  }
0x6a: {  	_ =	shalt  }
0x6b: {  	_ =	shalt  }
0x6c: {  	_ =	shalt  }
0x6d: {  	_ =	shalt  }
0x6e: {  	_ =	shalt  }
0x6f: {  	_ =	shalt  }
0x70: {  	_ =	shalt  }
0x71: {  	_ =	shalt  }
0x72: {  	_ =	shalt  }
0x73: {  	_ =	shalt  }
0x74: {  	_ =	shalt  }
0x75: {  	_ =	shalt  }
0x76: {  	_ =	shalt  }
0x77: {  	_ =	shalt  }
0x78: {  	_ =	shalt  }
0x79: {  	_ =	shalt  }
0x7a: {  	_ =	shalt  }
0x7b: {  	_ =	shalt  }
0x7c: {  	_ =	shalt  }
0x7d: {  	_ =	shalt  }
0x7e: {  	_ =	shalt  }
0x7f: {  	_ =	shalt  }
0x80: {  	_ =	shalt  }
0x81: {  	_ =	shalt  }
0x82: {  	_ =	shalt  }
0x83: {  	_ =	shalt  }
0x84: {  	_ =	shalt  }
0x85: {  	_ =	shalt  }
0x86: {  	_ =	shalt  }
0x87: {  	_ =	shalt  }
.Lfunc_end0:
.L_simem_size_0:
called_computation_lowered:
.L_overlay_start_0:
0x88: {  	s2 =	sld [smem:$0x3FD9]  }
0x89: {  	s3 =	sld [smem:$0x3FFE];
	_ =	sdelay $0x1  }
0x8a: {  	s1 =	srdreg.scid  }
0x8b: {  	s0 =	sand.u32 $0x1, s1  }
0x8c: {  	s17 =	sshll.u32 s0, $0xA;
	s2 =	sadd.s32 s3, s2  }
0x8d: {  	s2 =	sadd.s32 s2, s17  }
0x8e: {  	[smem:$0x3FC5] =	sst s2  }
0x8f: {  	_ = 	snop  }
0x90: {  	s2 =	sld [smem:$0x3FD0];
	(tm) =	ssettm $0x1  }
0x91: {  	s18 =	sld [smem:$0x3FFB];
	_ =	sdelay $0x3  }
0x92: {  	_ =	strace s18  }
0x93: {  	s3 =	sld [smem:$0x3FFC];
	_ =	sdelay $0x3  }
0x94: {  	_ =	strace s3  }
0x95: {  	s3 =	sld [smem:$0x3FFD];
	_ =	sdelay $0x3  }
0x96: {  	_ =	strace s3  }
0x97: {  	_ =	strace $0x8FFFFFFF  }
0x98: {  	s19 =	sld [smem:$0x3FDB];
	_ =	sdelay $0x1  }
0x99: {  	s4 =	simm.s32 $_scs_section_size  }
0x9a: {  	s5 =	simm.s32 $_size__tile_overlayer_lowered;
	s6 =	simm.s32 $_tile_overlayer_lowered  }
0x9b: {  	s22 =	simm.s32 $0x1BFF;
	s21 =	sshll.u32 s6, $0x1;
	s3 =	sadd.s32 s4, s19  }
0x9c: {  	s7 =	simm.s32 $0x0;
	s20 =	sshll.u32 s5, $0x1;
	s5 =	sadd.s32 s21, s3  }
0x9d: {  	[timem:s7], [sflag:s22] =	dma.local [hbm:s5], s20  }
0x9e: {  	_ =	swait.ge [sflag:s22], s20  }
0x9f: {  	s4 =	ssub.s32 $0x0, s20;
	[sflag:s22] =	ssyncset.done $0x0  }
0xa0: {  	[sflag:s22] =	ssyncadd.s32 s4;
	_ =	sdelay $0x1  }
0xa1: {  	s23 =	simm.s32 $0x1B8B  }
0xa2: {  	_ =	swait.ge [sflag:s23], $0x1  }
0xa3: {  	[sflag:s23] =	ssyncset.done $0x0  }
0xa4: {  	s25 =	simm.s32 $0x1B8E;
	s24 =	sld [smem:$0x3FFE];
	[sflag:s23] =	ssyncadd.s32 $0xFFFFFFFF  }
0xa5: {  	s26 =	simm.s32 $execute0_lowered;
	[smem:$0x3FD2] =	sst s25  }
0xa6: {  	s5 =	sshll.u32 s26, $0x1;
	_ =	strace $0x80000046;
	[dreg:$0x1] =	wrdreg $0xFFFFFFFF  }
0xa7: {  	s28 =	simm.s32 $_size_execute0_lowered;
	s3 =	sadd.s32 s3, s5;
	[dreg:$0x0] =	wrdreg $0x0  }
0xa8: {  	s5 =	sshll.u32 s28, $0x1;
	[dreg:$0x2] =	wrdreg s3  }
0xa9: {  	[dreg:$0x3] =	wrdreg s5  }
0xaa: {  	[dreg:$0x4] =	wrdreg $0xC0  }
0xab: {  	_ =	task [dreg:s7], $0x5FFFF  }
0xac: {  	[dreg:$0x1] =	wrdreg $0xFFFFFFFF  }
0xad: {  	[dreg:$0x0] =	wrdreg $0x60  }
0xae: {  	[dreg:$0x2] =	wrdreg s24  }
0xaf: {  	[dreg:$0x3] =	wrdreg s2  }
0xb0: {  	[dreg:$0x4] =	wrdreg $0x9  }
0xb1: {  	_ =	task.clear_ibuf [dreg:s7], $0x5FFFF;
	_ =	strace $0x90000046  }
0xb2: {  	s29 =	simm.s32 $0x9;
	_ =	strace $0x80000048  }
0xb3: {  	_ =	swait.ge [sflag:s29], $0x1  }
0xb4: {  	[sflag:s29] =	ssyncadd.s32 $0xFFFFFFFF  }
0xb5: {  	_ =	strace $0x90000048  }
0xb6: {  	_ =	sfence  }
0xb7: {  	s30 =	sld [smem:$0x0];
	_ =	sdelay $0x2  }
0xb8: {  	s31 =	sshll.u32 s1, $0xD;
	s1 =	sshrl.u32 s1, $0x2  }
0xb9: {  	s3 =	sand.u32 $0x4000, s31;
	s1 =	sadd.s32 s1, s30  }
0xba: {  	s0 =	sor.u32 s3, s0;
	s1 =	sshll.u32 s1, $0x11  }
0xbb: {  	s0 =	sor.u32 s1, s0  }
0xbc: {  	s0 =	sadd.s32 $0x8F2B, s0  }
0xbd: {  	[sflag:s0] =	ssyncadd.remote.s32 $0x1  }
0xbe: {  	_ =	sfence.sel $0xFFFF  }
0xbf: {  	[dreg:$0x0] =	wrdreg $0xFFFFFFFF;
	(pc) =	sbr.abs _section_cstart, $3  }
0xc0: {  	[dreg:$0x1] =	wrdreg $0xFFFFFFFF  }
0xc1: {  	_ =	task.clear_ibuf [dreg:s7], $0x2FFFF;
	_ =	strace $0x9FFFFFFF  }
0xc2: {  	(tm) =	ssettm $0x7FFFFFFF  }
0xc3: {  	_ =	shalt  }
tec
execute0_lowered:
.L_overlay_start_1:
0x0: {  	(tag) =	ssettag $0x1  }
0x1: {  	s0 =	rddreg [dreg:$0x0]  }
0x2: {  	s1 =	rddreg [dreg:$0x1]  }
0x3: {  	s2 =	simm.s32 $0x0;
	s23 =	srdreg.scid;
	s3 =	stileid.u32  }
0x4: {  	s12 =	simm.s32 $0x10480;
	s13 =	simm.s32 $0x4;
	s14 =	simm.s32 $0x80  }
0x5: {  	s15 =	simm.s32 $0x1000;
	s16 =	simm.s32 $0x400;
	s22 =	simm.s32 $0x1  }
0x6: {  	s28 =	simm.s32 $0x300;
	s29 =	simm.s32 $0x6400;
	s30 =	simm.s32 $0x380  }
0x7: {  	s31 =	simm.s32 $0x7400;
	s17 =	simm.s32 $0xC480;
	s18 =	simm.s32 $0x2  }
0x8: {  	v9 =	vlaneseq.u32;
	s19 =	simm.s32 $0x3;
	[smem:$0x7FF] =	sst s2;
	s4 =	sadd.s32 $0x800, s0  }
0x9: {  	s5 =	sadd.s32 $0xF42C00, s0;
	s2 =	sand.u32 $0x1, s23;
	s3 =	sshll.u32 s3, $0x1;
	v0 =	vmul.u32 $0xC8, v9  }
0xa: {  	s0 =	sadd.s32 $0x19800, s0;
	s23 =	simm.s32 $0x200;
	_ =	strace $0x80000047  }
0xb: {  	v6 =	vmul.u32 $0x81, v9;
	v9 =	vand.u32 $0x7, v9;
	[dreg:$0x3] =	wrdreg s0;
	s24 =	ssub.s32 $0x2, s2;
	s2 =	sor.u32 s2, s3;
	v1 =	vadd.s32 $0xC80, v0  }
0xc: {  	s3 =	simm.s32 $0x8000;
	s25 =	sshrl.u32 s24, $0x1;
	s7 =	sshll.u32 s2, $0x7;
	v2 =	vor.u32 $0x1, v0;
	v3 =	vadd.s32 $0xC81, v0;
	v4 =	vor.u32 $0x2, v0  }
0xd: {  	s6 =	sshll.u32 s2, $0x4;
	s10 =	sshll.u32 s2, $0xA;
	v5 =	vadd.s32 $0xC82, v0;
	v7 =	vor.u32 $0x3, v0;
	v8 =	vadd.s32 $0xC83, v0;
	s0 =	ssub.s32 s24, s25  }
0xe: {  	v10 =	vadd.s32 $0x810, v6;
	v11 =	vor.u32 $0x4, v0;
	v12 =	vadd.s32 $0xC84, v0;
	s26 =	sadd.s32 s4, s6;
	s9 =	sor.u32 $0x8000, s7;
	s25 =	simm.s32 $0x280  }
0xf: {  	v13 =	vor.u32 $0x5, v0;
	v14 =	vadd.s32 $0xC85, v0;
	v15 =	vor.u32 $0x6, v0;
	s6 =	simm.s32 $0x0;
	[dreg:$0x4] =	wrdreg s26;
	s0 =	smax.u32 s0, $0x1  }
0x10: {  	v16 =	vadd.s32 $0xC86, v0;
	v17 =	vor.u32 $0x7, v0;
	v18 =	vadd.s32 $0xC87, v0;
	s26 =	simm.s32 $0x5400;
	[dreg:$0x5] =	wrdreg s0;
	s0 =	simm.s32 $0x8400  }
.LBB2_1:
0x11: {  	[dreg:$0x6] =	wrdreg s6  }
0x12: {  	s2 =	simm.s32 $0x0;
	s21 =	rddreg [dreg:$0x3]  }
0x13: {  	[tilespmem:s12], [sflag:$0x4] =	stream.linear.gather [hbm4b:s21+s2], $0x1900, $0x38;
	[tilespmem:$0x11D80] =	vst v63  }
0x14: {  	_ =	swait.ge [sflag:s13], $0x1900  }
0x15: {  	[sflag:s13] =	ssyncset.done $0x0  }
0x16: {  	s24 =	rddreg [dreg:$0x4];
	[sflag:s13] =	ssyncadd.s32 $0xFFFFE700  }
0x17: {  	[tilespmem:s2], [sflag:$0x4] =	stream.strided.gather [hbm4b:s24+s14], $0x200, s15, s14, $0x38;
	[tilespmem:$0x11D80] =	vst v63  }
0x18: {  	_ =	swait.ge [sflag:s13], $0x200  }
0x19: {  	[sflag:s13] =	ssyncset.done $0x0  }
0x1a: {  	[sflag:s13] =	ssyncadd.s32 $0xFFFFFE00  }
0x1b: {  	[tilespmem:s16], [sflag:$0x1] =	stream.indirect.gather [hbm4b:s5+s14], $0x20, s2, s14, $0xb8;
	[tilespmem:$0x11D80] =	vst v63  }
0x1c: {  	s8 =	simm.s32 $0x1400  }
0x1d: {  	[tilespmem:s8], [sflag:$0x1] =	stream.indirect.gather [hbm4b:s5+s14], $0x20, s14, s14, $0xb8;
	[tilespmem:$0x11D80] =	vst v63  }
0x1e: {  	s11 =	simm.s32 $0x100;
	s20 =	simm.s32 $0x2400  }
0x1f: {  	[tilespmem:s20], [sflag:$0x1] =	stream.indirect.gather [hbm4b:s5+s14], $0x20, s11, s14, $0xb8;
	[tilespmem:$0x11D80] =	vst v63  }
0x20: {  	s21 =	simm.s32 $0x180;
	s24 =	simm.s32 $0x3400  }
0x21: {  	[tilespmem:s24], [sflag:$0x1] =	stream.indirect.gather [hbm4b:s5+s14], $0x20, s21, s14, $0xb8;
	[tilespmem:$0x11D80] =	vst v63  }
0x22: {  	s21 =	simm.s32 $0x0  }
.LBB2_2:
0x23: {  	s6 =	sshllo.u32 s21, $0x1  }
0x24: {  	s2 =	sshll.u32 s6, $0xE  }
0x25: {  	_ =	swait.ge [sflag:s22], $0x4000;
	s2 =	sor.u32 s7, s2  }
0x26: {  	[sflag:s22] =	ssyncset.done $0x0;
	s2 =	sshrl.u32 s2, $0x3  }
0x27: {  	[sflag:s22] =	ssyncadd.s32 $0xFFFFC000;
	s2 =	sadd.s32 s4, s2  }
0x28: {  	[tilespmem:s23], [sflag:$0x4] =	stream.strided.gather [hbm4b:s2+s14], $0x200, s15, s14, $0x38;
	[tilespmem:$0x11D80] =	vst v63  }
0x29: {  	_ =	swait.ge [sflag:s13], $0x200  }
0x2a: {  	[sflag:s13] =	ssyncset.done $0x0  }
0x2b: {  	s20 =	simm.s32 $0x4400;
	s24 =	sshll.u32 s21, $0x3;
	[sflag:s13] =	ssyncadd.s32 $0xFFFFFE00  }
0x2c: {  	v19 =	vmov s24;
	[tilespmem:s20], [sflag:$0x2] =	stream.indirect.gather [hbm4b:s5+s14], $0x20, s23, s14, $0xb8;
	[tilespmem:$0x11D80] =	vst v63  }
0x2d: {  	v19 =	vshrl.u32 v19, $0x3  }
0x2e: {  	v19 =	vshll.u32 v19, $0x3;
	[tilespmem:s26], [sflag:$0x2] =	stream.indirect.gather [hbm4b:s5+s14], $0x20, s25, s14, $0xb8;
	[tilespmem:$0x11D80] =	vst v63  }
0x2f: {  	p0 =	seq.s32 s21, $0x0;
	v22 =	vbroadcast v19, $0x0  }
0x30: {  	[tilespmem:s29], [sflag:$0x2] =	stream.indirect.gather [hbm4b:s5+s14], $0x20, s28, s14, $0xb8;
	[tilespmem:$0x11D80] =	vst v63  }
0x31: {  	s2 =	simm.s32 @!p0 $0x3;
	v19 =	vadd.s32 v0, v22  }
0x32: {  	v20 =	vadd.s32 v1, v22;
	[tilespmem:s31], [sflag:$0x2] =	stream.indirect.gather [hbm4b:s5+s14], $0x20, s30, s14, $0xb8;
	[tilespmem:$0x11D80] =	vst v63  }
0x33: {  	v21 =	vadd.s32 v2, v22;
	_ =	swait.ge @!p0 [sflag:s2], $0x4000  }
0x34: {  	v23 =	vadd.s32 v3, v22;
	[sflag:s2] =	ssyncset.done @!p0 $0x0  }
0x35: {  	v24 =	vadd.s32 v4, v22;
	[sflag:s2] =	ssyncadd.s32 @!p0 $0xFFFFC000  }
0x36: {  	v25 =	vadd.s32 v5, v22;
	v19 =	vld.idx.msk [tilespmem:v19+s12+$0x0], $0xffff  }
0x37: {  	v26 =	vadd.s32 v7, v22;
	v20 =	vld.idx.msk [tilespmem:v20+s12+$0x0], $0xffff  }
0x38: {  	v27 =	vadd.s32 v8, v22;
	v21 =	vld.idx.msk [tilespmem:v21+s12+$0x0], $0xffff  }
0x39: {  	v22 =	vld.idx.msk [tilespmem:v23+s12+$0x0], $0xffff  }
0x3a: {  	v23 =	vld.idx.msk [tilespmem:v24+s12+$0x0], $0xffff  }
0x3b: {  	v24 =	vld.idx.msk [tilespmem:v25+s12+$0x0], $0xffff  }
0x3c: {  	v25 =	vld.idx.msk [tilespmem:v26+s12+$0x0], $0xffff  }
0x3d: {  	s8 =	simm.s32 $0x0;
	s11 =	simm.s32 $0x2400;
	v26 =	vld.idx.msk [tilespmem:v27+s12+$0x0], $0xffff  }
.LBB2_3:
0x3e: {  	v30 =	vadd.s32 s8, v6  }
0x3f: {  	v27 =	vld [tilespmem:s11+$0xFFFFE000];
	v31 =	vadd.s32 s8, v10;
	s2 =	sadd.s32 $0x1020, s8;
	v30 =	vand.u32 $0xFF8, v30  }
0x40: {  	v28 =	vld [tilespmem:s11+$0xFFFFE010];
	s20 =	sadd.s32 $0x2040, s8;
	v31 =	vand.u32 $0x1FF8, v31;
	v33 =	vadd.s32 s2, v6;
	v35 =	vadd.s32 s2, v10  }
0x41: {  	v29 =	vld [tilespmem:s11+$0xFFFFF000];
	s24 =	sadd.s32 $0x3060, s8;
	v37 =	vadd.s32 s20, v6;
	v39 =	vadd.s32 s20, v10;
	v30 =	vor.u32 v9, v30  }
0x42: {  	v32 =	vld [tilespmem:s11+$0xFFFFF010];
	v41 =	vadd.s32 s24, v6;
	v31 =	vor.u32 v9, v31;
	v33 =	vand.u32 $0x1FF8, v33  }
0x43: {  	v34 =	vld [tilespmem:s11+$0x0];
	v63 =	vadd.s32 s24, v10;
	v35 =	vand.u32 $0x3FF8, v35;
	v33 =	vor.u32 v9, v33  }
0x44: {  	v36 =	vld [tilespmem:s11+$0x10];
	v37 =	vand.u32 $0x2FF8, v37;
	v35 =	vor.u32 v9, v35;
	v27 =	vadd.f32 v27, v19  }
0x45: {  	v38 =	vld [tilespmem:s11+$0x1000];
	v39 =	vand.u32 $0x3FF8, v39;
	v37 =	vor.u32 v9, v37;
	v28 =	vadd.f32 v28, v20  }
0x46: {  	v40 =	vld [tilespmem:s11+$0x1010];
	v62 =	vand.u32 $0x3FF8, v41;
	v29 =	vadd.f32 v29, v21;
	[tilespmem:v30+s0+$0x0] =	vst.idx.msk $0xffff, v27;
	v27 =	vor.u32 v9, v39  }
0x47: {  	v43 =	vand.u32 $0x7FF8, v63;
	v42 =	vadd.f32 v32, v22;
	v30 =	vor.u32 v9, v62;
	[tilespmem:v31+s0+$0x0] =	vst.idx.msk $0xffff, v28  }
0x48: {  	v44 =	vadd.f32 v34, v23;
	v31 =	vor.u32 v9, v43;
	[tilespmem:v33+s0+$0x0] =	vst.idx.msk $0xffff, v29  }
0x49: {  	v45 =	vadd.f32 v36, v24;
	[tilespmem:v35+s0+$0x0] =	vst.idx.msk $0xffff, v42  }
0x4a: {  	v46 =	vadd.f32 v38, v25;
	[tilespmem:v37+s0+$0x0] =	vst.idx.msk $0xffff, v44  }
0x4b: {  	[tilespmem:v27+s0+$0x0] =	vst.idx.msk $0xffff, v45;
	v27 =	vadd.f32 v40, v26  }
0x4c: {  	[tilespmem:v30+s0+$0x0] =	vst.idx.msk $0xffff, v46  }
0x4d: {  	[tilespmem:v31+s0+$0x0] =	vst.idx.msk $0xffff, v27  }
0x4e: {  	v27 =	vld [tilespmem:s11+$0xFFFFE020]  }
0x4f: {  	s20 =	sadd.s32 $0x1, s8;
	v28 =	vld [tilespmem:s11+$0xFFFFE030]  }
0x50: {  	v47 =	vadd.s32 s20, v6;
	v29 =	vld [tilespmem:s11+$0xFFFFF020]  }
0x51: {  	s24 =	sadd.s32 $0x1021, s8;
	v49 =	vadd.s32 s20, v10;
	v30 =	vld [tilespmem:s11+$0xFFFFF030]  }
0x52: {  	v51 =	vadd.s32 s24, v6;
	v48 =	vld [tilespmem:s11+$0x20]  }
0x53: {  	v53 =	vadd.s32 s24, v10;
	s20 =	sadd.s32 $0x2041, s8;
	v50 =	vld [tilespmem:s11+$0x30];
	v27 =	vadd.f32 v27, v19  }
0x54: {  	v55 =	vadd.s32 s20, v6;
	v52 =	vld [tilespmem:s11+$0x1020];
	v28 =	vadd.f32 v28, v20  }
0x55: {  	s24 =	sadd.s32 $0x3061, s8;
	v56 =	vadd.s32 s20, v10;
	v54 =	vld [tilespmem:s11+$0x1030];
	[tilespmem:v47+s0+$0x0] =	vst.idx.msk $0xffff, v27;
	v27 =	vadd.f32 v29, v21  }
0x56: {  	v58 =	vadd.s32 s24, v6;
	v57 =	vadd.f32 v30, v22;
	[tilespmem:v49+s0+$0x0] =	vst.idx.msk $0xffff, v28  }
0x57: {  	v59 =	vadd.s32 s24, v10;
	[tilespmem:v51+s0+$0x0] =	vst.idx.msk $0xffff, v27;
	v27 =	vadd.f32 v48, v23  }
0x58: {  	v60 =	vadd.f32 v50, v24;
	[tilespmem:v53+s0+$0x0] =	vst.idx.msk $0xffff, v57  }
0x59: {  	[tilespmem:v55+s0+$0x0] =	vst.idx.msk $0xffff, v27;
	v27 =	vadd.f32 v52, v25  }
0x5a: {  	v61 =	vadd.f32 v54, v26;
	[tilespmem:v56+s0+$0x0] =	vst.idx.msk $0xffff, v60  }
0x5b: {  	[tilespmem:v58+s0+$0x0] =	vst.idx.msk $0xffff, v27  }
0x5c: {  	[tilespmem:v59+s0+$0x0] =	vst.idx.msk $0xffff, v61  }
0x5d: {  	v27 =	vld [tilespmem:s11+$0xFFFFE040]  }
0x5e: {  	s20 =	sadd.s32 $0x2, s8;
	v28 =	vld [tilespmem:s11+$0xFFFFE050]  }
0x5f: {  	v62 =	vadd.s32 s20, v6;
	v29 =	vld [tilespmem:s11+$0xFFFFF040]  }
0x60: {  	s24 =	sadd.s32 $0x1022, s8;
	v42 =	vadd.s32 s20, v10;
	v30 =	vld [tilespmem:s11+$0xFFFFF050]  }
0x61: {  	v44 =	vadd.s32 s24, v6;
	v63 =	vld [tilespmem:s11+$0x40]  }
0x62: {  	s20 =	sadd.s32 $0x2042, s8;
	v46 =	vadd.s32 s24, v10;
	v43 =	vld [tilespmem:s11+$0x50];
	v27 =	vadd.f32 v27, v19  }
0x63: {  	v48 =	vadd.s32 s20, v6;
	v45 =	vld [tilespmem:s11+$0x1040];
	v28 =	vadd.f32 v28, v20  }
0x64: {  	s24 =	sadd.s32 $0x3062, s8;
	v49 =	vadd.s32 s20, v10;
	v47 =	vld [tilespmem:s11+$0x1050];
	[tilespmem:v62+s0+$0x0] =	vst.idx.msk $0xffff, v27;
	v27 =	vadd.f32 v29, v21  }
0x65: {  	v51 =	vadd.s32 s24, v6;
	v50 =	vadd.f32 v30, v22;
	[tilespmem:v42+s0+$0x0] =	vst.idx.msk $0xffff, v28  }
0x66: {  	v52 =	vadd.s32 s24, v10;
	[tilespmem:v44+s0+$0x0] =	vst.idx.msk $0xffff, v27;
	v27 =	vadd.f32 v63, v23  }
0x67: {  	v53 =	vadd.f32 v43, v24;
	[tilespmem:v46+s0+$0x0] =	vst.idx.msk $0xffff, v50  }
0x68: {  	[tilespmem:v48+s0+$0x0] =	vst.idx.msk $0xffff, v27;
	v27 =	vadd.f32 v45, v25  }
0x69: {  	v54 =	vadd.f32 v47, v26;
	[tilespmem:v49+s0+$0x0] =	vst.idx.msk $0xffff, v53  }
0x6a: {  	[tilespmem:v51+s0+$0x0] =	vst.idx.msk $0xffff, v27  }
0x6b: {  	[tilespmem:v52+s0+$0x0] =	vst.idx.msk $0xffff, v54  }
0x6c: {  	v27 =	vld [tilespmem:s11+$0xFFFFE060]  }
0x6d: {  	s20 =	sadd.s32 $0x3, s8;
	v28 =	vld [tilespmem:s11+$0xFFFFE070]  }
0x6e: {  	v55 =	vadd.s32 s20, v6;
	v29 =	vld [tilespmem:s11+$0xFFFFF060]  }
0x6f: {  	v57 =	vadd.s32 s20, v10;
	s24 =	sadd.s32 $0x1023, s8;
	v30 =	vld [tilespmem:s11+$0xFFFFF070]  }
0x70: {  	v59 =	vadd.s32 s24, v6;
	v56 =	vld [tilespmem:s11+$0x60]  }
0x71: {  	s20 =	sadd.s32 $0x2043, s8;
	v61 =	vadd.s32 s24, v10;
	v58 =	vld [tilespmem:s11+$0x70];
	v27 =	vadd.f32 v27, v19  }
0x72: {  	v63 =	vadd.s32 s20, v6;
	v60 =	vld [tilespmem:s11+$0x1060];
	v28 =	vadd.f32 v28, v20  }
0x73: {  	s24 =	sadd.s32 $0x3063, s8;
	v42 =	vadd.s32 s20, v10;
	v62 =	vld [tilespmem:s11+$0x1070];
	[tilespmem:v55+s0+$0x0] =	vst.idx.msk $0xffff, v27;
	v27 =	vadd.f32 v29, v21  }
0x74: {  	v44 =	vadd.s32 s24, v6;
	v43 =	vadd.f32 v30, v22;
	[tilespmem:v57+s0+$0x0] =	vst.idx.msk $0xffff, v28  }
0x75: {  	v45 =	vadd.s32 s24, v10;
	[tilespmem:v59+s0+$0x0] =	vst.idx.msk $0xffff, v27;
	v27 =	vadd.f32 v56, v23  }
0x76: {  	v46 =	vadd.f32 v58, v24;
	[tilespmem:v61+s0+$0x0] =	vst.idx.msk $0xffff, v43  }
0x77: {  	[tilespmem:v63+s0+$0x0] =	vst.idx.msk $0xffff, v27;
	v27 =	vadd.f32 v60, v25  }
0x78: {  	v47 =	vadd.f32 v62, v26;
	[tilespmem:v42+s0+$0x0] =	vst.idx.msk $0xffff, v46  }
0x79: {  	[tilespmem:v44+s0+$0x0] =	vst.idx.msk $0xffff, v27  }
0x7a: {  	[tilespmem:v45+s0+$0x0] =	vst.idx.msk $0xffff, v47  }
0x7b: {  	v27 =	vld [tilespmem:s11+$0xFFFFE080]  }
0x7c: {  	s20 =	sadd.s32 $0x4, s8;
	v28 =	vld [tilespmem:s11+$0xFFFFE090]  }
0x7d: {  	v48 =	vadd.s32 s20, v6;
	v29 =	vld [tilespmem:s11+$0xFFFFF080]  }
0x7e: {  	v50 =	vadd.s32 s20, v10;
	s24 =	sadd.s32 $0x1024, s8;
	v30 =	vld [tilespmem:s11+$0xFFFFF090]  }
0x7f: {  	v52 =	vadd.s32 s24, v6;
	v49 =	vld [tilespmem:s11+$0x80]  }
0x80: {  	s20 =	sadd.s32 $0x2044, s8;
	v54 =	vadd.s32 s24, v10;
	v51 =	vld [tilespmem:s11+$0x90];
	v27 =	vadd.f32 v27, v19  }
0x81: {  	v56 =	vadd.s32 s20, v6;
	v53 =	vld [tilespmem:s11+$0x1080];
	v28 =	vadd.f32 v28, v20  }
0x82: {  	s24 =	sadd.s32 $0x3064, s8;
	v57 =	vadd.s32 s20, v10;
	v55 =	vld [tilespmem:s11+$0x1090];
	[tilespmem:v48+s0+$0x0] =	vst.idx.msk $0xffff, v27;
	v27 =	vadd.f32 v29, v21  }
0x83: {  	v59 =	vadd.s32 s24, v6;
	v58 =	vadd.f32 v30, v22;
	[tilespmem:v50+s0+$0x0] =	vst.idx.msk $0xffff, v28  }
0x84: {  	v60 =	vadd.s32 s24, v10;
	[tilespmem:v52+s0+$0x0] =	vst.idx.msk $0xffff, v27;
	v27 =	vadd.f32 v49, v23  }
0x85: {  	v61 =	vadd.f32 v51, v24;
	[tilespmem:v54+s0+$0x0] =	vst.idx.msk $0xffff, v58  }
0x86: {  	[tilespmem:v56+s0+$0x0] =	vst.idx.msk $0xffff, v27;
	v27 =	vadd.f32 v53, v25  }
0x87: {  	v62 =	vadd.f32 v55, v26;
	[tilespmem:v57+s0+$0x0] =	vst.idx.msk $0xffff, v61  }
0x88: {  	[tilespmem:v59+s0+$0x0] =	vst.idx.msk $0xffff, v27  }
0x89: {  	[tilespmem:v60+s0+$0x0] =	vst.idx.msk $0xffff, v62  }
0x8a: {  	v27 =	vld [tilespmem:s11+$0xFFFFE0A0]  }
0x8b: {  	s20 =	sadd.s32 $0x5, s8;
	v28 =	vld [tilespmem:s11+$0xFFFFE0B0]  }
0x8c: {  	v63 =	vadd.s32 s20, v6;
	v29 =	vld [tilespmem:s11+$0xFFFFF0A0]  }
0x8d: {  	v43 =	vadd.s32 s20, v10;
	s24 =	sadd.s32 $0x1025, s8;
	v30 =	vld [tilespmem:s11+$0xFFFFF0B0]  }
0x8e: {  	v45 =	vadd.s32 s24, v6;
	v42 =	vld [tilespmem:s11+$0xA0]  }
0x8f: {  	s20 =	sadd.s32 $0x2045, s8;
	v47 =	vadd.s32 s24, v10;
	v44 =	vld [tilespmem:s11+$0xB0];
	v27 =	vadd.f32 v27, v19  }
0x90: {  	v49 =	vadd.s32 s20, v6;
	v46 =	vld [tilespmem:s11+$0x10A0];
	v28 =	vadd.f32 v28, v20  }
0x91: {  	s24 =	sadd.s32 $0x3065, s8;
	v50 =	vadd.s32 s20, v10;
	v48 =	vld [tilespmem:s11+$0x10B0];
	[tilespmem:v63+s0+$0x0] =	vst.idx.msk $0xffff, v27;
	v27 =	vadd.f32 v29, v21  }
0x92: {  	v52 =	vadd.s32 s24, v6;
	v51 =	vadd.f32 v30, v22;
	[tilespmem:v43+s0+$0x0] =	vst.idx.msk $0xffff, v28  }
0x93: {  	v53 =	vadd.s32 s24, v10;
	[tilespmem:v45+s0+$0x0] =	vst.idx.msk $0xffff, v27;
	v27 =	vadd.f32 v42, v23  }
0x94: {  	v54 =	vadd.f32 v44, v24;
	[tilespmem:v47+s0+$0x0] =	vst.idx.msk $0xffff, v51  }
0x95: {  	[tilespmem:v49+s0+$0x0] =	vst.idx.msk $0xffff, v27;
	v27 =	vadd.f32 v46, v25  }
0x96: {  	v55 =	vadd.f32 v48, v26;
	[tilespmem:v50+s0+$0x0] =	vst.idx.msk $0xffff, v54  }
0x97: {  	[tilespmem:v52+s0+$0x0] =	vst.idx.msk $0xffff, v27  }
0x98: {  	[tilespmem:v53+s0+$0x0] =	vst.idx.msk $0xffff, v55  }
0x99: {  	v27 =	vld [tilespmem:s11+$0xFFFFE0C0]  }
0x9a: {  	s20 =	sadd.s32 $0x6, s8;
	v28 =	vld [tilespmem:s11+$0xFFFFE0D0]  }
0x9b: {  	v56 =	vadd.s32 s20, v6;
	v29 =	vld [tilespmem:s11+$0xFFFFF0C0]  }
0x9c: {  	v58 =	vadd.s32 s20, v10;
	s24 =	sadd.s32 $0x1026, s8;
	v30 =	vld [tilespmem:s11+$0xFFFFF0D0]  }
0x9d: {  	v60 =	vadd.s32 s24, v6;
	v57 =	vld [tilespmem:s11+$0xC0]  }
0x9e: {  	s20 =	sadd.s32 $0x2046, s8;
	v62 =	vadd.s32 s24, v10;
	v59 =	vld [tilespmem:s11+$0xD0];
	v27 =	vadd.f32 v27, v19  }
0x9f: {  	v42 =	vadd.s32 s20, v6;
	v61 =	vld [tilespmem:s11+$0x10C0];
	v28 =	vadd.f32 v28, v20  }
0xa0: {  	s24 =	sadd.s32 $0x3066, s8;
	v43 =	vadd.s32 s20, v10;
	v63 =	vld [tilespmem:s11+$0x10D0];
	[tilespmem:v56+s0+$0x0] =	vst.idx.msk $0xffff, v27;
	v27 =	vadd.f32 v29, v21  }
0xa1: {  	v45 =	vadd.s32 s24, v6;
	v44 =	vadd.f32 v30, v22;
	[tilespmem:v58+s0+$0x0] =	vst.idx.msk $0xffff, v28  }
0xa2: {  	v46 =	vadd.s32 s24, v10;
	[tilespmem:v60+s0+$0x0] =	vst.idx.msk $0xffff, v27;
	v27 =	vadd.f32 v57, v23  }
0xa3: {  	v47 =	vadd.f32 v59, v24;
	[tilespmem:v62+s0+$0x0] =	vst.idx.msk $0xffff, v44  }
0xa4: {  	[tilespmem:v42+s0+$0x0] =	vst.idx.msk $0xffff, v27;
	v27 =	vadd.f32 v61, v25  }
0xa5: {  	v48 =	vadd.f32 v63, v26;
	[tilespmem:v43+s0+$0x0] =	vst.idx.msk $0xffff, v47  }
0xa6: {  	[tilespmem:v45+s0+$0x0] =	vst.idx.msk $0xffff, v27  }
0xa7: {  	[tilespmem:v46+s0+$0x0] =	vst.idx.msk $0xffff, v48  }
0xa8: {  	v27 =	vld [tilespmem:s11+$0xFFFFE0E0]  }
0xa9: {  	s20 =	sadd.s32 $0x7, s8;
	v28 =	vld [tilespmem:s11+$0xFFFFE0F0]  }
0xaa: {  	v49 =	vadd.s32 s20, v6;
	v29 =	vld [tilespmem:s11+$0xFFFFF0E0]  }
0xab: {  	v51 =	vadd.s32 s20, v10;
	s24 =	sadd.s32 $0x1027, s8;
	v30 =	vld [tilespmem:s11+$0xFFFFF0F0]  }
0xac: {  	v53 =	vadd.s32 s24, v6;
	v50 =	vld [tilespmem:s11+$0xE0]  }
0xad: {  	s20 =	sadd.s32 $0x2047, s8;
	v55 =	vadd.s32 s24, v10;
	v52 =	vld [tilespmem:s11+$0xF0];
	v27 =	vadd.f32 v27, v19  }
0xae: {  	v57 =	vadd.s32 s20, v6;
	v54 =	vld [tilespmem:s11+$0x10E0];
	v28 =	vadd.f32 v28, v20  }
0xaf: {  	s24 =	sadd.s32 $0x3067, s8;
	v58 =	vadd.s32 s20, v10;
	v56 =	vld [tilespmem:s11+$0x10F0];
	[tilespmem:v49+s0+$0x0] =	vst.idx.msk $0xffff, v27;
	v27 =	vadd.f32 v29, v21  }
0xb0: {  	v60 =	vadd.s32 s24, v6;
	v59 =	vadd.f32 v30, v22;
	[tilespmem:v51+s0+$0x0] =	vst.idx.msk $0xffff, v28  }
0xb1: {  	p0 =	slt.u32 s8, $0x78;
	v61 =	vadd.s32 s24, v10;
	[tilespmem:v53+s0+$0x0] =	vst.idx.msk $0xffff, v27;
	v27 =	vadd.f32 v50, v23  }
.Ltmp0:
0xb2: {  	v62 =	vadd.f32 v52, v24;
	[tilespmem:v55+s0+$0x0] =	vst.idx.msk $0xffff, v59;
	(pc) =	sbr.rel @p0 .LBB2_3-.Ltmp0, $4  }
0xb3: {  	[tilespmem:v57+s0+$0x0] =	vst.idx.msk $0xffff, v27;
	v27 =	vadd.f32 v54, v25  }
0xb4: {  	v63 =	vadd.f32 v56, v26;
	[tilespmem:v58+s0+$0x0] =	vst.idx.msk $0xffff, v62  }
0xb5: {  	s2 =	simm.s32 $0xFFFFFFF8;
	s8 =	sadd.s32 $0x8, s8;
	[tilespmem:v60+s0+$0x0] =	vst.idx.msk $0xffff, v27  }
0xb6: {  	s20 =	simm.s32 $0xC680;
	s24 =	simm.s32 $0x8604;
	s11 =	sadd.s32 $0x100, s11;
	[tilespmem:v61+s0+$0x0] =	vst.idx.msk $0xffff, v63  }
.LBB2_4:
0xb7: {  	v19 =	vld [tilespmem:s24+$0xFFFFFDFC]  }
0xb8: {  	v20 =	vld [tilespmem:s24+$0xFFFFFE0C]  }
0xb9: {  	v21 =	vld [tilespmem:s24+$0xFFFFFE1C]  }
0xba: {  	v22 =	vld [tilespmem:s24+$0xFFFFFE2C]  }
0xbb: {  	v23 =	vld [tilespmem:s24+$0xFFFFFE3C]  }
0xbc: {  	v24 =	vld [tilespmem:s24+$0xFFFFFE4C]  }
0xbd: {  	v25 =	vld [tilespmem:s24+$0xFFFFFE5C]  }
0xbe: {  	v26 =	vld [tilespmem:s24+$0xFFFFFE6C];
	[tilespmem:s20+$0xFFFFFE00] =	vst v19  }
0xbf: {  	[tilespmem:s20+$0xFFFFFE10] =	vst v20  }
0xc0: {  	[tilespmem:s20+$0xFFFFFE20] =	vst v21  }
0xc1: {  	[tilespmem:s20+$0xFFFFFE30] =	vst v22  }
0xc2: {  	[tilespmem:s20+$0xFFFFFE40] =	vst v23  }
0xc3: {  	[tilespmem:s20+$0xFFFFFE50] =	vst v24  }
0xc4: {  	[tilespmem:s20+$0xFFFFFE60] =	vst v25  }
0xc5: {  	[tilespmem:s20+$0xFFFFFE70] =	vst v26  }
0xc6: {  	v19 =	vld [tilespmem:s24+$0xFFFFFE7D]  }
0xc7: {  	v20 =	vld [tilespmem:s24+$0xFFFFFE8D]  }
0xc8: {  	v21 =	vld [tilespmem:s24+$0xFFFFFE9D]  }
0xc9: {  	v22 =	vld [tilespmem:s24+$0xFFFFFEAD]  }
0xca: {  	v23 =	vld [tilespmem:s24+$0xFFFFFEBD]  }
0xcb: {  	v24 =	vld [tilespmem:s24+$0xFFFFFECD]  }
0xcc: {  	v25 =	vld [tilespmem:s24+$0xFFFFFEDD]  }
0xcd: {  	v26 =	vld [tilespmem:s24+$0xFFFFFEED];
	[tilespmem:s20+$0xFFFFFE80] =	vst v19  }
0xce: {  	[tilespmem:s20+$0xFFFFFE90] =	vst v20  }
0xcf: {  	[tilespmem:s20+$0xFFFFFEA0] =	vst v21  }
0xd0: {  	[tilespmem:s20+$0xFFFFFEB0] =	vst v22  }
0xd1: {  	[tilespmem:s20+$0xFFFFFEC0] =	vst v23  }
0xd2: {  	[tilespmem:s20+$0xFFFFFED0] =	vst v24  }
0xd3: {  	[tilespmem:s20+$0xFFFFFEE0] =	vst v25  }
0xd4: {  	[tilespmem:s20+$0xFFFFFEF0] =	vst v26  }
0xd5: {  	v19 =	vld [tilespmem:s24+$0xFFFFFEFE]  }
0xd6: {  	v20 =	vld [tilespmem:s24+$0xFFFFFF0E]  }
0xd7: {  	v21 =	vld [tilespmem:s24+$0xFFFFFF1E]  }
0xd8: {  	v22 =	vld [tilespmem:s24+$0xFFFFFF2E]  }
0xd9: {  	v23 =	vld [tilespmem:s24+$0xFFFFFF3E]  }
0xda: {  	v24 =	vld [tilespmem:s24+$0xFFFFFF4E]  }
0xdb: {  	v25 =	vld [tilespmem:s24+$0xFFFFFF5E]  }
0xdc: {  	v26 =	vld [tilespmem:s24+$0xFFFFFF6E];
	[tilespmem:s20+$0xFFFFFF00] =	vst v19  }
0xdd: {  	[tilespmem:s20+$0xFFFFFF10] =	vst v20  }
0xde: {  	[tilespmem:s20+$0xFFFFFF20] =	vst v21  }
0xdf: {  	[tilespmem:s20+$0xFFFFFF30] =	vst v22  }
0xe0: {  	[tilespmem:s20+$0xFFFFFF40] =	vst v23  }
0xe1: {  	[tilespmem:s20+$0xFFFFFF50] =	vst v24  }
0xe2: {  	[tilespmem:s20+$0xFFFFFF60] =	vst v25  }
0xe3: {  	[tilespmem:s20+$0xFFFFFF70] =	vst v26  }
0xe4: {  	v19 =	vld [tilespmem:s24+$0xFFFFFF7F]  }
0xe5: {  	v20 =	vld [tilespmem:s24+$0xFFFFFF8F]  }
0xe6: {  	v21 =	vld [tilespmem:s24+$0xFFFFFF9F]  }
0xe7: {  	v22 =	vld [tilespmem:s24+$0xFFFFFFAF]  }
0xe8: {  	v23 =	vld [tilespmem:s24+$0xFFFFFFBF]  }
0xe9: {  	v24 =	vld [tilespmem:s24+$0xFFFFFFCF]  }
0xea: {  	v25 =	vld [tilespmem:s24+$0xFFFFFFDF]  }
0xeb: {  	v26 =	vld [tilespmem:s24+$0xFFFFFFEF];
	[tilespmem:s20+$0xFFFFFF80] =	vst v19  }
0xec: {  	[tilespmem:s20+$0xFFFFFF90] =	vst v20  }
0xed: {  	[tilespmem:s20+$0xFFFFFFA0] =	vst v21  }
0xee: {  	[tilespmem:s20+$0xFFFFFFB0] =	vst v22  }
0xef: {  	[tilespmem:s20+$0xFFFFFFC0] =	vst v23  }
0xf0: {  	[tilespmem:s20+$0xFFFFFFD0] =	vst v24  }
0xf1: {  	[tilespmem:s20+$0xFFFFFFE0] =	vst v25  }
0xf2: {  	[tilespmem:s20+$0xFFFFFFF0] =	vst v26  }
0xf3: {  	v19 =	vld [tilespmem:s24+$0x0]  }
0xf4: {  	v20 =	vld [tilespmem:s24+$0x10]  }
0xf5: {  	v21 =	vld [tilespmem:s24+$0x20]  }
0xf6: {  	v22 =	vld [tilespmem:s24+$0x30]  }
0xf7: {  	v23 =	vld [tilespmem:s24+$0x40]  }
0xf8: {  	v24 =	vld [tilespmem:s24+$0x50]  }
0xf9: {  	v25 =	vld [tilespmem:s24+$0x60]  }
0xfa: {  	v26 =	vld [tilespmem:s24+$0x70];
	[tilespmem:s20+$0x0] =	vst v19  }
0xfb: {  	[tilespmem:s20+$0x10] =	vst v20  }
0xfc: {  	[tilespmem:s20+$0x20] =	vst v21  }
0xfd: {  	[tilespmem:s20+$0x30] =	vst v22  }
0xfe: {  	[tilespmem:s20+$0x40] =	vst v23  }
0xff: {  	[tilespmem:s20+$0x50] =	vst v24  }
0x100: {  	[tilespmem:s20+$0x60] =	vst v25  }
0x101: {  	[tilespmem:s20+$0x70] =	vst v26  }
0x102: {  	v19 =	vld [tilespmem:s24+$0x81]  }
0x103: {  	v20 =	vld [tilespmem:s24+$0x91]  }
0x104: {  	v21 =	vld [tilespmem:s24+$0xA1]  }
0x105: {  	v22 =	vld [tilespmem:s24+$0xB1]  }
0x106: {  	v23 =	vld [tilespmem:s24+$0xC1]  }
0x107: {  	v24 =	vld [tilespmem:s24+$0xD1]  }
0x108: {  	v25 =	vld [tilespmem:s24+$0xE1]  }
0x109: {  	v26 =	vld [tilespmem:s24+$0xF1];
	[tilespmem:s20+$0x80] =	vst v19  }
0x10a: {  	[tilespmem:s20+$0x90] =	vst v20  }
0x10b: {  	[tilespmem:s20+$0xA0] =	vst v21  }
0x10c: {  	[tilespmem:s20+$0xB0] =	vst v22  }
0x10d: {  	[tilespmem:s20+$0xC0] =	vst v23  }
0x10e: {  	[tilespmem:s20+$0xD0] =	vst v24  }
0x10f: {  	[tilespmem:s20+$0xE0] =	vst v25  }
0x110: {  	[tilespmem:s20+$0xF0] =	vst v26  }
0x111: {  	v19 =	vld [tilespmem:s24+$0x102]  }
0x112: {  	v20 =	vld [tilespmem:s24+$0x112]  }
0x113: {  	v21 =	vld [tilespmem:s24+$0x122]  }
0x114: {  	v22 =	vld [tilespmem:s24+$0x132]  }
0x115: {  	v23 =	vld [tilespmem:s24+$0x142]  }
0x116: {  	v24 =	vld [tilespmem:s24+$0x152]  }
0x117: {  	v25 =	vld [tilespmem:s24+$0x162]  }
0x118: {  	v26 =	vld [tilespmem:s24+$0x172];
	[tilespmem:s20+$0x100] =	vst v19  }
0x119: {  	[tilespmem:s20+$0x110] =	vst v20  }
0x11a: {  	[tilespmem:s20+$0x120] =	vst v21  }
0x11b: {  	[tilespmem:s20+$0x130] =	vst v22  }
0x11c: {  	[tilespmem:s20+$0x140] =	vst v23  }
0x11d: {  	[tilespmem:s20+$0x150] =	vst v24  }
0x11e: {  	[tilespmem:s20+$0x160] =	vst v25  }
0x11f: {  	[tilespmem:s20+$0x170] =	vst v26  }
0x120: {  	v19 =	vld [tilespmem:s24+$0x183]  }
0x121: {  	v20 =	vld [tilespmem:s24+$0x193]  }
0x122: {  	v21 =	vld [tilespmem:s24+$0x1A3]  }
0x123: {  	v22 =	vld [tilespmem:s24+$0x1B3]  }
0x124: {  	v23 =	vld [tilespmem:s24+$0x1C3]  }
0x125: {  	v24 =	vld [tilespmem:s24+$0x1D3]  }
0x126: {  	v25 =	vld [tilespmem:s24+$0x1E3]  }
0x127: {  	v26 =	vld [tilespmem:s24+$0x1F3];
	[tilespmem:s20+$0x180] =	vst v19  }
0x128: {  	s2 =	sadd.s32 $0x8, s2;
	[tilespmem:s20+$0x190] =	vst v20  }
0x129: {  	p0 =	slt.u32 s2, $0x78;
	[tilespmem:s20+$0x1A0] =	vst v21  }
.Ltmp1:
0x12a: {  	[tilespmem:s20+$0x1B0] =	vst v22;
	(pc) =	sbr.rel @p0 .LBB2_4-.Ltmp1, $4  }
0x12b: {  	[tilespmem:s20+$0x1C0] =	vst v23  }
0x12c: {  	[tilespmem:s20+$0x1D0] =	vst v24  }
0x12d: {  	[tilespmem:s20+$0x1E0] =	vst v25  }
0x12e: {  	s24 =	sadd.s32 $0x408, s24;
	[tilespmem:s20+$0x1F0] =	vst v26;
	s20 =	sadd.s32 $0x400, s20  }
0x12f: {  	s2 =	sshll.u32 s21, $0x14  }
0x130: {  	s2 =	sor.u32 s10, s2  }
0x131: {  	s2 =	sshrl.u32 s2, $0x3  }
0x132: {  	p0 =	seq.s32 s21, $0x18;
	s2 =	sadd.s32 s1, s2  }
0x133: {  	[hbm4b:s2+s16] =	stream.strided.scatter [tilespmem:s17], [sflag:$0x3], $0x4000, s3, s16, $0x38;
	[tilespmem:$0x11D80] =	vst v63  }
0x134: {  	s2 =	sshll.u32 @!p0 s21, $0xF  }
0x135: {  	s8 =	simm.s32 @!p0 $0x80;
	_ =	swait.ge [sflag:s18], $0x4000;
	s2 =	sadd.s32 @!p0 s9, s2  }
0x136: {  	s11 =	simm.s32 @!p0 $0x1000;
	[sflag:s18] =	ssyncset.done $0x0;
	s2 =	sshrl.u32 @!p0 s2, $0x3  }
0x137: {  	s20 =	simm.s32 @!p0 $0x0;
	[sflag:s18] =	ssyncadd.s32 $0xFFFFC000;
	s2 =	sadd.s32 @!p0 s4, s2  }
0x138: {  	[tilespmem:s20], [sflag:$0x4] =	stream.strided.gather @!p0 [hbm4b:s2+s8], $0x200, s11, s8, $0x38;
	[tilespmem:$0x11D80] =	vst v63  }
0x139: {  	s2 =	simm.s32 @!p0 $0x4  }
0x13a: {  	_ =	swait.ge @!p0 [sflag:s2], $0x200  }
0x13b: {  	[sflag:s2] =	ssyncset.done @!p0 $0x0  }
0x13c: {  	s24 =	sshll.u32 s6, $0x2;
	[sflag:s2] =	ssyncadd.s32 @!p0 $0xFFFFFE00;
	s2 =	simm.s32 @!p0 $0x400  }
0x13d: {  	v19 =	vmov s24;
	[tilespmem:s2], [sflag:$0x1] =	stream.indirect.gather @!p0 [hbm4b:s5+s8], $0x20, s20, s8, $0xb8;
	[tilespmem:$0x11D80] =	vst v63  }
0x13e: {  	v19 =	vshrl.u32 v19, $0x3;
	s2 =	simm.s32 @!p0 $0x1400  }
0x13f: {  	v19 =	vshll.u32 v19, $0x3;
	[tilespmem:s2], [sflag:$0x1] =	stream.indirect.gather @!p0 [hbm4b:s5+s8], $0x20, s8, s8, $0xb8;
	[tilespmem:$0x11D80] =	vst v63  }
0x140: {  	v22 =	vbroadcast v19, $0x0;
	s11 =	simm.s32 @!p0 $0x2400;
	s2 =	simm.s32 @!p0 $0x100  }
0x141: {  	[tilespmem:s11], [sflag:$0x1] =	stream.indirect.gather @!p0 [hbm4b:s5+s8], $0x20, s2, s8, $0xb8;
	[tilespmem:$0x11D80] =	vst v63  }
0x142: {  	v19 =	vadd.s32 v11, v22;
	s2 =	simm.s32 @!p0 $0x180;
	s11 =	simm.s32 @!p0 $0x3400  }
0x143: {  	v20 =	vadd.s32 v12, v22;
	[tilespmem:s11], [sflag:$0x1] =	stream.indirect.gather @!p0 [hbm4b:s5+s8], $0x20, s2, s8, $0xb8;
	[tilespmem:$0x11D80] =	vst v63  }
0x144: {  	v21 =	vadd.s32 v13, v22;
	_ =	swait.ge [sflag:s19], $0x4000  }
0x145: {  	v23 =	vadd.s32 v14, v22;
	[sflag:s19] =	ssyncset.done $0x0  }
0x146: {  	v24 =	vadd.s32 v15, v22;
	[sflag:s19] =	ssyncadd.s32 $0xFFFFC000  }
0x147: {  	v25 =	vadd.s32 v16, v22;
	v19 =	vld.idx.msk [tilespmem:v19+s12+$0x0], $0xffff  }
0x148: {  	v26 =	vadd.s32 v17, v22;
	v20 =	vld.idx.msk [tilespmem:v20+s12+$0x0], $0xffff  }
0x149: {  	v27 =	vadd.s32 v18, v22;
	v21 =	vld.idx.msk [tilespmem:v21+s12+$0x0], $0xffff  }
0x14a: {  	v22 =	vld.idx.msk [tilespmem:v23+s12+$0x0], $0xffff  }
0x14b: {  	v23 =	vld.idx.msk [tilespmem:v24+s12+$0x0], $0xffff  }
0x14c: {  	v24 =	vld.idx.msk [tilespmem:v25+s12+$0x0], $0xffff  }
0x14d: {  	v25 =	vld.idx.msk [tilespmem:v26+s12+$0x0], $0xffff  }
0x14e: {  	s8 =	simm.s32 $0x0;
	s11 =	simm.s32 $0x6400;
	v26 =	vld.idx.msk [tilespmem:v27+s12+$0x0], $0xffff  }
.LBB2_6:
0x14f: {  	v30 =	vadd.s32 s8, v6  }
0x150: {  	v27 =	vld [tilespmem:s11+$0xFFFFE000];
	v31 =	vadd.s32 s8, v10;
	s2 =	sadd.s32 $0x1020, s8;
	v30 =	vand.u32 $0xFF8, v30  }
0x151: {  	v28 =	vld [tilespmem:s11+$0xFFFFE010];
	s20 =	sadd.s32 $0x2040, s8;
	v31 =	vand.u32 $0x1FF8, v31;
	v33 =	vadd.s32 s2, v6;
	v35 =	vadd.s32 s2, v10  }
0x152: {  	v29 =	vld [tilespmem:s11+$0xFFFFF000];
	s24 =	sadd.s32 $0x3060, s8;
	v37 =	vadd.s32 s20, v6;
	v39 =	vadd.s32 s20, v10;
	v30 =	vor.u32 v9, v30  }
0x153: {  	v32 =	vld [tilespmem:s11+$0xFFFFF010];
	v41 =	vadd.s32 s24, v6;
	v31 =	vor.u32 v9, v31;
	v33 =	vand.u32 $0x1FF8, v33  }
0x154: {  	v34 =	vld [tilespmem:s11+$0x0];
	v63 =	vadd.s32 s24, v10;
	v35 =	vand.u32 $0x3FF8, v35;
	v33 =	vor.u32 v9, v33  }
0x155: {  	v36 =	vld [tilespmem:s11+$0x10];
	v37 =	vand.u32 $0x2FF8, v37;
	v35 =	vor.u32 v9, v35;
	v27 =	vadd.f32 v27, v19  }
0x156: {  	v38 =	vld [tilespmem:s11+$0x1000];
	v39 =	vand.u32 $0x3FF8, v39;
	v37 =	vor.u32 v9, v37;
	v28 =	vadd.f32 v28, v20  }
0x157: {  	v40 =	vld [tilespmem:s11+$0x1010];
	v62 =	vand.u32 $0x3FF8, v41;
	v29 =	vadd.f32 v29, v21;
	[tilespmem:v30+s0+$0x0] =	vst.idx.msk $0xffff, v27;
	v27 =	vor.u32 v9, v39  }
0x158: {  	v43 =	vand.u32 $0x7FF8, v63;
	v42 =	vadd.f32 v32, v22;
	v30 =	vor.u32 v9, v62;
	[tilespmem:v31+s0+$0x0] =	vst.idx.msk $0xffff, v28  }
0x159: {  	v44 =	vadd.f32 v34, v23;
	v31 =	vor.u32 v9, v43;
	[tilespmem:v33+s0+$0x0] =	vst.idx.msk $0xffff, v29  }
0x15a: {  	v45 =	vadd.f32 v36, v24;
	[tilespmem:v35+s0+$0x0] =	vst.idx.msk $0xffff, v42  }
0x15b: {  	v46 =	vadd.f32 v38, v25;
	[tilespmem:v37+s0+$0x0] =	vst.idx.msk $0xffff, v44  }
0x15c: {  	[tilespmem:v27+s0+$0x0] =	vst.idx.msk $0xffff, v45;
	v27 =	vadd.f32 v40, v26  }
0x15d: {  	[tilespmem:v30+s0+$0x0] =	vst.idx.msk $0xffff, v46  }
0x15e: {  	[tilespmem:v31+s0+$0x0] =	vst.idx.msk $0xffff, v27  }
0x15f: {  	v27 =	vld [tilespmem:s11+$0xFFFFE020]  }
0x160: {  	s20 =	sadd.s32 $0x1, s8;
	v28 =	vld [tilespmem:s11+$0xFFFFE030]  }
0x161: {  	v47 =	vadd.s32 s20, v6;
	v29 =	vld [tilespmem:s11+$0xFFFFF020]  }
0x162: {  	s24 =	sadd.s32 $0x1021, s8;
	v49 =	vadd.s32 s20, v10;
	v30 =	vld [tilespmem:s11+$0xFFFFF030]  }
0x163: {  	v51 =	vadd.s32 s24, v6;
	v48 =	vld [tilespmem:s11+$0x20]  }
0x164: {  	v53 =	vadd.s32 s24, v10;
	s20 =	sadd.s32 $0x2041, s8;
	v50 =	vld [tilespmem:s11+$0x30];
	v27 =	vadd.f32 v27, v19  }
0x165: {  	v55 =	vadd.s32 s20, v6;
	v52 =	vld [tilespmem:s11+$0x1020];
	v28 =	vadd.f32 v28, v20  }
0x166: {  	s24 =	sadd.s32 $0x3061, s8;
	v56 =	vadd.s32 s20, v10;
	v54 =	vld [tilespmem:s11+$0x1030];
	[tilespmem:v47+s0+$0x0] =	vst.idx.msk $0xffff, v27;
	v27 =	vadd.f32 v29, v21  }
0x167: {  	v58 =	vadd.s32 s24, v6;
	v57 =	vadd.f32 v30, v22;
	[tilespmem:v49+s0+$0x0] =	vst.idx.msk $0xffff, v28  }
0x168: {  	v59 =	vadd.s32 s24, v10;
	[tilespmem:v51+s0+$0x0] =	vst.idx.msk $0xffff, v27;
	v27 =	vadd.f32 v48, v23  }
0x169: {  	v60 =	vadd.f32 v50, v24;
	[tilespmem:v53+s0+$0x0] =	vst.idx.msk $0xffff, v57  }
0x16a: {  	[tilespmem:v55+s0+$0x0] =	vst.idx.msk $0xffff, v27;
	v27 =	vadd.f32 v52, v25  }
0x16b: {  	v61 =	vadd.f32 v54, v26;
	[tilespmem:v56+s0+$0x0] =	vst.idx.msk $0xffff, v60  }
0x16c: {  	[tilespmem:v58+s0+$0x0] =	vst.idx.msk $0xffff, v27  }
0x16d: {  	[tilespmem:v59+s0+$0x0] =	vst.idx.msk $0xffff, v61  }
0x16e: {  	v27 =	vld [tilespmem:s11+$0xFFFFE040]  }
0x16f: {  	s20 =	sadd.s32 $0x2, s8;
	v28 =	vld [tilespmem:s11+$0xFFFFE050]  }
0x170: {  	v62 =	vadd.s32 s20, v6;
	v29 =	vld [tilespmem:s11+$0xFFFFF040]  }
0x171: {  	s24 =	sadd.s32 $0x1022, s8;
	v42 =	vadd.s32 s20, v10;
	v30 =	vld [tilespmem:s11+$0xFFFFF050]  }
0x172: {  	v44 =	vadd.s32 s24, v6;
	v63 =	vld [tilespmem:s11+$0x40]  }
0x173: {  	s20 =	sadd.s32 $0x2042, s8;
	v46 =	vadd.s32 s24, v10;
	v43 =	vld [tilespmem:s11+$0x50];
	v27 =	vadd.f32 v27, v19  }
0x174: {  	v48 =	vadd.s32 s20, v6;
	v45 =	vld [tilespmem:s11+$0x1040];
	v28 =	vadd.f32 v28, v20  }
0x175: {  	s24 =	sadd.s32 $0x3062, s8;
	v49 =	vadd.s32 s20, v10;
	v47 =	vld [tilespmem:s11+$0x1050];
	[tilespmem:v62+s0+$0x0] =	vst.idx.msk $0xffff, v27;
	v27 =	vadd.f32 v29, v21  }
0x176: {  	v51 =	vadd.s32 s24, v6;
	v50 =	vadd.f32 v30, v22;
	[tilespmem:v42+s0+$0x0] =	vst.idx.msk $0xffff, v28  }
0x177: {  	v52 =	vadd.s32 s24, v10;
	[tilespmem:v44+s0+$0x0] =	vst.idx.msk $0xffff, v27;
	v27 =	vadd.f32 v63, v23  }
0x178: {  	v53 =	vadd.f32 v43, v24;
	[tilespmem:v46+s0+$0x0] =	vst.idx.msk $0xffff, v50  }
0x179: {  	[tilespmem:v48+s0+$0x0] =	vst.idx.msk $0xffff, v27;
	v27 =	vadd.f32 v45, v25  }
0x17a: {  	v54 =	vadd.f32 v47, v26;
	[tilespmem:v49+s0+$0x0] =	vst.idx.msk $0xffff, v53  }
0x17b: {  	[tilespmem:v51+s0+$0x0] =	vst.idx.msk $0xffff, v27  }
0x17c: {  	[tilespmem:v52+s0+$0x0] =	vst.idx.msk $0xffff, v54  }
0x17d: {  	v27 =	vld [tilespmem:s11+$0xFFFFE060]  }
0x17e: {  	s20 =	sadd.s32 $0x3, s8;
	v28 =	vld [tilespmem:s11+$0xFFFFE070]  }
0x17f: {  	v55 =	vadd.s32 s20, v6;
	v29 =	vld [tilespmem:s11+$0xFFFFF060]  }
0x180: {  	v57 =	vadd.s32 s20, v10;
	s24 =	sadd.s32 $0x1023, s8;
	v30 =	vld [tilespmem:s11+$0xFFFFF070]  }
0x181: {  	v59 =	vadd.s32 s24, v6;
	v56 =	vld [tilespmem:s11+$0x60]  }
0x182: {  	s20 =	sadd.s32 $0x2043, s8;
	v61 =	vadd.s32 s24, v10;
	v58 =	vld [tilespmem:s11+$0x70];
	v27 =	vadd.f32 v27, v19  }
0x183: {  	v63 =	vadd.s32 s20, v6;
	v60 =	vld [tilespmem:s11+$0x1060];
	v28 =	vadd.f32 v28, v20  }
0x184: {  	s24 =	sadd.s32 $0x3063, s8;
	v42 =	vadd.s32 s20, v10;
	v62 =	vld [tilespmem:s11+$0x1070];
	[tilespmem:v55+s0+$0x0] =	vst.idx.msk $0xffff, v27;
	v27 =	vadd.f32 v29, v21  }
0x185: {  	v44 =	vadd.s32 s24, v6;
	v43 =	vadd.f32 v30, v22;
	[tilespmem:v57+s0+$0x0] =	vst.idx.msk $0xffff, v28  }
0x186: {  	v45 =	vadd.s32 s24, v10;
	[tilespmem:v59+s0+$0x0] =	vst.idx.msk $0xffff, v27;
	v27 =	vadd.f32 v56, v23  }
0x187: {  	v46 =	vadd.f32 v58, v24;
	[tilespmem:v61+s0+$0x0] =	vst.idx.msk $0xffff, v43  }
0x188: {  	[tilespmem:v63+s0+$0x0] =	vst.idx.msk $0xffff, v27;
	v27 =	vadd.f32 v60, v25  }
0x189: {  	v47 =	vadd.f32 v62, v26;
	[tilespmem:v42+s0+$0x0] =	vst.idx.msk $0xffff, v46  }
0x18a: {  	[tilespmem:v44+s0+$0x0] =	vst.idx.msk $0xffff, v27  }
0x18b: {  	[tilespmem:v45+s0+$0x0] =	vst.idx.msk $0xffff, v47  }
0x18c: {  	v27 =	vld [tilespmem:s11+$0xFFFFE080]  }
0x18d: {  	s20 =	sadd.s32 $0x4, s8;
	v28 =	vld [tilespmem:s11+$0xFFFFE090]  }
0x18e: {  	v48 =	vadd.s32 s20, v6;
	v29 =	vld [tilespmem:s11+$0xFFFFF080]  }
0x18f: {  	v50 =	vadd.s32 s20, v10;
	s24 =	sadd.s32 $0x1024, s8;
	v30 =	vld [tilespmem:s11+$0xFFFFF090]  }
0x190: {  	v52 =	vadd.s32 s24, v6;
	v49 =	vld [tilespmem:s11+$0x80]  }
0x191: {  	s20 =	sadd.s32 $0x2044, s8;
	v54 =	vadd.s32 s24, v10;
	v51 =	vld [tilespmem:s11+$0x90];
	v27 =	vadd.f32 v27, v19  }
0x192: {  	v56 =	vadd.s32 s20, v6;
	v53 =	vld [tilespmem:s11+$0x1080];
	v28 =	vadd.f32 v28, v20  }
0x193: {  	s24 =	sadd.s32 $0x3064, s8;
	v57 =	vadd.s32 s20, v10;
	v55 =	vld [tilespmem:s11+$0x1090];
	[tilespmem:v48+s0+$0x0] =	vst.idx.msk $0xffff, v27;
	v27 =	vadd.f32 v29, v21  }
0x194: {  	v59 =	vadd.s32 s24, v6;
	v58 =	vadd.f32 v30, v22;
	[tilespmem:v50+s0+$0x0] =	vst.idx.msk $0xffff, v28  }
0x195: {  	v60 =	vadd.s32 s24, v10;
	[tilespmem:v52+s0+$0x0] =	vst.idx.msk $0xffff, v27;
	v27 =	vadd.f32 v49, v23  }
0x196: {  	v61 =	vadd.f32 v51, v24;
	[tilespmem:v54+s0+$0x0] =	vst.idx.msk $0xffff, v58  }
0x197: {  	[tilespmem:v56+s0+$0x0] =	vst.idx.msk $0xffff, v27;
	v27 =	vadd.f32 v53, v25  }
0x198: {  	v62 =	vadd.f32 v55, v26;
	[tilespmem:v57+s0+$0x0] =	vst.idx.msk $0xffff, v61  }
0x199: {  	[tilespmem:v59+s0+$0x0] =	vst.idx.msk $0xffff, v27  }
0x19a: {  	[tilespmem:v60+s0+$0x0] =	vst.idx.msk $0xffff, v62  }
0x19b: {  	v27 =	vld [tilespmem:s11+$0xFFFFE0A0]  }
0x19c: {  	s20 =	sadd.s32 $0x5, s8;
	v28 =	vld [tilespmem:s11+$0xFFFFE0B0]  }
0x19d: {  	v63 =	vadd.s32 s20, v6;
	v29 =	vld [tilespmem:s11+$0xFFFFF0A0]  }
0x19e: {  	v43 =	vadd.s32 s20, v10;
	s24 =	sadd.s32 $0x1025, s8;
	v30 =	vld [tilespmem:s11+$0xFFFFF0B0]  }
0x19f: {  	v45 =	vadd.s32 s24, v6;
	v42 =	vld [tilespmem:s11+$0xA0]  }
0x1a0: {  	s20 =	sadd.s32 $0x2045, s8;
	v47 =	vadd.s32 s24, v10;
	v44 =	vld [tilespmem:s11+$0xB0];
	v27 =	vadd.f32 v27, v19  }
0x1a1: {  	v49 =	vadd.s32 s20, v6;
	v46 =	vld [tilespmem:s11+$0x10A0];
	v28 =	vadd.f32 v28, v20  }
0x1a2: {  	s24 =	sadd.s32 $0x3065, s8;
	v50 =	vadd.s32 s20, v10;
	v48 =	vld [tilespmem:s11+$0x10B0];
	[tilespmem:v63+s0+$0x0] =	vst.idx.msk $0xffff, v27;
	v27 =	vadd.f32 v29, v21  }
0x1a3: {  	v52 =	vadd.s32 s24, v6;
	v51 =	vadd.f32 v30, v22;
	[tilespmem:v43+s0+$0x0] =	vst.idx.msk $0xffff, v28  }
0x1a4: {  	v53 =	vadd.s32 s24, v10;
	[tilespmem:v45+s0+$0x0] =	vst.idx.msk $0xffff, v27;
	v27 =	vadd.f32 v42, v23  }
0x1a5: {  	v54 =	vadd.f32 v44, v24;
	[tilespmem:v47+s0+$0x0] =	vst.idx.msk $0xffff, v51  }
0x1a6: {  	[tilespmem:v49+s0+$0x0] =	vst.idx.msk $0xffff, v27;
	v27 =	vadd.f32 v46, v25  }
0x1a7: {  	v55 =	vadd.f32 v48, v26;
	[tilespmem:v50+s0+$0x0] =	vst.idx.msk $0xffff, v54  }
0x1a8: {  	[tilespmem:v52+s0+$0x0] =	vst.idx.msk $0xffff, v27  }
0x1a9: {  	[tilespmem:v53+s0+$0x0] =	vst.idx.msk $0xffff, v55  }
0x1aa: {  	v27 =	vld [tilespmem:s11+$0xFFFFE0C0]  }
0x1ab: {  	s20 =	sadd.s32 $0x6, s8;
	v28 =	vld [tilespmem:s11+$0xFFFFE0D0]  }
0x1ac: {  	v56 =	vadd.s32 s20, v6;
	v29 =	vld [tilespmem:s11+$0xFFFFF0C0]  }
0x1ad: {  	v58 =	vadd.s32 s20, v10;
	s24 =	sadd.s32 $0x1026, s8;
	v30 =	vld [tilespmem:s11+$0xFFFFF0D0]  }
0x1ae: {  	v60 =	vadd.s32 s24, v6;
	v57 =	vld [tilespmem:s11+$0xC0]  }
0x1af: {  	s20 =	sadd.s32 $0x2046, s8;
	v62 =	vadd.s32 s24, v10;
	v59 =	vld [tilespmem:s11+$0xD0];
	v27 =	vadd.f32 v27, v19  }
0x1b0: {  	v42 =	vadd.s32 s20, v6;
	v61 =	vld [tilespmem:s11+$0x10C0];
	v28 =	vadd.f32 v28, v20  }
0x1b1: {  	s24 =	sadd.s32 $0x3066, s8;
	v43 =	vadd.s32 s20, v10;
	v63 =	vld [tilespmem:s11+$0x10D0];
	[tilespmem:v56+s0+$0x0] =	vst.idx.msk $0xffff, v27;
	v27 =	vadd.f32 v29, v21  }
0x1b2: {  	v45 =	vadd.s32 s24, v6;
	v44 =	vadd.f32 v30, v22;
	[tilespmem:v58+s0+$0x0] =	vst.idx.msk $0xffff, v28  }
0x1b3: {  	v46 =	vadd.s32 s24, v10;
	[tilespmem:v60+s0+$0x0] =	vst.idx.msk $0xffff, v27;
	v27 =	vadd.f32 v57, v23  }
0x1b4: {  	v47 =	vadd.f32 v59, v24;
	[tilespmem:v62+s0+$0x0] =	vst.idx.msk $0xffff, v44  }
0x1b5: {  	[tilespmem:v42+s0+$0x0] =	vst.idx.msk $0xffff, v27;
	v27 =	vadd.f32 v61, v25  }
0x1b6: {  	v48 =	vadd.f32 v63, v26;
	[tilespmem:v43+s0+$0x0] =	vst.idx.msk $0xffff, v47  }
0x1b7: {  	[tilespmem:v45+s0+$0x0] =	vst.idx.msk $0xffff, v27  }
0x1b8: {  	[tilespmem:v46+s0+$0x0] =	vst.idx.msk $0xffff, v48  }
0x1b9: {  	v27 =	vld [tilespmem:s11+$0xFFFFE0E0]  }
0x1ba: {  	s20 =	sadd.s32 $0x7, s8;
	v28 =	vld [tilespmem:s11+$0xFFFFE0F0]  }
0x1bb: {  	v49 =	vadd.s32 s20, v6;
	v29 =	vld [tilespmem:s11+$0xFFFFF0E0]  }
0x1bc: {  	v51 =	vadd.s32 s20, v10;
	s24 =	sadd.s32 $0x1027, s8;
	v30 =	vld [tilespmem:s11+$0xFFFFF0F0]  }
0x1bd: {  	v53 =	vadd.s32 s24, v6;
	v50 =	vld [tilespmem:s11+$0xE0]  }
0x1be: {  	s20 =	sadd.s32 $0x2047, s8;
	v55 =	vadd.s32 s24, v10;
	v52 =	vld [tilespmem:s11+$0xF0];
	v27 =	vadd.f32 v27, v19  }
0x1bf: {  	v57 =	vadd.s32 s20, v6;
	v54 =	vld [tilespmem:s11+$0x10E0];
	v28 =	vadd.f32 v28, v20  }
0x1c0: {  	s24 =	sadd.s32 $0x3067, s8;
	v58 =	vadd.s32 s20, v10;
	v56 =	vld [tilespmem:s11+$0x10F0];
	[tilespmem:v49+s0+$0x0] =	vst.idx.msk $0xffff, v27;
	v27 =	vadd.f32 v29, v21  }
0x1c1: {  	v60 =	vadd.s32 s24, v6;
	v59 =	vadd.f32 v30, v22;
	[tilespmem:v51+s0+$0x0] =	vst.idx.msk $0xffff, v28  }
0x1c2: {  	p0 =	slt.u32 s8, $0x78;
	v61 =	vadd.s32 s24, v10;
	[tilespmem:v53+s0+$0x0] =	vst.idx.msk $0xffff, v27;
	v27 =	vadd.f32 v50, v23  }
.Ltmp2:
0x1c3: {  	v62 =	vadd.f32 v52, v24;
	[tilespmem:v55+s0+$0x0] =	vst.idx.msk $0xffff, v59;
	(pc) =	sbr.rel @p0 .LBB2_6-.Ltmp2, $4  }
0x1c4: {  	[tilespmem:v57+s0+$0x0] =	vst.idx.msk $0xffff, v27;
	v27 =	vadd.f32 v54, v25  }
0x1c5: {  	v63 =	vadd.f32 v56, v26;
	[tilespmem:v58+s0+$0x0] =	vst.idx.msk $0xffff, v62  }
0x1c6: {  	s2 =	simm.s32 $0xFFFFFFF8;
	s8 =	sadd.s32 $0x8, s8;
	[tilespmem:v60+s0+$0x0] =	vst.idx.msk $0xffff, v27  }
0x1c7: {  	s20 =	simm.s32 $0xC680;
	s24 =	simm.s32 $0x8604;
	s11 =	sadd.s32 $0x100, s11;
	[tilespmem:v61+s0+$0x0] =	vst.idx.msk $0xffff, v63  }
.LBB2_7:
0x1c8: {  	v19 =	vld [tilespmem:s24+$0xFFFFFDFC]  }
0x1c9: {  	v20 =	vld [tilespmem:s24+$0xFFFFFE0C]  }
0x1ca: {  	v21 =	vld [tilespmem:s24+$0xFFFFFE1C]  }
0x1cb: {  	v22 =	vld [tilespmem:s24+$0xFFFFFE2C]  }
0x1cc: {  	v23 =	vld [tilespmem:s24+$0xFFFFFE3C]  }
0x1cd: {  	v24 =	vld [tilespmem:s24+$0xFFFFFE4C]  }
0x1ce: {  	v25 =	vld [tilespmem:s24+$0xFFFFFE5C]  }
0x1cf: {  	v26 =	vld [tilespmem:s24+$0xFFFFFE6C];
	[tilespmem:s20+$0xFFFFFE00] =	vst v19  }
0x1d0: {  	[tilespmem:s20+$0xFFFFFE10] =	vst v20  }
0x1d1: {  	[tilespmem:s20+$0xFFFFFE20] =	vst v21  }
0x1d2: {  	[tilespmem:s20+$0xFFFFFE30] =	vst v22  }
0x1d3: {  	[tilespmem:s20+$0xFFFFFE40] =	vst v23  }
0x1d4: {  	[tilespmem:s20+$0xFFFFFE50] =	vst v24  }
0x1d5: {  	[tilespmem:s20+$0xFFFFFE60] =	vst v25  }
0x1d6: {  	[tilespmem:s20+$0xFFFFFE70] =	vst v26  }
0x1d7: {  	v19 =	vld [tilespmem:s24+$0xFFFFFE7D]  }
0x1d8: {  	v20 =	vld [tilespmem:s24+$0xFFFFFE8D]  }
0x1d9: {  	v21 =	vld [tilespmem:s24+$0xFFFFFE9D]  }
0x1da: {  	v22 =	vld [tilespmem:s24+$0xFFFFFEAD]  }
0x1db: {  	v23 =	vld [tilespmem:s24+$0xFFFFFEBD]  }
0x1dc: {  	v24 =	vld [tilespmem:s24+$0xFFFFFECD]  }
0x1dd: {  	v25 =	vld [tilespmem:s24+$0xFFFFFEDD]  }
0x1de: {  	v26 =	vld [tilespmem:s24+$0xFFFFFEED];
	[tilespmem:s20+$0xFFFFFE80] =	vst v19  }
0x1df: {  	[tilespmem:s20+$0xFFFFFE90] =	vst v20  }
0x1e0: {  	[tilespmem:s20+$0xFFFFFEA0] =	vst v21  }
0x1e1: {  	[tilespmem:s20+$0xFFFFFEB0] =	vst v22  }
0x1e2: {  	[tilespmem:s20+$0xFFFFFEC0] =	vst v23  }
0x1e3: {  	[tilespmem:s20+$0xFFFFFED0] =	vst v24  }
0x1e4: {  	[tilespmem:s20+$0xFFFFFEE0] =	vst v25  }
0x1e5: {  	[tilespmem:s20+$0xFFFFFEF0] =	vst v26  }
0x1e6: {  	v19 =	vld [tilespmem:s24+$0xFFFFFEFE]  }
0x1e7: {  	v20 =	vld [tilespmem:s24+$0xFFFFFF0E]  }
0x1e8: {  	v21 =	vld [tilespmem:s24+$0xFFFFFF1E]  }
0x1e9: {  	v22 =	vld [tilespmem:s24+$0xFFFFFF2E]  }
0x1ea: {  	v23 =	vld [tilespmem:s24+$0xFFFFFF3E]  }
0x1eb: {  	v24 =	vld [tilespmem:s24+$0xFFFFFF4E]  }
0x1ec: {  	v25 =	vld [tilespmem:s24+$0xFFFFFF5E]  }
0x1ed: {  	v26 =	vld [tilespmem:s24+$0xFFFFFF6E];
	[tilespmem:s20+$0xFFFFFF00] =	vst v19  }
0x1ee: {  	[tilespmem:s20+$0xFFFFFF10] =	vst v20  }
0x1ef: {  	[tilespmem:s20+$0xFFFFFF20] =	vst v21  }
0x1f0: {  	[tilespmem:s20+$0xFFFFFF30] =	vst v22  }
0x1f1: {  	[tilespmem:s20+$0xFFFFFF40] =	vst v23  }
0x1f2: {  	[tilespmem:s20+$0xFFFFFF50] =	vst v24  }
0x1f3: {  	[tilespmem:s20+$0xFFFFFF60] =	vst v25  }
0x1f4: {  	[tilespmem:s20+$0xFFFFFF70] =	vst v26  }
0x1f5: {  	v19 =	vld [tilespmem:s24+$0xFFFFFF7F]  }
0x1f6: {  	v20 =	vld [tilespmem:s24+$0xFFFFFF8F]  }
0x1f7: {  	v21 =	vld [tilespmem:s24+$0xFFFFFF9F]  }
0x1f8: {  	v22 =	vld [tilespmem:s24+$0xFFFFFFAF]  }
0x1f9: {  	v23 =	vld [tilespmem:s24+$0xFFFFFFBF]  }
0x1fa: {  	v24 =	vld [tilespmem:s24+$0xFFFFFFCF]  }
0x1fb: {  	v25 =	vld [tilespmem:s24+$0xFFFFFFDF]  }
0x1fc: {  	v26 =	vld [tilespmem:s24+$0xFFFFFFEF];
	[tilespmem:s20+$0xFFFFFF80] =	vst v19  }
0x1fd: {  	[tilespmem:s20+$0xFFFFFF90] =	vst v20  }
0x1fe: {  	[tilespmem:s20+$0xFFFFFFA0] =	vst v21  }
0x1ff: {  	[tilespmem:s20+$0xFFFFFFB0] =	vst v22  }
0x200: {  	[tilespmem:s20+$0xFFFFFFC0] =	vst v23  }
0x201: {  	[tilespmem:s20+$0xFFFFFFD0] =	vst v24  }
0x202: {  	[tilespmem:s20+$0xFFFFFFE0] =	vst v25  }
0x203: {  	[tilespmem:s20+$0xFFFFFFF0] =	vst v26  }
0x204: {  	v19 =	vld [tilespmem:s24+$0x0]  }
0x205: {  	v20 =	vld [tilespmem:s24+$0x10]  }
0x206: {  	v21 =	vld [tilespmem:s24+$0x20]  }
0x207: {  	v22 =	vld [tilespmem:s24+$0x30]  }
0x208: {  	v23 =	vld [tilespmem:s24+$0x40]  }
0x209: {  	v24 =	vld [tilespmem:s24+$0x50]  }
0x20a: {  	v25 =	vld [tilespmem:s24+$0x60]  }
0x20b: {  	v26 =	vld [tilespmem:s24+$0x70];
	[tilespmem:s20+$0x0] =	vst v19  }
0x20c: {  	[tilespmem:s20+$0x10] =	vst v20  }
0x20d: {  	[tilespmem:s20+$0x20] =	vst v21  }
0x20e: {  	[tilespmem:s20+$0x30] =	vst v22  }
0x20f: {  	[tilespmem:s20+$0x40] =	vst v23  }
0x210: {  	[tilespmem:s20+$0x50] =	vst v24  }
0x211: {  	[tilespmem:s20+$0x60] =	vst v25  }
0x212: {  	[tilespmem:s20+$0x70] =	vst v26  }
0x213: {  	v19 =	vld [tilespmem:s24+$0x81]  }
0x214: {  	v20 =	vld [tilespmem:s24+$0x91]  }
0x215: {  	v21 =	vld [tilespmem:s24+$0xA1]  }
0x216: {  	v22 =	vld [tilespmem:s24+$0xB1]  }
0x217: {  	v23 =	vld [tilespmem:s24+$0xC1]  }
0x218: {  	v24 =	vld [tilespmem:s24+$0xD1]  }
0x219: {  	v25 =	vld [tilespmem:s24+$0xE1]  }
0x21a: {  	v26 =	vld [tilespmem:s24+$0xF1];
	[tilespmem:s20+$0x80] =	vst v19  }
0x21b: {  	[tilespmem:s20+$0x90] =	vst v20  }
0x21c: {  	[tilespmem:s20+$0xA0] =	vst v21  }
0x21d: {  	[tilespmem:s20+$0xB0] =	vst v22  }
0x21e: {  	[tilespmem:s20+$0xC0] =	vst v23  }
0x21f: {  	[tilespmem:s20+$0xD0] =	vst v24  }
0x220: {  	[tilespmem:s20+$0xE0] =	vst v25  }
0x221: {  	[tilespmem:s20+$0xF0] =	vst v26  }
0x222: {  	v19 =	vld [tilespmem:s24+$0x102]  }
0x223: {  	v20 =	vld [tilespmem:s24+$0x112]  }
0x224: {  	v21 =	vld [tilespmem:s24+$0x122]  }
0x225: {  	v22 =	vld [tilespmem:s24+$0x132]  }
0x226: {  	v23 =	vld [tilespmem:s24+$0x142]  }
0x227: {  	v24 =	vld [tilespmem:s24+$0x152]  }
0x228: {  	v25 =	vld [tilespmem:s24+$0x162]  }
0x229: {  	v26 =	vld [tilespmem:s24+$0x172];
	[tilespmem:s20+$0x100] =	vst v19  }
0x22a: {  	[tilespmem:s20+$0x110] =	vst v20  }
0x22b: {  	[tilespmem:s20+$0x120] =	vst v21  }
0x22c: {  	[tilespmem:s20+$0x130] =	vst v22  }
0x22d: {  	[tilespmem:s20+$0x140] =	vst v23  }
0x22e: {  	[tilespmem:s20+$0x150] =	vst v24  }
0x22f: {  	[tilespmem:s20+$0x160] =	vst v25  }
0x230: {  	[tilespmem:s20+$0x170] =	vst v26  }
0x231: {  	v19 =	vld [tilespmem:s24+$0x183]  }
0x232: {  	v20 =	vld [tilespmem:s24+$0x193]  }
0x233: {  	v21 =	vld [tilespmem:s24+$0x1A3]  }
0x234: {  	v22 =	vld [tilespmem:s24+$0x1B3]  }
0x235: {  	v23 =	vld [tilespmem:s24+$0x1C3]  }
0x236: {  	v24 =	vld [tilespmem:s24+$0x1D3]  }
0x237: {  	v25 =	vld [tilespmem:s24+$0x1E3]  }
0x238: {  	v26 =	vld [tilespmem:s24+$0x1F3];
	[tilespmem:s20+$0x180] =	vst v19  }
0x239: {  	s2 =	sadd.s32 $0x8, s2;
	[tilespmem:s20+$0x190] =	vst v20  }
0x23a: {  	p0 =	slt.u32 s2, $0x78;
	[tilespmem:s20+$0x1A0] =	vst v21  }
.Ltmp3:
0x23b: {  	[tilespmem:s20+$0x1B0] =	vst v22;
	(pc) =	sbr.rel @p0 .LBB2_7-.Ltmp3, $4  }
0x23c: {  	[tilespmem:s20+$0x1C0] =	vst v23  }
0x23d: {  	[tilespmem:s20+$0x1D0] =	vst v24  }
0x23e: {  	[tilespmem:s20+$0x1E0] =	vst v25  }
0x23f: {  	s24 =	sadd.s32 $0x408, s24;
	[tilespmem:s20+$0x1F0] =	vst v26;
	s20 =	sadd.s32 $0x400, s20  }
0x240: {  	s21 =	sadd.s32 $0x1, s21  }
0x241: {  	p0 =	sne.s32 s21, $0x19  }
.Ltmp4:
0x242: {  	s2 =	sshll.u32 s6, $0x13;
	(pc) =	sbr.rel @p0 .LBB2_2-.Ltmp4, $4  }
0x243: {  	s2 =	sor.u32 s10, s2  }
0x244: {  	s2 =	sshrl.u32 s2, $0x3  }
0x245: {  	s2 =	sadd.s32 s1, s2  }
0x246: {  	[hbm4b:s2+s16] =	stream.strided.scatter [tilespmem:s17], [sflag:$0x3], $0x4000, s3, s16, $0x38;
	[tilespmem:$0x11D80] =	vst v63  }
0x247: {  	_ =	swait.ge [sflag:s19], $0x4000  }
0x248: {  	s6 =	rddreg [dreg:$0x6]  }
0x249: {  	s2 =	rddreg [dreg:$0x5];
	s6 =	sadd.s32 $0x1, s6  }
0x24a: {  	p0 =	sne.s32 s6, s2  }
.Ltmp5:
0x24b: {  	_ = 	snop;
	(pc) =	sbr.rel @p0 .LBB2_1-.Ltmp5, $3  }
0x24c: {  	_ =	sdelay $0x1  }
0x24d: {  	[sflag:s19] =	ssyncset.done $0x0  }
0x24e: {  	[sflag:s19] =	ssyncadd.s32 $0xFFFFC000  }
0x24f: {  	_ =	sfence.sel $0x180000  }
0x250: {  	[bflag:$0x0] =	sbarrier.arrive $0xFFFF  }
0x251: {  	_ =	strace $0x90000047  }
0x252: {  	s0 =	stileid.u32;
	[bflag:$0x2] =	sbarrier.arrive $0xFFFF  }
0x253: {  	p0 =	sne.s32 s0, $0x0;
	s0 =	rddreg [dreg:$0x2]  }
0x254: {  	s0 =	sadd.s32 @!p0 $0x100000, s0  }
0x255: {  	[sflag:s0] =	ssyncadd.tile.s32 @!p0 $0x1;
	_ =	shalt  }
.Lfunc_end2:
_tile_overlayer_lowered:
.L_overlay_start_2:
0x256: {  	(tag) =	ssettag $0x2  }
0x257: {  	s0 =	rddreg [dreg:$0x0];
	s2 =	stileid.u32  }
0x258: {  	s1 =	rddreg [dreg:$0x1];
	p0 =	sne.s32 s2, $0x0  }
0x259: {  	s3 =	rddreg [dreg:$0x2];
	[bflag:$0x3] =	sbarrier.arrive $0xFFFF;
	s2 =	simm.s32 @!p0 $0x1C04  }
0x25a: {  	[timem:s3], [sflag:s2] =	dma.local @!p0 [hbm:s0], s1  }
0x25b: {  	s0 =	simm.s32 @!p0 $0x4  }
0x25c: {  	_ =	swait.ge @!p0 [sflag:s0], s1  }
0x25d: {  	s1 =	ssub.s32 @!p0 $0x0, s1;
	[sflag:s0] =	ssyncset.done @!p0 $0x0  }
0x25e: {  	[sflag:s0] =	ssyncadd.s32 @!p0 s1  }
0x25f: {  	[bflag:$0x3] =	sbarrier.arrive $0xFFFF  }
0x260: {  	_ =	shalt  }

</sc_bundles>
